<compile_context>
chip_gen: v7x
topology: tpu7x:2x2x1
jax: 0.10.2.dev20260603
libtpu: 0.0.44.dev20260713+nightly
codegen_flags: <defaults>
</compile_context>

<pallas_src>
import functools

import jax
import jax.numpy as jnp
from jax import lax
from jax.experimental import pallas as pl
from jax.experimental.pallas import tpu as pltpu
from jax.experimental.pallas import tpu_sc as plsc

NN = 10000
EE = 320000
DD = 128
HH = 16
GG = 64

NC = 2
NS = 16
NW = NC * NS
CH = 125
RB = 16
GA = 8
KC = 80
NI = KC // RB
NP = 10112
RT = NP // NS
RP = NP // 8

_f32 = jnp.float32


def _edge_agg_body(with_deg, *refs):
    if with_deg:
        (table_h, ei_h, acc_out, deg_out, srcv, dstv) = refs[:6]
        rows = refs[6:6 + RB]
        zst, ones, table_sh, acc_sh, deg_sh = refs[6 + RB:11 + RB]
        sems = refs[11 + RB:]
        gsem = sems[:GA]
        ssem = sems[GA:2 * GA]
        dsem = sems[2 * GA:3 * GA]
    else:
        (table_h, ei_h, acc_out, srcv, dstv) = refs[:5]
        rows = refs[5:5 + RB]
        zst, table_sh, acc_sh = refs[5 + RB:8 + RB]
        sems = refs[8 + RB:]
        gsem = sems[:GA]
        ssem = sems[GA:2 * GA]
        dsem = ones = None

    cid = lax.axis_index("c")
    sid = lax.axis_index("s")
    wid = sid * NC + cid

    zero16 = jnp.zeros((HH,), _f32)

    def zb(i, carry):
        zst[i, :] = zero16
        return carry

    lax.fori_loop(0, RT, zb, 0)

    if with_deg:
        one16 = jnp.ones((HH,), _f32)

        def ob(i, carry):
            ones[i, :] = one16
            return carry

        lax.fori_loop(0, CH, ob, 0)

    pltpu.sync_copy(zst, acc_sh.at[pl.ds(sid * RT, RT)])
    if with_deg:
        pltpu.sync_copy(zst, deg_sh.at[pl.ds(sid * RT, RT)])

    pltpu.sync_copy(table_h.at[pl.ds(sid * RT, RT)],
                    table_sh.at[pl.ds(sid * RT, RT)])

    pltpu.sync_copy(ei_h.at[0, wid], srcv)
    pltpu.sync_copy(ei_h.at[1, wid], dstv)

    plsc.subcore_barrier()

    def _drain(buf, sem):
        pltpu.make_async_copy(table_h.at[srcv.at[0]], buf, sem).wait()

    for p in range(GA):
        pltpu.async_copy(table_sh.at[srcv.at[p]], rows[p], gsem[p])

    def body(i, carry):
        for r in range(RB):
            j = RB * i + r
            p = r % GA
            pltpu.make_async_copy(
                table_h.at[srcv.at[0]], rows[r], gsem[p]).wait()
            if r < GA:
                @pl.when(i > 0)
                def _():
                    _drain(rows[(r + GA) % RB], ssem[p])
                    if with_deg:
                        _drain(rows[(r + GA) % RB], dsem[p])
            else:
                _drain(rows[(r + GA) % RB], ssem[p])
                if with_deg:
                    _drain(rows[(r + GA) % RB], dsem[p])
            if r < GA:
                pltpu.async_copy(
                    table_sh.at[srcv.at[j + GA]], rows[(r + GA) % RB],
                    gsem[p])
            else:
                @pl.when(i < NI - 1)
                def _():
                    pltpu.async_copy(
                        table_sh.at[srcv.at[j + GA]], rows[(r + GA) % RB],
                        gsem[p])
            pltpu.async_copy(rows[r], acc_sh.at[dstv.at[j]], ssem[p],
                             add=True)
            if with_deg:
                pltpu.async_copy(ones, deg_sh.at[dstv.at[j]], dsem[p],
                                 add=True)
        return carry

    lax.fori_loop(0, NI, body, 0)

    for p in range(GA):
        _drain(rows[GA + p], ssem[p])
        if with_deg:
            _drain(rows[GA + p], dsem[p])

    plsc.subcore_barrier()

    pltpu.sync_copy(acc_sh.at[pl.ds(sid * RT, RT)],
                    acc_out.at[cid, pl.ds(sid * RT, RT)])
    if with_deg:
        pltpu.sync_copy(deg_sh.at[pl.ds(sid * RT, RT)],
                        deg_out.at[cid, pl.ds(sid * RT, RT)])


def _edge_agg(table, eip, with_deg):
    out_type = [jax.ShapeDtypeStruct((NC, NP, HH), _f32)]
    scratch = [
        pltpu.VMEM((KC, CH), jnp.int32),
        pltpu.VMEM((KC, CH), jnp.int32),
    ]
    scratch += [pltpu.VMEM((CH, HH), _f32)] * RB
    scratch.append(pltpu.VMEM((RT, HH), _f32))
    if with_deg:
        out_type.append(jax.ShapeDtypeStruct((NC, NP, HH), _f32))
        scratch.append(pltpu.VMEM((CH, HH), _f32))
    scratch.append(pltpu.VMEM_SHARED((NP, HH), _f32))
    scratch.append(pltpu.VMEM_SHARED((NP, HH), _f32))
    if with_deg:
        scratch.append(pltpu.VMEM_SHARED((NP, HH), _f32))
    scratch.extend([pltpu.SemaphoreType.DMA] * (3 * GA if with_deg
                                                else 2 * GA))

    mesh = plsc.VectorSubcoreMesh(core_axis_name="c", subcore_axis_name="s")
    fn = pl.kernel(
        functools.partial(_edge_agg_body, with_deg),
        out_type=tuple(out_type),
        mesh=mesh,
        scratch_types=tuple(scratch),
        compiler_params=pltpu.CompilerParams(use_tc_tiling_on_sc=False),
    )
    return fn(table, eip)


def _proj_body(x_ref, wn_ref, ws_ref, b_ref, on_ref, os_ref):
    xv = x_ref[...]
    on_ref[...] = jnp.dot(xv, wn_ref[...], preferred_element_type=_f32)
    os_ref[...] = (jnp.dot(xv, ws_ref[...], preferred_element_type=_f32)
                   + b_ref[...])


def _mid_body(a_ref, d_ref, ys_ref, wn_ref, ws_ref, b_ref,
              on_ref, os_ref, dc_ref):
    deg = jnp.maximum(d_ref[0] + d_ref[1], 1.0)
    h1 = jnp.maximum((a_ref[0] + a_ref[1]) / deg + ys_ref[...], 0.0)
    on_ref[...] = jnp.dot(h1, wn_ref[...], preferred_element_type=_f32)
    os_ref[...] = (jnp.dot(h1, ws_ref[...], preferred_element_type=_f32)
                   + b_ref[...])
    dc_ref[...] = deg


def _final_body(a_ref, dc_ref, ys_ref, wet_ref, gs_ref, bet_ref, bat_ref,
                o_ref):
    h2 = jnp.maximum((a_ref[0] + a_ref[1]) / dc_ref[...] + ys_ref[...],
                     0.0)
    zw = h2 * wet_ref[...]
    zt = lax.dot_general(gs_ref[...], zw, (((0,), (1,)), ((), ())),
                         preferred_element_type=_f32)
    gid = lax.broadcasted_iota(jnp.int32, (GG, 8, RP), 0)
    m = (gid == bat_ref[...][None, :, :]).astype(_f32)
    s = jnp.sum(m * zt[None, :, :], axis=(1, 2))
    c = jnp.sum(m, axis=(1, 2))
    pooled = (s / jnp.maximum(c, 1.0))[:, None]
    pooled = pooled + jnp.where(c[:, None] > 0.0, bet_ref[...], 0.0)
    o_ref[...] = jax.nn.sigmoid(pooled)


def kernel(x, edge_index, edge_attr, batch, W1s, W1n, b1, W2s, W2n, b2,
           We, be):
    del edge_attr

    eip = edge_index.reshape(2, NW, KC, CH)

    eye8 = jnp.eye(8, dtype=_f32)
    w1n_bd = jnp.kron(eye8, W1n)
    w1s_bd = jnp.kron(eye8, W1s)
    w2n_bd = jnp.kron(eye8, W2n)
    w2s_bd = jnp.kron(eye8, W2s)
    b1t = jnp.tile(b1, 8).reshape(1, 128)
    b2t = jnp.tile(b2, 8).reshape(1, 128)
    wet = jnp.tile(We[:, 0], 8).reshape(1, 128)
    gs = jnp.kron(jnp.eye(8, dtype=_f32), jnp.ones((HH, 1), _f32))
    bet = be.reshape(1, 1)
    batp = jnp.pad(batch, (0, NP - NN),
                   constant_values=GG).reshape(RP, 8).T

    xp = jnp.pad(x, ((0, NP - NN), (0, 0))).reshape(RP, 8 * DD)
    y1n_p, ys1_p = pl.pallas_call(
        _proj_body,
        out_shape=(jax.ShapeDtypeStruct((RP, 128), _f32),
                   jax.ShapeDtypeStruct((RP, 128), _f32)),
    )(xp, w1n_bd, w1s_bd, b1t)

    agg1, deg1 = _edge_agg(y1n_p.reshape(NP, HH), eip, with_deg=True)

    y2n_p, ys2_p, degc_p = pl.pallas_call(
        _mid_body,
        out_shape=(jax.ShapeDtypeStruct((RP, 128), _f32),
                   jax.ShapeDtypeStruct((RP, 128), _f32),
                   jax.ShapeDtypeStruct((RP, 128), _f32)),
    )(agg1.reshape(NC, RP, 128), deg1.reshape(NC, RP, 128), ys1_p,
      w2n_bd, w2s_bd, b2t)

    (agg2,) = _edge_agg(y2n_p.reshape(NP, HH), eip, with_deg=False)

    out = pl.pallas_call(
        _final_body,
        out_shape=jax.ShapeDtypeStruct((GG, 1), _f32),
    )(agg2.reshape(NC, RP, 128), degc_p, ys2_p, wet, gs, bet, batp)
    return out

# --- scband reference (transcript-rebuilt; emitter-appended) ---
"""Pipeline reference for scband-rgat-6399501271542 (READ-ONLY COPY).

The authoritative reference and input builder live on the scoring server;
editing this copy changes nothing except your own understanding.
"""

import jax, jax.numpy as jnp
import numpy as np

N = 10000
E = 320000
D = 128
H = 16
G = 64

def setup_inputs(seed: int = 0) -> dict:
    key = jax.random.key(seed)
    ks = jax.random.split(key, 12)
    x = jax.random.normal(ks[0], (N, D), dtype=jnp.float32)
    edge_index = jax.random.randint(ks[1], (2, E), 0, N, dtype=jnp.int32)
    edge_attr = jax.random.uniform(ks[2], (E, 4), dtype=jnp.float32)
    batch = jnp.sort(jax.random.randint(ks[3], (N,), 0, G, dtype=jnp.int32))
    W1s = jax.random.normal(ks[4], (D, H), dtype=jnp.float32) * 0.05
    W1n = jax.random.normal(ks[5], (D, H), dtype=jnp.float32) * 0.05
    b1 = jnp.zeros((H,), dtype=jnp.float32)
    W2s = jax.random.normal(ks[6], (H, H), dtype=jnp.float32) * 0.05
    W2n = jax.random.normal(ks[7], (H, H), dtype=jnp.float32) * 0.05
    b2 = jnp.zeros((H,), dtype=jnp.float32)
    We = jax.random.normal(ks[8], (H, 1), dtype=jnp.float32) * 0.05
    be = jnp.zeros((1,), dtype=jnp.float32)
    return {"x": x, "edge_index": edge_index, "edge_attr": edge_attr, "batch": batch,
            "W1s": W1s, "W1n": W1n, "b1": b1, "W2s": W2s, "W2n": W2n, "b2": b2,
            "We": We, "be": be}

def _sage_conv(x, edge_index, W_self, W_neigh, b):
    # PyG SAGEConv (mean aggr): out = lin_l(mean_{j->i} x_j) + lin_r(x_i)
    src = edge_index[0]
    dst = edge_index[1]
    msgs = jnp.take(x, src, axis=0)
    agg = jax.ops.segment_sum(msgs, dst, num_segments=N)
    deg = jax.ops.segment_sum(jnp.ones((edge_index.shape[1],), dtype=x.dtype), dst, num_segments=N)
    mean = agg / jnp.maximum(deg, 1.0)[:, None]
    return mean @ W_neigh + b + x @ W_self

def reference(x, edge_index, edge_attr, batch, W1s, W1n, b1, W2s, W2n, b2, We, be):
    # edge_attr is unpacked in the original forward but unused by SAGEConv
    h = _sage_conv(x, edge_index, W1s, W1n, b1)
    # num_layers=2 -> one extra relu+conv2 pass
    h = jax.nn.relu(h)
    h = _sage_conv(h, edge_index, W2s, W2n, b2)
    h = jax.nn.relu(h)
    # dropout p=0.05 -> identity in eval mode
    h = h @ We + be
    pooled = jax.ops.segment_sum(h, batch, num_segments=G)
    counts = jax.ops.segment_sum(jnp.ones((N,), dtype=h.dtype), batch, num_segments=G)
    pooled = pooled / jnp.maximum(counts, 1.0)[:, None]
    return jax.nn.sigmoid(pooled)

if __name__ == "__main__":
    import jax
    _d = setup_inputs()
    print(jax.jit(kernel)(*tuple(_d.values())))

</pallas_src>

<mosaic_0001>
#map = affine_map<(d0, d1) -> (0, 0)>
#map1 = affine_map<(d0, d1) -> (0, 0, 0, 0)>
#map2 = affine_map<(d0, d1) -> (0, 0, 0)>
module attributes {stable_mosaic.version = 14 : i64} {
  func.func @_edge_agg_body(%arg0: i32, %arg1: i32, %arg2: memref<10112x16xf32, #tpu.memory_space<hbm>>, %arg3: memref<2x32x80x125xi32, #tpu.memory_space<hbm>>, %arg4: memref<2x10112x16xf32, #tpu.memory_space<hbm>>, %arg5: memref<2x10112x16xf32, #tpu.memory_space<hbm>>, %arg6: memref<80x125xi32, #tpu.memory_space<vmem>>, %arg7: memref<80x125xi32, #tpu.memory_space<vmem>>, %arg8: memref<125x16xf32, #tpu.memory_space<vmem>>, %arg9: memref<125x16xf32, #tpu.memory_space<vmem>>, %arg10: memref<125x16xf32, #tpu.memory_space<vmem>>, %arg11: memref<125x16xf32, #tpu.memory_space<vmem>>, %arg12: memref<125x16xf32, #tpu.memory_space<vmem>>, %arg13: memref<125x16xf32, #tpu.memory_space<vmem>>, %arg14: memref<125x16xf32, #tpu.memory_space<vmem>>, %arg15: memref<125x16xf32, #tpu.memory_space<vmem>>, %arg16: memref<125x16xf32, #tpu.memory_space<vmem>>, %arg17: memref<125x16xf32, #tpu.memory_space<vmem>>, %arg18: memref<125x16xf32, #tpu.memory_space<vmem>>, %arg19: memref<125x16xf32, #tpu.memory_space<vmem>>, %arg20: memref<125x16xf32, #tpu.memory_space<vmem>>, %arg21: memref<125x16xf32, #tpu.memory_space<vmem>>, %arg22: memref<125x16xf32, #tpu.memory_space<vmem>>, %arg23: memref<125x16xf32, #tpu.memory_space<vmem>>, %arg24: memref<632x16xf32, #tpu.memory_space<vmem>>, %arg25: memref<125x16xf32, #tpu.memory_space<vmem>>, %arg26: memref<10112x16xf32, #tpu.memory_space<vmem_shared>>, %arg27: memref<10112x16xf32, #tpu.memory_space<vmem_shared>>, %arg28: memref<10112x16xf32, #tpu.memory_space<vmem_shared>>, %arg29: memref<!tpu.dma_semaphore, #tpu.memory_space<semaphore_mem>>, %arg30: memref<!tpu.dma_semaphore, #tpu.memory_space<semaphore_mem>>, %arg31: memref<!tpu.dma_semaphore, #tpu.memory_space<semaphore_mem>>, %arg32: memref<!tpu.dma_semaphore, #tpu.memory_space<semaphore_mem>>, %arg33: memref<!tpu.dma_semaphore, #tpu.memory_space<semaphore_mem>>, %arg34: memref<!tpu.dma_semaphore, #tpu.memory_space<semaphore_mem>>, %arg35: memref<!tpu.dma_semaphore, #tpu.memory_space<semaphore_mem>>, %arg36: memref<!tpu.dma_semaphore, #tpu.memory_space<semaphore_mem>>, %arg37: memref<!tpu.dma_semaphore, #tpu.memory_space<semaphore_mem>>, %arg38: memref<!tpu.dma_semaphore, #tpu.memory_space<semaphore_mem>>, %arg39: memref<!tpu.dma_semaphore, #tpu.memory_space<semaphore_mem>>, %arg40: memref<!tpu.dma_semaphore, #tpu.memory_space<semaphore_mem>>, %arg41: memref<!tpu.dma_semaphore, #tpu.memory_space<semaphore_mem>>, %arg42: memref<!tpu.dma_semaphore, #tpu.memory_space<semaphore_mem>>, %arg43: memref<!tpu.dma_semaphore, #tpu.memory_space<semaphore_mem>>, %arg44: memref<!tpu.dma_semaphore, #tpu.memory_space<semaphore_mem>>, %arg45: memref<!tpu.dma_semaphore, #tpu.memory_space<semaphore_mem>>, %arg46: memref<!tpu.dma_semaphore, #tpu.memory_space<semaphore_mem>>, %arg47: memref<!tpu.dma_semaphore, #tpu.memory_space<semaphore_mem>>, %arg48: memref<!tpu.dma_semaphore, #tpu.memory_space<semaphore_mem>>, %arg49: memref<!tpu.dma_semaphore, #tpu.memory_space<semaphore_mem>>, %arg50: memref<!tpu.dma_semaphore, #tpu.memory_space<semaphore_mem>>, %arg51: memref<!tpu.dma_semaphore, #tpu.memory_space<semaphore_mem>>, %arg52: memref<!tpu.dma_semaphore, #tpu.memory_space<semaphore_mem>>) attributes {dimension_semantics = [#tpu.dimension_semantics<core_parallel>, #tpu.dimension_semantics<subcore_parallel>], iteration_bounds = array<i64: 2, 16>, scalar_prefetch = 0 : i64, scratch_operands = 47 : i64, tpu.core_type = #tpu.core_type<sc_vector_subcore>, window_params = [{transform_indices = #map}, {transform_indices = #map1}, {transform_indices = #map2}, {transform_indices = #map2}]} {
    %mul3A = arith.constant 2 : i32
    %mul3A_0 = arith.muli %arg1, %mul3A : i32
    %add3A = arith.addi %mul3A_0, %arg0 : i32
    %broadcast_in_dim3A = arith.constant 0.000000e+00 : f32
    %broadcast_in_dim3A_1 = vector.broadcast %broadcast_in_dim3A : f32 to vector<16xf32>
    %scan3A = arith.constant 0 : i32
    %scan3A_2 = arith.constant 0 : i32
    %scan3A_3 = arith.constant 632 : i32
    %scan3A_4 = arith.addi %scan3A_2, %scan3A_3 : i32
    %scan3A_5 = arith.constant 1 : i32
    scf.for %scan3A_205 = %scan3A_2 to %scan3A_4 step %scan3A_5  : i32 {
      %swap3A = arith.index_cast %scan3A_205 : i32 to index
      %swap3A_206 = arith.constant 0 : index
      %swap3A_207 = tpu.vector_load %arg24[%swap3A, %swap3A_206] {strides = array<i32>} : memref<632x16xf32, #tpu.memory_space<vmem>>, vector<1x16xf32>,
      %swap3A_208 = vector.shape_cast %swap3A_207 : vector<1x16xf32> to vector<16xf32>
      %swap3A_209 = vector.shape_cast %broadcast_in_dim3A_1 : vector<16xf32> to vector<1x16xf32>
      tpu.vector_store %arg24[%swap3A, %swap3A_206], %swap3A_209 {strides = array<i32>} : memref<632x16xf32, #tpu.memory_space<vmem>>, vector<1x16xf32>,
    }
    %scan3A_6 = arith.constant 632 : i32
    %broadcast_in_dim3A_7 = arith.constant 1.000000e+00 : f32
    %broadcast_in_dim3A_8 = vector.broadcast %broadcast_in_dim3A_7 : f32 to vector<16xf32>
    %scan3A_9 = arith.constant 0 : i32
    %scan3A_10 = arith.constant 0 : i32
    %scan3A_11 = arith.constant 125 : i32
    %scan3A_12 = arith.addi %scan3A_10, %scan3A_11 : i32
    %scan3A_13 = arith.constant 1 : i32
    scf.for %scan3A_205 = %scan3A_10 to %scan3A_12 step %scan3A_13  : i32 {
      %swap3A = arith.index_cast %scan3A_205 : i32 to index
      %swap3A_206 = arith.constant 0 : index
      %swap3A_207 = tpu.vector_load %arg25[%swap3A, %swap3A_206] {strides = array<i32>} : memref<125x16xf32, #tpu.memory_space<vmem>>, vector<1x16xf32>,
      %swap3A_208 = vector.shape_cast %swap3A_207 : vector<1x16xf32> to vector<16xf32>
      %swap3A_209 = vector.shape_cast %broadcast_in_dim3A_8 : vector<16xf32> to vector<1x16xf32>
      tpu.vector_store %arg25[%swap3A, %swap3A_206], %swap3A_209 {strides = array<i32>} : memref<125x16xf32, #tpu.memory_space<vmem>>, vector<1x16xf32>,
    }
    %scan3A_14 = arith.constant 125 : i32
    %mul3A_15 = arith.constant 632 : i32
    %mul3A_16 = arith.muli %arg1, %mul3A_15 : i32
    "tpu.region"() ({
      %run_scoped3A_205 = tpu.sem_alloc : memref<!tpu.dma_semaphore, #tpu.memory_space<semaphore_mem>>
      %dma_start3A_206 = arith.constant 0 : i32
      %dma_start3A_207 = tpu.memref_slice %arg27[%mul3A_16, %dma_start3A_206] : memref<10112x16xf32, #tpu.memory_space<vmem_shared>> -> memref<632x16xf32, #tpu.memory_space<vmem_shared>>
      %dma_start3A_208 = arith.constant 0 : i32
      %dma_start3A_209 = tpu.memref_slice %arg27[%mul3A_16, %dma_start3A_208] : memref<10112x16xf32, #tpu.memory_space<vmem_shared>> -> memref<632x16xf32, #tpu.memory_space<vmem_shared>>
      tpu.enqueue_dma source(%arg24 : memref<632x16xf32, #tpu.memory_space<vmem>>) target(%dma_start3A_209 : memref<632x16xf32, #tpu.memory_space<vmem_shared>>) target_semaphore(%run_scoped3A_205 : memref<!tpu.dma_semaphore, #tpu.memory_space<semaphore_mem>>)
      %dma_wait3A_210 = arith.constant 0 : i32
      %dma_wait3A_211 = tpu.memref_slice %arg27[%mul3A_16, %dma_wait3A_210] : memref<10112x16xf32, #tpu.memory_space<vmem_shared>> -> memref<632x16xf32, #tpu.memory_space<vmem_shared>>
      %dma_wait3A_212 = arith.constant 0 : i32
      %dma_wait3A_213 = tpu.memref_slice %arg27[%mul3A_16, %dma_wait3A_212] : memref<10112x16xf32, #tpu.memory_space<vmem_shared>> -> memref<632x16xf32, #tpu.memory_space<vmem_shared>>
      tpu.wait_dma2 semaphore(%run_scoped3A_205 : memref<!tpu.dma_semaphore, #tpu.memory_space<semaphore_mem>>) src(%arg24 : memref<632x16xf32, #tpu.memory_space<vmem>>) dst(%dma_wait3A_213 : memref<632x16xf32, #tpu.memory_space<vmem_shared>>)
      tpu.yield
    }) : () -> ()
    %mul3A_17 = arith.constant 632 : i32
    %mul3A_18 = arith.muli %arg1, %mul3A_17 : i32
    "tpu.region"() ({
      %run_scoped3A_205 = tpu.sem_alloc : memref<!tpu.dma_semaphore, #tpu.memory_space<semaphore_mem>>
      %dma_start3A_206 = arith.constant 0 : i32
      %dma_start3A_207 = tpu.memref_slice %arg28[%mul3A_18, %dma_start3A_206] : memref<10112x16xf32, #tpu.memory_space<vmem_shared>> -> memref<632x16xf32, #tpu.memory_space<vmem_shared>>
      %dma_start3A_208 = arith.constant 0 : i32
      %dma_start3A_209 = tpu.memref_slice %arg28[%mul3A_18, %dma_start3A_208] : memref<10112x16xf32, #tpu.memory_space<vmem_shared>> -> memref<632x16xf32, #tpu.memory_space<vmem_shared>>
      tpu.enqueue_dma source(%arg24 : memref<632x16xf32, #tpu.memory_space<vmem>>) target(%dma_start3A_209 : memref<632x16xf32, #tpu.memory_space<vmem_shared>>) target_semaphore(%run_scoped3A_205 : memref<!tpu.dma_semaphore, #tpu.memory_space<semaphore_mem>>)
      %dma_wait3A_210 = arith.constant 0 : i32
      %dma_wait3A_211 = tpu.memref_slice %arg28[%mul3A_18, %dma_wait3A_210] : memref<10112x16xf32, #tpu.memory_space<vmem_shared>> -> memref<632x16xf32, #tpu.memory_space<vmem_shared>>
      %dma_wait3A_212 = arith.constant 0 : i32
      %dma_wait3A_213 = tpu.memref_slice %arg28[%mul3A_18, %dma_wait3A_212] : memref<10112x16xf32, #tpu.memory_space<vmem_shared>> -> memref<632x16xf32, #tpu.memory_space<vmem_shared>>
      tpu.wait_dma2 semaphore(%run_scoped3A_205 : memref<!tpu.dma_semaphore, #tpu.memory_space<semaphore_mem>>) src(%arg24 : memref<632x16xf32, #tpu.memory_space<vmem>>) dst(%dma_wait3A_213 : memref<632x16xf32, #tpu.memory_space<vmem_shared>>)
      tpu.yield
    }) : () -> ()
    %mul3A_19 = arith.constant 632 : i32
    %mul3A_20 = arith.muli %arg1, %mul3A_19 : i32
    %mul3A_21 = arith.constant 632 : i32
    %mul3A_22 = arith.muli %arg1, %mul3A_21 : i32
    "tpu.region"() ({
      %run_scoped3A_205 = tpu.sem_alloc : memref<!tpu.dma_semaphore, #tpu.memory_space<semaphore_mem>>
      %dma_start3A_206 = arith.constant 0 : i32
      %dma_start3A_207 = tpu.memref_slice %arg26[%mul3A_22, %dma_start3A_206] : memref<10112x16xf32, #tpu.memory_space<vmem_shared>> -> memref<632x16xf32, #tpu.memory_space<vmem_shared>>
      %dma_start3A_208 = arith.constant 0 : i32
      %dma_start3A_209 = tpu.memref_slice %arg2[%mul3A_20, %dma_start3A_208] : memref<10112x16xf32, #tpu.memory_space<hbm>> -> memref<632x16xf32, #tpu.memory_space<hbm>>
      tpu.enqueue_dma source(%dma_start3A_209 : memref<632x16xf32, #tpu.memory_space<hbm>>) target(%dma_start3A_207 : memref<632x16xf32, #tpu.memory_space<vmem_shared>>) target_semaphore(%run_scoped3A_205 : memref<!tpu.dma_semaphore, #tpu.memory_space<semaphore_mem>>)
      %dma_wait3A_210 = arith.constant 0 : i32
      %dma_wait3A_211 = tpu.memref_slice %arg26[%mul3A_22, %dma_wait3A_210] : memref<10112x16xf32, #tpu.memory_space<vmem_shared>> -> memref<632x16xf32, #tpu.memory_space<vmem_shared>>
      %dma_wait3A_212 = arith.constant 0 : i32
      %dma_wait3A_213 = tpu.memref_slice %arg2[%mul3A_20, %dma_wait3A_212] : memref<10112x16xf32, #tpu.memory_space<hbm>> -> memref<632x16xf32, #tpu.memory_space<hbm>>
      tpu.wait_dma2 semaphore(%run_scoped3A_205 : memref<!tpu.dma_semaphore, #tpu.memory_space<semaphore_mem>>) src(%dma_wait3A_213 : memref<632x16xf32, #tpu.memory_space<hbm>>) dst(%dma_wait3A_211 : memref<632x16xf32, #tpu.memory_space<vmem_shared>>)
      tpu.yield
    }) : () -> ()
    %run_scoped3A = arith.constant 0 : i32
    "tpu.region"() ({
      %run_scoped3A_205 = tpu.sem_alloc : memref<!tpu.dma_semaphore, #tpu.memory_space<semaphore_mem>>
      %dma_start3A_206 = arith.constant 0 : i32
      %dma_start3A_207 = arith.constant 0 : i32
      %dma_start3A_208 = tpu.memref_slice %arg3[%run_scoped3A, %add3A, %dma_start3A_206, %dma_start3A_207] : memref<2x32x80x125xi32, #tpu.memory_space<hbm>> -> memref<1x1x80x125xi32, #tpu.memory_space<hbm>>
      %dma_start3A_209 = tpu.memref_squeeze %dma_start3A_208 : memref<1x1x80x125xi32, #tpu.memory_space<hbm>> -> memref<80x125xi32, #tpu.memory_space<hbm>>
      %dma_start3A_210 = arith.constant 0 : i32
      %dma_start3A_211 = arith.constant 0 : i32
      %dma_start3A_212 = tpu.memref_slice %arg3[%run_scoped3A, %add3A, %dma_start3A_210, %dma_start3A_211] : memref<2x32x80x125xi32, #tpu.memory_space<hbm>> -> memref<1x1x80x125xi32, #tpu.memory_space<hbm>>
      %dma_start3A_213 = tpu.memref_squeeze %dma_start3A_212 : memref<1x1x80x125xi32, #tpu.memory_space<hbm>> -> memref<80x125xi32, #tpu.memory_space<hbm>>
      tpu.enqueue_dma source(%dma_start3A_213 : memref<80x125xi32, #tpu.memory_space<hbm>>) target(%arg6 : memref<80x125xi32, #tpu.memory_space<vmem>>) target_semaphore(%run_scoped3A_205 : memref<!tpu.dma_semaphore, #tpu.memory_space<semaphore_mem>>)
      %dma_wait3A_214 = arith.constant 0 : i32
      %dma_wait3A_215 = arith.constant 0 : i32
      %dma_wait3A_216 = tpu.memref_slice %arg3[%run_scoped3A, %add3A, %dma_wait3A_214, %dma_wait3A_215] : memref<2x32x80x125xi32, #tpu.memory_space<hbm>> -> memref<1x1x80x125xi32, #tpu.memory_space<hbm>>
      %dma_wait3A_217 = tpu.memref_squeeze %dma_wait3A_216 : memref<1x1x80x125xi32, #tpu.memory_space<hbm>> -> memref<80x125xi32, #tpu.memory_space<hbm>>
      %dma_wait3A_218 = arith.constant 0 : i32
      %dma_wait3A_219 = arith.constant 0 : i32
      %dma_wait3A_220 = tpu.memref_slice %arg3[%run_scoped3A, %add3A, %dma_wait3A_218, %dma_wait3A_219] : memref<2x32x80x125xi32, #tpu.memory_space<hbm>> -> memref<1x1x80x125xi32, #tpu.memory_space<hbm>>
      %dma_wait3A_221 = tpu.memref_squeeze %dma_wait3A_220 : memref<1x1x80x125xi32, #tpu.memory_space<hbm>> -> memref<80x125xi32, #tpu.memory_space<hbm>>
      tpu.wait_dma2 semaphore(%run_scoped3A_205 : memref<!tpu.dma_semaphore, #tpu.memory_space<semaphore_mem>>) src(%dma_wait3A_221 : memref<80x125xi32, #tpu.memory_space<hbm>>) dst(%arg6 : memref<80x125xi32, #tpu.memory_space<vmem>>)
      tpu.yield
    }) : () -> ()
    %run_scoped3A_23 = arith.constant 1 : i32
    "tpu.region"() ({
      %run_scoped3A_205 = tpu.sem_alloc : memref<!tpu.dma_semaphore, #tpu.memory_space<semaphore_mem>>
      %dma_start3A_206 = arith.constant 0 : i32
      %dma_start3A_207 = arith.constant 0 : i32
      %dma_start3A_208 = tpu.memref_slice %arg3[%run_scoped3A_23, %add3A, %dma_start3A_206, %dma_start3A_207] : memref<2x32x80x125xi32, #tpu.memory_space<hbm>> -> memref<1x1x80x125xi32, #tpu.memory_space<hbm>>
      %dma_start3A_209 = tpu.memref_squeeze %dma_start3A_208 : memref<1x1x80x125xi32, #tpu.memory_space<hbm>> -> memref<80x125xi32, #tpu.memory_space<hbm>>
      %dma_start3A_210 = arith.constant 0 : i32
      %dma_start3A_211 = arith.constant 0 : i32
      %dma_start3A_212 = tpu.memref_slice %arg3[%run_scoped3A_23, %add3A, %dma_start3A_210, %dma_start3A_211] : memref<2x32x80x125xi32, #tpu.memory_space<hbm>> -> memref<1x1x80x125xi32, #tpu.memory_space<hbm>>
      %dma_start3A_213 = tpu.memref_squeeze %dma_start3A_212 : memref<1x1x80x125xi32, #tpu.memory_space<hbm>> -> memref<80x125xi32, #tpu.memory_space<hbm>>
      tpu.enqueue_dma source(%dma_start3A_213 : memref<80x125xi32, #tpu.memory_space<hbm>>) target(%arg7 : memref<80x125xi32, #tpu.memory_space<vmem>>) target_semaphore(%run_scoped3A_205 : memref<!tpu.dma_semaphore, #tpu.memory_space<semaphore_mem>>)
      %dma_wait3A_214 = arith.constant 0 : i32
      %dma_wait3A_215 = arith.constant 0 : i32
      %dma_wait3A_216 = tpu.memref_slice %arg3[%run_scoped3A_23, %add3A, %dma_wait3A_214, %dma_wait3A_215] : memref<2x32x80x125xi32, #tpu.memory_space<hbm>> -> memref<1x1x80x125xi32, #tpu.memory_space<hbm>>
      %dma_wait3A_217 = tpu.memref_squeeze %dma_wait3A_216 : memref<1x1x80x125xi32, #tpu.memory_space<hbm>> -> memref<80x125xi32, #tpu.memory_space<hbm>>
      %dma_wait3A_218 = arith.constant 0 : i32
      %dma_wait3A_219 = arith.constant 0 : i32
      %dma_wait3A_220 = tpu.memref_slice %arg3[%run_scoped3A_23, %add3A, %dma_wait3A_218, %dma_wait3A_219] : memref<2x32x80x125xi32, #tpu.memory_space<hbm>> -> memref<1x1x80x125xi32, #tpu.memory_space<hbm>>
      %dma_wait3A_221 = tpu.memref_squeeze %dma_wait3A_220 : memref<1x1x80x125xi32, #tpu.memory_space<hbm>> -> memref<80x125xi32, #tpu.memory_space<hbm>>
      tpu.wait_dma2 semaphore(%run_scoped3A_205 : memref<!tpu.dma_semaphore, #tpu.memory_space<semaphore_mem>>) src(%dma_wait3A_221 : memref<80x125xi32, #tpu.memory_space<hbm>>) dst(%arg7 : memref<80x125xi32, #tpu.memory_space<vmem>>)
      tpu.yield
    }) : () -> ()
    %barrier3A = arith.constant 0 : index
    tpu.barrier barrier_id(%barrier3A)
    %dma_start3A = arith.constant 0 : i32
    %dma_start3A_24 = arith.constant 0 : i32
    %dma_start3A_25 = tpu.memref_slice %arg6[%dma_start3A, %dma_start3A_24] : memref<80x125xi32, #tpu.memory_space<vmem>> -> memref<1x125xi32, #tpu.memory_space<vmem>>
    %dma_start3A_26 = tpu.memref_squeeze %dma_start3A_25 : memref<1x125xi32, #tpu.memory_space<vmem>> -> memref<125xi32, #tpu.memory_space<vmem>>
    %dma_start3A_27 = arith.constant 0 : i32
    %dma_start3A_28 = arith.constant 0 : i32
    %dma_start3A_29 = tpu.memref_slice %arg26[%dma_start3A_27, %dma_start3A_28] : memref<10112x16xf32, #tpu.memory_space<vmem_shared>> -> memref<10112x16xf32, #tpu.memory_space<vmem_shared>>
    tpu.enqueue_indirect_dma source(%dma_start3A_29 : memref<10112x16xf32, #tpu.memory_space<vmem_shared>>) target(%arg8 : memref<125x16xf32, #tpu.memory_space<vmem>>) offsets(%dma_start3A_26 : memref<125xi32, #tpu.memory_space<vmem>>) semaphore(%arg29 : memref<!tpu.dma_semaphore, #tpu.memory_space<semaphore_mem>>)
    %dma_start3A_30 = arith.constant 1 : i32
    %dma_start3A_31 = arith.constant 0 : i32
    %dma_start3A_32 = tpu.memref_slice %arg6[%dma_start3A_30, %dma_start3A_31] : memref<80x125xi32, #tpu.memory_space<vmem>> -> memref<1x125xi32, #tpu.memory_space<vmem>>
    %dma_start3A_33 = tpu.memref_squeeze %dma_start3A_32 : memref<1x125xi32, #tpu.memory_space<vmem>> -> memref<125xi32, #tpu.memory_space<vmem>>
    %dma_start3A_34 = arith.constant 0 : i32
    %dma_start3A_35 = arith.constant 0 : i32
    %dma_start3A_36 = tpu.memref_slice %arg26[%dma_start3A_34, %dma_start3A_35] : memref<10112x16xf32, #tpu.memory_space<vmem_shared>> -> memref<10112x16xf32, #tpu.memory_space<vmem_shared>>
    tpu.enqueue_indirect_dma source(%dma_start3A_36 : memref<10112x16xf32, #tpu.memory_space<vmem_shared>>) target(%arg9 : memref<125x16xf32, #tpu.memory_space<vmem>>) offsets(%dma_start3A_33 : memref<125xi32, #tpu.memory_space<vmem>>) semaphore(%arg30 : memref<!tpu.dma_semaphore, #tpu.memory_space<semaphore_mem>>)
    %dma_start3A_37 = arith.constant 2 : i32
    %dma_start3A_38 = arith.constant 0 : i32
    %dma_start3A_39 = tpu.memref_slice %arg6[%dma_start3A_37, %dma_start3A_38] : memref<80x125xi32, #tpu.memory_space<vmem>> -> memref<1x125xi32, #tpu.memory_space<vmem>>
    %dma_start3A_40 = tpu.memref_squeeze %dma_start3A_39 : memref<1x125xi32, #tpu.memory_space<vmem>> -> memref<125xi32, #tpu.memory_space<vmem>>
    %dma_start3A_41 = arith.constant 0 : i32
    %dma_start3A_42 = arith.constant 0 : i32
    %dma_start3A_43 = tpu.memref_slice %arg26[%dma_start3A_41, %dma_start3A_42] : memref<10112x16xf32, #tpu.memory_space<vmem_shared>> -> memref<10112x16xf32, #tpu.memory_space<vmem_shared>>
    tpu.enqueue_indirect_dma source(%dma_start3A_43 : memref<10112x16xf32, #tpu.memory_space<vmem_shared>>) target(%arg10 : memref<125x16xf32, #tpu.memory_space<vmem>>) offsets(%dma_start3A_40 : memref<125xi32, #tpu.memory_space<vmem>>) semaphore(%arg31 : memref<!tpu.dma_semaphore, #tpu.memory_space<semaphore_mem>>)
    %dma_start3A_44 = arith.constant 3 : i32
    %dma_start3A_45 = arith.constant 0 : i32
    %dma_start3A_46 = tpu.memref_slice %arg6[%dma_start3A_44, %dma_start3A_45] : memref<80x125xi32, #tpu.memory_space<vmem>> -> memref<1x125xi32, #tpu.memory_space<vmem>>
    %dma_start3A_47 = tpu.memref_squeeze %dma_start3A_46 : memref<1x125xi32, #tpu.memory_space<vmem>> -> memref<125xi32, #tpu.memory_space<vmem>>
    %dma_start3A_48 = arith.constant 0 : i32
    %dma_start3A_49 = arith.constant 0 : i32
    %dma_start3A_50 = tpu.memref_slice %arg26[%dma_start3A_48, %dma_start3A_49] : memref<10112x16xf32, #tpu.memory_space<vmem_shared>> -> memref<10112x16xf32, #tpu.memory_space<vmem_shared>>
    tpu.enqueue_indirect_dma source(%dma_start3A_50 : memref<10112x16xf32, #tpu.memory_space<vmem_shared>>) target(%arg11 : memref<125x16xf32, #tpu.memory_space<vmem>>) offsets(%dma_start3A_47 : memref<125xi32, #tpu.memory_space<vmem>>) semaphore(%arg32 : memref<!tpu.dma_semaphore, #tpu.memory_space<semaphore_mem>>)
    %dma_start3A_51 = arith.constant 4 : i32
    %dma_start3A_52 = arith.constant 0 : i32
    %dma_start3A_53 = tpu.memref_slice %arg6[%dma_start3A_51, %dma_start3A_52] : memref<80x125xi32, #tpu.memory_space<vmem>> -> memref<1x125xi32, #tpu.memory_space<vmem>>
    %dma_start3A_54 = tpu.memref_squeeze %dma_start3A_53 : memref<1x125xi32, #tpu.memory_space<vmem>> -> memref<125xi32, #tpu.memory_space<vmem>>
    %dma_start3A_55 = arith.constant 0 : i32
    %dma_start3A_56 = arith.constant 0 : i32
    %dma_start3A_57 = tpu.memref_slice %arg26[%dma_start3A_55, %dma_start3A_56] : memref<10112x16xf32, #tpu.memory_space<vmem_shared>> -> memref<10112x16xf32, #tpu.memory_space<vmem_shared>>
    tpu.enqueue_indirect_dma source(%dma_start3A_57 : memref<10112x16xf32, #tpu.memory_space<vmem_shared>>) target(%arg12 : memref<125x16xf32, #tpu.memory_space<vmem>>) offsets(%dma_start3A_54 : memref<125xi32, #tpu.memory_space<vmem>>) semaphore(%arg33 : memref<!tpu.dma_semaphore, #tpu.memory_space<semaphore_mem>>)
    %dma_start3A_58 = arith.constant 5 : i32
    %dma_start3A_59 = arith.constant 0 : i32
    %dma_start3A_60 = tpu.memref_slice %arg6[%dma_start3A_58, %dma_start3A_59] : memref<80x125xi32, #tpu.memory_space<vmem>> -> memref<1x125xi32, #tpu.memory_space<vmem>>
    %dma_start3A_61 = tpu.memref_squeeze %dma_start3A_60 : memref<1x125xi32, #tpu.memory_space<vmem>> -> memref<125xi32, #tpu.memory_space<vmem>>
    %dma_start3A_62 = arith.constant 0 : i32
    %dma_start3A_63 = arith.constant 0 : i32
    %dma_start3A_64 = tpu.memref_slice %arg26[%dma_start3A_62, %dma_start3A_63] : memref<10112x16xf32, #tpu.memory_space<vmem_shared>> -> memref<10112x16xf32, #tpu.memory_space<vmem_shared>>
    tpu.enqueue_indirect_dma source(%dma_start3A_64 : memref<10112x16xf32, #tpu.memory_space<vmem_shared>>) target(%arg13 : memref<125x16xf32, #tpu.memory_space<vmem>>) offsets(%dma_start3A_61 : memref<125xi32, #tpu.memory_space<vmem>>) semaphore(%arg34 : memref<!tpu.dma_semaphore, #tpu.memory_space<semaphore_mem>>)
    %dma_start3A_65 = arith.constant 6 : i32
    %dma_start3A_66 = arith.constant 0 : i32
    %dma_start3A_67 = tpu.memref_slice %arg6[%dma_start3A_65, %dma_start3A_66] : memref<80x125xi32, #tpu.memory_space<vmem>> -> memref<1x125xi32, #tpu.memory_space<vmem>>
    %dma_start3A_68 = tpu.memref_squeeze %dma_start3A_67 : memref<1x125xi32, #tpu.memory_space<vmem>> -> memref<125xi32, #tpu.memory_space<vmem>>
    %dma_start3A_69 = arith.constant 0 : i32
    %dma_start3A_70 = arith.constant 0 : i32
    %dma_start3A_71 = tpu.memref_slice %arg26[%dma_start3A_69, %dma_start3A_70] : memref<10112x16xf32, #tpu.memory_space<vmem_shared>> -> memref<10112x16xf32, #tpu.memory_space<vmem_shared>>
    tpu.enqueue_indirect_dma source(%dma_start3A_71 : memref<10112x16xf32, #tpu.memory_space<vmem_shared>>) target(%arg14 : memref<125x16xf32, #tpu.memory_space<vmem>>) offsets(%dma_start3A_68 : memref<125xi32, #tpu.memory_space<vmem>>) semaphore(%arg35 : memref<!tpu.dma_semaphore, #tpu.memory_space<semaphore_mem>>)
    %dma_start3A_72 = arith.constant 7 : i32
    %dma_start3A_73 = arith.constant 0 : i32
    %dma_start3A_74 = tpu.memref_slice %arg6[%dma_start3A_72, %dma_start3A_73] : memref<80x125xi32, #tpu.memory_space<vmem>> -> memref<1x125xi32, #tpu.memory_space<vmem>>
    %dma_start3A_75 = tpu.memref_squeeze %dma_start3A_74 : memref<1x125xi32, #tpu.memory_space<vmem>> -> memref<125xi32, #tpu.memory_space<vmem>>
    %dma_start3A_76 = arith.constant 0 : i32
    %dma_start3A_77 = arith.constant 0 : i32
    %dma_start3A_78 = tpu.memref_slice %arg26[%dma_start3A_76, %dma_start3A_77] : memref<10112x16xf32, #tpu.memory_space<vmem_shared>> -> memref<10112x16xf32, #tpu.memory_space<vmem_shared>>
    tpu.enqueue_indirect_dma source(%dma_start3A_78 : memref<10112x16xf32, #tpu.memory_space<vmem_shared>>) target(%arg15 : memref<125x16xf32, #tpu.memory_space<vmem>>) offsets(%dma_start3A_75 : memref<125xi32, #tpu.memory_space<vmem>>) semaphore(%arg36 : memref<!tpu.dma_semaphore, #tpu.memory_space<semaphore_mem>>)
    %scan3A_79 = arith.constant 0 : i32
    %scan3A_80 = arith.constant 0 : i32
    %scan3A_81 = arith.constant 5 : i32
    %scan3A_82 = arith.addi %scan3A_80, %scan3A_81 : i32
    %scan3A_83 = arith.constant 1 : i32
    scf.for %scan3A_205 = %scan3A_80 to %scan3A_82 step %scan3A_83  : i32 {
      %mul3A_206 = arith.constant 16 : i32
      %mul3A_207 = arith.muli %mul3A_206, %scan3A_205 : i32
      %add3A_208 = arith.constant 0 : i32
      %add3A_209 = arith.addi %mul3A_207, %add3A_208 : i32
      %dma_wait3A_210 = arith.constant 0 : i32
      %dma_wait3A_211 = arith.constant 0 : i32
      %dma_wait3A_212 = tpu.memref_slice %arg6[%dma_wait3A_210, %dma_wait3A_211] : memref<80x125xi32, #tpu.memory_space<vmem>> -> memref<1x125xi32, #tpu.memory_space<vmem>>
      %dma_wait3A_213 = tpu.memref_squeeze %dma_wait3A_212 : memref<1x125xi32, #tpu.memory_space<vmem>> -> memref<125xi32, #tpu.memory_space<vmem>>
      %dma_wait3A_214 = arith.constant 0 : i32
      %dma_wait3A_215 = arith.constant 0 : i32
      %dma_wait3A_216 = tpu.memref_slice %arg2[%dma_wait3A_214, %dma_wait3A_215] : memref<10112x16xf32, #tpu.memory_space<hbm>> -> memref<10112x16xf32, #tpu.memory_space<hbm>>
      tpu.wait_indirect_dma semaphore(%arg29 : memref<!tpu.dma_semaphore, #tpu.memory_space<semaphore_mem>>) src(%dma_wait3A_216 : memref<10112x16xf32, #tpu.memory_space<hbm>>) dst(%arg8 : memref<125x16xf32, #tpu.memory_space<vmem>>)
      %gt3A = arith.constant 0 : i32
      %gt3A_217 = arith.cmpi sgt, %scan3A_205, %gt3A : i32
      %convert_element_type3A = arith.extui %gt3A_217 : i1 to i32
      %cond3A = arith.constant 0 : i32
      %cond3A_218 = arith.cmpi ne, %convert_element_type3A, %cond3A : i32
      scf.if %cond3A_218 {
        %dma_wait3A_826 = arith.constant 0 : i32
        %dma_wait3A_827 = arith.constant 0 : i32
        %dma_wait3A_828 = tpu.memref_slice %arg6[%dma_wait3A_826, %dma_wait3A_827] : memref<80x125xi32, #tpu.memory_space<vmem>> -> memref<1x125xi32, #tpu.memory_space<vmem>>
        %dma_wait3A_829 = tpu.memref_squeeze %dma_wait3A_828 : memref<1x125xi32, #tpu.memory_space<vmem>> -> memref<125xi32, #tpu.memory_space<vmem>>
        %dma_wait3A_830 = arith.constant 0 : i32
        %dma_wait3A_831 = arith.constant 0 : i32
        %dma_wait3A_832 = tpu.memref_slice %arg2[%dma_wait3A_830, %dma_wait3A_831] : memref<10112x16xf32, #tpu.memory_space<hbm>> -> memref<10112x16xf32, #tpu.memory_space<hbm>>
        tpu.wait_indirect_dma semaphore(%arg37 : memref<!tpu.dma_semaphore, #tpu.memory_space<semaphore_mem>>) src(%dma_wait3A_832 : memref<10112x16xf32, #tpu.memory_space<hbm>>) dst(%arg16 : memref<125x16xf32, #tpu.memory_space<vmem>>)
        %dma_wait3A_833 = arith.constant 0 : i32
        %dma_wait3A_834 = arith.constant 0 : i32
        %dma_wait3A_835 = tpu.memref_slice %arg6[%dma_wait3A_833, %dma_wait3A_834] : memref<80x125xi32, #tpu.memory_space<vmem>> -> memref<1x125xi32, #tpu.memory_space<vmem>>
        %dma_wait3A_836 = tpu.memref_squeeze %dma_wait3A_835 : memref<1x125xi32, #tpu.memory_space<vmem>> -> memref<125xi32, #tpu.memory_space<vmem>>
        %dma_wait3A_837 = arith.constant 0 : i32
        %dma_wait3A_838 = arith.constant 0 : i32
        %dma_wait3A_839 = tpu.memref_slice %arg2[%dma_wait3A_837, %dma_wait3A_838] : memref<10112x16xf32, #tpu.memory_space<hbm>> -> memref<10112x16xf32, #tpu.memory_space<hbm>>
        tpu.wait_indirect_dma semaphore(%arg45 : memref<!tpu.dma_semaphore, #tpu.memory_space<semaphore_mem>>) src(%dma_wait3A_839 : memref<10112x16xf32, #tpu.memory_space<hbm>>) dst(%arg16 : memref<125x16xf32, #tpu.memory_space<vmem>>)
      } else {
      }
      %add3A_219 = arith.constant 8 : i32
      %add3A_220 = arith.addi %add3A_209, %add3A_219 : i32
      %dma_start3A_221 = arith.constant 0 : i32
      %dma_start3A_222 = tpu.memref_slice %arg6[%add3A_220, %dma_start3A_221] : memref<80x125xi32, #tpu.memory_space<vmem>> -> memref<1x125xi32, #tpu.memory_space<vmem>>
      %dma_start3A_223 = tpu.memref_squeeze %dma_start3A_222 : memref<1x125xi32, #tpu.memory_space<vmem>> -> memref<125xi32, #tpu.memory_space<vmem>>
      %dma_start3A_224 = arith.constant 0 : i32
      %dma_start3A_225 = arith.constant 0 : i32
      %dma_start3A_226 = tpu.memref_slice %arg26[%dma_start3A_224, %dma_start3A_225] : memref<10112x16xf32, #tpu.memory_space<vmem_shared>> -> memref<10112x16xf32, #tpu.memory_space<vmem_shared>>
      tpu.enqueue_indirect_dma source(%dma_start3A_226 : memref<10112x16xf32, #tpu.memory_space<vmem_shared>>) target(%arg16 : memref<125x16xf32, #tpu.memory_space<vmem>>) offsets(%dma_start3A_223 : memref<125xi32, #tpu.memory_space<vmem>>) semaphore(%arg29 : memref<!tpu.dma_semaphore, #tpu.memory_space<semaphore_mem>>)
      %dma_start3A_227 = arith.constant 0 : i32
      %dma_start3A_228 = tpu.memref_slice %arg7[%add3A_209, %dma_start3A_227] : memref<80x125xi32, #tpu.memory_space<vmem>> -> memref<1x125xi32, #tpu.memory_space<vmem>>
      %dma_start3A_229 = tpu.memref_squeeze %dma_start3A_228 : memref<1x125xi32, #tpu.memory_space<vmem>> -> memref<125xi32, #tpu.memory_space<vmem>>
      %dma_start3A_230 = arith.constant 0 : i32
      %dma_start3A_231 = arith.constant 0 : i32
      %dma_start3A_232 = tpu.memref_slice %arg27[%dma_start3A_230, %dma_start3A_231] : memref<10112x16xf32, #tpu.memory_space<vmem_shared>> -> memref<10112x16xf32, #tpu.memory_space<vmem_shared>>
      tpu.enqueue_indirect_dma source(%arg8 : memref<125x16xf32, #tpu.memory_space<vmem>>) target(%dma_start3A_232 : memref<10112x16xf32, #tpu.memory_space<vmem_shared>>) offsets(%dma_start3A_229 : memref<125xi32, #tpu.memory_space<vmem>>) semaphore(%arg37 : memref<!tpu.dma_semaphore, #tpu.memory_space<semaphore_mem>>) {add = true}
      %dma_start3A_233 = arith.constant 0 : i32
      %dma_start3A_234 = tpu.memref_slice %arg7[%add3A_209, %dma_start3A_233] : memref<80x125xi32, #tpu.memory_space<vmem>> -> memref<1x125xi32, #tpu.memory_space<vmem>>
      %dma_start3A_235 = tpu.memref_squeeze %dma_start3A_234 : memref<1x125xi32, #tpu.memory_space<vmem>> -> memref<125xi32, #tpu.memory_space<vmem>>
      %dma_start3A_236 = arith.constant 0 : i32
      %dma_start3A_237 = arith.constant 0 : i32
      %dma_start3A_238 = tpu.memref_slice %arg28[%dma_start3A_236, %dma_start3A_237] : memref<10112x16xf32, #tpu.memory_space<vmem_shared>> -> memref<10112x16xf32, #tpu.memory_space<vmem_shared>>
      tpu.enqueue_indirect_dma source(%arg25 : memref<125x16xf32, #tpu.memory_space<vmem>>) target(%dma_start3A_238 : memref<10112x16xf32, #tpu.memory_space<vmem_shared>>) offsets(%dma_start3A_235 : memref<125xi32, #tpu.memory_space<vmem>>) semaphore(%arg45 : memref<!tpu.dma_semaphore, #tpu.memory_space<semaphore_mem>>) {add = true}
      %mul3A_239 = arith.constant 16 : i32
      %mul3A_240 = arith.muli %mul3A_239, %scan3A_205 : i32
      %add3A_241 = arith.constant 1 : i32
      %add3A_242 = arith.addi %mul3A_240, %add3A_241 : i32
      %dma_wait3A_243 = arith.constant 0 : i32
      %dma_wait3A_244 = arith.constant 0 : i32
      %dma_wait3A_245 = tpu.memref_slice %arg6[%dma_wait3A_243, %dma_wait3A_244] : memref<80x125xi32, #tpu.memory_space<vmem>> -> memref<1x125xi32, #tpu.memory_space<vmem>>
      %dma_wait3A_246 = tpu.memref_squeeze %dma_wait3A_245 : memref<1x125xi32, #tpu.memory_space<vmem>> -> memref<125xi32, #tpu.memory_space<vmem>>
      %dma_wait3A_247 = arith.constant 0 : i32
      %dma_wait3A_248 = arith.constant 0 : i32
      %dma_wait3A_249 = tpu.memref_slice %arg2[%dma_wait3A_247, %dma_wait3A_248] : memref<10112x16xf32, #tpu.memory_space<hbm>> -> memref<10112x16xf32, #tpu.memory_space<hbm>>
      tpu.wait_indirect_dma semaphore(%arg30 : memref<!tpu.dma_semaphore, #tpu.memory_space<semaphore_mem>>) src(%dma_wait3A_249 : memref<10112x16xf32, #tpu.memory_space<hbm>>) dst(%arg9 : memref<125x16xf32, #tpu.memory_space<vmem>>)
      %gt3A_250 = arith.constant 0 : i32
      %gt3A_251 = arith.cmpi sgt, %scan3A_205, %gt3A_250 : i32
      %convert_element_type3A_252 = arith.extui %gt3A_251 : i1 to i32
      %cond3A_253 = arith.constant 0 : i32
      %cond3A_254 = arith.cmpi ne, %convert_element_type3A_252, %cond3A_253 : i32
      scf.if %cond3A_254 {
        %dma_wait3A_826 = arith.constant 0 : i32
        %dma_wait3A_827 = arith.constant 0 : i32
        %dma_wait3A_828 = tpu.memref_slice %arg6[%dma_wait3A_826, %dma_wait3A_827] : memref<80x125xi32, #tpu.memory_space<vmem>> -> memref<1x125xi32, #tpu.memory_space<vmem>>
        %dma_wait3A_829 = tpu.memref_squeeze %dma_wait3A_828 : memref<1x125xi32, #tpu.memory_space<vmem>> -> memref<125xi32, #tpu.memory_space<vmem>>
        %dma_wait3A_830 = arith.constant 0 : i32
        %dma_wait3A_831 = arith.constant 0 : i32
        %dma_wait3A_832 = tpu.memref_slice %arg2[%dma_wait3A_830, %dma_wait3A_831] : memref<10112x16xf32, #tpu.memory_space<hbm>> -> memref<10112x16xf32, #tpu.memory_space<hbm>>
        tpu.wait_indirect_dma semaphore(%arg38 : memref<!tpu.dma_semaphore, #tpu.memory_space<semaphore_mem>>) src(%dma_wait3A_832 : memref<10112x16xf32, #tpu.memory_space<hbm>>) dst(%arg17 : memref<125x16xf32, #tpu.memory_space<vmem>>)
        %dma_wait3A_833 = arith.constant 0 : i32
        %dma_wait3A_834 = arith.constant 0 : i32
        %dma_wait3A_835 = tpu.memref_slice %arg6[%dma_wait3A_833, %dma_wait3A_834] : memref<80x125xi32, #tpu.memory_space<vmem>> -> memref<1x125xi32, #tpu.memory_space<vmem>>
        %dma_wait3A_836 = tpu.memref_squeeze %dma_wait3A_835 : memref<1x125xi32, #tpu.memory_space<vmem>> -> memref<125xi32, #tpu.memory_space<vmem>>
        %dma_wait3A_837 = arith.constant 0 : i32
        %dma_wait3A_838 = arith.constant 0 : i32
        %dma_wait3A_839 = tpu.memref_slice %arg2[%dma_wait3A_837, %dma_wait3A_838] : memref<10112x16xf32, #tpu.memory_space<hbm>> -> memref<10112x16xf32, #tpu.memory_space<hbm>>
        tpu.wait_indirect_dma semaphore(%arg46 : memref<!tpu.dma_semaphore, #tpu.memory_space<semaphore_mem>>) src(%dma_wait3A_839 : memref<10112x16xf32, #tpu.memory_space<hbm>>) dst(%arg17 : memref<125x16xf32, #tpu.memory_space<vmem>>)
      } else {
      }
      %add3A_255 = arith.constant 8 : i32
      %add3A_256 = arith.addi %add3A_242, %add3A_255 : i32
      %dma_start3A_257 = arith.constant 0 : i32
      %dma_start3A_258 = tpu.memref_slice %arg6[%add3A_256, %dma_start3A_257] : memref<80x125xi32, #tpu.memory_space<vmem>> -> memref<1x125xi32, #tpu.memory_space<vmem>>
      %dma_start3A_259 = tpu.memref_squeeze %dma_start3A_258 : memref<1x125xi32, #tpu.memory_space<vmem>> -> memref<125xi32, #tpu.memory_space<vmem>>
      %dma_start3A_260 = arith.constant 0 : i32
      %dma_start3A_261 = arith.constant 0 : i32
      %dma_start3A_262 = tpu.memref_slice %arg26[%dma_start3A_260, %dma_start3A_261] : memref<10112x16xf32, #tpu.memory_space<vmem_shared>> -> memref<10112x16xf32, #tpu.memory_space<vmem_shared>>
      tpu.enqueue_indirect_dma source(%dma_start3A_262 : memref<10112x16xf32, #tpu.memory_space<vmem_shared>>) target(%arg17 : memref<125x16xf32, #tpu.memory_space<vmem>>) offsets(%dma_start3A_259 : memref<125xi32, #tpu.memory_space<vmem>>) semaphore(%arg30 : memref<!tpu.dma_semaphore, #tpu.memory_space<semaphore_mem>>)
      %dma_start3A_263 = arith.constant 0 : i32
      %dma_start3A_264 = tpu.memref_slice %arg7[%add3A_242, %dma_start3A_263] : memref<80x125xi32, #tpu.memory_space<vmem>> -> memref<1x125xi32, #tpu.memory_space<vmem>>
      %dma_start3A_265 = tpu.memref_squeeze %dma_start3A_264 : memref<1x125xi32, #tpu.memory_space<vmem>> -> memref<125xi32, #tpu.memory_space<vmem>>
      %dma_start3A_266 = arith.constant 0 : i32
      %dma_start3A_267 = arith.constant 0 : i32
      %dma_start3A_268 = tpu.memref_slice %arg27[%dma_start3A_266, %dma_start3A_267] : memref<10112x16xf32, #tpu.memory_space<vmem_shared>> -> memref<10112x16xf32, #tpu.memory_space<vmem_shared>>
      tpu.enqueue_indirect_dma source(%arg9 : memref<125x16xf32, #tpu.memory_space<vmem>>) target(%dma_start3A_268 : memref<10112x16xf32, #tpu.memory_space<vmem_shared>>) offsets(%dma_start3A_265 : memref<125xi32, #tpu.memory_space<vmem>>) semaphore(%arg38 : memref<!tpu.dma_semaphore, #tpu.memory_space<semaphore_mem>>) {add = true}
      %dma_start3A_269 = arith.constant 0 : i32
      %dma_start3A_270 = tpu.memref_slice %arg7[%add3A_242, %dma_start3A_269] : memref<80x125xi32, #tpu.memory_space<vmem>> -> memref<1x125xi32, #tpu.memory_space<vmem>>
      %dma_start3A_271 = tpu.memref_squeeze %dma_start3A_270 : memref<1x125xi32, #tpu.memory_space<vmem>> -> memref<125xi32, #tpu.memory_space<vmem>>
      %dma_start3A_272 = arith.constant 0 : i32
      %dma_start3A_273 = arith.constant 0 : i32
      %dma_start3A_274 = tpu.memref_slice %arg28[%dma_start3A_272, %dma_start3A_273] : memref<10112x16xf32, #tpu.memory_space<vmem_shared>> -> memref<10112x16xf32, #tpu.memory_space<vmem_shared>>
      tpu.enqueue_indirect_dma source(%arg25 : memref<125x16xf32, #tpu.memory_space<vmem>>) target(%dma_start3A_274 : memref<10112x16xf32, #tpu.memory_space<vmem_shared>>) offsets(%dma_start3A_271 : memref<125xi32, #tpu.memory_space<vmem>>) semaphore(%arg46 : memref<!tpu.dma_semaphore, #tpu.memory_space<semaphore_mem>>) {add = true}
      %mul3A_275 = arith.constant 16 : i32
      %mul3A_276 = arith.muli %mul3A_275, %scan3A_205 : i32
      %add3A_277 = arith.constant 2 : i32
      %add3A_278 = arith.addi %mul3A_276, %add3A_277 : i32
      %dma_wait3A_279 = arith.constant 0 : i32
      %dma_wait3A_280 = arith.constant 0 : i32
      %dma_wait3A_281 = tpu.memref_slice %arg6[%dma_wait3A_279, %dma_wait3A_280] : memref<80x125xi32, #tpu.memory_space<vmem>> -> memref<1x125xi32, #tpu.memory_space<vmem>>
      %dma_wait3A_282 = tpu.memref_squeeze %dma_wait3A_281 : memref<1x125xi32, #tpu.memory_space<vmem>> -> memref<125xi32, #tpu.memory_space<vmem>>
      %dma_wait3A_283 = arith.constant 0 : i32
      %dma_wait3A_284 = arith.constant 0 : i32
      %dma_wait3A_285 = tpu.memref_slice %arg2[%dma_wait3A_283, %dma_wait3A_284] : memref<10112x16xf32, #tpu.memory_space<hbm>> -> memref<10112x16xf32, #tpu.memory_space<hbm>>
      tpu.wait_indirect_dma semaphore(%arg31 : memref<!tpu.dma_semaphore, #tpu.memory_space<semaphore_mem>>) src(%dma_wait3A_285 : memref<10112x16xf32, #tpu.memory_space<hbm>>) dst(%arg10 : memref<125x16xf32, #tpu.memory_space<vmem>>)
      %gt3A_286 = arith.constant 0 : i32
      %gt3A_287 = arith.cmpi sgt, %scan3A_205, %gt3A_286 : i32
      %convert_element_type3A_288 = arith.extui %gt3A_287 : i1 to i32
      %cond3A_289 = arith.constant 0 : i32
      %cond3A_290 = arith.cmpi ne, %convert_element_type3A_288, %cond3A_289 : i32
      scf.if %cond3A_290 {
        %dma_wait3A_826 = arith.constant 0 : i32
        %dma_wait3A_827 = arith.constant 0 : i32
        %dma_wait3A_828 = tpu.memref_slice %arg6[%dma_wait3A_826, %dma_wait3A_827] : memref<80x125xi32, #tpu.memory_space<vmem>> -> memref<1x125xi32, #tpu.memory_space<vmem>>
        %dma_wait3A_829 = tpu.memref_squeeze %dma_wait3A_828 : memref<1x125xi32, #tpu.memory_space<vmem>> -> memref<125xi32, #tpu.memory_space<vmem>>
        %dma_wait3A_830 = arith.constant 0 : i32
        %dma_wait3A_831 = arith.constant 0 : i32
        %dma_wait3A_832 = tpu.memref_slice %arg2[%dma_wait3A_830, %dma_wait3A_831] : memref<10112x16xf32, #tpu.memory_space<hbm>> -> memref<10112x16xf32, #tpu.memory_space<hbm>>
        tpu.wait_indirect_dma semaphore(%arg39 : memref<!tpu.dma_semaphore, #tpu.memory_space<semaphore_mem>>) src(%dma_wait3A_832 : memref<10112x16xf32, #tpu.memory_space<hbm>>) dst(%arg18 : memref<125x16xf32, #tpu.memory_space<vmem>>)
        %dma_wait3A_833 = arith.constant 0 : i32
        %dma_wait3A_834 = arith.constant 0 : i32
        %dma_wait3A_835 = tpu.memref_slice %arg6[%dma_wait3A_833, %dma_wait3A_834] : memref<80x125xi32, #tpu.memory_space<vmem>> -> memref<1x125xi32, #tpu.memory_space<vmem>>
        %dma_wait3A_836 = tpu.memref_squeeze %dma_wait3A_835 : memref<1x125xi32, #tpu.memory_space<vmem>> -> memref<125xi32, #tpu.memory_space<vmem>>
        %dma_wait3A_837 = arith.constant 0 : i32
        %dma_wait3A_838 = arith.constant 0 : i32
        %dma_wait3A_839 = tpu.memref_slice %arg2[%dma_wait3A_837, %dma_wait3A_838] : memref<10112x16xf32, #tpu.memory_space<hbm>> -> memref<10112x16xf32, #tpu.memory_space<hbm>>
        tpu.wait_indirect_dma semaphore(%arg47 : memref<!tpu.dma_semaphore, #tpu.memory_space<semaphore_mem>>) src(%dma_wait3A_839 : memref<10112x16xf32, #tpu.memory_space<hbm>>) dst(%arg18 : memref<125x16xf32, #tpu.memory_space<vmem>>)
      } else {
      }
      %add3A_291 = arith.constant 8 : i32
      %add3A_292 = arith.addi %add3A_278, %add3A_291 : i32
      %dma_start3A_293 = arith.constant 0 : i32
      %dma_start3A_294 = tpu.memref_slice %arg6[%add3A_292, %dma_start3A_293] : memref<80x125xi32, #tpu.memory_space<vmem>> -> memref<1x125xi32, #tpu.memory_space<vmem>>
      %dma_start3A_295 = tpu.memref_squeeze %dma_start3A_294 : memref<1x125xi32, #tpu.memory_space<vmem>> -> memref<125xi32, #tpu.memory_space<vmem>>
      %dma_start3A_296 = arith.constant 0 : i32
      %dma_start3A_297 = arith.constant 0 : i32
      %dma_start3A_298 = tpu.memref_slice %arg26[%dma_start3A_296, %dma_start3A_297] : memref<10112x16xf32, #tpu.memory_space<vmem_shared>> -> memref<10112x16xf32, #tpu.memory_space<vmem_shared>>
      tpu.enqueue_indirect_dma source(%dma_start3A_298 : memref<10112x16xf32, #tpu.memory_space<vmem_shared>>) target(%arg18 : memref<125x16xf32, #tpu.memory_space<vmem>>) offsets(%dma_start3A_295 : memref<125xi32, #tpu.memory_space<vmem>>) semaphore(%arg31 : memref<!tpu.dma_semaphore, #tpu.memory_space<semaphore_mem>>)
      %dma_start3A_299 = arith.constant 0 : i32
      %dma_start3A_300 = tpu.memref_slice %arg7[%add3A_278, %dma_start3A_299] : memref<80x125xi32, #tpu.memory_space<vmem>> -> memref<1x125xi32, #tpu.memory_space<vmem>>
      %dma_start3A_301 = tpu.memref_squeeze %dma_start3A_300 : memref<1x125xi32, #tpu.memory_space<vmem>> -> memref<125xi32, #tpu.memory_space<vmem>>
      %dma_start3A_302 = arith.constant 0 : i32
      %dma_start3A_303 = arith.constant 0 : i32
      %dma_start3A_304 = tpu.memref_slice %arg27[%dma_start3A_302, %dma_start3A_303] : memref<10112x16xf32, #tpu.memory_space<vmem_shared>> -> memref<10112x16xf32, #tpu.memory_space<vmem_shared>>
      tpu.enqueue_indirect_dma source(%arg10 : memref<125x16xf32, #tpu.memory_space<vmem>>) target(%dma_start3A_304 : memref<10112x16xf32, #tpu.memory_space<vmem_shared>>) offsets(%dma_start3A_301 : memref<125xi32, #tpu.memory_space<vmem>>) semaphore(%arg39 : memref<!tpu.dma_semaphore, #tpu.memory_space<semaphore_mem>>) {add = true}
      %dma_start3A_305 = arith.constant 0 : i32
      %dma_start3A_306 = tpu.memref_slice %arg7[%add3A_278, %dma_start3A_305] : memref<80x125xi32, #tpu.memory_space<vmem>> -> memref<1x125xi32, #tpu.memory_space<vmem>>
      %dma_start3A_307 = tpu.memref_squeeze %dma_start3A_306 : memref<1x125xi32, #tpu.memory_space<vmem>> -> memref<125xi32, #tpu.memory_space<vmem>>
      %dma_start3A_308 = arith.constant 0 : i32
      %dma_start3A_309 = arith.constant 0 : i32
      %dma_start3A_310 = tpu.memref_slice %arg28[%dma_start3A_308, %dma_start3A_309] : memref<10112x16xf32, #tpu.memory_space<vmem_shared>> -> memref<10112x16xf32, #tpu.memory_space<vmem_shared>>
      tpu.enqueue_indirect_dma source(%arg25 : memref<125x16xf32, #tpu.memory_space<vmem>>) target(%dma_start3A_310 : memref<10112x16xf32, #tpu.memory_space<vmem_shared>>) offsets(%dma_start3A_307 : memref<125xi32, #tpu.memory_space<vmem>>) semaphore(%arg47 : memref<!tpu.dma_semaphore, #tpu.memory_space<semaphore_mem>>) {add = true}
      %mul3A_311 = arith.constant 16 : i32
      %mul3A_312 = arith.muli %mul3A_311, %scan3A_205 : i32
      %add3A_313 = arith.constant 3 : i32
      %add3A_314 = arith.addi %mul3A_312, %add3A_313 : i32
      %dma_wait3A_315 = arith.constant 0 : i32
      %dma_wait3A_316 = arith.constant 0 : i32
      %dma_wait3A_317 = tpu.memref_slice %arg6[%dma_wait3A_315, %dma_wait3A_316] : memref<80x125xi32, #tpu.memory_space<vmem>> -> memref<1x125xi32, #tpu.memory_space<vmem>>
      %dma_wait3A_318 = tpu.memref_squeeze %dma_wait3A_317 : memref<1x125xi32, #tpu.memory_space<vmem>> -> memref<125xi32, #tpu.memory_space<vmem>>
      %dma_wait3A_319 = arith.constant 0 : i32
      %dma_wait3A_320 = arith.constant 0 : i32
      %dma_wait3A_321 = tpu.memref_slice %arg2[%dma_wait3A_319, %dma_wait3A_320] : memref<10112x16xf32, #tpu.memory_space<hbm>> -> memref<10112x16xf32, #tpu.memory_space<hbm>>
      tpu.wait_indirect_dma semaphore(%arg32 : memref<!tpu.dma_semaphore, #tpu.memory_space<semaphore_mem>>) src(%dma_wait3A_321 : memref<10112x16xf32, #tpu.memory_space<hbm>>) dst(%arg11 : memref<125x16xf32, #tpu.memory_space<vmem>>)
      %gt3A_322 = arith.constant 0 : i32
      %gt3A_323 = arith.cmpi sgt, %scan3A_205, %gt3A_322 : i32
      %convert_element_type3A_324 = arith.extui %gt3A_323 : i1 to i32
      %cond3A_325 = arith.constant 0 : i32
      %cond3A_326 = arith.cmpi ne, %convert_element_type3A_324, %cond3A_325 : i32
      scf.if %cond3A_326 {
        %dma_wait3A_826 = arith.constant 0 : i32
        %dma_wait3A_827 = arith.constant 0 : i32
        %dma_wait3A_828 = tpu.memref_slice %arg6[%dma_wait3A_826, %dma_wait3A_827] : memref<80x125xi32, #tpu.memory_space<vmem>> -> memref<1x125xi32, #tpu.memory_space<vmem>>
        %dma_wait3A_829 = tpu.memref_squeeze %dma_wait3A_828 : memref<1x125xi32, #tpu.memory_space<vmem>> -> memref<125xi32, #tpu.memory_space<vmem>>
        %dma_wait3A_830 = arith.constant 0 : i32
        %dma_wait3A_831 = arith.constant 0 : i32
        %dma_wait3A_832 = tpu.memref_slice %arg2[%dma_wait3A_830, %dma_wait3A_831] : memref<10112x16xf32, #tpu.memory_space<hbm>> -> memref<10112x16xf32, #tpu.memory_space<hbm>>
        tpu.wait_indirect_dma semaphore(%arg40 : memref<!tpu.dma_semaphore, #tpu.memory_space<semaphore_mem>>) src(%dma_wait3A_832 : memref<10112x16xf32, #tpu.memory_space<hbm>>) dst(%arg19 : memref<125x16xf32, #tpu.memory_space<vmem>>)
        %dma_wait3A_833 = arith.constant 0 : i32
        %dma_wait3A_834 = arith.constant 0 : i32
        %dma_wait3A_835 = tpu.memref_slice %arg6[%dma_wait3A_833, %dma_wait3A_834] : memref<80x125xi32, #tpu.memory_space<vmem>> -> memref<1x125xi32, #tpu.memory_space<vmem>>
        %dma_wait3A_836 = tpu.memref_squeeze %dma_wait3A_835 : memref<1x125xi32, #tpu.memory_space<vmem>> -> memref<125xi32, #tpu.memory_space<vmem>>
        %dma_wait3A_837 = arith.constant 0 : i32
        %dma_wait3A_838 = arith.constant 0 : i32
        %dma_wait3A_839 = tpu.memref_slice %arg2[%dma_wait3A_837, %dma_wait3A_838] : memref<10112x16xf32, #tpu.memory_space<hbm>> -> memref<10112x16xf32, #tpu.memory_space<hbm>>
        tpu.wait_indirect_dma semaphore(%arg48 : memref<!tpu.dma_semaphore, #tpu.memory_space<semaphore_mem>>) src(%dma_wait3A_839 : memref<10112x16xf32, #tpu.memory_space<hbm>>) dst(%arg19 : memref<125x16xf32, #tpu.memory_space<vmem>>)
      } else {
      }
      %add3A_327 = arith.constant 8 : i32
      %add3A_328 = arith.addi %add3A_314, %add3A_327 : i32
      %dma_start3A_329 = arith.constant 0 : i32
      %dma_start3A_330 = tpu.memref_slice %arg6[%add3A_328, %dma_start3A_329] : memref<80x125xi32, #tpu.memory_space<vmem>> -> memref<1x125xi32, #tpu.memory_space<vmem>>
      %dma_start3A_331 = tpu.memref_squeeze %dma_start3A_330 : memref<1x125xi32, #tpu.memory_space<vmem>> -> memref<125xi32, #tpu.memory_space<vmem>>
      %dma_start3A_332 = arith.constant 0 : i32
      %dma_start3A_333 = arith.constant 0 : i32
      %dma_start3A_334 = tpu.memref_slice %arg26[%dma_start3A_332, %dma_start3A_333] : memref<10112x16xf32, #tpu.memory_space<vmem_shared>> -> memref<10112x16xf32, #tpu.memory_space<vmem_shared>>
      tpu.enqueue_indirect_dma source(%dma_start3A_334 : memref<10112x16xf32, #tpu.memory_space<vmem_shared>>) target(%arg19 : memref<125x16xf32, #tpu.memory_space<vmem>>) offsets(%dma_start3A_331 : memref<125xi32, #tpu.memory_space<vmem>>) semaphore(%arg32 : memref<!tpu.dma_semaphore, #tpu.memory_space<semaphore_mem>>)
      %dma_start3A_335 = arith.constant 0 : i32
      %dma_start3A_336 = tpu.memref_slice %arg7[%add3A_314, %dma_start3A_335] : memref<80x125xi32, #tpu.memory_space<vmem>> -> memref<1x125xi32, #tpu.memory_space<vmem>>
      %dma_start3A_337 = tpu.memref_squeeze %dma_start3A_336 : memref<1x125xi32, #tpu.memory_space<vmem>> -> memref<125xi32, #tpu.memory_space<vmem>>
      %dma_start3A_338 = arith.constant 0 : i32
      %dma_start3A_339 = arith.constant 0 : i32
      %dma_start3A_340 = tpu.memref_slice %arg27[%dma_start3A_338, %dma_start3A_339] : memref<10112x16xf32, #tpu.memory_space<vmem_shared>> -> memref<10112x16xf32, #tpu.memory_space<vmem_shared>>
      tpu.enqueue_indirect_dma source(%arg11 : memref<125x16xf32, #tpu.memory_space<vmem>>) target(%dma_start3A_340 : memref<10112x16xf32, #tpu.memory_space<vmem_shared>>) offsets(%dma_start3A_337 : memref<125xi32, #tpu.memory_space<vmem>>) semaphore(%arg40 : memref<!tpu.dma_semaphore, #tpu.memory_space<semaphore_mem>>) {add = true}
      %dma_start3A_341 = arith.constant 0 : i32
      %dma_start3A_342 = tpu.memref_slice %arg7[%add3A_314, %dma_start3A_341] : memref<80x125xi32, #tpu.memory_space<vmem>> -> memref<1x125xi32, #tpu.memory_space<vmem>>
      %dma_start3A_343 = tpu.memref_squeeze %dma_start3A_342 : memref<1x125xi32, #tpu.memory_space<vmem>> -> memref<125xi32, #tpu.memory_space<vmem>>
      %dma_start3A_344 = arith.constant 0 : i32
      %dma_start3A_345 = arith.constant 0 : i32
      %dma_start3A_346 = tpu.memref_slice %arg28[%dma_start3A_344, %dma_start3A_345] : memref<10112x16xf32, #tpu.memory_space<vmem_shared>> -> memref<10112x16xf32, #tpu.memory_space<vmem_shared>>
      tpu.enqueue_indirect_dma source(%arg25 : memref<125x16xf32, #tpu.memory_space<vmem>>) target(%dma_start3A_346 : memref<10112x16xf32, #tpu.memory_space<vmem_shared>>) offsets(%dma_start3A_343 : memref<125xi32, #tpu.memory_space<vmem>>) semaphore(%arg48 : memref<!tpu.dma_semaphore, #tpu.memory_space<semaphore_mem>>) {add = true}
      %mul3A_347 = arith.constant 16 : i32
      %mul3A_348 = arith.muli %mul3A_347, %scan3A_205 : i32
      %add3A_349 = arith.constant 4 : i32
      %add3A_350 = arith.addi %mul3A_348, %add3A_349 : i32
      %dma_wait3A_351 = arith.constant 0 : i32
      %dma_wait3A_352 = arith.constant 0 : i32
      %dma_wait3A_353 = tpu.memref_slice %arg6[%dma_wait3A_351, %dma_wait3A_352] : memref<80x125xi32, #tpu.memory_space<vmem>> -> memref<1x125xi32, #tpu.memory_space<vmem>>
      %dma_wait3A_354 = tpu.memref_squeeze %dma_wait3A_353 : memref<1x125xi32, #tpu.memory_space<vmem>> -> memref<125xi32, #tpu.memory_space<vmem>>
      %dma_wait3A_355 = arith.constant 0 : i32
      %dma_wait3A_356 = arith.constant 0 : i32
      %dma_wait3A_357 = tpu.memref_slice %arg2[%dma_wait3A_355, %dma_wait3A_356] : memref<10112x16xf32, #tpu.memory_space<hbm>> -> memref<10112x16xf32, #tpu.memory_space<hbm>>
      tpu.wait_indirect_dma semaphore(%arg33 : memref<!tpu.dma_semaphore, #tpu.memory_space<semaphore_mem>>) src(%dma_wait3A_357 : memref<10112x16xf32, #tpu.memory_space<hbm>>) dst(%arg12 : memref<125x16xf32, #tpu.memory_space<vmem>>)
      %gt3A_358 = arith.constant 0 : i32
      %gt3A_359 = arith.cmpi sgt, %scan3A_205, %gt3A_358 : i32
      %convert_element_type3A_360 = arith.extui %gt3A_359 : i1 to i32
      %cond3A_361 = arith.constant 0 : i32
      %cond3A_362 = arith.cmpi ne, %convert_element_type3A_360, %cond3A_361 : i32
      scf.if %cond3A_362 {
        %dma_wait3A_826 = arith.constant 0 : i32
        %dma_wait3A_827 = arith.constant 0 : i32
        %dma_wait3A_828 = tpu.memref_slice %arg6[%dma_wait3A_826, %dma_wait3A_827] : memref<80x125xi32, #tpu.memory_space<vmem>> -> memref<1x125xi32, #tpu.memory_space<vmem>>
        %dma_wait3A_829 = tpu.memref_squeeze %dma_wait3A_828 : memref<1x125xi32, #tpu.memory_space<vmem>> -> memref<125xi32, #tpu.memory_space<vmem>>
        %dma_wait3A_830 = arith.constant 0 : i32
        %dma_wait3A_831 = arith.constant 0 : i32
        %dma_wait3A_832 = tpu.memref_slice %arg2[%dma_wait3A_830, %dma_wait3A_831] : memref<10112x16xf32, #tpu.memory_space<hbm>> -> memref<10112x16xf32, #tpu.memory_space<hbm>>
        tpu.wait_indirect_dma semaphore(%arg41 : memref<!tpu.dma_semaphore, #tpu.memory_space<semaphore_mem>>) src(%dma_wait3A_832 : memref<10112x16xf32, #tpu.memory_space<hbm>>) dst(%arg20 : memref<125x16xf32, #tpu.memory_space<vmem>>)
        %dma_wait3A_833 = arith.constant 0 : i32
        %dma_wait3A_834 = arith.constant 0 : i32
        %dma_wait3A_835 = tpu.memref_slice %arg6[%dma_wait3A_833, %dma_wait3A_834] : memref<80x125xi32, #tpu.memory_space<vmem>> -> memref<1x125xi32, #tpu.memory_space<vmem>>
        %dma_wait3A_836 = tpu.memref_squeeze %dma_wait3A_835 : memref<1x125xi32, #tpu.memory_space<vmem>> -> memref<125xi32, #tpu.memory_space<vmem>>
        %dma_wait3A_837 = arith.constant 0 : i32
        %dma_wait3A_838 = arith.constant 0 : i32
        %dma_wait3A_839 = tpu.memref_slice %arg2[%dma_wait3A_837, %dma_wait3A_838] : memref<10112x16xf32, #tpu.memory_space<hbm>> -> memref<10112x16xf32, #tpu.memory_space<hbm>>
        tpu.wait_indirect_dma semaphore(%arg49 : memref<!tpu.dma_semaphore, #tpu.memory_space<semaphore_mem>>) src(%dma_wait3A_839 : memref<10112x16xf32, #tpu.memory_space<hbm>>) dst(%arg20 : memref<125x16xf32, #tpu.memory_space<vmem>>)
      } else {
      }
      %add3A_363 = arith.constant 8 : i32
      %add3A_364 = arith.addi %add3A_350, %add3A_363 : i32
      %dma_start3A_365 = arith.constant 0 : i32
      %dma_start3A_366 = tpu.memref_slice %arg6[%add3A_364, %dma_start3A_365] : memref<80x125xi32, #tpu.memory_space<vmem>> -> memref<1x125xi32, #tpu.memory_space<vmem>>
      %dma_start3A_367 = tpu.memref_squeeze %dma_start3A_366 : memref<1x125xi32, #tpu.memory_space<vmem>> -> memref<125xi32, #tpu.memory_space<vmem>>
      %dma_start3A_368 = arith.constant 0 : i32
      %dma_start3A_369 = arith.constant 0 : i32
      %dma_start3A_370 = tpu.memref_slice %arg26[%dma_start3A_368, %dma_start3A_369] : memref<10112x16xf32, #tpu.memory_space<vmem_shared>> -> memref<10112x16xf32, #tpu.memory_space<vmem_shared>>
      tpu.enqueue_indirect_dma source(%dma_start3A_370 : memref<10112x16xf32, #tpu.memory_space<vmem_shared>>) target(%arg20 : memref<125x16xf32, #tpu.memory_space<vmem>>) offsets(%dma_start3A_367 : memref<125xi32, #tpu.memory_space<vmem>>) semaphore(%arg33 : memref<!tpu.dma_semaphore, #tpu.memory_space<semaphore_mem>>)
      %dma_start3A_371 = arith.constant 0 : i32
      %dma_start3A_372 = tpu.memref_slice %arg7[%add3A_350, %dma_start3A_371] : memref<80x125xi32, #tpu.memory_space<vmem>> -> memref<1x125xi32, #tpu.memory_space<vmem>>
      %dma_start3A_373 = tpu.memref_squeeze %dma_start3A_372 : memref<1x125xi32, #tpu.memory_space<vmem>> -> memref<125xi32, #tpu.memory_space<vmem>>
      %dma_start3A_374 = arith.constant 0 : i32
      %dma_start3A_375 = arith.constant 0 : i32
      %dma_start3A_376 = tpu.memref_slice %arg27[%dma_start3A_374, %dma_start3A_375] : memref<10112x16xf32, #tpu.memory_space<vmem_shared>> -> memref<10112x16xf32, #tpu.memory_space<vmem_shared>>
      tpu.enqueue_indirect_dma source(%arg12 : memref<125x16xf32, #tpu.memory_space<vmem>>) target(%dma_start3A_376 : memref<10112x16xf32, #tpu.memory_space<vmem_shared>>) offsets(%dma_start3A_373 : memref<125xi32, #tpu.memory_space<vmem>>) semaphore(%arg41 : memref<!tpu.dma_semaphore, #tpu.memory_space<semaphore_mem>>) {add = true}
      %dma_start3A_377 = arith.constant 0 : i32
      %dma_start3A_378 = tpu.memref_slice %arg7[%add3A_350, %dma_start3A_377] : memref<80x125xi32, #tpu.memory_space<vmem>> -> memref<1x125xi32, #tpu.memory_space<vmem>>
      %dma_start3A_379 = tpu.memref_squeeze %dma_start3A_378 : memref<1x125xi32, #tpu.memory_space<vmem>> -> memref<125xi32, #tpu.memory_space<vmem>>
      %dma_start3A_380 = arith.constant 0 : i32
      %dma_start3A_381 = arith.constant 0 : i32
      %dma_start3A_382 = tpu.memref_slice %arg28[%dma_start3A_380, %dma_start3A_381] : memref<10112x16xf32, #tpu.memory_space<vmem_shared>> -> memref<10112x16xf32, #tpu.memory_space<vmem_shared>>
      tpu.enqueue_indirect_dma source(%arg25 : memref<125x16xf32, #tpu.memory_space<vmem>>) target(%dma_start3A_382 : memref<10112x16xf32, #tpu.memory_space<vmem_shared>>) offsets(%dma_start3A_379 : memref<125xi32, #tpu.memory_space<vmem>>) semaphore(%arg49 : memref<!tpu.dma_semaphore, #tpu.memory_space<semaphore_mem>>) {add = true}
      %mul3A_383 = arith.constant 16 : i32
      %mul3A_384 = arith.muli %mul3A_383, %scan3A_205 : i32
      %add3A_385 = arith.constant 5 : i32
      %add3A_386 = arith.addi %mul3A_384, %add3A_385 : i32
      %dma_wait3A_387 = arith.constant 0 : i32
      %dma_wait3A_388 = arith.constant 0 : i32
      %dma_wait3A_389 = tpu.memref_slice %arg6[%dma_wait3A_387, %dma_wait3A_388] : memref<80x125xi32, #tpu.memory_space<vmem>> -> memref<1x125xi32, #tpu.memory_space<vmem>>
      %dma_wait3A_390 = tpu.memref_squeeze %dma_wait3A_389 : memref<1x125xi32, #tpu.memory_space<vmem>> -> memref<125xi32, #tpu.memory_space<vmem>>
      %dma_wait3A_391 = arith.constant 0 : i32
      %dma_wait3A_392 = arith.constant 0 : i32
      %dma_wait3A_393 = tpu.memref_slice %arg2[%dma_wait3A_391, %dma_wait3A_392] : memref<10112x16xf32, #tpu.memory_space<hbm>> -> memref<10112x16xf32, #tpu.memory_space<hbm>>
      tpu.wait_indirect_dma semaphore(%arg34 : memref<!tpu.dma_semaphore, #tpu.memory_space<semaphore_mem>>) src(%dma_wait3A_393 : memref<10112x16xf32, #tpu.memory_space<hbm>>) dst(%arg13 : memref<125x16xf32, #tpu.memory_space<vmem>>)
      %gt3A_394 = arith.constant 0 : i32
      %gt3A_395 = arith.cmpi sgt, %scan3A_205, %gt3A_394 : i32
      %convert_element_type3A_396 = arith.extui %gt3A_395 : i1 to i32
      %cond3A_397 = arith.constant 0 : i32
      %cond3A_398 = arith.cmpi ne, %convert_element_type3A_396, %cond3A_397 : i32
      scf.if %cond3A_398 {
        %dma_wait3A_826 = arith.constant 0 : i32
        %dma_wait3A_827 = arith.constant 0 : i32
        %dma_wait3A_828 = tpu.memref_slice %arg6[%dma_wait3A_826, %dma_wait3A_827] : memref<80x125xi32, #tpu.memory_space<vmem>> -> memref<1x125xi32, #tpu.memory_space<vmem>>
        %dma_wait3A_829 = tpu.memref_squeeze %dma_wait3A_828 : memref<1x125xi32, #tpu.memory_space<vmem>> -> memref<125xi32, #tpu.memory_space<vmem>>
        %dma_wait3A_830 = arith.constant 0 : i32
        %dma_wait3A_831 = arith.constant 0 : i32
        %dma_wait3A_832 = tpu.memref_slice %arg2[%dma_wait3A_830, %dma_wait3A_831] : memref<10112x16xf32, #tpu.memory_space<hbm>> -> memref<10112x16xf32, #tpu.memory_space<hbm>>
        tpu.wait_indirect_dma semaphore(%arg42 : memref<!tpu.dma_semaphore, #tpu.memory_space<semaphore_mem>>) src(%dma_wait3A_832 : memref<10112x16xf32, #tpu.memory_space<hbm>>) dst(%arg21 : memref<125x16xf32, #tpu.memory_space<vmem>>)
        %dma_wait3A_833 = arith.constant 0 : i32
        %dma_wait3A_834 = arith.constant 0 : i32
        %dma_wait3A_835 = tpu.memref_slice %arg6[%dma_wait3A_833, %dma_wait3A_834] : memref<80x125xi32, #tpu.memory_space<vmem>> -> memref<1x125xi32, #tpu.memory_space<vmem>>
        %dma_wait3A_836 = tpu.memref_squeeze %dma_wait3A_835 : memref<1x125xi32, #tpu.memory_space<vmem>> -> memref<125xi32, #tpu.memory_space<vmem>>
        %dma_wait3A_837 = arith.constant 0 : i32
        %dma_wait3A_838 = arith.constant 0 : i32
        %dma_wait3A_839 = tpu.memref_slice %arg2[%dma_wait3A_837, %dma_wait3A_838] : memref<10112x16xf32, #tpu.memory_space<hbm>> -> memref<10112x16xf32, #tpu.memory_space<hbm>>
        tpu.wait_indirect_dma semaphore(%arg50 : memref<!tpu.dma_semaphore, #tpu.memory_space<semaphore_mem>>) src(%dma_wait3A_839 : memref<10112x16xf32, #tpu.memory_space<hbm>>) dst(%arg21 : memref<125x16xf32, #tpu.memory_space<vmem>>)
      } else {
      }
      %add3A_399 = arith.constant 8 : i32
      %add3A_400 = arith.addi %add3A_386, %add3A_399 : i32
      %dma_start3A_401 = arith.constant 0 : i32
      %dma_start3A_402 = tpu.memref_slice %arg6[%add3A_400, %dma_start3A_401] : memref<80x125xi32, #tpu.memory_space<vmem>> -> memref<1x125xi32, #tpu.memory_space<vmem>>
      %dma_start3A_403 = tpu.memref_squeeze %dma_start3A_402 : memref<1x125xi32, #tpu.memory_space<vmem>> -> memref<125xi32, #tpu.memory_space<vmem>>
      %dma_start3A_404 = arith.constant 0 : i32
      %dma_start3A_405 = arith.constant 0 : i32
      %dma_start3A_406 = tpu.memref_slice %arg26[%dma_start3A_404, %dma_start3A_405] : memref<10112x16xf32, #tpu.memory_space<vmem_shared>> -> memref<10112x16xf32, #tpu.memory_space<vmem_shared>>
      tpu.enqueue_indirect_dma source(%dma_start3A_406 : memref<10112x16xf32, #tpu.memory_space<vmem_shared>>) target(%arg21 : memref<125x16xf32, #tpu.memory_space<vmem>>) offsets(%dma_start3A_403 : memref<125xi32, #tpu.memory_space<vmem>>) semaphore(%arg34 : memref<!tpu.dma_semaphore, #tpu.memory_space<semaphore_mem>>)
      %dma_start3A_407 = arith.constant 0 : i32
      %dma_start3A_408 = tpu.memref_slice %arg7[%add3A_386, %dma_start3A_407] : memref<80x125xi32, #tpu.memory_space<vmem>> -> memref<1x125xi32, #tpu.memory_space<vmem>>
      %dma_start3A_409 = tpu.memref_squeeze %dma_start3A_408 : memref<1x125xi32, #tpu.memory_space<vmem>> -> memref<125xi32, #tpu.memory_space<vmem>>
      %dma_start3A_410 = arith.constant 0 : i32
      %dma_start3A_411 = arith.constant 0 : i32
      %dma_start3A_412 = tpu.memref_slice %arg27[%dma_start3A_410, %dma_start3A_411] : memref<10112x16xf32, #tpu.memory_space<vmem_shared>> -> memref<10112x16xf32, #tpu.memory_space<vmem_shared>>
      tpu.enqueue_indirect_dma source(%arg13 : memref<125x16xf32, #tpu.memory_space<vmem>>) target(%dma_start3A_412 : memref<10112x16xf32, #tpu.memory_space<vmem_shared>>) offsets(%dma_start3A_409 : memref<125xi32, #tpu.memory_space<vmem>>) semaphore(%arg42 : memref<!tpu.dma_semaphore, #tpu.memory_space<semaphore_mem>>) {add = true}
      %dma_start3A_413 = arith.constant 0 : i32
      %dma_start3A_414 = tpu.memref_slice %arg7[%add3A_386, %dma_start3A_413] : memref<80x125xi32, #tpu.memory_space<vmem>> -> memref<1x125xi32, #tpu.memory_space<vmem>>
      %dma_start3A_415 = tpu.memref_squeeze %dma_start3A_414 : memref<1x125xi32, #tpu.memory_space<vmem>> -> memref<125xi32, #tpu.memory_space<vmem>>
      %dma_start3A_416 = arith.constant 0 : i32
      %dma_start3A_417 = arith.constant 0 : i32
      %dma_start3A_418 = tpu.memref_slice %arg28[%dma_start3A_416, %dma_start3A_417] : memref<10112x16xf32, #tpu.memory_space<vmem_shared>> -> memref<10112x16xf32, #tpu.memory_space<vmem_shared>>
      tpu.enqueue_indirect_dma source(%arg25 : memref<125x16xf32, #tpu.memory_space<vmem>>) target(%dma_start3A_418 : memref<10112x16xf32, #tpu.memory_space<vmem_shared>>) offsets(%dma_start3A_415 : memref<125xi32, #tpu.memory_space<vmem>>) semaphore(%arg50 : memref<!tpu.dma_semaphore, #tpu.memory_space<semaphore_mem>>) {add = true}
      %mul3A_419 = arith.constant 16 : i32
      %mul3A_420 = arith.muli %mul3A_419, %scan3A_205 : i32
      %add3A_421 = arith.constant 6 : i32
      %add3A_422 = arith.addi %mul3A_420, %add3A_421 : i32
      %dma_wait3A_423 = arith.constant 0 : i32
      %dma_wait3A_424 = arith.constant 0 : i32
      %dma_wait3A_425 = tpu.memref_slice %arg6[%dma_wait3A_423, %dma_wait3A_424] : memref<80x125xi32, #tpu.memory_space<vmem>> -> memref<1x125xi32, #tpu.memory_space<vmem>>
      %dma_wait3A_426 = tpu.memref_squeeze %dma_wait3A_425 : memref<1x125xi32, #tpu.memory_space<vmem>> -> memref<125xi32, #tpu.memory_space<vmem>>
      %dma_wait3A_427 = arith.constant 0 : i32
      %dma_wait3A_428 = arith.constant 0 : i32
      %dma_wait3A_429 = tpu.memref_slice %arg2[%dma_wait3A_427, %dma_wait3A_428] : memref<10112x16xf32, #tpu.memory_space<hbm>> -> memref<10112x16xf32, #tpu.memory_space<hbm>>
      tpu.wait_indirect_dma semaphore(%arg35 : memref<!tpu.dma_semaphore, #tpu.memory_space<semaphore_mem>>) src(%dma_wait3A_429 : memref<10112x16xf32, #tpu.memory_space<hbm>>) dst(%arg14 : memref<125x16xf32, #tpu.memory_space<vmem>>)
      %gt3A_430 = arith.constant 0 : i32
      %gt3A_431 = arith.cmpi sgt, %scan3A_205, %gt3A_430 : i32
      %convert_element_type3A_432 = arith.extui %gt3A_431 : i1 to i32
      %cond3A_433 = arith.constant 0 : i32
      %cond3A_434 = arith.cmpi ne, %convert_element_type3A_432, %cond3A_433 : i32
      scf.if %cond3A_434 {
        %dma_wait3A_826 = arith.constant 0 : i32
        %dma_wait3A_827 = arith.constant 0 : i32
        %dma_wait3A_828 = tpu.memref_slice %arg6[%dma_wait3A_826, %dma_wait3A_827] : memref<80x125xi32, #tpu.memory_space<vmem>> -> memref<1x125xi32, #tpu.memory_space<vmem>>
        %dma_wait3A_829 = tpu.memref_squeeze %dma_wait3A_828 : memref<1x125xi32, #tpu.memory_space<vmem>> -> memref<125xi32, #tpu.memory_space<vmem>>
        %dma_wait3A_830 = arith.constant 0 : i32
        %dma_wait3A_831 = arith.constant 0 : i32
        %dma_wait3A_832 = tpu.memref_slice %arg2[%dma_wait3A_830, %dma_wait3A_831] : memref<10112x16xf32, #tpu.memory_space<hbm>> -> memref<10112x16xf32, #tpu.memory_space<hbm>>
        tpu.wait_indirect_dma semaphore(%arg43 : memref<!tpu.dma_semaphore, #tpu.memory_space<semaphore_mem>>) src(%dma_wait3A_832 : memref<10112x16xf32, #tpu.memory_space<hbm>>) dst(%arg22 : memref<125x16xf32, #tpu.memory_space<vmem>>)
        %dma_wait3A_833 = arith.constant 0 : i32
        %dma_wait3A_834 = arith.constant 0 : i32
        %dma_wait3A_835 = tpu.memref_slice %arg6[%dma_wait3A_833, %dma_wait3A_834] : memref<80x125xi32, #tpu.memory_space<vmem>> -> memref<1x125xi32, #tpu.memory_space<vmem>>
        %dma_wait3A_836 = tpu.memref_squeeze %dma_wait3A_835 : memref<1x125xi32, #tpu.memory_space<vmem>> -> memref<125xi32, #tpu.memory_space<vmem>>
        %dma_wait3A_837 = arith.constant 0 : i32
        %dma_wait3A_838 = arith.constant 0 : i32
        %dma_wait3A_839 = tpu.memref_slice %arg2[%dma_wait3A_837, %dma_wait3A_838] : memref<10112x16xf32, #tpu.memory_space<hbm>> -> memref<10112x16xf32, #tpu.memory_space<hbm>>
        tpu.wait_indirect_dma semaphore(%arg51 : memref<!tpu.dma_semaphore, #tpu.memory_space<semaphore_mem>>) src(%dma_wait3A_839 : memref<10112x16xf32, #tpu.memory_space<hbm>>) dst(%arg22 : memref<125x16xf32, #tpu.memory_space<vmem>>)
      } else {
      }
      %add3A_435 = arith.constant 8 : i32
      %add3A_436 = arith.addi %add3A_422, %add3A_435 : i32
      %dma_start3A_437 = arith.constant 0 : i32
      %dma_start3A_438 = tpu.memref_slice %arg6[%add3A_436, %dma_start3A_437] : memref<80x125xi32, #tpu.memory_space<vmem>> -> memref<1x125xi32, #tpu.memory_space<vmem>>
      %dma_start3A_439 = tpu.memref_squeeze %dma_start3A_438 : memref<1x125xi32, #tpu.memory_space<vmem>> -> memref<125xi32, #tpu.memory_space<vmem>>
      %dma_start3A_440 = arith.constant 0 : i32
      %dma_start3A_441 = arith.constant 0 : i32
      %dma_start3A_442 = tpu.memref_slice %arg26[%dma_start3A_440, %dma_start3A_441] : memref<10112x16xf32, #tpu.memory_space<vmem_shared>> -> memref<10112x16xf32, #tpu.memory_space<vmem_shared>>
      tpu.enqueue_indirect_dma source(%dma_start3A_442 : memref<10112x16xf32, #tpu.memory_space<vmem_shared>>) target(%arg22 : memref<125x16xf32, #tpu.memory_space<vmem>>) offsets(%dma_start3A_439 : memref<125xi32, #tpu.memory_space<vmem>>) semaphore(%arg35 : memref<!tpu.dma_semaphore, #tpu.memory_space<semaphore_mem>>)
      %dma_start3A_443 = arith.constant 0 : i32
      %dma_start3A_444 = tpu.memref_slice %arg7[%add3A_422, %dma_start3A_443] : memref<80x125xi32, #tpu.memory_space<vmem>> -> memref<1x125xi32, #tpu.memory_space<vmem>>
      %dma_start3A_445 = tpu.memref_squeeze %dma_start3A_444 : memref<1x125xi32, #tpu.memory_space<vmem>> -> memref<125xi32, #tpu.memory_space<vmem>>
      %dma_start3A_446 = arith.constant 0 : i32
      %dma_start3A_447 = arith.constant 0 : i32
      %dma_start3A_448 = tpu.memref_slice %arg27[%dma_start3A_446, %dma_start3A_447] : memref<10112x16xf32, #tpu.memory_space<vmem_shared>> -> memref<10112x16xf32, #tpu.memory_space<vmem_shared>>
      tpu.enqueue_indirect_dma source(%arg14 : memref<125x16xf32, #tpu.memory_space<vmem>>) target(%dma_start3A_448 : memref<10112x16xf32, #tpu.memory_space<vmem_shared>>) offsets(%dma_start3A_445 : memref<125xi32, #tpu.memory_space<vmem>>) semaphore(%arg43 : memref<!tpu.dma_semaphore, #tpu.memory_space<semaphore_mem>>) {add = true}
      %dma_start3A_449 = arith.constant 0 : i32
      %dma_start3A_450 = tpu.memref_slice %arg7[%add3A_422, %dma_start3A_449] : memref<80x125xi32, #tpu.memory_space<vmem>> -> memref<1x125xi32, #tpu.memory_space<vmem>>
      %dma_start3A_451 = tpu.memref_squeeze %dma_start3A_450 : memref<1x125xi32, #tpu.memory_space<vmem>> -> memref<125xi32, #tpu.memory_space<vmem>>
      %dma_start3A_452 = arith.constant 0 : i32
      %dma_start3A_453 = arith.constant 0 : i32
      %dma_start3A_454 = tpu.memref_slice %arg28[%dma_start3A_452, %dma_start3A_453] : memref<10112x16xf32, #tpu.memory_space<vmem_shared>> -> memref<10112x16xf32, #tpu.memory_space<vmem_shared>>
      tpu.enqueue_indirect_dma source(%arg25 : memref<125x16xf32, #tpu.memory_space<vmem>>) target(%dma_start3A_454 : memref<10112x16xf32, #tpu.memory_space<vmem_shared>>) offsets(%dma_start3A_451 : memref<125xi32, #tpu.memory_space<vmem>>) semaphore(%arg51 : memref<!tpu.dma_semaphore, #tpu.memory_space<semaphore_mem>>) {add = true}
      %mul3A_455 = arith.constant 16 : i32
      %mul3A_456 = arith.muli %mul3A_455, %scan3A_205 : i32
      %add3A_457 = arith.constant 7 : i32
      %add3A_458 = arith.addi %mul3A_456, %add3A_457 : i32
      %dma_wait3A_459 = arith.constant 0 : i32
      %dma_wait3A_460 = arith.constant 0 : i32
      %dma_wait3A_461 = tpu.memref_slice %arg6[%dma_wait3A_459, %dma_wait3A_460] : memref<80x125xi32, #tpu.memory_space<vmem>> -> memref<1x125xi32, #tpu.memory_space<vmem>>
      %dma_wait3A_462 = tpu.memref_squeeze %dma_wait3A_461 : memref<1x125xi32, #tpu.memory_space<vmem>> -> memref<125xi32, #tpu.memory_space<vmem>>
      %dma_wait3A_463 = arith.constant 0 : i32
      %dma_wait3A_464 = arith.constant 0 : i32
      %dma_wait3A_465 = tpu.memref_slice %arg2[%dma_wait3A_463, %dma_wait3A_464] : memref<10112x16xf32, #tpu.memory_space<hbm>> -> memref<10112x16xf32, #tpu.memory_space<hbm>>
      tpu.wait_indirect_dma semaphore(%arg36 : memref<!tpu.dma_semaphore, #tpu.memory_space<semaphore_mem>>) src(%dma_wait3A_465 : memref<10112x16xf32, #tpu.memory_space<hbm>>) dst(%arg15 : memref<125x16xf32, #tpu.memory_space<vmem>>)
      %gt3A_466 = arith.constant 0 : i32
      %gt3A_467 = arith.cmpi sgt, %scan3A_205, %gt3A_466 : i32
      %convert_element_type3A_468 = arith.extui %gt3A_467 : i1 to i32
      %cond3A_469 = arith.constant 0 : i32
      %cond3A_470 = arith.cmpi ne, %convert_element_type3A_468, %cond3A_469 : i32
      scf.if %cond3A_470 {
        %dma_wait3A_826 = arith.constant 0 : i32
        %dma_wait3A_827 = arith.constant 0 : i32
        %dma_wait3A_828 = tpu.memref_slice %arg6[%dma_wait3A_826, %dma_wait3A_827] : memref<80x125xi32, #tpu.memory_space<vmem>> -> memref<1x125xi32, #tpu.memory_space<vmem>>
        %dma_wait3A_829 = tpu.memref_squeeze %dma_wait3A_828 : memref<1x125xi32, #tpu.memory_space<vmem>> -> memref<125xi32, #tpu.memory_space<vmem>>
        %dma_wait3A_830 = arith.constant 0 : i32
        %dma_wait3A_831 = arith.constant 0 : i32
        %dma_wait3A_832 = tpu.memref_slice %arg2[%dma_wait3A_830, %dma_wait3A_831] : memref<10112x16xf32, #tpu.memory_space<hbm>> -> memref<10112x16xf32, #tpu.memory_space<hbm>>
        tpu.wait_indirect_dma semaphore(%arg44 : memref<!tpu.dma_semaphore, #tpu.memory_space<semaphore_mem>>) src(%dma_wait3A_832 : memref<10112x16xf32, #tpu.memory_space<hbm>>) dst(%arg23 : memref<125x16xf32, #tpu.memory_space<vmem>>)
        %dma_wait3A_833 = arith.constant 0 : i32
        %dma_wait3A_834 = arith.constant 0 : i32
        %dma_wait3A_835 = tpu.memref_slice %arg6[%dma_wait3A_833, %dma_wait3A_834] : memref<80x125xi32, #tpu.memory_space<vmem>> -> memref<1x125xi32, #tpu.memory_space<vmem>>
        %dma_wait3A_836 = tpu.memref_squeeze %dma_wait3A_835 : memref<1x125xi32, #tpu.memory_space<vmem>> -> memref<125xi32, #tpu.memory_space<vmem>>
        %dma_wait3A_837 = arith.constant 0 : i32
        %dma_wait3A_838 = arith.constant 0 : i32
        %dma_wait3A_839 = tpu.memref_slice %arg2[%dma_wait3A_837, %dma_wait3A_838] : memref<10112x16xf32, #tpu.memory_space<hbm>> -> memref<10112x16xf32, #tpu.memory_space<hbm>>
        tpu.wait_indirect_dma semaphore(%arg52 : memref<!tpu.dma_semaphore, #tpu.memory_space<semaphore_mem>>) src(%dma_wait3A_839 : memref<10112x16xf32, #tpu.memory_space<hbm>>) dst(%arg23 : memref<125x16xf32, #tpu.memory_space<vmem>>)
      } else {
      }
      %add3A_471 = arith.constant 8 : i32
      %add3A_472 = arith.addi %add3A_458, %add3A_471 : i32
      %dma_start3A_473 = arith.constant 0 : i32
      %dma_start3A_474 = tpu.memref_slice %arg6[%add3A_472, %dma_start3A_473] : memref<80x125xi32, #tpu.memory_space<vmem>> -> memref<1x125xi32, #tpu.memory_space<vmem>>
      %dma_start3A_475 = tpu.memref_squeeze %dma_start3A_474 : memref<1x125xi32, #tpu.memory_space<vmem>> -> memref<125xi32, #tpu.memory_space<vmem>>
      %dma_start3A_476 = arith.constant 0 : i32
      %dma_start3A_477 = arith.constant 0 : i32
      %dma_start3A_478 = tpu.memref_slice %arg26[%dma_start3A_476, %dma_start3A_477] : memref<10112x16xf32, #tpu.memory_space<vmem_shared>> -> memref<10112x16xf32, #tpu.memory_space<vmem_shared>>
      tpu.enqueue_indirect_dma source(%dma_start3A_478 : memref<10112x16xf32, #tpu.memory_space<vmem_shared>>) target(%arg23 : memref<125x16xf32, #tpu.memory_space<vmem>>) offsets(%dma_start3A_475 : memref<125xi32, #tpu.memory_space<vmem>>) semaphore(%arg36 : memref<!tpu.dma_semaphore, #tpu.memory_space<semaphore_mem>>)
      %dma_start3A_479 = arith.constant 0 : i32
      %dma_start3A_480 = tpu.memref_slice %arg7[%add3A_458, %dma_start3A_479] : memref<80x125xi32, #tpu.memory_space<vmem>> -> memref<1x125xi32, #tpu.memory_space<vmem>>
      %dma_start3A_481 = tpu.memref_squeeze %dma_start3A_480 : memref<1x125xi32, #tpu.memory_space<vmem>> -> memref<125xi32, #tpu.memory_space<vmem>>
      %dma_start3A_482 = arith.constant 0 : i32
      %dma_start3A_483 = arith.constant 0 : i32
      %dma_start3A_484 = tpu.memref_slice %arg27[%dma_start3A_482, %dma_start3A_483] : memref<10112x16xf32, #tpu.memory_space<vmem_shared>> -> memref<10112x16xf32, #tpu.memory_space<vmem_shared>>
      tpu.enqueue_indirect_dma source(%arg15 : memref<125x16xf32, #tpu.memory_space<vmem>>) target(%dma_start3A_484 : memref<10112x16xf32, #tpu.memory_space<vmem_shared>>) offsets(%dma_start3A_481 : memref<125xi32, #tpu.memory_space<vmem>>) semaphore(%arg44 : memref<!tpu.dma_semaphore, #tpu.memory_space<semaphore_mem>>) {add = true}
      %dma_start3A_485 = arith.constant 0 : i32
      %dma_start3A_486 = tpu.memref_slice %arg7[%add3A_458, %dma_start3A_485] : memref<80x125xi32, #tpu.memory_space<vmem>> -> memref<1x125xi32, #tpu.memory_space<vmem>>
      %dma_start3A_487 = tpu.memref_squeeze %dma_start3A_486 : memref<1x125xi32, #tpu.memory_space<vmem>> -> memref<125xi32, #tpu.memory_space<vmem>>
      %dma_start3A_488 = arith.constant 0 : i32
      %dma_start3A_489 = arith.constant 0 : i32
      %dma_start3A_490 = tpu.memref_slice %arg28[%dma_start3A_488, %dma_start3A_489] : memref<10112x16xf32, #tpu.memory_space<vmem_shared>> -> memref<10112x16xf32, #tpu.memory_space<vmem_shared>>
      tpu.enqueue_indirect_dma source(%arg25 : memref<125x16xf32, #tpu.memory_space<vmem>>) target(%dma_start3A_490 : memref<10112x16xf32, #tpu.memory_space<vmem_shared>>) offsets(%dma_start3A_487 : memref<125xi32, #tpu.memory_space<vmem>>) semaphore(%arg52 : memref<!tpu.dma_semaphore, #tpu.memory_space<semaphore_mem>>) {add = true}
      %mul3A_491 = arith.constant 16 : i32
      %mul3A_492 = arith.muli %mul3A_491, %scan3A_205 : i32
      %add3A_493 = arith.constant 8 : i32
      %add3A_494 = arith.addi %mul3A_492, %add3A_493 : i32
      %dma_wait3A_495 = arith.constant 0 : i32
      %dma_wait3A_496 = arith.constant 0 : i32
      %dma_wait3A_497 = tpu.memref_slice %arg6[%dma_wait3A_495, %dma_wait3A_496] : memref<80x125xi32, #tpu.memory_space<vmem>> -> memref<1x125xi32, #tpu.memory_space<vmem>>
      %dma_wait3A_498 = tpu.memref_squeeze %dma_wait3A_497 : memref<1x125xi32, #tpu.memory_space<vmem>> -> memref<125xi32, #tpu.memory_space<vmem>>
      %dma_wait3A_499 = arith.constant 0 : i32
      %dma_wait3A_500 = arith.constant 0 : i32
      %dma_wait3A_501 = tpu.memref_slice %arg2[%dma_wait3A_499, %dma_wait3A_500] : memref<10112x16xf32, #tpu.memory_space<hbm>> -> memref<10112x16xf32, #tpu.memory_space<hbm>>
      tpu.wait_indirect_dma semaphore(%arg29 : memref<!tpu.dma_semaphore, #tpu.memory_space<semaphore_mem>>) src(%dma_wait3A_501 : memref<10112x16xf32, #tpu.memory_space<hbm>>) dst(%arg16 : memref<125x16xf32, #tpu.memory_space<vmem>>)
      %dma_wait3A_502 = arith.constant 0 : i32
      %dma_wait3A_503 = arith.constant 0 : i32
      %dma_wait3A_504 = tpu.memref_slice %arg6[%dma_wait3A_502, %dma_wait3A_503] : memref<80x125xi32, #tpu.memory_space<vmem>> -> memref<1x125xi32, #tpu.memory_space<vmem>>
      %dma_wait3A_505 = tpu.memref_squeeze %dma_wait3A_504 : memref<1x125xi32, #tpu.memory_space<vmem>> -> memref<125xi32, #tpu.memory_space<vmem>>
      %dma_wait3A_506 = arith.constant 0 : i32
      %dma_wait3A_507 = arith.constant 0 : i32
      %dma_wait3A_508 = tpu.memref_slice %arg2[%dma_wait3A_506, %dma_wait3A_507] : memref<10112x16xf32, #tpu.memory_space<hbm>> -> memref<10112x16xf32, #tpu.memory_space<hbm>>
      tpu.wait_indirect_dma semaphore(%arg37 : memref<!tpu.dma_semaphore, #tpu.memory_space<semaphore_mem>>) src(%dma_wait3A_508 : memref<10112x16xf32, #tpu.memory_space<hbm>>) dst(%arg8 : memref<125x16xf32, #tpu.memory_space<vmem>>)
      %dma_wait3A_509 = arith.constant 0 : i32
      %dma_wait3A_510 = arith.constant 0 : i32
      %dma_wait3A_511 = tpu.memref_slice %arg6[%dma_wait3A_509, %dma_wait3A_510] : memref<80x125xi32, #tpu.memory_space<vmem>> -> memref<1x125xi32, #tpu.memory_space<vmem>>
      %dma_wait3A_512 = tpu.memref_squeeze %dma_wait3A_511 : memref<1x125xi32, #tpu.memory_space<vmem>> -> memref<125xi32, #tpu.memory_space<vmem>>
      %dma_wait3A_513 = arith.constant 0 : i32
      %dma_wait3A_514 = arith.constant 0 : i32
      %dma_wait3A_515 = tpu.memref_slice %arg2[%dma_wait3A_513, %dma_wait3A_514] : memref<10112x16xf32, #tpu.memory_space<hbm>> -> memref<10112x16xf32, #tpu.memory_space<hbm>>
      tpu.wait_indirect_dma semaphore(%arg45 : memref<!tpu.dma_semaphore, #tpu.memory_space<semaphore_mem>>) src(%dma_wait3A_515 : memref<10112x16xf32, #tpu.memory_space<hbm>>) dst(%arg8 : memref<125x16xf32, #tpu.memory_space<vmem>>)
      %lt3A = arith.constant 4 : i32
      %lt3A_516 = arith.cmpi slt, %scan3A_205, %lt3A : i32
      %convert_element_type3A_517 = arith.extui %lt3A_516 : i1 to i32
      %cond3A_518 = arith.constant 0 : i32
      %cond3A_519 = arith.cmpi ne, %convert_element_type3A_517, %cond3A_518 : i32
      scf.if %cond3A_519 {
        %add3A_826 = arith.constant 8 : i32
        %add3A_827 = arith.addi %add3A_494, %add3A_826 : i32
        %dma_start3A_828 = arith.constant 0 : i32
        %dma_start3A_829 = tpu.memref_slice %arg6[%add3A_827, %dma_start3A_828] : memref<80x125xi32, #tpu.memory_space<vmem>> -> memref<1x125xi32, #tpu.memory_space<vmem>>
        %dma_start3A_830 = tpu.memref_squeeze %dma_start3A_829 : memref<1x125xi32, #tpu.memory_space<vmem>> -> memref<125xi32, #tpu.memory_space<vmem>>
        %dma_start3A_831 = arith.constant 0 : i32
        %dma_start3A_832 = arith.constant 0 : i32
        %dma_start3A_833 = tpu.memref_slice %arg26[%dma_start3A_831, %dma_start3A_832] : memref<10112x16xf32, #tpu.memory_space<vmem_shared>> -> memref<10112x16xf32, #tpu.memory_space<vmem_shared>>
        tpu.enqueue_indirect_dma source(%dma_start3A_833 : memref<10112x16xf32, #tpu.memory_space<vmem_shared>>) target(%arg8 : memref<125x16xf32, #tpu.memory_space<vmem>>) offsets(%dma_start3A_830 : memref<125xi32, #tpu.memory_space<vmem>>) semaphore(%arg29 : memref<!tpu.dma_semaphore, #tpu.memory_space<semaphore_mem>>)
      } else {
      }
      %dma_start3A_520 = arith.constant 0 : i32
      %dma_start3A_521 = tpu.memref_slice %arg7[%add3A_494, %dma_start3A_520] : memref<80x125xi32, #tpu.memory_space<vmem>> -> memref<1x125xi32, #tpu.memory_space<vmem>>
      %dma_start3A_522 = tpu.memref_squeeze %dma_start3A_521 : memref<1x125xi32, #tpu.memory_space<vmem>> -> memref<125xi32, #tpu.memory_space<vmem>>
      %dma_start3A_523 = arith.constant 0 : i32
      %dma_start3A_524 = arith.constant 0 : i32
      %dma_start3A_525 = tpu.memref_slice %arg27[%dma_start3A_523, %dma_start3A_524] : memref<10112x16xf32, #tpu.memory_space<vmem_shared>> -> memref<10112x16xf32, #tpu.memory_space<vmem_shared>>
      tpu.enqueue_indirect_dma source(%arg16 : memref<125x16xf32, #tpu.memory_space<vmem>>) target(%dma_start3A_525 : memref<10112x16xf32, #tpu.memory_space<vmem_shared>>) offsets(%dma_start3A_522 : memref<125xi32, #tpu.memory_space<vmem>>) semaphore(%arg37 : memref<!tpu.dma_semaphore, #tpu.memory_space<semaphore_mem>>) {add = true}
      %dma_start3A_526 = arith.constant 0 : i32
      %dma_start3A_527 = tpu.memref_slice %arg7[%add3A_494, %dma_start3A_526] : memref<80x125xi32, #tpu.memory_space<vmem>> -> memref<1x125xi32, #tpu.memory_space<vmem>>
      %dma_start3A_528 = tpu.memref_squeeze %dma_start3A_527 : memref<1x125xi32, #tpu.memory_space<vmem>> -> memref<125xi32, #tpu.memory_space<vmem>>
      %dma_start3A_529 = arith.constant 0 : i32
      %dma_start3A_530 = arith.constant 0 : i32
      %dma_start3A_531 = tpu.memref_slice %arg28[%dma_start3A_529, %dma_start3A_530] : memref<10112x16xf32, #tpu.memory_space<vmem_shared>> -> memref<10112x16xf32, #tpu.memory_space<vmem_shared>>
      tpu.enqueue_indirect_dma source(%arg25 : memref<125x16xf32, #tpu.memory_space<vmem>>) target(%dma_start3A_531 : memref<10112x16xf32, #tpu.memory_space<vmem_shared>>) offsets(%dma_start3A_528 : memref<125xi32, #tpu.memory_space<vmem>>) semaphore(%arg45 : memref<!tpu.dma_semaphore, #tpu.memory_space<semaphore_mem>>) {add = true}
      %mul3A_532 = arith.constant 16 : i32
      %mul3A_533 = arith.muli %mul3A_532, %scan3A_205 : i32
      %add3A_534 = arith.constant 9 : i32
      %add3A_535 = arith.addi %mul3A_533, %add3A_534 : i32
      %dma_wait3A_536 = arith.constant 0 : i32
      %dma_wait3A_537 = arith.constant 0 : i32
      %dma_wait3A_538 = tpu.memref_slice %arg6[%dma_wait3A_536, %dma_wait3A_537] : memref<80x125xi32, #tpu.memory_space<vmem>> -> memref<1x125xi32, #tpu.memory_space<vmem>>
      %dma_wait3A_539 = tpu.memref_squeeze %dma_wait3A_538 : memref<1x125xi32, #tpu.memory_space<vmem>> -> memref<125xi32, #tpu.memory_space<vmem>>
      %dma_wait3A_540 = arith.constant 0 : i32
      %dma_wait3A_541 = arith.constant 0 : i32
      %dma_wait3A_542 = tpu.memref_slice %arg2[%dma_wait3A_540, %dma_wait3A_541] : memref<10112x16xf32, #tpu.memory_space<hbm>> -> memref<10112x16xf32, #tpu.memory_space<hbm>>
      tpu.wait_indirect_dma semaphore(%arg30 : memref<!tpu.dma_semaphore, #tpu.memory_space<semaphore_mem>>) src(%dma_wait3A_542 : memref<10112x16xf32, #tpu.memory_space<hbm>>) dst(%arg17 : memref<125x16xf32, #tpu.memory_space<vmem>>)
      %dma_wait3A_543 = arith.constant 0 : i32
      %dma_wait3A_544 = arith.constant 0 : i32
      %dma_wait3A_545 = tpu.memref_slice %arg6[%dma_wait3A_543, %dma_wait3A_544] : memref<80x125xi32, #tpu.memory_space<vmem>> -> memref<1x125xi32, #tpu.memory_space<vmem>>
      %dma_wait3A_546 = tpu.memref_squeeze %dma_wait3A_545 : memref<1x125xi32, #tpu.memory_space<vmem>> -> memref<125xi32, #tpu.memory_space<vmem>>
      %dma_wait3A_547 = arith.constant 0 : i32
      %dma_wait3A_548 = arith.constant 0 : i32
      %dma_wait3A_549 = tpu.memref_slice %arg2[%dma_wait3A_547, %dma_wait3A_548] : memref<10112x16xf32, #tpu.memory_space<hbm>> -> memref<10112x16xf32, #tpu.memory_space<hbm>>
      tpu.wait_indirect_dma semaphore(%arg38 : memref<!tpu.dma_semaphore, #tpu.memory_space<semaphore_mem>>) src(%dma_wait3A_549 : memref<10112x16xf32, #tpu.memory_space<hbm>>) dst(%arg9 : memref<125x16xf32, #tpu.memory_space<vmem>>)
      %dma_wait3A_550 = arith.constant 0 : i32
      %dma_wait3A_551 = arith.constant 0 : i32
      %dma_wait3A_552 = tpu.memref_slice %arg6[%dma_wait3A_550, %dma_wait3A_551] : memref<80x125xi32, #tpu.memory_space<vmem>> -> memref<1x125xi32, #tpu.memory_space<vmem>>
      %dma_wait3A_553 = tpu.memref_squeeze %dma_wait3A_552 : memref<1x125xi32, #tpu.memory_space<vmem>> -> memref<125xi32, #tpu.memory_space<vmem>>
      %dma_wait3A_554 = arith.constant 0 : i32
      %dma_wait3A_555 = arith.constant 0 : i32
      %dma_wait3A_556 = tpu.memref_slice %arg2[%dma_wait3A_554, %dma_wait3A_555] : memref<10112x16xf32, #tpu.memory_space<hbm>> -> memref<10112x16xf32, #tpu.memory_space<hbm>>
      tpu.wait_indirect_dma semaphore(%arg46 : memref<!tpu.dma_semaphore, #tpu.memory_space<semaphore_mem>>) src(%dma_wait3A_556 : memref<10112x16xf32, #tpu.memory_space<hbm>>) dst(%arg9 : memref<125x16xf32, #tpu.memory_space<vmem>>)
      %lt3A_557 = arith.constant 4 : i32
      %lt3A_558 = arith.cmpi slt, %scan3A_205, %lt3A_557 : i32
      %convert_element_type3A_559 = arith.extui %lt3A_558 : i1 to i32
      %cond3A_560 = arith.constant 0 : i32
      %cond3A_561 = arith.cmpi ne, %convert_element_type3A_559, %cond3A_560 : i32
      scf.if %cond3A_561 {
        %add3A_826 = arith.constant 8 : i32
        %add3A_827 = arith.addi %add3A_535, %add3A_826 : i32
        %dma_start3A_828 = arith.constant 0 : i32
        %dma_start3A_829 = tpu.memref_slice %arg6[%add3A_827, %dma_start3A_828] : memref<80x125xi32, #tpu.memory_space<vmem>> -> memref<1x125xi32, #tpu.memory_space<vmem>>
        %dma_start3A_830 = tpu.memref_squeeze %dma_start3A_829 : memref<1x125xi32, #tpu.memory_space<vmem>> -> memref<125xi32, #tpu.memory_space<vmem>>
        %dma_start3A_831 = arith.constant 0 : i32
        %dma_start3A_832 = arith.constant 0 : i32
        %dma_start3A_833 = tpu.memref_slice %arg26[%dma_start3A_831, %dma_start3A_832] : memref<10112x16xf32, #tpu.memory_space<vmem_shared>> -> memref<10112x16xf32, #tpu.memory_space<vmem_shared>>
        tpu.enqueue_indirect_dma source(%dma_start3A_833 : memref<10112x16xf32, #tpu.memory_space<vmem_shared>>) target(%arg9 : memref<125x16xf32, #tpu.memory_space<vmem>>) offsets(%dma_start3A_830 : memref<125xi32, #tpu.memory_space<vmem>>) semaphore(%arg30 : memref<!tpu.dma_semaphore, #tpu.memory_space<semaphore_mem>>)
      } else {
      }
      %dma_start3A_562 = arith.constant 0 : i32
      %dma_start3A_563 = tpu.memref_slice %arg7[%add3A_535, %dma_start3A_562] : memref<80x125xi32, #tpu.memory_space<vmem>> -> memref<1x125xi32, #tpu.memory_space<vmem>>
      %dma_start3A_564 = tpu.memref_squeeze %dma_start3A_563 : memref<1x125xi32, #tpu.memory_space<vmem>> -> memref<125xi32, #tpu.memory_space<vmem>>
      %dma_start3A_565 = arith.constant 0 : i32
      %dma_start3A_566 = arith.constant 0 : i32
      %dma_start3A_567 = tpu.memref_slice %arg27[%dma_start3A_565, %dma_start3A_566] : memref<10112x16xf32, #tpu.memory_space<vmem_shared>> -> memref<10112x16xf32, #tpu.memory_space<vmem_shared>>
      tpu.enqueue_indirect_dma source(%arg17 : memref<125x16xf32, #tpu.memory_space<vmem>>) target(%dma_start3A_567 : memref<10112x16xf32, #tpu.memory_space<vmem_shared>>) offsets(%dma_start3A_564 : memref<125xi32, #tpu.memory_space<vmem>>) semaphore(%arg38 : memref<!tpu.dma_semaphore, #tpu.memory_space<semaphore_mem>>) {add = true}
      %dma_start3A_568 = arith.constant 0 : i32
      %dma_start3A_569 = tpu.memref_slice %arg7[%add3A_535, %dma_start3A_568] : memref<80x125xi32, #tpu.memory_space<vmem>> -> memref<1x125xi32, #tpu.memory_space<vmem>>
      %dma_start3A_570 = tpu.memref_squeeze %dma_start3A_569 : memref<1x125xi32, #tpu.memory_space<vmem>> -> memref<125xi32, #tpu.memory_space<vmem>>
      %dma_start3A_571 = arith.constant 0 : i32
      %dma_start3A_572 = arith.constant 0 : i32
      %dma_start3A_573 = tpu.memref_slice %arg28[%dma_start3A_571, %dma_start3A_572] : memref<10112x16xf32, #tpu.memory_space<vmem_shared>> -> memref<10112x16xf32, #tpu.memory_space<vmem_shared>>
      tpu.enqueue_indirect_dma source(%arg25 : memref<125x16xf32, #tpu.memory_space<vmem>>) target(%dma_start3A_573 : memref<10112x16xf32, #tpu.memory_space<vmem_shared>>) offsets(%dma_start3A_570 : memref<125xi32, #tpu.memory_space<vmem>>) semaphore(%arg46 : memref<!tpu.dma_semaphore, #tpu.memory_space<semaphore_mem>>) {add = true}
      %mul3A_574 = arith.constant 16 : i32
      %mul3A_575 = arith.muli %mul3A_574, %scan3A_205 : i32
      %add3A_576 = arith.constant 10 : i32
      %add3A_577 = arith.addi %mul3A_575, %add3A_576 : i32
      %dma_wait3A_578 = arith.constant 0 : i32
      %dma_wait3A_579 = arith.constant 0 : i32
      %dma_wait3A_580 = tpu.memref_slice %arg6[%dma_wait3A_578, %dma_wait3A_579] : memref<80x125xi32, #tpu.memory_space<vmem>> -> memref<1x125xi32, #tpu.memory_space<vmem>>
      %dma_wait3A_581 = tpu.memref_squeeze %dma_wait3A_580 : memref<1x125xi32, #tpu.memory_space<vmem>> -> memref<125xi32, #tpu.memory_space<vmem>>
      %dma_wait3A_582 = arith.constant 0 : i32
      %dma_wait3A_583 = arith.constant 0 : i32
      %dma_wait3A_584 = tpu.memref_slice %arg2[%dma_wait3A_582, %dma_wait3A_583] : memref<10112x16xf32, #tpu.memory_space<hbm>> -> memref<10112x16xf32, #tpu.memory_space<hbm>>
      tpu.wait_indirect_dma semaphore(%arg31 : memref<!tpu.dma_semaphore, #tpu.memory_space<semaphore_mem>>) src(%dma_wait3A_584 : memref<10112x16xf32, #tpu.memory_space<hbm>>) dst(%arg18 : memref<125x16xf32, #tpu.memory_space<vmem>>)
      %dma_wait3A_585 = arith.constant 0 : i32
      %dma_wait3A_586 = arith.constant 0 : i32
      %dma_wait3A_587 = tpu.memref_slice %arg6[%dma_wait3A_585, %dma_wait3A_586] : memref<80x125xi32, #tpu.memory_space<vmem>> -> memref<1x125xi32, #tpu.memory_space<vmem>>
      %dma_wait3A_588 = tpu.memref_squeeze %dma_wait3A_587 : memref<1x125xi32, #tpu.memory_space<vmem>> -> memref<125xi32, #tpu.memory_space<vmem>>
      %dma_wait3A_589 = arith.constant 0 : i32
      %dma_wait3A_590 = arith.constant 0 : i32
      %dma_wait3A_591 = tpu.memref_slice %arg2[%dma_wait3A_589, %dma_wait3A_590] : memref<10112x16xf32, #tpu.memory_space<hbm>> -> memref<10112x16xf32, #tpu.memory_space<hbm>>
      tpu.wait_indirect_dma semaphore(%arg39 : memref<!tpu.dma_semaphore, #tpu.memory_space<semaphore_mem>>) src(%dma_wait3A_591 : memref<10112x16xf32, #tpu.memory_space<hbm>>) dst(%arg10 : memref<125x16xf32, #tpu.memory_space<vmem>>)
      %dma_wait3A_592 = arith.constant 0 : i32
      %dma_wait3A_593 = arith.constant 0 : i32
      %dma_wait3A_594 = tpu.memref_slice %arg6[%dma_wait3A_592, %dma_wait3A_593] : memref<80x125xi32, #tpu.memory_space<vmem>> -> memref<1x125xi32, #tpu.memory_space<vmem>>
      %dma_wait3A_595 = tpu.memref_squeeze %dma_wait3A_594 : memref<1x125xi32, #tpu.memory_space<vmem>> -> memref<125xi32, #tpu.memory_space<vmem>>
      %dma_wait3A_596 = arith.constant 0 : i32
      %dma_wait3A_597 = arith.constant 0 : i32
      %dma_wait3A_598 = tpu.memref_slice %arg2[%dma_wait3A_596, %dma_wait3A_597] : memref<10112x16xf32, #tpu.memory_space<hbm>> -> memref<10112x16xf32, #tpu.memory_space<hbm>>
      tpu.wait_indirect_dma semaphore(%arg47 : memref<!tpu.dma_semaphore, #tpu.memory_space<semaphore_mem>>) src(%dma_wait3A_598 : memref<10112x16xf32, #tpu.memory_space<hbm>>) dst(%arg10 : memref<125x16xf32, #tpu.memory_space<vmem>>)
      %lt3A_599 = arith.constant 4 : i32
      %lt3A_600 = arith.cmpi slt, %scan3A_205, %lt3A_599 : i32
      %convert_element_type3A_601 = arith.extui %lt3A_600 : i1 to i32
      %cond3A_602 = arith.constant 0 : i32
      %cond3A_603 = arith.cmpi ne, %convert_element_type3A_601, %cond3A_602 : i32
      scf.if %cond3A_603 {
        %add3A_826 = arith.constant 8 : i32
        %add3A_827 = arith.addi %add3A_577, %add3A_826 : i32
        %dma_start3A_828 = arith.constant 0 : i32
        %dma_start3A_829 = tpu.memref_slice %arg6[%add3A_827, %dma_start3A_828] : memref<80x125xi32, #tpu.memory_space<vmem>> -> memref<1x125xi32, #tpu.memory_space<vmem>>
        %dma_start3A_830 = tpu.memref_squeeze %dma_start3A_829 : memref<1x125xi32, #tpu.memory_space<vmem>> -> memref<125xi32, #tpu.memory_space<vmem>>
        %dma_start3A_831 = arith.constant 0 : i32
        %dma_start3A_832 = arith.constant 0 : i32
        %dma_start3A_833 = tpu.memref_slice %arg26[%dma_start3A_831, %dma_start3A_832] : memref<10112x16xf32, #tpu.memory_space<vmem_shared>> -> memref<10112x16xf32, #tpu.memory_space<vmem_shared>>
        tpu.enqueue_indirect_dma source(%dma_start3A_833 : memref<10112x16xf32, #tpu.memory_space<vmem_shared>>) target(%arg10 : memref<125x16xf32, #tpu.memory_space<vmem>>) offsets(%dma_start3A_830 : memref<125xi32, #tpu.memory_space<vmem>>) semaphore(%arg31 : memref<!tpu.dma_semaphore, #tpu.memory_space<semaphore_mem>>)
      } else {
      }
      %dma_start3A_604 = arith.constant 0 : i32
      %dma_start3A_605 = tpu.memref_slice %arg7[%add3A_577, %dma_start3A_604] : memref<80x125xi32, #tpu.memory_space<vmem>> -> memref<1x125xi32, #tpu.memory_space<vmem>>
      %dma_start3A_606 = tpu.memref_squeeze %dma_start3A_605 : memref<1x125xi32, #tpu.memory_space<vmem>> -> memref<125xi32, #tpu.memory_space<vmem>>
      %dma_start3A_607 = arith.constant 0 : i32
      %dma_start3A_608 = arith.constant 0 : i32
      %dma_start3A_609 = tpu.memref_slice %arg27[%dma_start3A_607, %dma_start3A_608] : memref<10112x16xf32, #tpu.memory_space<vmem_shared>> -> memref<10112x16xf32, #tpu.memory_space<vmem_shared>>
      tpu.enqueue_indirect_dma source(%arg18 : memref<125x16xf32, #tpu.memory_space<vmem>>) target(%dma_start3A_609 : memref<10112x16xf32, #tpu.memory_space<vmem_shared>>) offsets(%dma_start3A_606 : memref<125xi32, #tpu.memory_space<vmem>>) semaphore(%arg39 : memref<!tpu.dma_semaphore, #tpu.memory_space<semaphore_mem>>) {add = true}
      %dma_start3A_610 = arith.constant 0 : i32
      %dma_start3A_611 = tpu.memref_slice %arg7[%add3A_577, %dma_start3A_610] : memref<80x125xi32, #tpu.memory_space<vmem>> -> memref<1x125xi32, #tpu.memory_space<vmem>>
      %dma_start3A_612 = tpu.memref_squeeze %dma_start3A_611 : memref<1x125xi32, #tpu.memory_space<vmem>> -> memref<125xi32, #tpu.memory_space<vmem>>
      %dma_start3A_613 = arith.constant 0 : i32
      %dma_start3A_614 = arith.constant 0 : i32
      %dma_start3A_615 = tpu.memref_slice %arg28[%dma_start3A_613, %dma_start3A_614] : memref<10112x16xf32, #tpu.memory_space<vmem_shared>> -> memref<10112x16xf32, #tpu.memory_space<vmem_shared>>
      tpu.enqueue_indirect_dma source(%arg25 : memref<125x16xf32, #tpu.memory_space<vmem>>) target(%dma_start3A_615 : memref<10112x16xf32, #tpu.memory_space<vmem_shared>>) offsets(%dma_start3A_612 : memref<125xi32, #tpu.memory_space<vmem>>) semaphore(%arg47 : memref<!tpu.dma_semaphore, #tpu.memory_space<semaphore_mem>>) {add = true}
      %mul3A_616 = arith.constant 16 : i32
      %mul3A_617 = arith.muli %mul3A_616, %scan3A_205 : i32
      %add3A_618 = arith.constant 11 : i32
      %add3A_619 = arith.addi %mul3A_617, %add3A_618 : i32
      %dma_wait3A_620 = arith.constant 0 : i32
      %dma_wait3A_621 = arith.constant 0 : i32
      %dma_wait3A_622 = tpu.memref_slice %arg6[%dma_wait3A_620, %dma_wait3A_621] : memref<80x125xi32, #tpu.memory_space<vmem>> -> memref<1x125xi32, #tpu.memory_space<vmem>>
      %dma_wait3A_623 = tpu.memref_squeeze %dma_wait3A_622 : memref<1x125xi32, #tpu.memory_space<vmem>> -> memref<125xi32, #tpu.memory_space<vmem>>
      %dma_wait3A_624 = arith.constant 0 : i32
      %dma_wait3A_625 = arith.constant 0 : i32
      %dma_wait3A_626 = tpu.memref_slice %arg2[%dma_wait3A_624, %dma_wait3A_625] : memref<10112x16xf32, #tpu.memory_space<hbm>> -> memref<10112x16xf32, #tpu.memory_space<hbm>>
      tpu.wait_indirect_dma semaphore(%arg32 : memref<!tpu.dma_semaphore, #tpu.memory_space<semaphore_mem>>) src(%dma_wait3A_626 : memref<10112x16xf32, #tpu.memory_space<hbm>>) dst(%arg19 : memref<125x16xf32, #tpu.memory_space<vmem>>)
      %dma_wait3A_627 = arith.constant 0 : i32
      %dma_wait3A_628 = arith.constant 0 : i32
      %dma_wait3A_629 = tpu.memref_slice %arg6[%dma_wait3A_627, %dma_wait3A_628] : memref<80x125xi32, #tpu.memory_space<vmem>> -> memref<1x125xi32, #tpu.memory_space<vmem>>
      %dma_wait3A_630 = tpu.memref_squeeze %dma_wait3A_629 : memref<1x125xi32, #tpu.memory_space<vmem>> -> memref<125xi32, #tpu.memory_space<vmem>>
      %dma_wait3A_631 = arith.constant 0 : i32
      %dma_wait3A_632 = arith.constant 0 : i32
      %dma_wait3A_633 = tpu.memref_slice %arg2[%dma_wait3A_631, %dma_wait3A_632] : memref<10112x16xf32, #tpu.memory_space<hbm>> -> memref<10112x16xf32, #tpu.memory_space<hbm>>
      tpu.wait_indirect_dma semaphore(%arg40 : memref<!tpu.dma_semaphore, #tpu.memory_space<semaphore_mem>>) src(%dma_wait3A_633 : memref<10112x16xf32, #tpu.memory_space<hbm>>) dst(%arg11 : memref<125x16xf32, #tpu.memory_space<vmem>>)
      %dma_wait3A_634 = arith.constant 0 : i32
      %dma_wait3A_635 = arith.constant 0 : i32
      %dma_wait3A_636 = tpu.memref_slice %arg6[%dma_wait3A_634, %dma_wait3A_635] : memref<80x125xi32, #tpu.memory_space<vmem>> -> memref<1x125xi32, #tpu.memory_space<vmem>>
      %dma_wait3A_637 = tpu.memref_squeeze %dma_wait3A_636 : memref<1x125xi32, #tpu.memory_space<vmem>> -> memref<125xi32, #tpu.memory_space<vmem>>
      %dma_wait3A_638 = arith.constant 0 : i32
      %dma_wait3A_639 = arith.constant 0 : i32
      %dma_wait3A_640 = tpu.memref_slice %arg2[%dma_wait3A_638, %dma_wait3A_639] : memref<10112x16xf32, #tpu.memory_space<hbm>> -> memref<10112x16xf32, #tpu.memory_space<hbm>>
      tpu.wait_indirect_dma semaphore(%arg48 : memref<!tpu.dma_semaphore, #tpu.memory_space<semaphore_mem>>) src(%dma_wait3A_640 : memref<10112x16xf32, #tpu.memory_space<hbm>>) dst(%arg11 : memref<125x16xf32, #tpu.memory_space<vmem>>)
      %lt3A_641 = arith.constant 4 : i32
      %lt3A_642 = arith.cmpi slt, %scan3A_205, %lt3A_641 : i32
      %convert_element_type3A_643 = arith.extui %lt3A_642 : i1 to i32
      %cond3A_644 = arith.constant 0 : i32
      %cond3A_645 = arith.cmpi ne, %convert_element_type3A_643, %cond3A_644 : i32
      scf.if %cond3A_645 {
        %add3A_826 = arith.constant 8 : i32
        %add3A_827 = arith.addi %add3A_619, %add3A_826 : i32
        %dma_start3A_828 = arith.constant 0 : i32
        %dma_start3A_829 = tpu.memref_slice %arg6[%add3A_827, %dma_start3A_828] : memref<80x125xi32, #tpu.memory_space<vmem>> -> memref<1x125xi32, #tpu.memory_space<vmem>>
        %dma_start3A_830 = tpu.memref_squeeze %dma_start3A_829 : memref<1x125xi32, #tpu.memory_space<vmem>> -> memref<125xi32, #tpu.memory_space<vmem>>
        %dma_start3A_831 = arith.constant 0 : i32
        %dma_start3A_832 = arith.constant 0 : i32
        %dma_start3A_833 = tpu.memref_slice %arg26[%dma_start3A_831, %dma_start3A_832] : memref<10112x16xf32, #tpu.memory_space<vmem_shared>> -> memref<10112x16xf32, #tpu.memory_space<vmem_shared>>
        tpu.enqueue_indirect_dma source(%dma_start3A_833 : memref<10112x16xf32, #tpu.memory_space<vmem_shared>>) target(%arg11 : memref<125x16xf32, #tpu.memory_space<vmem>>) offsets(%dma_start3A_830 : memref<125xi32, #tpu.memory_space<vmem>>) semaphore(%arg32 : memref<!tpu.dma_semaphore, #tpu.memory_space<semaphore_mem>>)
      } else {
      }
      %dma_start3A_646 = arith.constant 0 : i32
      %dma_start3A_647 = tpu.memref_slice %arg7[%add3A_619, %dma_start3A_646] : memref<80x125xi32, #tpu.memory_space<vmem>> -> memref<1x125xi32, #tpu.memory_space<vmem>>
      %dma_start3A_648 = tpu.memref_squeeze %dma_start3A_647 : memref<1x125xi32, #tpu.memory_space<vmem>> -> memref<125xi32, #tpu.memory_space<vmem>>
      %dma_start3A_649 = arith.constant 0 : i32
      %dma_start3A_650 = arith.constant 0 : i32
      %dma_start3A_651 = tpu.memref_slice %arg27[%dma_start3A_649, %dma_start3A_650] : memref<10112x16xf32, #tpu.memory_space<vmem_shared>> -> memref<10112x16xf32, #tpu.memory_space<vmem_shared>>
      tpu.enqueue_indirect_dma source(%arg19 : memref<125x16xf32, #tpu.memory_space<vmem>>) target(%dma_start3A_651 : memref<10112x16xf32, #tpu.memory_space<vmem_shared>>) offsets(%dma_start3A_648 : memref<125xi32, #tpu.memory_space<vmem>>) semaphore(%arg40 : memref<!tpu.dma_semaphore, #tpu.memory_space<semaphore_mem>>) {add = true}
      %dma_start3A_652 = arith.constant 0 : i32
      %dma_start3A_653 = tpu.memref_slice %arg7[%add3A_619, %dma_start3A_652] : memref<80x125xi32, #tpu.memory_space<vmem>> -> memref<1x125xi32, #tpu.memory_space<vmem>>
      %dma_start3A_654 = tpu.memref_squeeze %dma_start3A_653 : memref<1x125xi32, #tpu.memory_space<vmem>> -> memref<125xi32, #tpu.memory_space<vmem>>
      %dma_start3A_655 = arith.constant 0 : i32
      %dma_start3A_656 = arith.constant 0 : i32
      %dma_start3A_657 = tpu.memref_slice %arg28[%dma_start3A_655, %dma_start3A_656] : memref<10112x16xf32, #tpu.memory_space<vmem_shared>> -> memref<10112x16xf32, #tpu.memory_space<vmem_shared>>
      tpu.enqueue_indirect_dma source(%arg25 : memref<125x16xf32, #tpu.memory_space<vmem>>) target(%dma_start3A_657 : memref<10112x16xf32, #tpu.memory_space<vmem_shared>>) offsets(%dma_start3A_654 : memref<125xi32, #tpu.memory_space<vmem>>) semaphore(%arg48 : memref<!tpu.dma_semaphore, #tpu.memory_space<semaphore_mem>>) {add = true}
      %mul3A_658 = arith.constant 16 : i32
      %mul3A_659 = arith.muli %mul3A_658, %scan3A_205 : i32
      %add3A_660 = arith.constant 12 : i32
      %add3A_661 = arith.addi %mul3A_659, %add3A_660 : i32
      %dma_wait3A_662 = arith.constant 0 : i32
      %dma_wait3A_663 = arith.constant 0 : i32
      %dma_wait3A_664 = tpu.memref_slice %arg6[%dma_wait3A_662, %dma_wait3A_663] : memref<80x125xi32, #tpu.memory_space<vmem>> -> memref<1x125xi32, #tpu.memory_space<vmem>>
      %dma_wait3A_665 = tpu.memref_squeeze %dma_wait3A_664 : memref<1x125xi32, #tpu.memory_space<vmem>> -> memref<125xi32, #tpu.memory_space<vmem>>
      %dma_wait3A_666 = arith.constant 0 : i32
      %dma_wait3A_667 = arith.constant 0 : i32
      %dma_wait3A_668 = tpu.memref_slice %arg2[%dma_wait3A_666, %dma_wait3A_667] : memref<10112x16xf32, #tpu.memory_space<hbm>> -> memref<10112x16xf32, #tpu.memory_space<hbm>>
      tpu.wait_indirect_dma semaphore(%arg33 : memref<!tpu.dma_semaphore, #tpu.memory_space<semaphore_mem>>) src(%dma_wait3A_668 : memref<10112x16xf32, #tpu.memory_space<hbm>>) dst(%arg20 : memref<125x16xf32, #tpu.memory_space<vmem>>)
      %dma_wait3A_669 = arith.constant 0 : i32
      %dma_wait3A_670 = arith.constant 0 : i32
      %dma_wait3A_671 = tpu.memref_slice %arg6[%dma_wait3A_669, %dma_wait3A_670] : memref<80x125xi32, #tpu.memory_space<vmem>> -> memref<1x125xi32, #tpu.memory_space<vmem>>
      %dma_wait3A_672 = tpu.memref_squeeze %dma_wait3A_671 : memref<1x125xi32, #tpu.memory_space<vmem>> -> memref<125xi32, #tpu.memory_space<vmem>>
      %dma_wait3A_673 = arith.constant 0 : i32
      %dma_wait3A_674 = arith.constant 0 : i32
      %dma_wait3A_675 = tpu.memref_slice %arg2[%dma_wait3A_673, %dma_wait3A_674] : memref<10112x16xf32, #tpu.memory_space<hbm>> -> memref<10112x16xf32, #tpu.memory_space<hbm>>
      tpu.wait_indirect_dma semaphore(%arg41 : memref<!tpu.dma_semaphore, #tpu.memory_space<semaphore_mem>>) src(%dma_wait3A_675 : memref<10112x16xf32, #tpu.memory_space<hbm>>) dst(%arg12 : memref<125x16xf32, #tpu.memory_space<vmem>>)
      %dma_wait3A_676 = arith.constant 0 : i32
      %dma_wait3A_677 = arith.constant 0 : i32
      %dma_wait3A_678 = tpu.memref_slice %arg6[%dma_wait3A_676, %dma_wait3A_677] : memref<80x125xi32, #tpu.memory_space<vmem>> -> memref<1x125xi32, #tpu.memory_space<vmem>>
      %dma_wait3A_679 = tpu.memref_squeeze %dma_wait3A_678 : memref<1x125xi32, #tpu.memory_space<vmem>> -> memref<125xi32, #tpu.memory_space<vmem>>
      %dma_wait3A_680 = arith.constant 0 : i32
      %dma_wait3A_681 = arith.constant 0 : i32
      %dma_wait3A_682 = tpu.memref_slice %arg2[%dma_wait3A_680, %dma_wait3A_681] : memref<10112x16xf32, #tpu.memory_space<hbm>> -> memref<10112x16xf32, #tpu.memory_space<hbm>>
      tpu.wait_indirect_dma semaphore(%arg49 : memref<!tpu.dma_semaphore, #tpu.memory_space<semaphore_mem>>) src(%dma_wait3A_682 : memref<10112x16xf32, #tpu.memory_space<hbm>>) dst(%arg12 : memref<125x16xf32, #tpu.memory_space<vmem>>)
      %lt3A_683 = arith.constant 4 : i32
      %lt3A_684 = arith.cmpi slt, %scan3A_205, %lt3A_683 : i32
      %convert_element_type3A_685 = arith.extui %lt3A_684 : i1 to i32
      %cond3A_686 = arith.constant 0 : i32
      %cond3A_687 = arith.cmpi ne, %convert_element_type3A_685, %cond3A_686 : i32
      scf.if %cond3A_687 {
        %add3A_826 = arith.constant 8 : i32
        %add3A_827 = arith.addi %add3A_661, %add3A_826 : i32
        %dma_start3A_828 = arith.constant 0 : i32
        %dma_start3A_829 = tpu.memref_slice %arg6[%add3A_827, %dma_start3A_828] : memref<80x125xi32, #tpu.memory_space<vmem>> -> memref<1x125xi32, #tpu.memory_space<vmem>>
        %dma_start3A_830 = tpu.memref_squeeze %dma_start3A_829 : memref<1x125xi32, #tpu.memory_space<vmem>> -> memref<125xi32, #tpu.memory_space<vmem>>
        %dma_start3A_831 = arith.constant 0 : i32
        %dma_start3A_832 = arith.constant 0 : i32
        %dma_start3A_833 = tpu.memref_slice %arg26[%dma_start3A_831, %dma_start3A_832] : memref<10112x16xf32, #tpu.memory_space<vmem_shared>> -> memref<10112x16xf32, #tpu.memory_space<vmem_shared>>
        tpu.enqueue_indirect_dma source(%dma_start3A_833 : memref<10112x16xf32, #tpu.memory_space<vmem_shared>>) target(%arg12 : memref<125x16xf32, #tpu.memory_space<vmem>>) offsets(%dma_start3A_830 : memref<125xi32, #tpu.memory_space<vmem>>) semaphore(%arg33 : memref<!tpu.dma_semaphore, #tpu.memory_space<semaphore_mem>>)
      } else {
      }
      %dma_start3A_688 = arith.constant 0 : i32
      %dma_start3A_689 = tpu.memref_slice %arg7[%add3A_661, %dma_start3A_688] : memref<80x125xi32, #tpu.memory_space<vmem>> -> memref<1x125xi32, #tpu.memory_space<vmem>>
      %dma_start3A_690 = tpu.memref_squeeze %dma_start3A_689 : memref<1x125xi32, #tpu.memory_space<vmem>> -> memref<125xi32, #tpu.memory_space<vmem>>
      %dma_start3A_691 = arith.constant 0 : i32
      %dma_start3A_692 = arith.constant 0 : i32
      %dma_start3A_693 = tpu.memref_slice %arg27[%dma_start3A_691, %dma_start3A_692] : memref<10112x16xf32, #tpu.memory_space<vmem_shared>> -> memref<10112x16xf32, #tpu.memory_space<vmem_shared>>
      tpu.enqueue_indirect_dma source(%arg20 : memref<125x16xf32, #tpu.memory_space<vmem>>) target(%dma_start3A_693 : memref<10112x16xf32, #tpu.memory_space<vmem_shared>>) offsets(%dma_start3A_690 : memref<125xi32, #tpu.memory_space<vmem>>) semaphore(%arg41 : memref<!tpu.dma_semaphore, #tpu.memory_space<semaphore_mem>>) {add = true}
      %dma_start3A_694 = arith.constant 0 : i32
      %dma_start3A_695 = tpu.memref_slice %arg7[%add3A_661, %dma_start3A_694] : memref<80x125xi32, #tpu.memory_space<vmem>> -> memref<1x125xi32, #tpu.memory_space<vmem>>
      %dma_start3A_696 = tpu.memref_squeeze %dma_start3A_695 : memref<1x125xi32, #tpu.memory_space<vmem>> -> memref<125xi32, #tpu.memory_space<vmem>>
      %dma_start3A_697 = arith.constant 0 : i32
      %dma_start3A_698 = arith.constant 0 : i32
      %dma_start3A_699 = tpu.memref_slice %arg28[%dma_start3A_697, %dma_start3A_698] : memref<10112x16xf32, #tpu.memory_space<vmem_shared>> -> memref<10112x16xf32, #tpu.memory_space<vmem_shared>>
      tpu.enqueue_indirect_dma source(%arg25 : memref<125x16xf32, #tpu.memory_space<vmem>>) target(%dma_start3A_699 : memref<10112x16xf32, #tpu.memory_space<vmem_shared>>) offsets(%dma_start3A_696 : memref<125xi32, #tpu.memory_space<vmem>>) semaphore(%arg49 : memref<!tpu.dma_semaphore, #tpu.memory_space<semaphore_mem>>) {add = true}
      %mul3A_700 = arith.constant 16 : i32
      %mul3A_701 = arith.muli %mul3A_700, %scan3A_205 : i32
      %add3A_702 = arith.constant 13 : i32
      %add3A_703 = arith.addi %mul3A_701, %add3A_702 : i32
      %dma_wait3A_704 = arith.constant 0 : i32
      %dma_wait3A_705 = arith.constant 0 : i32
      %dma_wait3A_706 = tpu.memref_slice %arg6[%dma_wait3A_704, %dma_wait3A_705] : memref<80x125xi32, #tpu.memory_space<vmem>> -> memref<1x125xi32, #tpu.memory_space<vmem>>
      %dma_wait3A_707 = tpu.memref_squeeze %dma_wait3A_706 : memref<1x125xi32, #tpu.memory_space<vmem>> -> memref<125xi32, #tpu.memory_space<vmem>>
      %dma_wait3A_708 = arith.constant 0 : i32
      %dma_wait3A_709 = arith.constant 0 : i32
      %dma_wait3A_710 = tpu.memref_slice %arg2[%dma_wait3A_708, %dma_wait3A_709] : memref<10112x16xf32, #tpu.memory_space<hbm>> -> memref<10112x16xf32, #tpu.memory_space<hbm>>
      tpu.wait_indirect_dma semaphore(%arg34 : memref<!tpu.dma_semaphore, #tpu.memory_space<semaphore_mem>>) src(%dma_wait3A_710 : memref<10112x16xf32, #tpu.memory_space<hbm>>) dst(%arg21 : memref<125x16xf32, #tpu.memory_space<vmem>>)
      %dma_wait3A_711 = arith.constant 0 : i32
      %dma_wait3A_712 = arith.constant 0 : i32
      %dma_wait3A_713 = tpu.memref_slice %arg6[%dma_wait3A_711, %dma_wait3A_712] : memref<80x125xi32, #tpu.memory_space<vmem>> -> memref<1x125xi32, #tpu.memory_space<vmem>>
      %dma_wait3A_714 = tpu.memref_squeeze %dma_wait3A_713 : memref<1x125xi32, #tpu.memory_space<vmem>> -> memref<125xi32, #tpu.memory_space<vmem>>
      %dma_wait3A_715 = arith.constant 0 : i32
      %dma_wait3A_716 = arith.constant 0 : i32
      %dma_wait3A_717 = tpu.memref_slice %arg2[%dma_wait3A_715, %dma_wait3A_716] : memref<10112x16xf32, #tpu.memory_space<hbm>> -> memref<10112x16xf32, #tpu.memory_space<hbm>>
      tpu.wait_indirect_dma semaphore(%arg42 : memref<!tpu.dma_semaphore, #tpu.memory_space<semaphore_mem>>) src(%dma_wait3A_717 : memref<10112x16xf32, #tpu.memory_space<hbm>>) dst(%arg13 : memref<125x16xf32, #tpu.memory_space<vmem>>)
      %dma_wait3A_718 = arith.constant 0 : i32
      %dma_wait3A_719 = arith.constant 0 : i32
      %dma_wait3A_720 = tpu.memref_slice %arg6[%dma_wait3A_718, %dma_wait3A_719] : memref<80x125xi32, #tpu.memory_space<vmem>> -> memref<1x125xi32, #tpu.memory_space<vmem>>
      %dma_wait3A_721 = tpu.memref_squeeze %dma_wait3A_720 : memref<1x125xi32, #tpu.memory_space<vmem>> -> memref<125xi32, #tpu.memory_space<vmem>>
      %dma_wait3A_722 = arith.constant 0 : i32
      %dma_wait3A_723 = arith.constant 0 : i32
      %dma_wait3A_724 = tpu.memref_slice %arg2[%dma_wait3A_722, %dma_wait3A_723] : memref<10112x16xf32, #tpu.memory_space<hbm>> -> memref<10112x16xf32, #tpu.memory_space<hbm>>
      tpu.wait_indirect_dma semaphore(%arg50 : memref<!tpu.dma_semaphore, #tpu.memory_space<semaphore_mem>>) src(%dma_wait3A_724 : memref<10112x16xf32, #tpu.memory_space<hbm>>) dst(%arg13 : memref<125x16xf32, #tpu.memory_space<vmem>>)
      %lt3A_725 = arith.constant 4 : i32
      %lt3A_726 = arith.cmpi slt, %scan3A_205, %lt3A_725 : i32
      %convert_element_type3A_727 = arith.extui %lt3A_726 : i1 to i32
      %cond3A_728 = arith.constant 0 : i32
      %cond3A_729 = arith.cmpi ne, %convert_element_type3A_727, %cond3A_728 : i32
      scf.if %cond3A_729 {
        %add3A_826 = arith.constant 8 : i32
        %add3A_827 = arith.addi %add3A_703, %add3A_826 : i32
        %dma_start3A_828 = arith.constant 0 : i32
        %dma_start3A_829 = tpu.memref_slice %arg6[%add3A_827, %dma_start3A_828] : memref<80x125xi32, #tpu.memory_space<vmem>> -> memref<1x125xi32, #tpu.memory_space<vmem>>
        %dma_start3A_830 = tpu.memref_squeeze %dma_start3A_829 : memref<1x125xi32, #tpu.memory_space<vmem>> -> memref<125xi32, #tpu.memory_space<vmem>>
        %dma_start3A_831 = arith.constant 0 : i32
        %dma_start3A_832 = arith.constant 0 : i32
        %dma_start3A_833 = tpu.memref_slice %arg26[%dma_start3A_831, %dma_start3A_832] : memref<10112x16xf32, #tpu.memory_space<vmem_shared>> -> memref<10112x16xf32, #tpu.memory_space<vmem_shared>>
        tpu.enqueue_indirect_dma source(%dma_start3A_833 : memref<10112x16xf32, #tpu.memory_space<vmem_shared>>) target(%arg13 : memref<125x16xf32, #tpu.memory_space<vmem>>) offsets(%dma_start3A_830 : memref<125xi32, #tpu.memory_space<vmem>>) semaphore(%arg34 : memref<!tpu.dma_semaphore, #tpu.memory_space<semaphore_mem>>)
      } else {
      }
      %dma_start3A_730 = arith.constant 0 : i32
      %dma_start3A_731 = tpu.memref_slice %arg7[%add3A_703, %dma_start3A_730] : memref<80x125xi32, #tpu.memory_space<vmem>> -> memref<1x125xi32, #tpu.memory_space<vmem>>
      %dma_start3A_732 = tpu.memref_squeeze %dma_start3A_731 : memref<1x125xi32, #tpu.memory_space<vmem>> -> memref<125xi32, #tpu.memory_space<vmem>>
      %dma_start3A_733 = arith.constant 0 : i32
      %dma_start3A_734 = arith.constant 0 : i32
      %dma_start3A_735 = tpu.memref_slice %arg27[%dma_start3A_733, %dma_start3A_734] : memref<10112x16xf32, #tpu.memory_space<vmem_shared>> -> memref<10112x16xf32, #tpu.memory_space<vmem_shared>>
      tpu.enqueue_indirect_dma source(%arg21 : memref<125x16xf32, #tpu.memory_space<vmem>>) target(%dma_start3A_735 : memref<10112x16xf32, #tpu.memory_space<vmem_shared>>) offsets(%dma_start3A_732 : memref<125xi32, #tpu.memory_space<vmem>>) semaphore(%arg42 : memref<!tpu.dma_semaphore, #tpu.memory_space<semaphore_mem>>) {add = true}
      %dma_start3A_736 = arith.constant 0 : i32
      %dma_start3A_737 = tpu.memref_slice %arg7[%add3A_703, %dma_start3A_736] : memref<80x125xi32, #tpu.memory_space<vmem>> -> memref<1x125xi32, #tpu.memory_space<vmem>>
      %dma_start3A_738 = tpu.memref_squeeze %dma_start3A_737 : memref<1x125xi32, #tpu.memory_space<vmem>> -> memref<125xi32, #tpu.memory_space<vmem>>
      %dma_start3A_739 = arith.constant 0 : i32
      %dma_start3A_740 = arith.constant 0 : i32
      %dma_start3A_741 = tpu.memref_slice %arg28[%dma_start3A_739, %dma_start3A_740] : memref<10112x16xf32, #tpu.memory_space<vmem_shared>> -> memref<10112x16xf32, #tpu.memory_space<vmem_shared>>
      tpu.enqueue_indirect_dma source(%arg25 : memref<125x16xf32, #tpu.memory_space<vmem>>) target(%dma_start3A_741 : memref<10112x16xf32, #tpu.memory_space<vmem_shared>>) offsets(%dma_start3A_738 : memref<125xi32, #tpu.memory_space<vmem>>) semaphore(%arg50 : memref<!tpu.dma_semaphore, #tpu.memory_space<semaphore_mem>>) {add = true}
      %mul3A_742 = arith.constant 16 : i32
      %mul3A_743 = arith.muli %mul3A_742, %scan3A_205 : i32
      %add3A_744 = arith.constant 14 : i32
      %add3A_745 = arith.addi %mul3A_743, %add3A_744 : i32
      %dma_wait3A_746 = arith.constant 0 : i32
      %dma_wait3A_747 = arith.constant 0 : i32
      %dma_wait3A_748 = tpu.memref_slice %arg6[%dma_wait3A_746, %dma_wait3A_747] : memref<80x125xi32, #tpu.memory_space<vmem>> -> memref<1x125xi32, #tpu.memory_space<vmem>>
      %dma_wait3A_749 = tpu.memref_squeeze %dma_wait3A_748 : memref<1x125xi32, #tpu.memory_space<vmem>> -> memref<125xi32, #tpu.memory_space<vmem>>
      %dma_wait3A_750 = arith.constant 0 : i32
      %dma_wait3A_751 = arith.constant 0 : i32
      %dma_wait3A_752 = tpu.memref_slice %arg2[%dma_wait3A_750, %dma_wait3A_751] : memref<10112x16xf32, #tpu.memory_space<hbm>> -> memref<10112x16xf32, #tpu.memory_space<hbm>>
      tpu.wait_indirect_dma semaphore(%arg35 : memref<!tpu.dma_semaphore, #tpu.memory_space<semaphore_mem>>) src(%dma_wait3A_752 : memref<10112x16xf32, #tpu.memory_space<hbm>>) dst(%arg22 : memref<125x16xf32, #tpu.memory_space<vmem>>)
      %dma_wait3A_753 = arith.constant 0 : i32
      %dma_wait3A_754 = arith.constant 0 : i32
      %dma_wait3A_755 = tpu.memref_slice %arg6[%dma_wait3A_753, %dma_wait3A_754] : memref<80x125xi32, #tpu.memory_space<vmem>> -> memref<1x125xi32, #tpu.memory_space<vmem>>
      %dma_wait3A_756 = tpu.memref_squeeze %dma_wait3A_755 : memref<1x125xi32, #tpu.memory_space<vmem>> -> memref<125xi32, #tpu.memory_space<vmem>>
      %dma_wait3A_757 = arith.constant 0 : i32
      %dma_wait3A_758 = arith.constant 0 : i32
      %dma_wait3A_759 = tpu.memref_slice %arg2[%dma_wait3A_757, %dma_wait3A_758] : memref<10112x16xf32, #tpu.memory_space<hbm>> -> memref<10112x16xf32, #tpu.memory_space<hbm>>
      tpu.wait_indirect_dma semaphore(%arg43 : memref<!tpu.dma_semaphore, #tpu.memory_space<semaphore_mem>>) src(%dma_wait3A_759 : memref<10112x16xf32, #tpu.memory_space<hbm>>) dst(%arg14 : memref<125x16xf32, #tpu.memory_space<vmem>>)
      %dma_wait3A_760 = arith.constant 0 : i32
      %dma_wait3A_761 = arith.constant 0 : i32
      %dma_wait3A_762 = tpu.memref_slice %arg6[%dma_wait3A_760, %dma_wait3A_761] : memref<80x125xi32, #tpu.memory_space<vmem>> -> memref<1x125xi32, #tpu.memory_space<vmem>>
      %dma_wait3A_763 = tpu.memref_squeeze %dma_wait3A_762 : memref<1x125xi32, #tpu.memory_space<vmem>> -> memref<125xi32, #tpu.memory_space<vmem>>
      %dma_wait3A_764 = arith.constant 0 : i32
      %dma_wait3A_765 = arith.constant 0 : i32
      %dma_wait3A_766 = tpu.memref_slice %arg2[%dma_wait3A_764, %dma_wait3A_765] : memref<10112x16xf32, #tpu.memory_space<hbm>> -> memref<10112x16xf32, #tpu.memory_space<hbm>>
      tpu.wait_indirect_dma semaphore(%arg51 : memref<!tpu.dma_semaphore, #tpu.memory_space<semaphore_mem>>) src(%dma_wait3A_766 : memref<10112x16xf32, #tpu.memory_space<hbm>>) dst(%arg14 : memref<125x16xf32, #tpu.memory_space<vmem>>)
      %lt3A_767 = arith.constant 4 : i32
      %lt3A_768 = arith.cmpi slt, %scan3A_205, %lt3A_767 : i32
      %convert_element_type3A_769 = arith.extui %lt3A_768 : i1 to i32
      %cond3A_770 = arith.constant 0 : i32
      %cond3A_771 = arith.cmpi ne, %convert_element_type3A_769, %cond3A_770 : i32
      scf.if %cond3A_771 {
        %add3A_826 = arith.constant 8 : i32
        %add3A_827 = arith.addi %add3A_745, %add3A_826 : i32
        %dma_start3A_828 = arith.constant 0 : i32
        %dma_start3A_829 = tpu.memref_slice %arg6[%add3A_827, %dma_start3A_828] : memref<80x125xi32, #tpu.memory_space<vmem>> -> memref<1x125xi32, #tpu.memory_space<vmem>>
        %dma_start3A_830 = tpu.memref_squeeze %dma_start3A_829 : memref<1x125xi32, #tpu.memory_space<vmem>> -> memref<125xi32, #tpu.memory_space<vmem>>
        %dma_start3A_831 = arith.constant 0 : i32
        %dma_start3A_832 = arith.constant 0 : i32
        %dma_start3A_833 = tpu.memref_slice %arg26[%dma_start3A_831, %dma_start3A_832] : memref<10112x16xf32, #tpu.memory_space<vmem_shared>> -> memref<10112x16xf32, #tpu.memory_space<vmem_shared>>
        tpu.enqueue_indirect_dma source(%dma_start3A_833 : memref<10112x16xf32, #tpu.memory_space<vmem_shared>>) target(%arg14 : memref<125x16xf32, #tpu.memory_space<vmem>>) offsets(%dma_start3A_830 : memref<125xi32, #tpu.memory_space<vmem>>) semaphore(%arg35 : memref<!tpu.dma_semaphore, #tpu.memory_space<semaphore_mem>>)
      } else {
      }
      %dma_start3A_772 = arith.constant 0 : i32
      %dma_start3A_773 = tpu.memref_slice %arg7[%add3A_745, %dma_start3A_772] : memref<80x125xi32, #tpu.memory_space<vmem>> -> memref<1x125xi32, #tpu.memory_space<vmem>>
      %dma_start3A_774 = tpu.memref_squeeze %dma_start3A_773 : memref<1x125xi32, #tpu.memory_space<vmem>> -> memref<125xi32, #tpu.memory_space<vmem>>
      %dma_start3A_775 = arith.constant 0 : i32
      %dma_start3A_776 = arith.constant 0 : i32
      %dma_start3A_777 = tpu.memref_slice %arg27[%dma_start3A_775, %dma_start3A_776] : memref<10112x16xf32, #tpu.memory_space<vmem_shared>> -> memref<10112x16xf32, #tpu.memory_space<vmem_shared>>
      tpu.enqueue_indirect_dma source(%arg22 : memref<125x16xf32, #tpu.memory_space<vmem>>) target(%dma_start3A_777 : memref<10112x16xf32, #tpu.memory_space<vmem_shared>>) offsets(%dma_start3A_774 : memref<125xi32, #tpu.memory_space<vmem>>) semaphore(%arg43 : memref<!tpu.dma_semaphore, #tpu.memory_space<semaphore_mem>>) {add = true}
      %dma_start3A_778 = arith.constant 0 : i32
      %dma_start3A_779 = tpu.memref_slice %arg7[%add3A_745, %dma_start3A_778] : memref<80x125xi32, #tpu.memory_space<vmem>> -> memref<1x125xi32, #tpu.memory_space<vmem>>
      %dma_start3A_780 = tpu.memref_squeeze %dma_start3A_779 : memref<1x125xi32, #tpu.memory_space<vmem>> -> memref<125xi32, #tpu.memory_space<vmem>>
      %dma_start3A_781 = arith.constant 0 : i32
      %dma_start3A_782 = arith.constant 0 : i32
      %dma_start3A_783 = tpu.memref_slice %arg28[%dma_start3A_781, %dma_start3A_782] : memref<10112x16xf32, #tpu.memory_space<vmem_shared>> -> memref<10112x16xf32, #tpu.memory_space<vmem_shared>>
      tpu.enqueue_indirect_dma source(%arg25 : memref<125x16xf32, #tpu.memory_space<vmem>>) target(%dma_start3A_783 : memref<10112x16xf32, #tpu.memory_space<vmem_shared>>) offsets(%dma_start3A_780 : memref<125xi32, #tpu.memory_space<vmem>>) semaphore(%arg51 : memref<!tpu.dma_semaphore, #tpu.memory_space<semaphore_mem>>) {add = true}
      %mul3A_784 = arith.constant 16 : i32
      %mul3A_785 = arith.muli %mul3A_784, %scan3A_205 : i32
      %add3A_786 = arith.constant 15 : i32
      %add3A_787 = arith.addi %mul3A_785, %add3A_786 : i32
      %dma_wait3A_788 = arith.constant 0 : i32
      %dma_wait3A_789 = arith.constant 0 : i32
      %dma_wait3A_790 = tpu.memref_slice %arg6[%dma_wait3A_788, %dma_wait3A_789] : memref<80x125xi32, #tpu.memory_space<vmem>> -> memref<1x125xi32, #tpu.memory_space<vmem>>
      %dma_wait3A_791 = tpu.memref_squeeze %dma_wait3A_790 : memref<1x125xi32, #tpu.memory_space<vmem>> -> memref<125xi32, #tpu.memory_space<vmem>>
      %dma_wait3A_792 = arith.constant 0 : i32
      %dma_wait3A_793 = arith.constant 0 : i32
      %dma_wait3A_794 = tpu.memref_slice %arg2[%dma_wait3A_792, %dma_wait3A_793] : memref<10112x16xf32, #tpu.memory_space<hbm>> -> memref<10112x16xf32, #tpu.memory_space<hbm>>
      tpu.wait_indirect_dma semaphore(%arg36 : memref<!tpu.dma_semaphore, #tpu.memory_space<semaphore_mem>>) src(%dma_wait3A_794 : memref<10112x16xf32, #tpu.memory_space<hbm>>) dst(%arg23 : memref<125x16xf32, #tpu.memory_space<vmem>>)
      %dma_wait3A_795 = arith.constant 0 : i32
      %dma_wait3A_796 = arith.constant 0 : i32
      %dma_wait3A_797 = tpu.memref_slice %arg6[%dma_wait3A_795, %dma_wait3A_796] : memref<80x125xi32, #tpu.memory_space<vmem>> -> memref<1x125xi32, #tpu.memory_space<vmem>>
      %dma_wait3A_798 = tpu.memref_squeeze %dma_wait3A_797 : memref<1x125xi32, #tpu.memory_space<vmem>> -> memref<125xi32, #tpu.memory_space<vmem>>
      %dma_wait3A_799 = arith.constant 0 : i32
      %dma_wait3A_800 = arith.constant 0 : i32
      %dma_wait3A_801 = tpu.memref_slice %arg2[%dma_wait3A_799, %dma_wait3A_800] : memref<10112x16xf32, #tpu.memory_space<hbm>> -> memref<10112x16xf32, #tpu.memory_space<hbm>>
      tpu.wait_indirect_dma semaphore(%arg44 : memref<!tpu.dma_semaphore, #tpu.memory_space<semaphore_mem>>) src(%dma_wait3A_801 : memref<10112x16xf32, #tpu.memory_space<hbm>>) dst(%arg15 : memref<125x16xf32, #tpu.memory_space<vmem>>)
      %dma_wait3A_802 = arith.constant 0 : i32
      %dma_wait3A_803 = arith.constant 0 : i32
      %dma_wait3A_804 = tpu.memref_slice %arg6[%dma_wait3A_802, %dma_wait3A_803] : memref<80x125xi32, #tpu.memory_space<vmem>> -> memref<1x125xi32, #tpu.memory_space<vmem>>
      %dma_wait3A_805 = tpu.memref_squeeze %dma_wait3A_804 : memref<1x125xi32, #tpu.memory_space<vmem>> -> memref<125xi32, #tpu.memory_space<vmem>>
      %dma_wait3A_806 = arith.constant 0 : i32
      %dma_wait3A_807 = arith.constant 0 : i32
      %dma_wait3A_808 = tpu.memref_slice %arg2[%dma_wait3A_806, %dma_wait3A_807] : memref<10112x16xf32, #tpu.memory_space<hbm>> -> memref<10112x16xf32, #tpu.memory_space<hbm>>
      tpu.wait_indirect_dma semaphore(%arg52 : memref<!tpu.dma_semaphore, #tpu.memory_space<semaphore_mem>>) src(%dma_wait3A_808 : memref<10112x16xf32, #tpu.memory_space<hbm>>) dst(%arg15 : memref<125x16xf32, #tpu.memory_space<vmem>>)
      %lt3A_809 = arith.constant 4 : i32
      %lt3A_810 = arith.cmpi slt, %scan3A_205, %lt3A_809 : i32
      %convert_element_type3A_811 = arith.extui %lt3A_810 : i1 to i32
      %cond3A_812 = arith.constant 0 : i32
      %cond3A_813 = arith.cmpi ne, %convert_element_type3A_811, %cond3A_812 : i32
      scf.if %cond3A_813 {
        %add3A_826 = arith.constant 8 : i32
        %add3A_827 = arith.addi %add3A_787, %add3A_826 : i32
        %dma_start3A_828 = arith.constant 0 : i32
        %dma_start3A_829 = tpu.memref_slice %arg6[%add3A_827, %dma_start3A_828] : memref<80x125xi32, #tpu.memory_space<vmem>> -> memref<1x125xi32, #tpu.memory_space<vmem>>
        %dma_start3A_830 = tpu.memref_squeeze %dma_start3A_829 : memref<1x125xi32, #tpu.memory_space<vmem>> -> memref<125xi32, #tpu.memory_space<vmem>>
        %dma_start3A_831 = arith.constant 0 : i32
        %dma_start3A_832 = arith.constant 0 : i32
        %dma_start3A_833 = tpu.memref_slice %arg26[%dma_start3A_831, %dma_start3A_832] : memref<10112x16xf32, #tpu.memory_space<vmem_shared>> -> memref<10112x16xf32, #tpu.memory_space<vmem_shared>>
        tpu.enqueue_indirect_dma source(%dma_start3A_833 : memref<10112x16xf32, #tpu.memory_space<vmem_shared>>) target(%arg15 : memref<125x16xf32, #tpu.memory_space<vmem>>) offsets(%dma_start3A_830 : memref<125xi32, #tpu.memory_space<vmem>>) semaphore(%arg36 : memref<!tpu.dma_semaphore, #tpu.memory_space<semaphore_mem>>)
      } else {
      }
      %dma_start3A_814 = arith.constant 0 : i32
      %dma_start3A_815 = tpu.memref_slice %arg7[%add3A_787, %dma_start3A_814] : memref<80x125xi32, #tpu.memory_space<vmem>> -> memref<1x125xi32, #tpu.memory_space<vmem>>
      %dma_start3A_816 = tpu.memref_squeeze %dma_start3A_815 : memref<1x125xi32, #tpu.memory_space<vmem>> -> memref<125xi32, #tpu.memory_space<vmem>>
      %dma_start3A_817 = arith.constant 0 : i32
      %dma_start3A_818 = arith.constant 0 : i32
      %dma_start3A_819 = tpu.memref_slice %arg27[%dma_start3A_817, %dma_start3A_818] : memref<10112x16xf32, #tpu.memory_space<vmem_shared>> -> memref<10112x16xf32, #tpu.memory_space<vmem_shared>>
      tpu.enqueue_indirect_dma source(%arg23 : memref<125x16xf32, #tpu.memory_space<vmem>>) target(%dma_start3A_819 : memref<10112x16xf32, #tpu.memory_space<vmem_shared>>) offsets(%dma_start3A_816 : memref<125xi32, #tpu.memory_space<vmem>>) semaphore(%arg44 : memref<!tpu.dma_semaphore, #tpu.memory_space<semaphore_mem>>) {add = true}
      %dma_start3A_820 = arith.constant 0 : i32
      %dma_start3A_821 = tpu.memref_slice %arg7[%add3A_787, %dma_start3A_820] : memref<80x125xi32, #tpu.memory_space<vmem>> -> memref<1x125xi32, #tpu.memory_space<vmem>>
      %dma_start3A_822 = tpu.memref_squeeze %dma_start3A_821 : memref<1x125xi32, #tpu.memory_space<vmem>> -> memref<125xi32, #tpu.memory_space<vmem>>
      %dma_start3A_823 = arith.constant 0 : i32
      %dma_start3A_824 = arith.constant 0 : i32
      %dma_start3A_825 = tpu.memref_slice %arg28[%dma_start3A_823, %dma_start3A_824] : memref<10112x16xf32, #tpu.memory_space<vmem_shared>> -> memref<10112x16xf32, #tpu.memory_space<vmem_shared>>
      tpu.enqueue_indirect_dma source(%arg25 : memref<125x16xf32, #tpu.memory_space<vmem>>) target(%dma_start3A_825 : memref<10112x16xf32, #tpu.memory_space<vmem_shared>>) offsets(%dma_start3A_822 : memref<125xi32, #tpu.memory_space<vmem>>) semaphore(%arg52 : memref<!tpu.dma_semaphore, #tpu.memory_space<semaphore_mem>>) {add = true}
    }
    %scan3A_84 = arith.constant 5 : i32
    %dma_wait3A = arith.constant 0 : i32
    %dma_wait3A_85 = arith.constant 0 : i32
    %dma_wait3A_86 = tpu.memref_slice %arg6[%dma_wait3A, %dma_wait3A_85] : memref<80x125xi32, #tpu.memory_space<vmem>> -> memref<1x125xi32, #tpu.memory_space<vmem>>
    %dma_wait3A_87 = tpu.memref_squeeze %dma_wait3A_86 : memref<1x125xi32, #tpu.memory_space<vmem>> -> memref<125xi32, #tpu.memory_space<vmem>>
    %dma_wait3A_88 = arith.constant 0 : i32
    %dma_wait3A_89 = arith.constant 0 : i32
    %dma_wait3A_90 = tpu.memref_slice %arg2[%dma_wait3A_88, %dma_wait3A_89] : memref<10112x16xf32, #tpu.memory_space<hbm>> -> memref<10112x16xf32, #tpu.memory_space<hbm>>
    tpu.wait_indirect_dma semaphore(%arg37 : memref<!tpu.dma_semaphore, #tpu.memory_space<semaphore_mem>>) src(%dma_wait3A_90 : memref<10112x16xf32, #tpu.memory_space<hbm>>) dst(%arg16 : memref<125x16xf32, #tpu.memory_space<vmem>>)
    %dma_wait3A_91 = arith.constant 0 : i32
    %dma_wait3A_92 = arith.constant 0 : i32
    %dma_wait3A_93 = tpu.memref_slice %arg6[%dma_wait3A_91, %dma_wait3A_92] : memref<80x125xi32, #tpu.memory_space<vmem>> -> memref<1x125xi32, #tpu.memory_space<vmem>>
    %dma_wait3A_94 = tpu.memref_squeeze %dma_wait3A_93 : memref<1x125xi32, #tpu.memory_space<vmem>> -> memref<125xi32, #tpu.memory_space<vmem>>
    %dma_wait3A_95 = arith.constant 0 : i32
    %dma_wait3A_96 = arith.constant 0 : i32
    %dma_wait3A_97 = tpu.memref_slice %arg2[%dma_wait3A_95, %dma_wait3A_96] : memref<10112x16xf32, #tpu.memory_space<hbm>> -> memref<10112x16xf32, #tpu.memory_space<hbm>>
    tpu.wait_indirect_dma semaphore(%arg45 : memref<!tpu.dma_semaphore, #tpu.memory_space<semaphore_mem>>) src(%dma_wait3A_97 : memref<10112x16xf32, #tpu.memory_space<hbm>>) dst(%arg16 : memref<125x16xf32, #tpu.memory_space<vmem>>)
    %dma_wait3A_98 = arith.constant 0 : i32
    %dma_wait3A_99 = arith.constant 0 : i32
    %dma_wait3A_100 = tpu.memref_slice %arg6[%dma_wait3A_98, %dma_wait3A_99] : memref<80x125xi32, #tpu.memory_space<vmem>> -> memref<1x125xi32, #tpu.memory_space<vmem>>
    %dma_wait3A_101 = tpu.memref_squeeze %dma_wait3A_100 : memref<1x125xi32, #tpu.memory_space<vmem>> -> memref<125xi32, #tpu.memory_space<vmem>>
    %dma_wait3A_102 = arith.constant 0 : i32
    %dma_wait3A_103 = arith.constant 0 : i32
    %dma_wait3A_104 = tpu.memref_slice %arg2[%dma_wait3A_102, %dma_wait3A_103] : memref<10112x16xf32, #tpu.memory_space<hbm>> -> memref<10112x16xf32, #tpu.memory_space<hbm>>
    tpu.wait_indirect_dma semaphore(%arg38 : memref<!tpu.dma_semaphore, #tpu.memory_space<semaphore_mem>>) src(%dma_wait3A_104 : memref<10112x16xf32, #tpu.memory_space<hbm>>) dst(%arg17 : memref<125x16xf32, #tpu.memory_space<vmem>>)
    %dma_wait3A_105 = arith.constant 0 : i32
    %dma_wait3A_106 = arith.constant 0 : i32
    %dma_wait3A_107 = tpu.memref_slice %arg6[%dma_wait3A_105, %dma_wait3A_106] : memref<80x125xi32, #tpu.memory_space<vmem>> -> memref<1x125xi32, #tpu.memory_space<vmem>>
    %dma_wait3A_108 = tpu.memref_squeeze %dma_wait3A_107 : memref<1x125xi32, #tpu.memory_space<vmem>> -> memref<125xi32, #tpu.memory_space<vmem>>
    %dma_wait3A_109 = arith.constant 0 : i32
    %dma_wait3A_110 = arith.constant 0 : i32
    %dma_wait3A_111 = tpu.memref_slice %arg2[%dma_wait3A_109, %dma_wait3A_110] : memref<10112x16xf32, #tpu.memory_space<hbm>> -> memref<10112x16xf32, #tpu.memory_space<hbm>>
    tpu.wait_indirect_dma semaphore(%arg46 : memref<!tpu.dma_semaphore, #tpu.memory_space<semaphore_mem>>) src(%dma_wait3A_111 : memref<10112x16xf32, #tpu.memory_space<hbm>>) dst(%arg17 : memref<125x16xf32, #tpu.memory_space<vmem>>)
    %dma_wait3A_112 = arith.constant 0 : i32
    %dma_wait3A_113 = arith.constant 0 : i32
    %dma_wait3A_114 = tpu.memref_slice %arg6[%dma_wait3A_112, %dma_wait3A_113] : memref<80x125xi32, #tpu.memory_space<vmem>> -> memref<1x125xi32, #tpu.memory_space<vmem>>
    %dma_wait3A_115 = tpu.memref_squeeze %dma_wait3A_114 : memref<1x125xi32, #tpu.memory_space<vmem>> -> memref<125xi32, #tpu.memory_space<vmem>>
    %dma_wait3A_116 = arith.constant 0 : i32
    %dma_wait3A_117 = arith.constant 0 : i32
    %dma_wait3A_118 = tpu.memref_slice %arg2[%dma_wait3A_116, %dma_wait3A_117] : memref<10112x16xf32, #tpu.memory_space<hbm>> -> memref<10112x16xf32, #tpu.memory_space<hbm>>
    tpu.wait_indirect_dma semaphore(%arg39 : memref<!tpu.dma_semaphore, #tpu.memory_space<semaphore_mem>>) src(%dma_wait3A_118 : memref<10112x16xf32, #tpu.memory_space<hbm>>) dst(%arg18 : memref<125x16xf32, #tpu.memory_space<vmem>>)
    %dma_wait3A_119 = arith.constant 0 : i32
    %dma_wait3A_120 = arith.constant 0 : i32
    %dma_wait3A_121 = tpu.memref_slice %arg6[%dma_wait3A_119, %dma_wait3A_120] : memref<80x125xi32, #tpu.memory_space<vmem>> -> memref<1x125xi32, #tpu.memory_space<vmem>>
    %dma_wait3A_122 = tpu.memref_squeeze %dma_wait3A_121 : memref<1x125xi32, #tpu.memory_space<vmem>> -> memref<125xi32, #tpu.memory_space<vmem>>
    %dma_wait3A_123 = arith.constant 0 : i32
    %dma_wait3A_124 = arith.constant 0 : i32
    %dma_wait3A_125 = tpu.memref_slice %arg2[%dma_wait3A_123, %dma_wait3A_124] : memref<10112x16xf32, #tpu.memory_space<hbm>> -> memref<10112x16xf32, #tpu.memory_space<hbm>>
    tpu.wait_indirect_dma semaphore(%arg47 : memref<!tpu.dma_semaphore, #tpu.memory_space<semaphore_mem>>) src(%dma_wait3A_125 : memref<10112x16xf32, #tpu.memory_space<hbm>>) dst(%arg18 : memref<125x16xf32, #tpu.memory_space<vmem>>)
    %dma_wait3A_126 = arith.constant 0 : i32
    %dma_wait3A_127 = arith.constant 0 : i32
    %dma_wait3A_128 = tpu.memref_slice %arg6[%dma_wait3A_126, %dma_wait3A_127] : memref<80x125xi32, #tpu.memory_space<vmem>> -> memref<1x125xi32, #tpu.memory_space<vmem>>
    %dma_wait3A_129 = tpu.memref_squeeze %dma_wait3A_128 : memref<1x125xi32, #tpu.memory_space<vmem>> -> memref<125xi32, #tpu.memory_space<vmem>>
    %dma_wait3A_130 = arith.constant 0 : i32
    %dma_wait3A_131 = arith.constant 0 : i32
    %dma_wait3A_132 = tpu.memref_slice %arg2[%dma_wait3A_130, %dma_wait3A_131] : memref<10112x16xf32, #tpu.memory_space<hbm>> -> memref<10112x16xf32, #tpu.memory_space<hbm>>
    tpu.wait_indirect_dma semaphore(%arg40 : memref<!tpu.dma_semaphore, #tpu.memory_space<semaphore_mem>>) src(%dma_wait3A_132 : memref<10112x16xf32, #tpu.memory_space<hbm>>) dst(%arg19 : memref<125x16xf32, #tpu.memory_space<vmem>>)
    %dma_wait3A_133 = arith.constant 0 : i32
    %dma_wait3A_134 = arith.constant 0 : i32
    %dma_wait3A_135 = tpu.memref_slice %arg6[%dma_wait3A_133, %dma_wait3A_134] : memref<80x125xi32, #tpu.memory_space<vmem>> -> memref<1x125xi32, #tpu.memory_space<vmem>>
    %dma_wait3A_136 = tpu.memref_squeeze %dma_wait3A_135 : memref<1x125xi32, #tpu.memory_space<vmem>> -> memref<125xi32, #tpu.memory_space<vmem>>
    %dma_wait3A_137 = arith.constant 0 : i32
    %dma_wait3A_138 = arith.constant 0 : i32
    %dma_wait3A_139 = tpu.memref_slice %arg2[%dma_wait3A_137, %dma_wait3A_138] : memref<10112x16xf32, #tpu.memory_space<hbm>> -> memref<10112x16xf32, #tpu.memory_space<hbm>>
    tpu.wait_indirect_dma semaphore(%arg48 : memref<!tpu.dma_semaphore, #tpu.memory_space<semaphore_mem>>) src(%dma_wait3A_139 : memref<10112x16xf32, #tpu.memory_space<hbm>>) dst(%arg19 : memref<125x16xf32, #tpu.memory_space<vmem>>)
    %dma_wait3A_140 = arith.constant 0 : i32
    %dma_wait3A_141 = arith.constant 0 : i32
    %dma_wait3A_142 = tpu.memref_slice %arg6[%dma_wait3A_140, %dma_wait3A_141] : memref<80x125xi32, #tpu.memory_space<vmem>> -> memref<1x125xi32, #tpu.memory_space<vmem>>
    %dma_wait3A_143 = tpu.memref_squeeze %dma_wait3A_142 : memref<1x125xi32, #tpu.memory_space<vmem>> -> memref<125xi32, #tpu.memory_space<vmem>>
    %dma_wait3A_144 = arith.constant 0 : i32
    %dma_wait3A_145 = arith.constant 0 : i32
    %dma_wait3A_146 = tpu.memref_slice %arg2[%dma_wait3A_144, %dma_wait3A_145] : memref<10112x16xf32, #tpu.memory_space<hbm>> -> memref<10112x16xf32, #tpu.memory_space<hbm>>
    tpu.wait_indirect_dma semaphore(%arg41 : memref<!tpu.dma_semaphore, #tpu.memory_space<semaphore_mem>>) src(%dma_wait3A_146 : memref<10112x16xf32, #tpu.memory_space<hbm>>) dst(%arg20 : memref<125x16xf32, #tpu.memory_space<vmem>>)
    %dma_wait3A_147 = arith.constant 0 : i32
    %dma_wait3A_148 = arith.constant 0 : i32
    %dma_wait3A_149 = tpu.memref_slice %arg6[%dma_wait3A_147, %dma_wait3A_148] : memref<80x125xi32, #tpu.memory_space<vmem>> -> memref<1x125xi32, #tpu.memory_space<vmem>>
    %dma_wait3A_150 = tpu.memref_squeeze %dma_wait3A_149 : memref<1x125xi32, #tpu.memory_space<vmem>> -> memref<125xi32, #tpu.memory_space<vmem>>
    %dma_wait3A_151 = arith.constant 0 : i32
    %dma_wait3A_152 = arith.constant 0 : i32
    %dma_wait3A_153 = tpu.memref_slice %arg2[%dma_wait3A_151, %dma_wait3A_152] : memref<10112x16xf32, #tpu.memory_space<hbm>> -> memref<10112x16xf32, #tpu.memory_space<hbm>>
    tpu.wait_indirect_dma semaphore(%arg49 : memref<!tpu.dma_semaphore, #tpu.memory_space<semaphore_mem>>) src(%dma_wait3A_153 : memref<10112x16xf32, #tpu.memory_space<hbm>>) dst(%arg20 : memref<125x16xf32, #tpu.memory_space<vmem>>)
    %dma_wait3A_154 = arith.constant 0 : i32
    %dma_wait3A_155 = arith.constant 0 : i32
    %dma_wait3A_156 = tpu.memref_slice %arg6[%dma_wait3A_154, %dma_wait3A_155] : memref<80x125xi32, #tpu.memory_space<vmem>> -> memref<1x125xi32, #tpu.memory_space<vmem>>
    %dma_wait3A_157 = tpu.memref_squeeze %dma_wait3A_156 : memref<1x125xi32, #tpu.memory_space<vmem>> -> memref<125xi32, #tpu.memory_space<vmem>>
    %dma_wait3A_158 = arith.constant 0 : i32
    %dma_wait3A_159 = arith.constant 0 : i32
    %dma_wait3A_160 = tpu.memref_slice %arg2[%dma_wait3A_158, %dma_wait3A_159] : memref<10112x16xf32, #tpu.memory_space<hbm>> -> memref<10112x16xf32, #tpu.memory_space<hbm>>
    tpu.wait_indirect_dma semaphore(%arg42 : memref<!tpu.dma_semaphore, #tpu.memory_space<semaphore_mem>>) src(%dma_wait3A_160 : memref<10112x16xf32, #tpu.memory_space<hbm>>) dst(%arg21 : memref<125x16xf32, #tpu.memory_space<vmem>>)
    %dma_wait3A_161 = arith.constant 0 : i32
    %dma_wait3A_162 = arith.constant 0 : i32
    %dma_wait3A_163 = tpu.memref_slice %arg6[%dma_wait3A_161, %dma_wait3A_162] : memref<80x125xi32, #tpu.memory_space<vmem>> -> memref<1x125xi32, #tpu.memory_space<vmem>>
    %dma_wait3A_164 = tpu.memref_squeeze %dma_wait3A_163 : memref<1x125xi32, #tpu.memory_space<vmem>> -> memref<125xi32, #tpu.memory_space<vmem>>
    %dma_wait3A_165 = arith.constant 0 : i32
    %dma_wait3A_166 = arith.constant 0 : i32
    %dma_wait3A_167 = tpu.memref_slice %arg2[%dma_wait3A_165, %dma_wait3A_166] : memref<10112x16xf32, #tpu.memory_space<hbm>> -> memref<10112x16xf32, #tpu.memory_space<hbm>>
    tpu.wait_indirect_dma semaphore(%arg50 : memref<!tpu.dma_semaphore, #tpu.memory_space<semaphore_mem>>) src(%dma_wait3A_167 : memref<10112x16xf32, #tpu.memory_space<hbm>>) dst(%arg21 : memref<125x16xf32, #tpu.memory_space<vmem>>)
    %dma_wait3A_168 = arith.constant 0 : i32
    %dma_wait3A_169 = arith.constant 0 : i32
    %dma_wait3A_170 = tpu.memref_slice %arg6[%dma_wait3A_168, %dma_wait3A_169] : memref<80x125xi32, #tpu.memory_space<vmem>> -> memref<1x125xi32, #tpu.memory_space<vmem>>
    %dma_wait3A_171 = tpu.memref_squeeze %dma_wait3A_170 : memref<1x125xi32, #tpu.memory_space<vmem>> -> memref<125xi32, #tpu.memory_space<vmem>>
    %dma_wait3A_172 = arith.constant 0 : i32
    %dma_wait3A_173 = arith.constant 0 : i32
    %dma_wait3A_174 = tpu.memref_slice %arg2[%dma_wait3A_172, %dma_wait3A_173] : memref<10112x16xf32, #tpu.memory_space<hbm>> -> memref<10112x16xf32, #tpu.memory_space<hbm>>
    tpu.wait_indirect_dma semaphore(%arg43 : memref<!tpu.dma_semaphore, #tpu.memory_space<semaphore_mem>>) src(%dma_wait3A_174 : memref<10112x16xf32, #tpu.memory_space<hbm>>) dst(%arg22 : memref<125x16xf32, #tpu.memory_space<vmem>>)
    %dma_wait3A_175 = arith.constant 0 : i32
    %dma_wait3A_176 = arith.constant 0 : i32
    %dma_wait3A_177 = tpu.memref_slice %arg6[%dma_wait3A_175, %dma_wait3A_176] : memref<80x125xi32, #tpu.memory_space<vmem>> -> memref<1x125xi32, #tpu.memory_space<vmem>>
    %dma_wait3A_178 = tpu.memref_squeeze %dma_wait3A_177 : memref<1x125xi32, #tpu.memory_space<vmem>> -> memref<125xi32, #tpu.memory_space<vmem>>
    %dma_wait3A_179 = arith.constant 0 : i32
    %dma_wait3A_180 = arith.constant 0 : i32
    %dma_wait3A_181 = tpu.memref_slice %arg2[%dma_wait3A_179, %dma_wait3A_180] : memref<10112x16xf32, #tpu.memory_space<hbm>> -> memref<10112x16xf32, #tpu.memory_space<hbm>>
    tpu.wait_indirect_dma semaphore(%arg51 : memref<!tpu.dma_semaphore, #tpu.memory_space<semaphore_mem>>) src(%dma_wait3A_181 : memref<10112x16xf32, #tpu.memory_space<hbm>>) dst(%arg22 : memref<125x16xf32, #tpu.memory_space<vmem>>)
    %dma_wait3A_182 = arith.constant 0 : i32
    %dma_wait3A_183 = arith.constant 0 : i32
    %dma_wait3A_184 = tpu.memref_slice %arg6[%dma_wait3A_182, %dma_wait3A_183] : memref<80x125xi32, #tpu.memory_space<vmem>> -> memref<1x125xi32, #tpu.memory_space<vmem>>
    %dma_wait3A_185 = tpu.memref_squeeze %dma_wait3A_184 : memref<1x125xi32, #tpu.memory_space<vmem>> -> memref<125xi32, #tpu.memory_space<vmem>>
    %dma_wait3A_186 = arith.constant 0 : i32
    %dma_wait3A_187 = arith.constant 0 : i32
    %dma_wait3A_188 = tpu.memref_slice %arg2[%dma_wait3A_186, %dma_wait3A_187] : memref<10112x16xf32, #tpu.memory_space<hbm>> -> memref<10112x16xf32, #tpu.memory_space<hbm>>
    tpu.wait_indirect_dma semaphore(%arg44 : memref<!tpu.dma_semaphore, #tpu.memory_space<semaphore_mem>>) src(%dma_wait3A_188 : memref<10112x16xf32, #tpu.memory_space<hbm>>) dst(%arg23 : memref<125x16xf32, #tpu.memory_space<vmem>>)
    %dma_wait3A_189 = arith.constant 0 : i32
    %dma_wait3A_190 = arith.constant 0 : i32
    %dma_wait3A_191 = tpu.memref_slice %arg6[%dma_wait3A_189, %dma_wait3A_190] : memref<80x125xi32, #tpu.memory_space<vmem>> -> memref<1x125xi32, #tpu.memory_space<vmem>>
    %dma_wait3A_192 = tpu.memref_squeeze %dma_wait3A_191 : memref<1x125xi32, #tpu.memory_space<vmem>> -> memref<125xi32, #tpu.memory_space<vmem>>
    %dma_wait3A_193 = arith.constant 0 : i32
    %dma_wait3A_194 = arith.constant 0 : i32
    %dma_wait3A_195 = tpu.memref_slice %arg2[%dma_wait3A_193, %dma_wait3A_194] : memref<10112x16xf32, #tpu.memory_space<hbm>> -> memref<10112x16xf32, #tpu.memory_space<hbm>>
    tpu.wait_indirect_dma semaphore(%arg52 : memref<!tpu.dma_semaphore, #tpu.memory_space<semaphore_mem>>) src(%dma_wait3A_195 : memref<10112x16xf32, #tpu.memory_space<hbm>>) dst(%arg23 : memref<125x16xf32, #tpu.memory_space<vmem>>)
    %barrier3A_196 = arith.constant 0 : index
    tpu.barrier barrier_id(%barrier3A_196)
    %mul3A_197 = arith.constant 632 : i32
    %mul3A_198 = arith.muli %arg1, %mul3A_197 : i32
    %mul3A_199 = arith.constant 632 : i32
    %mul3A_200 = arith.muli %arg1, %mul3A_199 : i32
    "tpu.region"() ({
      %run_scoped3A_205 = tpu.sem_alloc : memref<!tpu.dma_semaphore, #tpu.memory_space<semaphore_mem>>
      %dma_start3A_206 = arith.constant 0 : i32
      %dma_start3A_207 = tpu.memref_slice %arg4[%arg0, %mul3A_200, %dma_start3A_206] : memref<2x10112x16xf32, #tpu.memory_space<hbm>> -> memref<1x632x16xf32, #tpu.memory_space<hbm>>
      %dma_start3A_208 = tpu.memref_squeeze %dma_start3A_207 : memref<1x632x16xf32, #tpu.memory_space<hbm>> -> memref<632x16xf32, #tpu.memory_space<hbm>>
      %dma_start3A_209 = arith.constant 0 : i32
      %dma_start3A_210 = tpu.memref_slice %arg27[%mul3A_198, %dma_start3A_209] : memref<10112x16xf32, #tpu.memory_space<vmem_shared>> -> memref<632x16xf32, #tpu.memory_space<vmem_shared>>
      tpu.enqueue_dma source(%dma_start3A_210 : memref<632x16xf32, #tpu.memory_space<vmem_shared>>) target(%dma_start3A_208 : memref<632x16xf32, #tpu.memory_space<hbm>>) target_semaphore(%run_scoped3A_205 : memref<!tpu.dma_semaphore, #tpu.memory_space<semaphore_mem>>)
      %dma_wait3A_211 = arith.constant 0 : i32
      %dma_wait3A_212 = tpu.memref_slice %arg4[%arg0, %mul3A_200, %dma_wait3A_211] : memref<2x10112x16xf32, #tpu.memory_space<hbm>> -> memref<1x632x16xf32, #tpu.memory_space<hbm>>
      %dma_wait3A_213 = tpu.memref_squeeze %dma_wait3A_212 : memref<1x632x16xf32, #tpu.memory_space<hbm>> -> memref<632x16xf32, #tpu.memory_space<hbm>>
      %dma_wait3A_214 = arith.constant 0 : i32
      %dma_wait3A_215 = tpu.memref_slice %arg27[%mul3A_198, %dma_wait3A_214] : memref<10112x16xf32, #tpu.memory_space<vmem_shared>> -> memref<632x16xf32, #tpu.memory_space<vmem_shared>>
      tpu.wait_dma2 semaphore(%run_scoped3A_205 : memref<!tpu.dma_semaphore, #tpu.memory_space<semaphore_mem>>) src(%dma_wait3A_215 : memref<632x16xf32, #tpu.memory_space<vmem_shared>>) dst(%dma_wait3A_213 : memref<632x16xf32, #tpu.memory_space<hbm>>)
      tpu.yield
    }) : () -> ()
    %mul3A_201 = arith.constant 632 : i32
    %mul3A_202 = arith.muli %arg1, %mul3A_201 : i32
    %mul3A_203 = arith.constant 632 : i32
    %mul3A_204 = arith.muli %arg1, %mul3A_203 : i32
    "tpu.region"() ({
      %run_scoped3A_205 = tpu.sem_alloc : memref<!tpu.dma_semaphore, #tpu.memory_space<semaphore_mem>>
      %dma_start3A_206 = arith.constant 0 : i32
      %dma_start3A_207 = tpu.memref_slice %arg5[%arg0, %mul3A_204, %dma_start3A_206] : memref<2x10112x16xf32, #tpu.memory_space<hbm>> -> memref<1x632x16xf32, #tpu.memory_space<hbm>>
      %dma_start3A_208 = tpu.memref_squeeze %dma_start3A_207 : memref<1x632x16xf32, #tpu.memory_space<hbm>> -> memref<632x16xf32, #tpu.memory_space<hbm>>
      %dma_start3A_209 = arith.constant 0 : i32
      %dma_start3A_210 = tpu.memref_slice %arg28[%mul3A_202, %dma_start3A_209] : memref<10112x16xf32, #tpu.memory_space<vmem_shared>> -> memref<632x16xf32, #tpu.memory_space<vmem_shared>>
      tpu.enqueue_dma source(%dma_start3A_210 : memref<632x16xf32, #tpu.memory_space<vmem_shared>>) target(%dma_start3A_208 : memref<632x16xf32, #tpu.memory_space<hbm>>) target_semaphore(%run_scoped3A_205 : memref<!tpu.dma_semaphore, #tpu.memory_space<semaphore_mem>>)
      %dma_wait3A_211 = arith.constant 0 : i32
      %dma_wait3A_212 = tpu.memref_slice %arg5[%arg0, %mul3A_204, %dma_wait3A_211] : memref<2x10112x16xf32, #tpu.memory_space<hbm>> -> memref<1x632x16xf32, #tpu.memory_space<hbm>>
      %dma_wait3A_213 = tpu.memref_squeeze %dma_wait3A_212 : memref<1x632x16xf32, #tpu.memory_space<hbm>> -> memref<632x16xf32, #tpu.memory_space<hbm>>
      %dma_wait3A_214 = arith.constant 0 : i32
      %dma_wait3A_215 = tpu.memref_slice %arg28[%mul3A_202, %dma_wait3A_214] : memref<10112x16xf32, #tpu.memory_space<vmem_shared>> -> memref<632x16xf32, #tpu.memory_space<vmem_shared>>
      tpu.wait_dma2 semaphore(%run_scoped3A_205 : memref<!tpu.dma_semaphore, #tpu.memory_space<semaphore_mem>>) src(%dma_wait3A_215 : memref<632x16xf32, #tpu.memory_space<vmem_shared>>) dst(%dma_wait3A_213 : memref<632x16xf32, #tpu.memory_space<hbm>>)
      tpu.yield
    }) : () -> ()
    return
  }
}

#map = affine_map<(d0, d1) -> (0, 0)>
#map1 = affine_map<(d0, d1) -> (0, 0, 0, 0)>
#map2 = affine_map<(d0, d1) -> (0, 0, 0)>
module attributes {stable_mosaic.version = 14 : i64} {
  func.func @_edge_agg_body(%arg0: i32, %arg1: i32, %arg2: memref<10112x16xf32, #tpu.memory_space<hbm>>, %arg3: memref<2x32x80x125xi32, #tpu.memory_space<hbm>>, %arg4: memref<2x10112x16xf32, #tpu.memory_space<hbm>>, %arg5: memref<80x125xi32, #tpu.memory_space<vmem>>, %arg6: memref<80x125xi32, #tpu.memory_space<vmem>>, %arg7: memref<125x16xf32, #tpu.memory_space<vmem>>, %arg8: memref<125x16xf32, #tpu.memory_space<vmem>>, %arg9: memref<125x16xf32, #tpu.memory_space<vmem>>, %arg10: memref<125x16xf32, #tpu.memory_space<vmem>>, %arg11: memref<125x16xf32, #tpu.memory_space<vmem>>, %arg12: memref<125x16xf32, #tpu.memory_space<vmem>>, %arg13: memref<125x16xf32, #tpu.memory_space<vmem>>, %arg14: memref<125x16xf32, #tpu.memory_space<vmem>>, %arg15: memref<125x16xf32, #tpu.memory_space<vmem>>, %arg16: memref<125x16xf32, #tpu.memory_space<vmem>>, %arg17: memref<125x16xf32, #tpu.memory_space<vmem>>, %arg18: memref<125x16xf32, #tpu.memory_space<vmem>>, %arg19: memref<125x16xf32, #tpu.memory_space<vmem>>, %arg20: memref<125x16xf32, #tpu.memory_space<vmem>>, %arg21: memref<125x16xf32, #tpu.memory_space<vmem>>, %arg22: memref<125x16xf32, #tpu.memory_space<vmem>>, %arg23: memref<632x16xf32, #tpu.memory_space<vmem>>, %arg24: memref<10112x16xf32, #tpu.memory_space<vmem_shared>>, %arg25: memref<10112x16xf32, #tpu.memory_space<vmem_shared>>, %arg26: memref<!tpu.dma_semaphore, #tpu.memory_space<semaphore_mem>>, %arg27: memref<!tpu.dma_semaphore, #tpu.memory_space<semaphore_mem>>, %arg28: memref<!tpu.dma_semaphore, #tpu.memory_space<semaphore_mem>>, %arg29: memref<!tpu.dma_semaphore, #tpu.memory_space<semaphore_mem>>, %arg30: memref<!tpu.dma_semaphore, #tpu.memory_space<semaphore_mem>>, %arg31: memref<!tpu.dma_semaphore, #tpu.memory_space<semaphore_mem>>, %arg32: memref<!tpu.dma_semaphore, #tpu.memory_space<semaphore_mem>>, %arg33: memref<!tpu.dma_semaphore, #tpu.memory_space<semaphore_mem>>, %arg34: memref<!tpu.dma_semaphore, #tpu.memory_space<semaphore_mem>>, %arg35: memref<!tpu.dma_semaphore, #tpu.memory_space<semaphore_mem>>, %arg36: memref<!tpu.dma_semaphore, #tpu.memory_space<semaphore_mem>>, %arg37: memref<!tpu.dma_semaphore, #tpu.memory_space<semaphore_mem>>, %arg38: memref<!tpu.dma_semaphore, #tpu.memory_space<semaphore_mem>>, %arg39: memref<!tpu.dma_semaphore, #tpu.memory_space<semaphore_mem>>, %arg40: memref<!tpu.dma_semaphore, #tpu.memory_space<semaphore_mem>>, %arg41: memref<!tpu.dma_semaphore, #tpu.memory_space<semaphore_mem>>) attributes {dimension_semantics = [#tpu.dimension_semantics<core_parallel>, #tpu.dimension_semantics<subcore_parallel>], iteration_bounds = array<i64: 2, 16>, scalar_prefetch = 0 : i64, scratch_operands = 37 : i64, tpu.core_type = #tpu.core_type<sc_vector_subcore>, window_params = [{transform_indices = #map}, {transform_indices = #map1}, {transform_indices = #map2}]} {
    %mul3A = arith.constant 2 : i32
    %mul3A_0 = arith.muli %arg1, %mul3A : i32
    %add3A = arith.addi %mul3A_0, %arg0 : i32
    %broadcast_in_dim3A = arith.constant 0.000000e+00 : f32
    %broadcast_in_dim3A_1 = vector.broadcast %broadcast_in_dim3A : f32 to vector<16xf32>
    %scan3A = arith.constant 0 : i32
    %scan3A_2 = arith.constant 0 : i32
    %scan3A_3 = arith.constant 632 : i32
    %scan3A_4 = arith.addi %scan3A_2, %scan3A_3 : i32
    %scan3A_5 = arith.constant 1 : i32
    scf.for %scan3A_135 = %scan3A_2 to %scan3A_4 step %scan3A_5  : i32 {
      %swap3A = arith.index_cast %scan3A_135 : i32 to index
      %swap3A_136 = arith.constant 0 : index
      %swap3A_137 = tpu.vector_load %arg23[%swap3A, %swap3A_136] {strides = array<i32>} : memref<632x16xf32, #tpu.memory_space<vmem>>, vector<1x16xf32>,
      %swap3A_138 = vector.shape_cast %swap3A_137 : vector<1x16xf32> to vector<16xf32>
      %swap3A_139 = vector.shape_cast %broadcast_in_dim3A_1 : vector<16xf32> to vector<1x16xf32>
      tpu.vector_store %arg23[%swap3A, %swap3A_136], %swap3A_139 {strides = array<i32>} : memref<632x16xf32, #tpu.memory_space<vmem>>, vector<1x16xf32>,
    }
    %scan3A_6 = arith.constant 632 : i32
    %mul3A_7 = arith.constant 632 : i32
    %mul3A_8 = arith.muli %arg1, %mul3A_7 : i32
    "tpu.region"() ({
      %run_scoped3A_135 = tpu.sem_alloc : memref<!tpu.dma_semaphore, #tpu.memory_space<semaphore_mem>>
      %dma_start3A_136 = arith.constant 0 : i32
      %dma_start3A_137 = tpu.memref_slice %arg25[%mul3A_8, %dma_start3A_136] : memref<10112x16xf32, #tpu.memory_space<vmem_shared>> -> memref<632x16xf32, #tpu.memory_space<vmem_shared>>
      %dma_start3A_138 = arith.constant 0 : i32
      %dma_start3A_139 = tpu.memref_slice %arg25[%mul3A_8, %dma_start3A_138] : memref<10112x16xf32, #tpu.memory_space<vmem_shared>> -> memref<632x16xf32, #tpu.memory_space<vmem_shared>>
      tpu.enqueue_dma source(%arg23 : memref<632x16xf32, #tpu.memory_space<vmem>>) target(%dma_start3A_139 : memref<632x16xf32, #tpu.memory_space<vmem_shared>>) target_semaphore(%run_scoped3A_135 : memref<!tpu.dma_semaphore, #tpu.memory_space<semaphore_mem>>)
      %dma_wait3A_140 = arith.constant 0 : i32
      %dma_wait3A_141 = tpu.memref_slice %arg25[%mul3A_8, %dma_wait3A_140] : memref<10112x16xf32, #tpu.memory_space<vmem_shared>> -> memref<632x16xf32, #tpu.memory_space<vmem_shared>>
      %dma_wait3A_142 = arith.constant 0 : i32
      %dma_wait3A_143 = tpu.memref_slice %arg25[%mul3A_8, %dma_wait3A_142] : memref<10112x16xf32, #tpu.memory_space<vmem_shared>> -> memref<632x16xf32, #tpu.memory_space<vmem_shared>>
      tpu.wait_dma2 semaphore(%run_scoped3A_135 : memref<!tpu.dma_semaphore, #tpu.memory_space<semaphore_mem>>) src(%arg23 : memref<632x16xf32, #tpu.memory_space<vmem>>) dst(%dma_wait3A_143 : memref<632x16xf32, #tpu.memory_space<vmem_shared>>)
      tpu.yield
    }) : () -> ()
    %mul3A_9 = arith.constant 632 : i32
    %mul3A_10 = arith.muli %arg1, %mul3A_9 : i32
    %mul3A_11 = arith.constant 632 : i32
    %mul3A_12 = arith.muli %arg1, %mul3A_11 : i32
    "tpu.region"() ({
      %run_scoped3A_135 = tpu.sem_alloc : memref<!tpu.dma_semaphore, #tpu.memory_space<semaphore_mem>>
      %dma_start3A_136 = arith.constant 0 : i32
      %dma_start3A_137 = tpu.memref_slice %arg24[%mul3A_12, %dma_start3A_136] : memref<10112x16xf32, #tpu.memory_space<vmem_shared>> -> memref<632x16xf32, #tpu.memory_space<vmem_shared>>
      %dma_start3A_138 = arith.constant 0 : i32
      %dma_start3A_139 = tpu.memref_slice %arg2[%mul3A_10, %dma_start3A_138] : memref<10112x16xf32, #tpu.memory_space<hbm>> -> memref<632x16xf32, #tpu.memory_space<hbm>>
      tpu.enqueue_dma source(%dma_start3A_139 : memref<632x16xf32, #tpu.memory_space<hbm>>) target(%dma_start3A_137 : memref<632x16xf32, #tpu.memory_space<vmem_shared>>) target_semaphore(%run_scoped3A_135 : memref<!tpu.dma_semaphore, #tpu.memory_space<semaphore_mem>>)
      %dma_wait3A_140 = arith.constant 0 : i32
      %dma_wait3A_141 = tpu.memref_slice %arg24[%mul3A_12, %dma_wait3A_140] : memref<10112x16xf32, #tpu.memory_space<vmem_shared>> -> memref<632x16xf32, #tpu.memory_space<vmem_shared>>
      %dma_wait3A_142 = arith.constant 0 : i32
      %dma_wait3A_143 = tpu.memref_slice %arg2[%mul3A_10, %dma_wait3A_142] : memref<10112x16xf32, #tpu.memory_space<hbm>> -> memref<632x16xf32, #tpu.memory_space<hbm>>
      tpu.wait_dma2 semaphore(%run_scoped3A_135 : memref<!tpu.dma_semaphore, #tpu.memory_space<semaphore_mem>>) src(%dma_wait3A_143 : memref<632x16xf32, #tpu.memory_space<hbm>>) dst(%dma_wait3A_141 : memref<632x16xf32, #tpu.memory_space<vmem_shared>>)
      tpu.yield
    }) : () -> ()
    %run_scoped3A = arith.constant 0 : i32
    "tpu.region"() ({
      %run_scoped3A_135 = tpu.sem_alloc : memref<!tpu.dma_semaphore, #tpu.memory_space<semaphore_mem>>
      %dma_start3A_136 = arith.constant 0 : i32
      %dma_start3A_137 = arith.constant 0 : i32
      %dma_start3A_138 = tpu.memref_slice %arg3[%run_scoped3A, %add3A, %dma_start3A_136, %dma_start3A_137] : memref<2x32x80x125xi32, #tpu.memory_space<hbm>> -> memref<1x1x80x125xi32, #tpu.memory_space<hbm>>
      %dma_start3A_139 = tpu.memref_squeeze %dma_start3A_138 : memref<1x1x80x125xi32, #tpu.memory_space<hbm>> -> memref<80x125xi32, #tpu.memory_space<hbm>>
      %dma_start3A_140 = arith.constant 0 : i32
      %dma_start3A_141 = arith.constant 0 : i32
      %dma_start3A_142 = tpu.memref_slice %arg3[%run_scoped3A, %add3A, %dma_start3A_140, %dma_start3A_141] : memref<2x32x80x125xi32, #tpu.memory_space<hbm>> -> memref<1x1x80x125xi32, #tpu.memory_space<hbm>>
      %dma_start3A_143 = tpu.memref_squeeze %dma_start3A_142 : memref<1x1x80x125xi32, #tpu.memory_space<hbm>> -> memref<80x125xi32, #tpu.memory_space<hbm>>
      tpu.enqueue_dma source(%dma_start3A_143 : memref<80x125xi32, #tpu.memory_space<hbm>>) target(%arg5 : memref<80x125xi32, #tpu.memory_space<vmem>>) target_semaphore(%run_scoped3A_135 : memref<!tpu.dma_semaphore, #tpu.memory_space<semaphore_mem>>)
      %dma_wait3A_144 = arith.constant 0 : i32
      %dma_wait3A_145 = arith.constant 0 : i32
      %dma_wait3A_146 = tpu.memref_slice %arg3[%run_scoped3A, %add3A, %dma_wait3A_144, %dma_wait3A_145] : memref<2x32x80x125xi32, #tpu.memory_space<hbm>> -> memref<1x1x80x125xi32, #tpu.memory_space<hbm>>
      %dma_wait3A_147 = tpu.memref_squeeze %dma_wait3A_146 : memref<1x1x80x125xi32, #tpu.memory_space<hbm>> -> memref<80x125xi32, #tpu.memory_space<hbm>>
      %dma_wait3A_148 = arith.constant 0 : i32
      %dma_wait3A_149 = arith.constant 0 : i32
      %dma_wait3A_150 = tpu.memref_slice %arg3[%run_scoped3A, %add3A, %dma_wait3A_148, %dma_wait3A_149] : memref<2x32x80x125xi32, #tpu.memory_space<hbm>> -> memref<1x1x80x125xi32, #tpu.memory_space<hbm>>
      %dma_wait3A_151 = tpu.memref_squeeze %dma_wait3A_150 : memref<1x1x80x125xi32, #tpu.memory_space<hbm>> -> memref<80x125xi32, #tpu.memory_space<hbm>>
      tpu.wait_dma2 semaphore(%run_scoped3A_135 : memref<!tpu.dma_semaphore, #tpu.memory_space<semaphore_mem>>) src(%dma_wait3A_151 : memref<80x125xi32, #tpu.memory_space<hbm>>) dst(%arg5 : memref<80x125xi32, #tpu.memory_space<vmem>>)
      tpu.yield
    }) : () -> ()
    %run_scoped3A_13 = arith.constant 1 : i32
    "tpu.region"() ({
      %run_scoped3A_135 = tpu.sem_alloc : memref<!tpu.dma_semaphore, #tpu.memory_space<semaphore_mem>>
      %dma_start3A_136 = arith.constant 0 : i32
      %dma_start3A_137 = arith.constant 0 : i32
      %dma_start3A_138 = tpu.memref_slice %arg3[%run_scoped3A_13, %add3A, %dma_start3A_136, %dma_start3A_137] : memref<2x32x80x125xi32, #tpu.memory_space<hbm>> -> memref<1x1x80x125xi32, #tpu.memory_space<hbm>>
      %dma_start3A_139 = tpu.memref_squeeze %dma_start3A_138 : memref<1x1x80x125xi32, #tpu.memory_space<hbm>> -> memref<80x125xi32, #tpu.memory_space<hbm>>
      %dma_start3A_140 = arith.constant 0 : i32
      %dma_start3A_141 = arith.constant 0 : i32
      %dma_start3A_142 = tpu.memref_slice %arg3[%run_scoped3A_13, %add3A, %dma_start3A_140, %dma_start3A_141] : memref<2x32x80x125xi32, #tpu.memory_space<hbm>> -> memref<1x1x80x125xi32, #tpu.memory_space<hbm>>
      %dma_start3A_143 = tpu.memref_squeeze %dma_start3A_142 : memref<1x1x80x125xi32, #tpu.memory_space<hbm>> -> memref<80x125xi32, #tpu.memory_space<hbm>>
      tpu.enqueue_dma source(%dma_start3A_143 : memref<80x125xi32, #tpu.memory_space<hbm>>) target(%arg6 : memref<80x125xi32, #tpu.memory_space<vmem>>) target_semaphore(%run_scoped3A_135 : memref<!tpu.dma_semaphore, #tpu.memory_space<semaphore_mem>>)
      %dma_wait3A_144 = arith.constant 0 : i32
      %dma_wait3A_145 = arith.constant 0 : i32
      %dma_wait3A_146 = tpu.memref_slice %arg3[%run_scoped3A_13, %add3A, %dma_wait3A_144, %dma_wait3A_145] : memref<2x32x80x125xi32, #tpu.memory_space<hbm>> -> memref<1x1x80x125xi32, #tpu.memory_space<hbm>>
      %dma_wait3A_147 = tpu.memref_squeeze %dma_wait3A_146 : memref<1x1x80x125xi32, #tpu.memory_space<hbm>> -> memref<80x125xi32, #tpu.memory_space<hbm>>
      %dma_wait3A_148 = arith.constant 0 : i32
      %dma_wait3A_149 = arith.constant 0 : i32
      %dma_wait3A_150 = tpu.memref_slice %arg3[%run_scoped3A_13, %add3A, %dma_wait3A_148, %dma_wait3A_149] : memref<2x32x80x125xi32, #tpu.memory_space<hbm>> -> memref<1x1x80x125xi32, #tpu.memory_space<hbm>>
      %dma_wait3A_151 = tpu.memref_squeeze %dma_wait3A_150 : memref<1x1x80x125xi32, #tpu.memory_space<hbm>> -> memref<80x125xi32, #tpu.memory_space<hbm>>
      tpu.wait_dma2 semaphore(%run_scoped3A_135 : memref<!tpu.dma_semaphore, #tpu.memory_space<semaphore_mem>>) src(%dma_wait3A_151 : memref<80x125xi32, #tpu.memory_space<hbm>>) dst(%arg6 : memref<80x125xi32, #tpu.memory_space<vmem>>)
      tpu.yield
    }) : () -> ()
    %barrier3A = arith.constant 0 : index
    tpu.barrier barrier_id(%barrier3A)
    %dma_start3A = arith.constant 0 : i32
    %dma_start3A_14 = arith.constant 0 : i32
    %dma_start3A_15 = tpu.memref_slice %arg5[%dma_start3A, %dma_start3A_14] : memref<80x125xi32, #tpu.memory_space<vmem>> -> memref<1x125xi32, #tpu.memory_space<vmem>>
    %dma_start3A_16 = tpu.memref_squeeze %dma_start3A_15 : memref<1x125xi32, #tpu.memory_space<vmem>> -> memref<125xi32, #tpu.memory_space<vmem>>
    %dma_start3A_17 = arith.constant 0 : i32
    %dma_start3A_18 = arith.constant 0 : i32
    %dma_start3A_19 = tpu.memref_slice %arg24[%dma_start3A_17, %dma_start3A_18] : memref<10112x16xf32, #tpu.memory_space<vmem_shared>> -> memref<10112x16xf32, #tpu.memory_space<vmem_shared>>
    tpu.enqueue_indirect_dma source(%dma_start3A_19 : memref<10112x16xf32, #tpu.memory_space<vmem_shared>>) target(%arg7 : memref<125x16xf32, #tpu.memory_space<vmem>>) offsets(%dma_start3A_16 : memref<125xi32, #tpu.memory_space<vmem>>) semaphore(%arg26 : memref<!tpu.dma_semaphore, #tpu.memory_space<semaphore_mem>>)
    %dma_start3A_20 = arith.constant 1 : i32
    %dma_start3A_21 = arith.constant 0 : i32
    %dma_start3A_22 = tpu.memref_slice %arg5[%dma_start3A_20, %dma_start3A_21] : memref<80x125xi32, #tpu.memory_space<vmem>> -> memref<1x125xi32, #tpu.memory_space<vmem>>
    %dma_start3A_23 = tpu.memref_squeeze %dma_start3A_22 : memref<1x125xi32, #tpu.memory_space<vmem>> -> memref<125xi32, #tpu.memory_space<vmem>>
    %dma_start3A_24 = arith.constant 0 : i32
    %dma_start3A_25 = arith.constant 0 : i32
    %dma_start3A_26 = tpu.memref_slice %arg24[%dma_start3A_24, %dma_start3A_25] : memref<10112x16xf32, #tpu.memory_space<vmem_shared>> -> memref<10112x16xf32, #tpu.memory_space<vmem_shared>>
    tpu.enqueue_indirect_dma source(%dma_start3A_26 : memref<10112x16xf32, #tpu.memory_space<vmem_shared>>) target(%arg8 : memref<125x16xf32, #tpu.memory_space<vmem>>) offsets(%dma_start3A_23 : memref<125xi32, #tpu.memory_space<vmem>>) semaphore(%arg27 : memref<!tpu.dma_semaphore, #tpu.memory_space<semaphore_mem>>)
    %dma_start3A_27 = arith.constant 2 : i32
    %dma_start3A_28 = arith.constant 0 : i32
    %dma_start3A_29 = tpu.memref_slice %arg5[%dma_start3A_27, %dma_start3A_28] : memref<80x125xi32, #tpu.memory_space<vmem>> -> memref<1x125xi32, #tpu.memory_space<vmem>>
    %dma_start3A_30 = tpu.memref_squeeze %dma_start3A_29 : memref<1x125xi32, #tpu.memory_space<vmem>> -> memref<125xi32, #tpu.memory_space<vmem>>
    %dma_start3A_31 = arith.constant 0 : i32
    %dma_start3A_32 = arith.constant 0 : i32
    %dma_start3A_33 = tpu.memref_slice %arg24[%dma_start3A_31, %dma_start3A_32] : memref<10112x16xf32, #tpu.memory_space<vmem_shared>> -> memref<10112x16xf32, #tpu.memory_space<vmem_shared>>
    tpu.enqueue_indirect_dma source(%dma_start3A_33 : memref<10112x16xf32, #tpu.memory_space<vmem_shared>>) target(%arg9 : memref<125x16xf32, #tpu.memory_space<vmem>>) offsets(%dma_start3A_30 : memref<125xi32, #tpu.memory_space<vmem>>) semaphore(%arg28 : memref<!tpu.dma_semaphore, #tpu.memory_space<semaphore_mem>>)
    %dma_start3A_34 = arith.constant 3 : i32
    %dma_start3A_35 = arith.constant 0 : i32
    %dma_start3A_36 = tpu.memref_slice %arg5[%dma_start3A_34, %dma_start3A_35] : memref<80x125xi32, #tpu.memory_space<vmem>> -> memref<1x125xi32, #tpu.memory_space<vmem>>
    %dma_start3A_37 = tpu.memref_squeeze %dma_start3A_36 : memref<1x125xi32, #tpu.memory_space<vmem>> -> memref<125xi32, #tpu.memory_space<vmem>>
    %dma_start3A_38 = arith.constant 0 : i32
    %dma_start3A_39 = arith.constant 0 : i32
    %dma_start3A_40 = tpu.memref_slice %arg24[%dma_start3A_38, %dma_start3A_39] : memref<10112x16xf32, #tpu.memory_space<vmem_shared>> -> memref<10112x16xf32, #tpu.memory_space<vmem_shared>>
    tpu.enqueue_indirect_dma source(%dma_start3A_40 : memref<10112x16xf32, #tpu.memory_space<vmem_shared>>) target(%arg10 : memref<125x16xf32, #tpu.memory_space<vmem>>) offsets(%dma_start3A_37 : memref<125xi32, #tpu.memory_space<vmem>>) semaphore(%arg29 : memref<!tpu.dma_semaphore, #tpu.memory_space<semaphore_mem>>)
    %dma_start3A_41 = arith.constant 4 : i32
    %dma_start3A_42 = arith.constant 0 : i32
    %dma_start3A_43 = tpu.memref_slice %arg5[%dma_start3A_41, %dma_start3A_42] : memref<80x125xi32, #tpu.memory_space<vmem>> -> memref<1x125xi32, #tpu.memory_space<vmem>>
    %dma_start3A_44 = tpu.memref_squeeze %dma_start3A_43 : memref<1x125xi32, #tpu.memory_space<vmem>> -> memref<125xi32, #tpu.memory_space<vmem>>
    %dma_start3A_45 = arith.constant 0 : i32
    %dma_start3A_46 = arith.constant 0 : i32
    %dma_start3A_47 = tpu.memref_slice %arg24[%dma_start3A_45, %dma_start3A_46] : memref<10112x16xf32, #tpu.memory_space<vmem_shared>> -> memref<10112x16xf32, #tpu.memory_space<vmem_shared>>
    tpu.enqueue_indirect_dma source(%dma_start3A_47 : memref<10112x16xf32, #tpu.memory_space<vmem_shared>>) target(%arg11 : memref<125x16xf32, #tpu.memory_space<vmem>>) offsets(%dma_start3A_44 : memref<125xi32, #tpu.memory_space<vmem>>) semaphore(%arg30 : memref<!tpu.dma_semaphore, #tpu.memory_space<semaphore_mem>>)
    %dma_start3A_48 = arith.constant 5 : i32
    %dma_start3A_49 = arith.constant 0 : i32
    %dma_start3A_50 = tpu.memref_slice %arg5[%dma_start3A_48, %dma_start3A_49] : memref<80x125xi32, #tpu.memory_space<vmem>> -> memref<1x125xi32, #tpu.memory_space<vmem>>
    %dma_start3A_51 = tpu.memref_squeeze %dma_start3A_50 : memref<1x125xi32, #tpu.memory_space<vmem>> -> memref<125xi32, #tpu.memory_space<vmem>>
    %dma_start3A_52 = arith.constant 0 : i32
    %dma_start3A_53 = arith.constant 0 : i32
    %dma_start3A_54 = tpu.memref_slice %arg24[%dma_start3A_52, %dma_start3A_53] : memref<10112x16xf32, #tpu.memory_space<vmem_shared>> -> memref<10112x16xf32, #tpu.memory_space<vmem_shared>>
    tpu.enqueue_indirect_dma source(%dma_start3A_54 : memref<10112x16xf32, #tpu.memory_space<vmem_shared>>) target(%arg12 : memref<125x16xf32, #tpu.memory_space<vmem>>) offsets(%dma_start3A_51 : memref<125xi32, #tpu.memory_space<vmem>>) semaphore(%arg31 : memref<!tpu.dma_semaphore, #tpu.memory_space<semaphore_mem>>)
    %dma_start3A_55 = arith.constant 6 : i32
    %dma_start3A_56 = arith.constant 0 : i32
    %dma_start3A_57 = tpu.memref_slice %arg5[%dma_start3A_55, %dma_start3A_56] : memref<80x125xi32, #tpu.memory_space<vmem>> -> memref<1x125xi32, #tpu.memory_space<vmem>>
    %dma_start3A_58 = tpu.memref_squeeze %dma_start3A_57 : memref<1x125xi32, #tpu.memory_space<vmem>> -> memref<125xi32, #tpu.memory_space<vmem>>
    %dma_start3A_59 = arith.constant 0 : i32
    %dma_start3A_60 = arith.constant 0 : i32
    %dma_start3A_61 = tpu.memref_slice %arg24[%dma_start3A_59, %dma_start3A_60] : memref<10112x16xf32, #tpu.memory_space<vmem_shared>> -> memref<10112x16xf32, #tpu.memory_space<vmem_shared>>
    tpu.enqueue_indirect_dma source(%dma_start3A_61 : memref<10112x16xf32, #tpu.memory_space<vmem_shared>>) target(%arg13 : memref<125x16xf32, #tpu.memory_space<vmem>>) offsets(%dma_start3A_58 : memref<125xi32, #tpu.memory_space<vmem>>) semaphore(%arg32 : memref<!tpu.dma_semaphore, #tpu.memory_space<semaphore_mem>>)
    %dma_start3A_62 = arith.constant 7 : i32
    %dma_start3A_63 = arith.constant 0 : i32
    %dma_start3A_64 = tpu.memref_slice %arg5[%dma_start3A_62, %dma_start3A_63] : memref<80x125xi32, #tpu.memory_space<vmem>> -> memref<1x125xi32, #tpu.memory_space<vmem>>
    %dma_start3A_65 = tpu.memref_squeeze %dma_start3A_64 : memref<1x125xi32, #tpu.memory_space<vmem>> -> memref<125xi32, #tpu.memory_space<vmem>>
    %dma_start3A_66 = arith.constant 0 : i32
    %dma_start3A_67 = arith.constant 0 : i32
    %dma_start3A_68 = tpu.memref_slice %arg24[%dma_start3A_66, %dma_start3A_67] : memref<10112x16xf32, #tpu.memory_space<vmem_shared>> -> memref<10112x16xf32, #tpu.memory_space<vmem_shared>>
    tpu.enqueue_indirect_dma source(%dma_start3A_68 : memref<10112x16xf32, #tpu.memory_space<vmem_shared>>) target(%arg14 : memref<125x16xf32, #tpu.memory_space<vmem>>) offsets(%dma_start3A_65 : memref<125xi32, #tpu.memory_space<vmem>>) semaphore(%arg33 : memref<!tpu.dma_semaphore, #tpu.memory_space<semaphore_mem>>)
    %scan3A_69 = arith.constant 0 : i32
    %scan3A_70 = arith.constant 0 : i32
    %scan3A_71 = arith.constant 5 : i32
    %scan3A_72 = arith.addi %scan3A_70, %scan3A_71 : i32
    %scan3A_73 = arith.constant 1 : i32
    scf.for %scan3A_135 = %scan3A_70 to %scan3A_72 step %scan3A_73  : i32 {
      %mul3A_136 = arith.constant 16 : i32
      %mul3A_137 = arith.muli %mul3A_136, %scan3A_135 : i32
      %add3A_138 = arith.constant 0 : i32
      %add3A_139 = arith.addi %mul3A_137, %add3A_138 : i32
      %dma_wait3A_140 = arith.constant 0 : i32
      %dma_wait3A_141 = arith.constant 0 : i32
      %dma_wait3A_142 = tpu.memref_slice %arg5[%dma_wait3A_140, %dma_wait3A_141] : memref<80x125xi32, #tpu.memory_space<vmem>> -> memref<1x125xi32, #tpu.memory_space<vmem>>
      %dma_wait3A_143 = tpu.memref_squeeze %dma_wait3A_142 : memref<1x125xi32, #tpu.memory_space<vmem>> -> memref<125xi32, #tpu.memory_space<vmem>>
      %dma_wait3A_144 = arith.constant 0 : i32
      %dma_wait3A_145 = arith.constant 0 : i32
      %dma_wait3A_146 = tpu.memref_slice %arg2[%dma_wait3A_144, %dma_wait3A_145] : memref<10112x16xf32, #tpu.memory_space<hbm>> -> memref<10112x16xf32, #tpu.memory_space<hbm>>
      tpu.wait_indirect_dma semaphore(%arg26 : memref<!tpu.dma_semaphore, #tpu.memory_space<semaphore_mem>>) src(%dma_wait3A_146 : memref<10112x16xf32, #tpu.memory_space<hbm>>) dst(%arg7 : memref<125x16xf32, #tpu.memory_space<vmem>>)
      %gt3A = arith.constant 0 : i32
      %gt3A_147 = arith.cmpi sgt, %scan3A_135, %gt3A : i32
      %convert_element_type3A = arith.extui %gt3A_147 : i1 to i32
      %cond3A = arith.constant 0 : i32
      %cond3A_148 = arith.cmpi ne, %convert_element_type3A, %cond3A : i32
      scf.if %cond3A_148 {
        %dma_wait3A_604 = arith.constant 0 : i32
        %dma_wait3A_605 = arith.constant 0 : i32
        %dma_wait3A_606 = tpu.memref_slice %arg5[%dma_wait3A_604, %dma_wait3A_605] : memref<80x125xi32, #tpu.memory_space<vmem>> -> memref<1x125xi32, #tpu.memory_space<vmem>>
        %dma_wait3A_607 = tpu.memref_squeeze %dma_wait3A_606 : memref<1x125xi32, #tpu.memory_space<vmem>> -> memref<125xi32, #tpu.memory_space<vmem>>
        %dma_wait3A_608 = arith.constant 0 : i32
        %dma_wait3A_609 = arith.constant 0 : i32
        %dma_wait3A_610 = tpu.memref_slice %arg2[%dma_wait3A_608, %dma_wait3A_609] : memref<10112x16xf32, #tpu.memory_space<hbm>> -> memref<10112x16xf32, #tpu.memory_space<hbm>>
        tpu.wait_indirect_dma semaphore(%arg34 : memref<!tpu.dma_semaphore, #tpu.memory_space<semaphore_mem>>) src(%dma_wait3A_610 : memref<10112x16xf32, #tpu.memory_space<hbm>>) dst(%arg15 : memref<125x16xf32, #tpu.memory_space<vmem>>)
      } else {
      }
      %add3A_149 = arith.constant 8 : i32
      %add3A_150 = arith.addi %add3A_139, %add3A_149 : i32
      %dma_start3A_151 = arith.constant 0 : i32
      %dma_start3A_152 = tpu.memref_slice %arg5[%add3A_150, %dma_start3A_151] : memref<80x125xi32, #tpu.memory_space<vmem>> -> memref<1x125xi32, #tpu.memory_space<vmem>>
      %dma_start3A_153 = tpu.memref_squeeze %dma_start3A_152 : memref<1x125xi32, #tpu.memory_space<vmem>> -> memref<125xi32, #tpu.memory_space<vmem>>
      %dma_start3A_154 = arith.constant 0 : i32
      %dma_start3A_155 = arith.constant 0 : i32
      %dma_start3A_156 = tpu.memref_slice %arg24[%dma_start3A_154, %dma_start3A_155] : memref<10112x16xf32, #tpu.memory_space<vmem_shared>> -> memref<10112x16xf32, #tpu.memory_space<vmem_shared>>
      tpu.enqueue_indirect_dma source(%dma_start3A_156 : memref<10112x16xf32, #tpu.memory_space<vmem_shared>>) target(%arg15 : memref<125x16xf32, #tpu.memory_space<vmem>>) offsets(%dma_start3A_153 : memref<125xi32, #tpu.memory_space<vmem>>) semaphore(%arg26 : memref<!tpu.dma_semaphore, #tpu.memory_space<semaphore_mem>>)
      %dma_start3A_157 = arith.constant 0 : i32
      %dma_start3A_158 = tpu.memref_slice %arg6[%add3A_139, %dma_start3A_157] : memref<80x125xi32, #tpu.memory_space<vmem>> -> memref<1x125xi32, #tpu.memory_space<vmem>>
      %dma_start3A_159 = tpu.memref_squeeze %dma_start3A_158 : memref<1x125xi32, #tpu.memory_space<vmem>> -> memref<125xi32, #tpu.memory_space<vmem>>
      %dma_start3A_160 = arith.constant 0 : i32
      %dma_start3A_161 = arith.constant 0 : i32
      %dma_start3A_162 = tpu.memref_slice %arg25[%dma_start3A_160, %dma_start3A_161] : memref<10112x16xf32, #tpu.memory_space<vmem_shared>> -> memref<10112x16xf32, #tpu.memory_space<vmem_shared>>
      tpu.enqueue_indirect_dma source(%arg7 : memref<125x16xf32, #tpu.memory_space<vmem>>) target(%dma_start3A_162 : memref<10112x16xf32, #tpu.memory_space<vmem_shared>>) offsets(%dma_start3A_159 : memref<125xi32, #tpu.memory_space<vmem>>) semaphore(%arg34 : memref<!tpu.dma_semaphore, #tpu.memory_space<semaphore_mem>>) {add = true}
      %mul3A_163 = arith.constant 16 : i32
      %mul3A_164 = arith.muli %mul3A_163, %scan3A_135 : i32
      %add3A_165 = arith.constant 1 : i32
      %add3A_166 = arith.addi %mul3A_164, %add3A_165 : i32
      %dma_wait3A_167 = arith.constant 0 : i32
      %dma_wait3A_168 = arith.constant 0 : i32
      %dma_wait3A_169 = tpu.memref_slice %arg5[%dma_wait3A_167, %dma_wait3A_168] : memref<80x125xi32, #tpu.memory_space<vmem>> -> memref<1x125xi32, #tpu.memory_space<vmem>>
      %dma_wait3A_170 = tpu.memref_squeeze %dma_wait3A_169 : memref<1x125xi32, #tpu.memory_space<vmem>> -> memref<125xi32, #tpu.memory_space<vmem>>
      %dma_wait3A_171 = arith.constant 0 : i32
      %dma_wait3A_172 = arith.constant 0 : i32
      %dma_wait3A_173 = tpu.memref_slice %arg2[%dma_wait3A_171, %dma_wait3A_172] : memref<10112x16xf32, #tpu.memory_space<hbm>> -> memref<10112x16xf32, #tpu.memory_space<hbm>>
      tpu.wait_indirect_dma semaphore(%arg27 : memref<!tpu.dma_semaphore, #tpu.memory_space<semaphore_mem>>) src(%dma_wait3A_173 : memref<10112x16xf32, #tpu.memory_space<hbm>>) dst(%arg8 : memref<125x16xf32, #tpu.memory_space<vmem>>)
      %gt3A_174 = arith.constant 0 : i32
      %gt3A_175 = arith.cmpi sgt, %scan3A_135, %gt3A_174 : i32
      %convert_element_type3A_176 = arith.extui %gt3A_175 : i1 to i32
      %cond3A_177 = arith.constant 0 : i32
      %cond3A_178 = arith.cmpi ne, %convert_element_type3A_176, %cond3A_177 : i32
      scf.if %cond3A_178 {
        %dma_wait3A_604 = arith.constant 0 : i32
        %dma_wait3A_605 = arith.constant 0 : i32
        %dma_wait3A_606 = tpu.memref_slice %arg5[%dma_wait3A_604, %dma_wait3A_605] : memref<80x125xi32, #tpu.memory_space<vmem>> -> memref<1x125xi32, #tpu.memory_space<vmem>>
        %dma_wait3A_607 = tpu.memref_squeeze %dma_wait3A_606 : memref<1x125xi32, #tpu.memory_space<vmem>> -> memref<125xi32, #tpu.memory_space<vmem>>
        %dma_wait3A_608 = arith.constant 0 : i32
        %dma_wait3A_609 = arith.constant 0 : i32
        %dma_wait3A_610 = tpu.memref_slice %arg2[%dma_wait3A_608, %dma_wait3A_609] : memref<10112x16xf32, #tpu.memory_space<hbm>> -> memref<10112x16xf32, #tpu.memory_space<hbm>>
        tpu.wait_indirect_dma semaphore(%arg35 : memref<!tpu.dma_semaphore, #tpu.memory_space<semaphore_mem>>) src(%dma_wait3A_610 : memref<10112x16xf32, #tpu.memory_space<hbm>>) dst(%arg16 : memref<125x16xf32, #tpu.memory_space<vmem>>)
      } else {
      }
      %add3A_179 = arith.constant 8 : i32
      %add3A_180 = arith.addi %add3A_166, %add3A_179 : i32
      %dma_start3A_181 = arith.constant 0 : i32
      %dma_start3A_182 = tpu.memref_slice %arg5[%add3A_180, %dma_start3A_181] : memref<80x125xi32, #tpu.memory_space<vmem>> -> memref<1x125xi32, #tpu.memory_space<vmem>>
      %dma_start3A_183 = tpu.memref_squeeze %dma_start3A_182 : memref<1x125xi32, #tpu.memory_space<vmem>> -> memref<125xi32, #tpu.memory_space<vmem>>
      %dma_start3A_184 = arith.constant 0 : i32
      %dma_start3A_185 = arith.constant 0 : i32
      %dma_start3A_186 = tpu.memref_slice %arg24[%dma_start3A_184, %dma_start3A_185] : memref<10112x16xf32, #tpu.memory_space<vmem_shared>> -> memref<10112x16xf32, #tpu.memory_space<vmem_shared>>
      tpu.enqueue_indirect_dma source(%dma_start3A_186 : memref<10112x16xf32, #tpu.memory_space<vmem_shared>>) target(%arg16 : memref<125x16xf32, #tpu.memory_space<vmem>>) offsets(%dma_start3A_183 : memref<125xi32, #tpu.memory_space<vmem>>) semaphore(%arg27 : memref<!tpu.dma_semaphore, #tpu.memory_space<semaphore_mem>>)
      %dma_start3A_187 = arith.constant 0 : i32
      %dma_start3A_188 = tpu.memref_slice %arg6[%add3A_166, %dma_start3A_187] : memref<80x125xi32, #tpu.memory_space<vmem>> -> memref<1x125xi32, #tpu.memory_space<vmem>>
      %dma_start3A_189 = tpu.memref_squeeze %dma_start3A_188 : memref<1x125xi32, #tpu.memory_space<vmem>> -> memref<125xi32, #tpu.memory_space<vmem>>
      %dma_start3A_190 = arith.constant 0 : i32
      %dma_start3A_191 = arith.constant 0 : i32
      %dma_start3A_192 = tpu.memref_slice %arg25[%dma_start3A_190, %dma_start3A_191] : memref<10112x16xf32, #tpu.memory_space<vmem_shared>> -> memref<10112x16xf32, #tpu.memory_space<vmem_shared>>
      tpu.enqueue_indirect_dma source(%arg8 : memref<125x16xf32, #tpu.memory_space<vmem>>) target(%dma_start3A_192 : memref<10112x16xf32, #tpu.memory_space<vmem_shared>>) offsets(%dma_start3A_189 : memref<125xi32, #tpu.memory_space<vmem>>) semaphore(%arg35 : memref<!tpu.dma_semaphore, #tpu.memory_space<semaphore_mem>>) {add = true}
      %mul3A_193 = arith.constant 16 : i32
      %mul3A_194 = arith.muli %mul3A_193, %scan3A_135 : i32
      %add3A_195 = arith.constant 2 : i32
      %add3A_196 = arith.addi %mul3A_194, %add3A_195 : i32
      %dma_wait3A_197 = arith.constant 0 : i32
      %dma_wait3A_198 = arith.constant 0 : i32
      %dma_wait3A_199 = tpu.memref_slice %arg5[%dma_wait3A_197, %dma_wait3A_198] : memref<80x125xi32, #tpu.memory_space<vmem>> -> memref<1x125xi32, #tpu.memory_space<vmem>>
      %dma_wait3A_200 = tpu.memref_squeeze %dma_wait3A_199 : memref<1x125xi32, #tpu.memory_space<vmem>> -> memref<125xi32, #tpu.memory_space<vmem>>
      %dma_wait3A_201 = arith.constant 0 : i32
      %dma_wait3A_202 = arith.constant 0 : i32
      %dma_wait3A_203 = tpu.memref_slice %arg2[%dma_wait3A_201, %dma_wait3A_202] : memref<10112x16xf32, #tpu.memory_space<hbm>> -> memref<10112x16xf32, #tpu.memory_space<hbm>>
      tpu.wait_indirect_dma semaphore(%arg28 : memref<!tpu.dma_semaphore, #tpu.memory_space<semaphore_mem>>) src(%dma_wait3A_203 : memref<10112x16xf32, #tpu.memory_space<hbm>>) dst(%arg9 : memref<125x16xf32, #tpu.memory_space<vmem>>)
      %gt3A_204 = arith.constant 0 : i32
      %gt3A_205 = arith.cmpi sgt, %scan3A_135, %gt3A_204 : i32
      %convert_element_type3A_206 = arith.extui %gt3A_205 : i1 to i32
      %cond3A_207 = arith.constant 0 : i32
      %cond3A_208 = arith.cmpi ne, %convert_element_type3A_206, %cond3A_207 : i32
      scf.if %cond3A_208 {
        %dma_wait3A_604 = arith.constant 0 : i32
        %dma_wait3A_605 = arith.constant 0 : i32
        %dma_wait3A_606 = tpu.memref_slice %arg5[%dma_wait3A_604, %dma_wait3A_605] : memref<80x125xi32, #tpu.memory_space<vmem>> -> memref<1x125xi32, #tpu.memory_space<vmem>>
        %dma_wait3A_607 = tpu.memref_squeeze %dma_wait3A_606 : memref<1x125xi32, #tpu.memory_space<vmem>> -> memref<125xi32, #tpu.memory_space<vmem>>
        %dma_wait3A_608 = arith.constant 0 : i32
        %dma_wait3A_609 = arith.constant 0 : i32
        %dma_wait3A_610 = tpu.memref_slice %arg2[%dma_wait3A_608, %dma_wait3A_609] : memref<10112x16xf32, #tpu.memory_space<hbm>> -> memref<10112x16xf32, #tpu.memory_space<hbm>>
        tpu.wait_indirect_dma semaphore(%arg36 : memref<!tpu.dma_semaphore, #tpu.memory_space<semaphore_mem>>) src(%dma_wait3A_610 : memref<10112x16xf32, #tpu.memory_space<hbm>>) dst(%arg17 : memref<125x16xf32, #tpu.memory_space<vmem>>)
      } else {
      }
      %add3A_209 = arith.constant 8 : i32
      %add3A_210 = arith.addi %add3A_196, %add3A_209 : i32
      %dma_start3A_211 = arith.constant 0 : i32
      %dma_start3A_212 = tpu.memref_slice %arg5[%add3A_210, %dma_start3A_211] : memref<80x125xi32, #tpu.memory_space<vmem>> -> memref<1x125xi32, #tpu.memory_space<vmem>>
      %dma_start3A_213 = tpu.memref_squeeze %dma_start3A_212 : memref<1x125xi32, #tpu.memory_space<vmem>> -> memref<125xi32, #tpu.memory_space<vmem>>
      %dma_start3A_214 = arith.constant 0 : i32
      %dma_start3A_215 = arith.constant 0 : i32
      %dma_start3A_216 = tpu.memref_slice %arg24[%dma_start3A_214, %dma_start3A_215] : memref<10112x16xf32, #tpu.memory_space<vmem_shared>> -> memref<10112x16xf32, #tpu.memory_space<vmem_shared>>
      tpu.enqueue_indirect_dma source(%dma_start3A_216 : memref<10112x16xf32, #tpu.memory_space<vmem_shared>>) target(%arg17 : memref<125x16xf32, #tpu.memory_space<vmem>>) offsets(%dma_start3A_213 : memref<125xi32, #tpu.memory_space<vmem>>) semaphore(%arg28 : memref<!tpu.dma_semaphore, #tpu.memory_space<semaphore_mem>>)
      %dma_start3A_217 = arith.constant 0 : i32
      %dma_start3A_218 = tpu.memref_slice %arg6[%add3A_196, %dma_start3A_217] : memref<80x125xi32, #tpu.memory_space<vmem>> -> memref<1x125xi32, #tpu.memory_space<vmem>>
      %dma_start3A_219 = tpu.memref_squeeze %dma_start3A_218 : memref<1x125xi32, #tpu.memory_space<vmem>> -> memref<125xi32, #tpu.memory_space<vmem>>
      %dma_start3A_220 = arith.constant 0 : i32
      %dma_start3A_221 = arith.constant 0 : i32
      %dma_start3A_222 = tpu.memref_slice %arg25[%dma_start3A_220, %dma_start3A_221] : memref<10112x16xf32, #tpu.memory_space<vmem_shared>> -> memref<10112x16xf32, #tpu.memory_space<vmem_shared>>
      tpu.enqueue_indirect_dma source(%arg9 : memref<125x16xf32, #tpu.memory_space<vmem>>) target(%dma_start3A_222 : memref<10112x16xf32, #tpu.memory_space<vmem_shared>>) offsets(%dma_start3A_219 : memref<125xi32, #tpu.memory_space<vmem>>) semaphore(%arg36 : memref<!tpu.dma_semaphore, #tpu.memory_space<semaphore_mem>>) {add = true}
      %mul3A_223 = arith.constant 16 : i32
      %mul3A_224 = arith.muli %mul3A_223, %scan3A_135 : i32
      %add3A_225 = arith.constant 3 : i32
      %add3A_226 = arith.addi %mul3A_224, %add3A_225 : i32
      %dma_wait3A_227 = arith.constant 0 : i32
      %dma_wait3A_228 = arith.constant 0 : i32
      %dma_wait3A_229 = tpu.memref_slice %arg5[%dma_wait3A_227, %dma_wait3A_228] : memref<80x125xi32, #tpu.memory_space<vmem>> -> memref<1x125xi32, #tpu.memory_space<vmem>>
      %dma_wait3A_230 = tpu.memref_squeeze %dma_wait3A_229 : memref<1x125xi32, #tpu.memory_space<vmem>> -> memref<125xi32, #tpu.memory_space<vmem>>
      %dma_wait3A_231 = arith.constant 0 : i32
      %dma_wait3A_232 = arith.constant 0 : i32
      %dma_wait3A_233 = tpu.memref_slice %arg2[%dma_wait3A_231, %dma_wait3A_232] : memref<10112x16xf32, #tpu.memory_space<hbm>> -> memref<10112x16xf32, #tpu.memory_space<hbm>>
      tpu.wait_indirect_dma semaphore(%arg29 : memref<!tpu.dma_semaphore, #tpu.memory_space<semaphore_mem>>) src(%dma_wait3A_233 : memref<10112x16xf32, #tpu.memory_space<hbm>>) dst(%arg10 : memref<125x16xf32, #tpu.memory_space<vmem>>)
      %gt3A_234 = arith.constant 0 : i32
      %gt3A_235 = arith.cmpi sgt, %scan3A_135, %gt3A_234 : i32
      %convert_element_type3A_236 = arith.extui %gt3A_235 : i1 to i32
      %cond3A_237 = arith.constant 0 : i32
      %cond3A_238 = arith.cmpi ne, %convert_element_type3A_236, %cond3A_237 : i32
      scf.if %cond3A_238 {
        %dma_wait3A_604 = arith.constant 0 : i32
        %dma_wait3A_605 = arith.constant 0 : i32
        %dma_wait3A_606 = tpu.memref_slice %arg5[%dma_wait3A_604, %dma_wait3A_605] : memref<80x125xi32, #tpu.memory_space<vmem>> -> memref<1x125xi32, #tpu.memory_space<vmem>>
        %dma_wait3A_607 = tpu.memref_squeeze %dma_wait3A_606 : memref<1x125xi32, #tpu.memory_space<vmem>> -> memref<125xi32, #tpu.memory_space<vmem>>
        %dma_wait3A_608 = arith.constant 0 : i32
        %dma_wait3A_609 = arith.constant 0 : i32
        %dma_wait3A_610 = tpu.memref_slice %arg2[%dma_wait3A_608, %dma_wait3A_609] : memref<10112x16xf32, #tpu.memory_space<hbm>> -> memref<10112x16xf32, #tpu.memory_space<hbm>>
        tpu.wait_indirect_dma semaphore(%arg37 : memref<!tpu.dma_semaphore, #tpu.memory_space<semaphore_mem>>) src(%dma_wait3A_610 : memref<10112x16xf32, #tpu.memory_space<hbm>>) dst(%arg18 : memref<125x16xf32, #tpu.memory_space<vmem>>)
      } else {
      }
      %add3A_239 = arith.constant 8 : i32
      %add3A_240 = arith.addi %add3A_226, %add3A_239 : i32
      %dma_start3A_241 = arith.constant 0 : i32
      %dma_start3A_242 = tpu.memref_slice %arg5[%add3A_240, %dma_start3A_241] : memref<80x125xi32, #tpu.memory_space<vmem>> -> memref<1x125xi32, #tpu.memory_space<vmem>>
      %dma_start3A_243 = tpu.memref_squeeze %dma_start3A_242 : memref<1x125xi32, #tpu.memory_space<vmem>> -> memref<125xi32, #tpu.memory_space<vmem>>
      %dma_start3A_244 = arith.constant 0 : i32
      %dma_start3A_245 = arith.constant 0 : i32
      %dma_start3A_246 = tpu.memref_slice %arg24[%dma_start3A_244, %dma_start3A_245] : memref<10112x16xf32, #tpu.memory_space<vmem_shared>> -> memref<10112x16xf32, #tpu.memory_space<vmem_shared>>
      tpu.enqueue_indirect_dma source(%dma_start3A_246 : memref<10112x16xf32, #tpu.memory_space<vmem_shared>>) target(%arg18 : memref<125x16xf32, #tpu.memory_space<vmem>>) offsets(%dma_start3A_243 : memref<125xi32, #tpu.memory_space<vmem>>) semaphore(%arg29 : memref<!tpu.dma_semaphore, #tpu.memory_space<semaphore_mem>>)
      %dma_start3A_247 = arith.constant 0 : i32
      %dma_start3A_248 = tpu.memref_slice %arg6[%add3A_226, %dma_start3A_247] : memref<80x125xi32, #tpu.memory_space<vmem>> -> memref<1x125xi32, #tpu.memory_space<vmem>>
      %dma_start3A_249 = tpu.memref_squeeze %dma_start3A_248 : memref<1x125xi32, #tpu.memory_space<vmem>> -> memref<125xi32, #tpu.memory_space<vmem>>
      %dma_start3A_250 = arith.constant 0 : i32
      %dma_start3A_251 = arith.constant 0 : i32
      %dma_start3A_252 = tpu.memref_slice %arg25[%dma_start3A_250, %dma_start3A_251] : memref<10112x16xf32, #tpu.memory_space<vmem_shared>> -> memref<10112x16xf32, #tpu.memory_space<vmem_shared>>
      tpu.enqueue_indirect_dma source(%arg10 : memref<125x16xf32, #tpu.memory_space<vmem>>) target(%dma_start3A_252 : memref<10112x16xf32, #tpu.memory_space<vmem_shared>>) offsets(%dma_start3A_249 : memref<125xi32, #tpu.memory_space<vmem>>) semaphore(%arg37 : memref<!tpu.dma_semaphore, #tpu.memory_space<semaphore_mem>>) {add = true}
      %mul3A_253 = arith.constant 16 : i32
      %mul3A_254 = arith.muli %mul3A_253, %scan3A_135 : i32
      %add3A_255 = arith.constant 4 : i32
      %add3A_256 = arith.addi %mul3A_254, %add3A_255 : i32
      %dma_wait3A_257 = arith.constant 0 : i32
      %dma_wait3A_258 = arith.constant 0 : i32
      %dma_wait3A_259 = tpu.memref_slice %arg5[%dma_wait3A_257, %dma_wait3A_258] : memref<80x125xi32, #tpu.memory_space<vmem>> -> memref<1x125xi32, #tpu.memory_space<vmem>>
      %dma_wait3A_260 = tpu.memref_squeeze %dma_wait3A_259 : memref<1x125xi32, #tpu.memory_space<vmem>> -> memref<125xi32, #tpu.memory_space<vmem>>
      %dma_wait3A_261 = arith.constant 0 : i32
      %dma_wait3A_262 = arith.constant 0 : i32
      %dma_wait3A_263 = tpu.memref_slice %arg2[%dma_wait3A_261, %dma_wait3A_262] : memref<10112x16xf32, #tpu.memory_space<hbm>> -> memref<10112x16xf32, #tpu.memory_space<hbm>>
      tpu.wait_indirect_dma semaphore(%arg30 : memref<!tpu.dma_semaphore, #tpu.memory_space<semaphore_mem>>) src(%dma_wait3A_263 : memref<10112x16xf32, #tpu.memory_space<hbm>>) dst(%arg11 : memref<125x16xf32, #tpu.memory_space<vmem>>)
      %gt3A_264 = arith.constant 0 : i32
      %gt3A_265 = arith.cmpi sgt, %scan3A_135, %gt3A_264 : i32
      %convert_element_type3A_266 = arith.extui %gt3A_265 : i1 to i32
      %cond3A_267 = arith.constant 0 : i32
      %cond3A_268 = arith.cmpi ne, %convert_element_type3A_266, %cond3A_267 : i32
      scf.if %cond3A_268 {
        %dma_wait3A_604 = arith.constant 0 : i32
        %dma_wait3A_605 = arith.constant 0 : i32
        %dma_wait3A_606 = tpu.memref_slice %arg5[%dma_wait3A_604, %dma_wait3A_605] : memref<80x125xi32, #tpu.memory_space<vmem>> -> memref<1x125xi32, #tpu.memory_space<vmem>>
        %dma_wait3A_607 = tpu.memref_squeeze %dma_wait3A_606 : memref<1x125xi32, #tpu.memory_space<vmem>> -> memref<125xi32, #tpu.memory_space<vmem>>
        %dma_wait3A_608 = arith.constant 0 : i32
        %dma_wait3A_609 = arith.constant 0 : i32
        %dma_wait3A_610 = tpu.memref_slice %arg2[%dma_wait3A_608, %dma_wait3A_609] : memref<10112x16xf32, #tpu.memory_space<hbm>> -> memref<10112x16xf32, #tpu.memory_space<hbm>>
        tpu.wait_indirect_dma semaphore(%arg38 : memref<!tpu.dma_semaphore, #tpu.memory_space<semaphore_mem>>) src(%dma_wait3A_610 : memref<10112x16xf32, #tpu.memory_space<hbm>>) dst(%arg19 : memref<125x16xf32, #tpu.memory_space<vmem>>)
      } else {
      }
      %add3A_269 = arith.constant 8 : i32
      %add3A_270 = arith.addi %add3A_256, %add3A_269 : i32
      %dma_start3A_271 = arith.constant 0 : i32
      %dma_start3A_272 = tpu.memref_slice %arg5[%add3A_270, %dma_start3A_271] : memref<80x125xi32, #tpu.memory_space<vmem>> -> memref<1x125xi32, #tpu.memory_space<vmem>>
      %dma_start3A_273 = tpu.memref_squeeze %dma_start3A_272 : memref<1x125xi32, #tpu.memory_space<vmem>> -> memref<125xi32, #tpu.memory_space<vmem>>
      %dma_start3A_274 = arith.constant 0 : i32
      %dma_start3A_275 = arith.constant 0 : i32
      %dma_start3A_276 = tpu.memref_slice %arg24[%dma_start3A_274, %dma_start3A_275] : memref<10112x16xf32, #tpu.memory_space<vmem_shared>> -> memref<10112x16xf32, #tpu.memory_space<vmem_shared>>
      tpu.enqueue_indirect_dma source(%dma_start3A_276 : memref<10112x16xf32, #tpu.memory_space<vmem_shared>>) target(%arg19 : memref<125x16xf32, #tpu.memory_space<vmem>>) offsets(%dma_start3A_273 : memref<125xi32, #tpu.memory_space<vmem>>) semaphore(%arg30 : memref<!tpu.dma_semaphore, #tpu.memory_space<semaphore_mem>>)
      %dma_start3A_277 = arith.constant 0 : i32
      %dma_start3A_278 = tpu.memref_slice %arg6[%add3A_256, %dma_start3A_277] : memref<80x125xi32, #tpu.memory_space<vmem>> -> memref<1x125xi32, #tpu.memory_space<vmem>>
      %dma_start3A_279 = tpu.memref_squeeze %dma_start3A_278 : memref<1x125xi32, #tpu.memory_space<vmem>> -> memref<125xi32, #tpu.memory_space<vmem>>
      %dma_start3A_280 = arith.constant 0 : i32
      %dma_start3A_281 = arith.constant 0 : i32
      %dma_start3A_282 = tpu.memref_slice %arg25[%dma_start3A_280, %dma_start3A_281] : memref<10112x16xf32, #tpu.memory_space<vmem_shared>> -> memref<10112x16xf32, #tpu.memory_space<vmem_shared>>
      tpu.enqueue_indirect_dma source(%arg11 : memref<125x16xf32, #tpu.memory_space<vmem>>) target(%dma_start3A_282 : memref<10112x16xf32, #tpu.memory_space<vmem_shared>>) offsets(%dma_start3A_279 : memref<125xi32, #tpu.memory_space<vmem>>) semaphore(%arg38 : memref<!tpu.dma_semaphore, #tpu.memory_space<semaphore_mem>>) {add = true}
      %mul3A_283 = arith.constant 16 : i32
      %mul3A_284 = arith.muli %mul3A_283, %scan3A_135 : i32
      %add3A_285 = arith.constant 5 : i32
      %add3A_286 = arith.addi %mul3A_284, %add3A_285 : i32
      %dma_wait3A_287 = arith.constant 0 : i32
      %dma_wait3A_288 = arith.constant 0 : i32
      %dma_wait3A_289 = tpu.memref_slice %arg5[%dma_wait3A_287, %dma_wait3A_288] : memref<80x125xi32, #tpu.memory_space<vmem>> -> memref<1x125xi32, #tpu.memory_space<vmem>>
      %dma_wait3A_290 = tpu.memref_squeeze %dma_wait3A_289 : memref<1x125xi32, #tpu.memory_space<vmem>> -> memref<125xi32, #tpu.memory_space<vmem>>
      %dma_wait3A_291 = arith.constant 0 : i32
      %dma_wait3A_292 = arith.constant 0 : i32
      %dma_wait3A_293 = tpu.memref_slice %arg2[%dma_wait3A_291, %dma_wait3A_292] : memref<10112x16xf32, #tpu.memory_space<hbm>> -> memref<10112x16xf32, #tpu.memory_space<hbm>>
      tpu.wait_indirect_dma semaphore(%arg31 : memref<!tpu.dma_semaphore, #tpu.memory_space<semaphore_mem>>) src(%dma_wait3A_293 : memref<10112x16xf32, #tpu.memory_space<hbm>>) dst(%arg12 : memref<125x16xf32, #tpu.memory_space<vmem>>)
      %gt3A_294 = arith.constant 0 : i32
      %gt3A_295 = arith.cmpi sgt, %scan3A_135, %gt3A_294 : i32
      %convert_element_type3A_296 = arith.extui %gt3A_295 : i1 to i32
      %cond3A_297 = arith.constant 0 : i32
      %cond3A_298 = arith.cmpi ne, %convert_element_type3A_296, %cond3A_297 : i32
      scf.if %cond3A_298 {
        %dma_wait3A_604 = arith.constant 0 : i32
        %dma_wait3A_605 = arith.constant 0 : i32
        %dma_wait3A_606 = tpu.memref_slice %arg5[%dma_wait3A_604, %dma_wait3A_605] : memref<80x125xi32, #tpu.memory_space<vmem>> -> memref<1x125xi32, #tpu.memory_space<vmem>>
        %dma_wait3A_607 = tpu.memref_squeeze %dma_wait3A_606 : memref<1x125xi32, #tpu.memory_space<vmem>> -> memref<125xi32, #tpu.memory_space<vmem>>
        %dma_wait3A_608 = arith.constant 0 : i32
        %dma_wait3A_609 = arith.constant 0 : i32
        %dma_wait3A_610 = tpu.memref_slice %arg2[%dma_wait3A_608, %dma_wait3A_609] : memref<10112x16xf32, #tpu.memory_space<hbm>> -> memref<10112x16xf32, #tpu.memory_space<hbm>>
        tpu.wait_indirect_dma semaphore(%arg39 : memref<!tpu.dma_semaphore, #tpu.memory_space<semaphore_mem>>) src(%dma_wait3A_610 : memref<10112x16xf32, #tpu.memory_space<hbm>>) dst(%arg20 : memref<125x16xf32, #tpu.memory_space<vmem>>)
      } else {
      }
      %add3A_299 = arith.constant 8 : i32
      %add3A_300 = arith.addi %add3A_286, %add3A_299 : i32
      %dma_start3A_301 = arith.constant 0 : i32
      %dma_start3A_302 = tpu.memref_slice %arg5[%add3A_300, %dma_start3A_301] : memref<80x125xi32, #tpu.memory_space<vmem>> -> memref<1x125xi32, #tpu.memory_space<vmem>>
      %dma_start3A_303 = tpu.memref_squeeze %dma_start3A_302 : memref<1x125xi32, #tpu.memory_space<vmem>> -> memref<125xi32, #tpu.memory_space<vmem>>
      %dma_start3A_304 = arith.constant 0 : i32
      %dma_start3A_305 = arith.constant 0 : i32
      %dma_start3A_306 = tpu.memref_slice %arg24[%dma_start3A_304, %dma_start3A_305] : memref<10112x16xf32, #tpu.memory_space<vmem_shared>> -> memref<10112x16xf32, #tpu.memory_space<vmem_shared>>
      tpu.enqueue_indirect_dma source(%dma_start3A_306 : memref<10112x16xf32, #tpu.memory_space<vmem_shared>>) target(%arg20 : memref<125x16xf32, #tpu.memory_space<vmem>>) offsets(%dma_start3A_303 : memref<125xi32, #tpu.memory_space<vmem>>) semaphore(%arg31 : memref<!tpu.dma_semaphore, #tpu.memory_space<semaphore_mem>>)
      %dma_start3A_307 = arith.constant 0 : i32
      %dma_start3A_308 = tpu.memref_slice %arg6[%add3A_286, %dma_start3A_307] : memref<80x125xi32, #tpu.memory_space<vmem>> -> memref<1x125xi32, #tpu.memory_space<vmem>>
      %dma_start3A_309 = tpu.memref_squeeze %dma_start3A_308 : memref<1x125xi32, #tpu.memory_space<vmem>> -> memref<125xi32, #tpu.memory_space<vmem>>
      %dma_start3A_310 = arith.constant 0 : i32
      %dma_start3A_311 = arith.constant 0 : i32
      %dma_start3A_312 = tpu.memref_slice %arg25[%dma_start3A_310, %dma_start3A_311] : memref<10112x16xf32, #tpu.memory_space<vmem_shared>> -> memref<10112x16xf32, #tpu.memory_space<vmem_shared>>
      tpu.enqueue_indirect_dma source(%arg12 : memref<125x16xf32, #tpu.memory_space<vmem>>) target(%dma_start3A_312 : memref<10112x16xf32, #tpu.memory_space<vmem_shared>>) offsets(%dma_start3A_309 : memref<125xi32, #tpu.memory_space<vmem>>) semaphore(%arg39 : memref<!tpu.dma_semaphore, #tpu.memory_space<semaphore_mem>>) {add = true}
      %mul3A_313 = arith.constant 16 : i32
      %mul3A_314 = arith.muli %mul3A_313, %scan3A_135 : i32
      %add3A_315 = arith.constant 6 : i32
      %add3A_316 = arith.addi %mul3A_314, %add3A_315 : i32
      %dma_wait3A_317 = arith.constant 0 : i32
      %dma_wait3A_318 = arith.constant 0 : i32
      %dma_wait3A_319 = tpu.memref_slice %arg5[%dma_wait3A_317, %dma_wait3A_318] : memref<80x125xi32, #tpu.memory_space<vmem>> -> memref<1x125xi32, #tpu.memory_space<vmem>>
      %dma_wait3A_320 = tpu.memref_squeeze %dma_wait3A_319 : memref<1x125xi32, #tpu.memory_space<vmem>> -> memref<125xi32, #tpu.memory_space<vmem>>
      %dma_wait3A_321 = arith.constant 0 : i32
      %dma_wait3A_322 = arith.constant 0 : i32
      %dma_wait3A_323 = tpu.memref_slice %arg2[%dma_wait3A_321, %dma_wait3A_322] : memref<10112x16xf32, #tpu.memory_space<hbm>> -> memref<10112x16xf32, #tpu.memory_space<hbm>>
      tpu.wait_indirect_dma semaphore(%arg32 : memref<!tpu.dma_semaphore, #tpu.memory_space<semaphore_mem>>) src(%dma_wait3A_323 : memref<10112x16xf32, #tpu.memory_space<hbm>>) dst(%arg13 : memref<125x16xf32, #tpu.memory_space<vmem>>)
      %gt3A_324 = arith.constant 0 : i32
      %gt3A_325 = arith.cmpi sgt, %scan3A_135, %gt3A_324 : i32
      %convert_element_type3A_326 = arith.extui %gt3A_325 : i1 to i32
      %cond3A_327 = arith.constant 0 : i32
      %cond3A_328 = arith.cmpi ne, %convert_element_type3A_326, %cond3A_327 : i32
      scf.if %cond3A_328 {
        %dma_wait3A_604 = arith.constant 0 : i32
        %dma_wait3A_605 = arith.constant 0 : i32
        %dma_wait3A_606 = tpu.memref_slice %arg5[%dma_wait3A_604, %dma_wait3A_605] : memref<80x125xi32, #tpu.memory_space<vmem>> -> memref<1x125xi32, #tpu.memory_space<vmem>>
        %dma_wait3A_607 = tpu.memref_squeeze %dma_wait3A_606 : memref<1x125xi32, #tpu.memory_space<vmem>> -> memref<125xi32, #tpu.memory_space<vmem>>
        %dma_wait3A_608 = arith.constant 0 : i32
        %dma_wait3A_609 = arith.constant 0 : i32
        %dma_wait3A_610 = tpu.memref_slice %arg2[%dma_wait3A_608, %dma_wait3A_609] : memref<10112x16xf32, #tpu.memory_space<hbm>> -> memref<10112x16xf32, #tpu.memory_space<hbm>>
        tpu.wait_indirect_dma semaphore(%arg40 : memref<!tpu.dma_semaphore, #tpu.memory_space<semaphore_mem>>) src(%dma_wait3A_610 : memref<10112x16xf32, #tpu.memory_space<hbm>>) dst(%arg21 : memref<125x16xf32, #tpu.memory_space<vmem>>)
      } else {
      }
      %add3A_329 = arith.constant 8 : i32
      %add3A_330 = arith.addi %add3A_316, %add3A_329 : i32
      %dma_start3A_331 = arith.constant 0 : i32
      %dma_start3A_332 = tpu.memref_slice %arg5[%add3A_330, %dma_start3A_331] : memref<80x125xi32, #tpu.memory_space<vmem>> -> memref<1x125xi32, #tpu.memory_space<vmem>>
      %dma_start3A_333 = tpu.memref_squeeze %dma_start3A_332 : memref<1x125xi32, #tpu.memory_space<vmem>> -> memref<125xi32, #tpu.memory_space<vmem>>
      %dma_start3A_334 = arith.constant 0 : i32
      %dma_start3A_335 = arith.constant 0 : i32
      %dma_start3A_336 = tpu.memref_slice %arg24[%dma_start3A_334, %dma_start3A_335] : memref<10112x16xf32, #tpu.memory_space<vmem_shared>> -> memref<10112x16xf32, #tpu.memory_space<vmem_shared>>
      tpu.enqueue_indirect_dma source(%dma_start3A_336 : memref<10112x16xf32, #tpu.memory_space<vmem_shared>>) target(%arg21 : memref<125x16xf32, #tpu.memory_space<vmem>>) offsets(%dma_start3A_333 : memref<125xi32, #tpu.memory_space<vmem>>) semaphore(%arg32 : memref<!tpu.dma_semaphore, #tpu.memory_space<semaphore_mem>>)
      %dma_start3A_337 = arith.constant 0 : i32
      %dma_start3A_338 = tpu.memref_slice %arg6[%add3A_316, %dma_start3A_337] : memref<80x125xi32, #tpu.memory_space<vmem>> -> memref<1x125xi32, #tpu.memory_space<vmem>>
      %dma_start3A_339 = tpu.memref_squeeze %dma_start3A_338 : memref<1x125xi32, #tpu.memory_space<vmem>> -> memref<125xi32, #tpu.memory_space<vmem>>
      %dma_start3A_340 = arith.constant 0 : i32
      %dma_start3A_341 = arith.constant 0 : i32
      %dma_start3A_342 = tpu.memref_slice %arg25[%dma_start3A_340, %dma_start3A_341] : memref<10112x16xf32, #tpu.memory_space<vmem_shared>> -> memref<10112x16xf32, #tpu.memory_space<vmem_shared>>
      tpu.enqueue_indirect_dma source(%arg13 : memref<125x16xf32, #tpu.memory_space<vmem>>) target(%dma_start3A_342 : memref<10112x16xf32, #tpu.memory_space<vmem_shared>>) offsets(%dma_start3A_339 : memref<125xi32, #tpu.memory_space<vmem>>) semaphore(%arg40 : memref<!tpu.dma_semaphore, #tpu.memory_space<semaphore_mem>>) {add = true}
      %mul3A_343 = arith.constant 16 : i32
      %mul3A_344 = arith.muli %mul3A_343, %scan3A_135 : i32
      %add3A_345 = arith.constant 7 : i32
      %add3A_346 = arith.addi %mul3A_344, %add3A_345 : i32
      %dma_wait3A_347 = arith.constant 0 : i32
      %dma_wait3A_348 = arith.constant 0 : i32
      %dma_wait3A_349 = tpu.memref_slice %arg5[%dma_wait3A_347, %dma_wait3A_348] : memref<80x125xi32, #tpu.memory_space<vmem>> -> memref<1x125xi32, #tpu.memory_space<vmem>>
      %dma_wait3A_350 = tpu.memref_squeeze %dma_wait3A_349 : memref<1x125xi32, #tpu.memory_space<vmem>> -> memref<125xi32, #tpu.memory_space<vmem>>
      %dma_wait3A_351 = arith.constant 0 : i32
      %dma_wait3A_352 = arith.constant 0 : i32
      %dma_wait3A_353 = tpu.memref_slice %arg2[%dma_wait3A_351, %dma_wait3A_352] : memref<10112x16xf32, #tpu.memory_space<hbm>> -> memref<10112x16xf32, #tpu.memory_space<hbm>>
      tpu.wait_indirect_dma semaphore(%arg33 : memref<!tpu.dma_semaphore, #tpu.memory_space<semaphore_mem>>) src(%dma_wait3A_353 : memref<10112x16xf32, #tpu.memory_space<hbm>>) dst(%arg14 : memref<125x16xf32, #tpu.memory_space<vmem>>)
      %gt3A_354 = arith.constant 0 : i32
      %gt3A_355 = arith.cmpi sgt, %scan3A_135, %gt3A_354 : i32
      %convert_element_type3A_356 = arith.extui %gt3A_355 : i1 to i32
      %cond3A_357 = arith.constant 0 : i32
      %cond3A_358 = arith.cmpi ne, %convert_element_type3A_356, %cond3A_357 : i32
      scf.if %cond3A_358 {
        %dma_wait3A_604 = arith.constant 0 : i32
        %dma_wait3A_605 = arith.constant 0 : i32
        %dma_wait3A_606 = tpu.memref_slice %arg5[%dma_wait3A_604, %dma_wait3A_605] : memref<80x125xi32, #tpu.memory_space<vmem>> -> memref<1x125xi32, #tpu.memory_space<vmem>>
        %dma_wait3A_607 = tpu.memref_squeeze %dma_wait3A_606 : memref<1x125xi32, #tpu.memory_space<vmem>> -> memref<125xi32, #tpu.memory_space<vmem>>
        %dma_wait3A_608 = arith.constant 0 : i32
        %dma_wait3A_609 = arith.constant 0 : i32
        %dma_wait3A_610 = tpu.memref_slice %arg2[%dma_wait3A_608, %dma_wait3A_609] : memref<10112x16xf32, #tpu.memory_space<hbm>> -> memref<10112x16xf32, #tpu.memory_space<hbm>>
        tpu.wait_indirect_dma semaphore(%arg41 : memref<!tpu.dma_semaphore, #tpu.memory_space<semaphore_mem>>) src(%dma_wait3A_610 : memref<10112x16xf32, #tpu.memory_space<hbm>>) dst(%arg22 : memref<125x16xf32, #tpu.memory_space<vmem>>)
      } else {
      }
      %add3A_359 = arith.constant 8 : i32
      %add3A_360 = arith.addi %add3A_346, %add3A_359 : i32
      %dma_start3A_361 = arith.constant 0 : i32
      %dma_start3A_362 = tpu.memref_slice %arg5[%add3A_360, %dma_start3A_361] : memref<80x125xi32, #tpu.memory_space<vmem>> -> memref<1x125xi32, #tpu.memory_space<vmem>>
      %dma_start3A_363 = tpu.memref_squeeze %dma_start3A_362 : memref<1x125xi32, #tpu.memory_space<vmem>> -> memref<125xi32, #tpu.memory_space<vmem>>
      %dma_start3A_364 = arith.constant 0 : i32
      %dma_start3A_365 = arith.constant 0 : i32
      %dma_start3A_366 = tpu.memref_slice %arg24[%dma_start3A_364, %dma_start3A_365] : memref<10112x16xf32, #tpu.memory_space<vmem_shared>> -> memref<10112x16xf32, #tpu.memory_space<vmem_shared>>
      tpu.enqueue_indirect_dma source(%dma_start3A_366 : memref<10112x16xf32, #tpu.memory_space<vmem_shared>>) target(%arg22 : memref<125x16xf32, #tpu.memory_space<vmem>>) offsets(%dma_start3A_363 : memref<125xi32, #tpu.memory_space<vmem>>) semaphore(%arg33 : memref<!tpu.dma_semaphore, #tpu.memory_space<semaphore_mem>>)
      %dma_start3A_367 = arith.constant 0 : i32
      %dma_start3A_368 = tpu.memref_slice %arg6[%add3A_346, %dma_start3A_367] : memref<80x125xi32, #tpu.memory_space<vmem>> -> memref<1x125xi32, #tpu.memory_space<vmem>>
      %dma_start3A_369 = tpu.memref_squeeze %dma_start3A_368 : memref<1x125xi32, #tpu.memory_space<vmem>> -> memref<125xi32, #tpu.memory_space<vmem>>
      %dma_start3A_370 = arith.constant 0 : i32
      %dma_start3A_371 = arith.constant 0 : i32
      %dma_start3A_372 = tpu.memref_slice %arg25[%dma_start3A_370, %dma_start3A_371] : memref<10112x16xf32, #tpu.memory_space<vmem_shared>> -> memref<10112x16xf32, #tpu.memory_space<vmem_shared>>
      tpu.enqueue_indirect_dma source(%arg14 : memref<125x16xf32, #tpu.memory_space<vmem>>) target(%dma_start3A_372 : memref<10112x16xf32, #tpu.memory_space<vmem_shared>>) offsets(%dma_start3A_369 : memref<125xi32, #tpu.memory_space<vmem>>) semaphore(%arg41 : memref<!tpu.dma_semaphore, #tpu.memory_space<semaphore_mem>>) {add = true}
      %mul3A_373 = arith.constant 16 : i32
      %mul3A_374 = arith.muli %mul3A_373, %scan3A_135 : i32
      %add3A_375 = arith.constant 8 : i32
      %add3A_376 = arith.addi %mul3A_374, %add3A_375 : i32
      %dma_wait3A_377 = arith.constant 0 : i32
      %dma_wait3A_378 = arith.constant 0 : i32
      %dma_wait3A_379 = tpu.memref_slice %arg5[%dma_wait3A_377, %dma_wait3A_378] : memref<80x125xi32, #tpu.memory_space<vmem>> -> memref<1x125xi32, #tpu.memory_space<vmem>>
      %dma_wait3A_380 = tpu.memref_squeeze %dma_wait3A_379 : memref<1x125xi32, #tpu.memory_space<vmem>> -> memref<125xi32, #tpu.memory_space<vmem>>
      %dma_wait3A_381 = arith.constant 0 : i32
      %dma_wait3A_382 = arith.constant 0 : i32
      %dma_wait3A_383 = tpu.memref_slice %arg2[%dma_wait3A_381, %dma_wait3A_382] : memref<10112x16xf32, #tpu.memory_space<hbm>> -> memref<10112x16xf32, #tpu.memory_space<hbm>>
      tpu.wait_indirect_dma semaphore(%arg26 : memref<!tpu.dma_semaphore, #tpu.memory_space<semaphore_mem>>) src(%dma_wait3A_383 : memref<10112x16xf32, #tpu.memory_space<hbm>>) dst(%arg15 : memref<125x16xf32, #tpu.memory_space<vmem>>)
      %dma_wait3A_384 = arith.constant 0 : i32
      %dma_wait3A_385 = arith.constant 0 : i32
      %dma_wait3A_386 = tpu.memref_slice %arg5[%dma_wait3A_384, %dma_wait3A_385] : memref<80x125xi32, #tpu.memory_space<vmem>> -> memref<1x125xi32, #tpu.memory_space<vmem>>
      %dma_wait3A_387 = tpu.memref_squeeze %dma_wait3A_386 : memref<1x125xi32, #tpu.memory_space<vmem>> -> memref<125xi32, #tpu.memory_space<vmem>>
      %dma_wait3A_388 = arith.constant 0 : i32
      %dma_wait3A_389 = arith.constant 0 : i32
      %dma_wait3A_390 = tpu.memref_slice %arg2[%dma_wait3A_388, %dma_wait3A_389] : memref<10112x16xf32, #tpu.memory_space<hbm>> -> memref<10112x16xf32, #tpu.memory_space<hbm>>
      tpu.wait_indirect_dma semaphore(%arg34 : memref<!tpu.dma_semaphore, #tpu.memory_space<semaphore_mem>>) src(%dma_wait3A_390 : memref<10112x16xf32, #tpu.memory_space<hbm>>) dst(%arg7 : memref<125x16xf32, #tpu.memory_space<vmem>>)
      %lt3A = arith.constant 4 : i32
      %lt3A_391 = arith.cmpi slt, %scan3A_135, %lt3A : i32
      %convert_element_type3A_392 = arith.extui %lt3A_391 : i1 to i32
      %cond3A_393 = arith.constant 0 : i32
      %cond3A_394 = arith.cmpi ne, %convert_element_type3A_392, %cond3A_393 : i32
      scf.if %cond3A_394 {
        %add3A_604 = arith.constant 8 : i32
        %add3A_605 = arith.addi %add3A_376, %add3A_604 : i32
        %dma_start3A_606 = arith.constant 0 : i32
        %dma_start3A_607 = tpu.memref_slice %arg5[%add3A_605, %dma_start3A_606] : memref<80x125xi32, #tpu.memory_space<vmem>> -> memref<1x125xi32, #tpu.memory_space<vmem>>
        %dma_start3A_608 = tpu.memref_squeeze %dma_start3A_607 : memref<1x125xi32, #tpu.memory_space<vmem>> -> memref<125xi32, #tpu.memory_space<vmem>>
        %dma_start3A_609 = arith.constant 0 : i32
        %dma_start3A_610 = arith.constant 0 : i32
        %dma_start3A_611 = tpu.memref_slice %arg24[%dma_start3A_609, %dma_start3A_610] : memref<10112x16xf32, #tpu.memory_space<vmem_shared>> -> memref<10112x16xf32, #tpu.memory_space<vmem_shared>>
        tpu.enqueue_indirect_dma source(%dma_start3A_611 : memref<10112x16xf32, #tpu.memory_space<vmem_shared>>) target(%arg7 : memref<125x16xf32, #tpu.memory_space<vmem>>) offsets(%dma_start3A_608 : memref<125xi32, #tpu.memory_space<vmem>>) semaphore(%arg26 : memref<!tpu.dma_semaphore, #tpu.memory_space<semaphore_mem>>)
      } else {
      }
      %dma_start3A_395 = arith.constant 0 : i32
      %dma_start3A_396 = tpu.memref_slice %arg6[%add3A_376, %dma_start3A_395] : memref<80x125xi32, #tpu.memory_space<vmem>> -> memref<1x125xi32, #tpu.memory_space<vmem>>
      %dma_start3A_397 = tpu.memref_squeeze %dma_start3A_396 : memref<1x125xi32, #tpu.memory_space<vmem>> -> memref<125xi32, #tpu.memory_space<vmem>>
      %dma_start3A_398 = arith.constant 0 : i32
      %dma_start3A_399 = arith.constant 0 : i32
      %dma_start3A_400 = tpu.memref_slice %arg25[%dma_start3A_398, %dma_start3A_399] : memref<10112x16xf32, #tpu.memory_space<vmem_shared>> -> memref<10112x16xf32, #tpu.memory_space<vmem_shared>>
      tpu.enqueue_indirect_dma source(%arg15 : memref<125x16xf32, #tpu.memory_space<vmem>>) target(%dma_start3A_400 : memref<10112x16xf32, #tpu.memory_space<vmem_shared>>) offsets(%dma_start3A_397 : memref<125xi32, #tpu.memory_space<vmem>>) semaphore(%arg34 : memref<!tpu.dma_semaphore, #tpu.memory_space<semaphore_mem>>) {add = true}
      %mul3A_401 = arith.constant 16 : i32
      %mul3A_402 = arith.muli %mul3A_401, %scan3A_135 : i32
      %add3A_403 = arith.constant 9 : i32
      %add3A_404 = arith.addi %mul3A_402, %add3A_403 : i32
      %dma_wait3A_405 = arith.constant 0 : i32
      %dma_wait3A_406 = arith.constant 0 : i32
      %dma_wait3A_407 = tpu.memref_slice %arg5[%dma_wait3A_405, %dma_wait3A_406] : memref<80x125xi32, #tpu.memory_space<vmem>> -> memref<1x125xi32, #tpu.memory_space<vmem>>
      %dma_wait3A_408 = tpu.memref_squeeze %dma_wait3A_407 : memref<1x125xi32, #tpu.memory_space<vmem>> -> memref<125xi32, #tpu.memory_space<vmem>>
      %dma_wait3A_409 = arith.constant 0 : i32
      %dma_wait3A_410 = arith.constant 0 : i32
      %dma_wait3A_411 = tpu.memref_slice %arg2[%dma_wait3A_409, %dma_wait3A_410] : memref<10112x16xf32, #tpu.memory_space<hbm>> -> memref<10112x16xf32, #tpu.memory_space<hbm>>
      tpu.wait_indirect_dma semaphore(%arg27 : memref<!tpu.dma_semaphore, #tpu.memory_space<semaphore_mem>>) src(%dma_wait3A_411 : memref<10112x16xf32, #tpu.memory_space<hbm>>) dst(%arg16 : memref<125x16xf32, #tpu.memory_space<vmem>>)
      %dma_wait3A_412 = arith.constant 0 : i32
      %dma_wait3A_413 = arith.constant 0 : i32
      %dma_wait3A_414 = tpu.memref_slice %arg5[%dma_wait3A_412, %dma_wait3A_413] : memref<80x125xi32, #tpu.memory_space<vmem>> -> memref<1x125xi32, #tpu.memory_space<vmem>>
      %dma_wait3A_415 = tpu.memref_squeeze %dma_wait3A_414 : memref<1x125xi32, #tpu.memory_space<vmem>> -> memref<125xi32, #tpu.memory_space<vmem>>
      %dma_wait3A_416 = arith.constant 0 : i32
      %dma_wait3A_417 = arith.constant 0 : i32
      %dma_wait3A_418 = tpu.memref_slice %arg2[%dma_wait3A_416, %dma_wait3A_417] : memref<10112x16xf32, #tpu.memory_space<hbm>> -> memref<10112x16xf32, #tpu.memory_space<hbm>>
      tpu.wait_indirect_dma semaphore(%arg35 : memref<!tpu.dma_semaphore, #tpu.memory_space<semaphore_mem>>) src(%dma_wait3A_418 : memref<10112x16xf32, #tpu.memory_space<hbm>>) dst(%arg8 : memref<125x16xf32, #tpu.memory_space<vmem>>)
      %lt3A_419 = arith.constant 4 : i32
      %lt3A_420 = arith.cmpi slt, %scan3A_135, %lt3A_419 : i32
      %convert_element_type3A_421 = arith.extui %lt3A_420 : i1 to i32
      %cond3A_422 = arith.constant 0 : i32
      %cond3A_423 = arith.cmpi ne, %convert_element_type3A_421, %cond3A_422 : i32
      scf.if %cond3A_423 {
        %add3A_604 = arith.constant 8 : i32
        %add3A_605 = arith.addi %add3A_404, %add3A_604 : i32
        %dma_start3A_606 = arith.constant 0 : i32
        %dma_start3A_607 = tpu.memref_slice %arg5[%add3A_605, %dma_start3A_606] : memref<80x125xi32, #tpu.memory_space<vmem>> -> memref<1x125xi32, #tpu.memory_space<vmem>>
        %dma_start3A_608 = tpu.memref_squeeze %dma_start3A_607 : memref<1x125xi32, #tpu.memory_space<vmem>> -> memref<125xi32, #tpu.memory_space<vmem>>
        %dma_start3A_609 = arith.constant 0 : i32
        %dma_start3A_610 = arith.constant 0 : i32
        %dma_start3A_611 = tpu.memref_slice %arg24[%dma_start3A_609, %dma_start3A_610] : memref<10112x16xf32, #tpu.memory_space<vmem_shared>> -> memref<10112x16xf32, #tpu.memory_space<vmem_shared>>
        tpu.enqueue_indirect_dma source(%dma_start3A_611 : memref<10112x16xf32, #tpu.memory_space<vmem_shared>>) target(%arg8 : memref<125x16xf32, #tpu.memory_space<vmem>>) offsets(%dma_start3A_608 : memref<125xi32, #tpu.memory_space<vmem>>) semaphore(%arg27 : memref<!tpu.dma_semaphore, #tpu.memory_space<semaphore_mem>>)
      } else {
      }
      %dma_start3A_424 = arith.constant 0 : i32
      %dma_start3A_425 = tpu.memref_slice %arg6[%add3A_404, %dma_start3A_424] : memref<80x125xi32, #tpu.memory_space<vmem>> -> memref<1x125xi32, #tpu.memory_space<vmem>>
      %dma_start3A_426 = tpu.memref_squeeze %dma_start3A_425 : memref<1x125xi32, #tpu.memory_space<vmem>> -> memref<125xi32, #tpu.memory_space<vmem>>
      %dma_start3A_427 = arith.constant 0 : i32
      %dma_start3A_428 = arith.constant 0 : i32
      %dma_start3A_429 = tpu.memref_slice %arg25[%dma_start3A_427, %dma_start3A_428] : memref<10112x16xf32, #tpu.memory_space<vmem_shared>> -> memref<10112x16xf32, #tpu.memory_space<vmem_shared>>
      tpu.enqueue_indirect_dma source(%arg16 : memref<125x16xf32, #tpu.memory_space<vmem>>) target(%dma_start3A_429 : memref<10112x16xf32, #tpu.memory_space<vmem_shared>>) offsets(%dma_start3A_426 : memref<125xi32, #tpu.memory_space<vmem>>) semaphore(%arg35 : memref<!tpu.dma_semaphore, #tpu.memory_space<semaphore_mem>>) {add = true}
      %mul3A_430 = arith.constant 16 : i32
      %mul3A_431 = arith.muli %mul3A_430, %scan3A_135 : i32
      %add3A_432 = arith.constant 10 : i32
      %add3A_433 = arith.addi %mul3A_431, %add3A_432 : i32
      %dma_wait3A_434 = arith.constant 0 : i32
      %dma_wait3A_435 = arith.constant 0 : i32
      %dma_wait3A_436 = tpu.memref_slice %arg5[%dma_wait3A_434, %dma_wait3A_435] : memref<80x125xi32, #tpu.memory_space<vmem>> -> memref<1x125xi32, #tpu.memory_space<vmem>>
      %dma_wait3A_437 = tpu.memref_squeeze %dma_wait3A_436 : memref<1x125xi32, #tpu.memory_space<vmem>> -> memref<125xi32, #tpu.memory_space<vmem>>
      %dma_wait3A_438 = arith.constant 0 : i32
      %dma_wait3A_439 = arith.constant 0 : i32
      %dma_wait3A_440 = tpu.memref_slice %arg2[%dma_wait3A_438, %dma_wait3A_439] : memref<10112x16xf32, #tpu.memory_space<hbm>> -> memref<10112x16xf32, #tpu.memory_space<hbm>>
      tpu.wait_indirect_dma semaphore(%arg28 : memref<!tpu.dma_semaphore, #tpu.memory_space<semaphore_mem>>) src(%dma_wait3A_440 : memref<10112x16xf32, #tpu.memory_space<hbm>>) dst(%arg17 : memref<125x16xf32, #tpu.memory_space<vmem>>)
      %dma_wait3A_441 = arith.constant 0 : i32
      %dma_wait3A_442 = arith.constant 0 : i32
      %dma_wait3A_443 = tpu.memref_slice %arg5[%dma_wait3A_441, %dma_wait3A_442] : memref<80x125xi32, #tpu.memory_space<vmem>> -> memref<1x125xi32, #tpu.memory_space<vmem>>
      %dma_wait3A_444 = tpu.memref_squeeze %dma_wait3A_443 : memref<1x125xi32, #tpu.memory_space<vmem>> -> memref<125xi32, #tpu.memory_space<vmem>>
      %dma_wait3A_445 = arith.constant 0 : i32
      %dma_wait3A_446 = arith.constant 0 : i32
      %dma_wait3A_447 = tpu.memref_slice %arg2[%dma_wait3A_445, %dma_wait3A_446] : memref<10112x16xf32, #tpu.memory_space<hbm>> -> memref<10112x16xf32, #tpu.memory_space<hbm>>
      tpu.wait_indirect_dma semaphore(%arg36 : memref<!tpu.dma_semaphore, #tpu.memory_space<semaphore_mem>>) src(%dma_wait3A_447 : memref<10112x16xf32, #tpu.memory_space<hbm>>) dst(%arg9 : memref<125x16xf32, #tpu.memory_space<vmem>>)
      %lt3A_448 = arith.constant 4 : i32
      %lt3A_449 = arith.cmpi slt, %scan3A_135, %lt3A_448 : i32
      %convert_element_type3A_450 = arith.extui %lt3A_449 : i1 to i32
      %cond3A_451 = arith.constant 0 : i32
      %cond3A_452 = arith.cmpi ne, %convert_element_type3A_450, %cond3A_451 : i32
      scf.if %cond3A_452 {
        %add3A_604 = arith.constant 8 : i32
        %add3A_605 = arith.addi %add3A_433, %add3A_604 : i32
        %dma_start3A_606 = arith.constant 0 : i32
        %dma_start3A_607 = tpu.memref_slice %arg5[%add3A_605, %dma_start3A_606] : memref<80x125xi32, #tpu.memory_space<vmem>> -> memref<1x125xi32, #tpu.memory_space<vmem>>
        %dma_start3A_608 = tpu.memref_squeeze %dma_start3A_607 : memref<1x125xi32, #tpu.memory_space<vmem>> -> memref<125xi32, #tpu.memory_space<vmem>>
        %dma_start3A_609 = arith.constant 0 : i32
        %dma_start3A_610 = arith.constant 0 : i32
        %dma_start3A_611 = tpu.memref_slice %arg24[%dma_start3A_609, %dma_start3A_610] : memref<10112x16xf32, #tpu.memory_space<vmem_shared>> -> memref<10112x16xf32, #tpu.memory_space<vmem_shared>>
        tpu.enqueue_indirect_dma source(%dma_start3A_611 : memref<10112x16xf32, #tpu.memory_space<vmem_shared>>) target(%arg9 : memref<125x16xf32, #tpu.memory_space<vmem>>) offsets(%dma_start3A_608 : memref<125xi32, #tpu.memory_space<vmem>>) semaphore(%arg28 : memref<!tpu.dma_semaphore, #tpu.memory_space<semaphore_mem>>)
      } else {
      }
      %dma_start3A_453 = arith.constant 0 : i32
      %dma_start3A_454 = tpu.memref_slice %arg6[%add3A_433, %dma_start3A_453] : memref<80x125xi32, #tpu.memory_space<vmem>> -> memref<1x125xi32, #tpu.memory_space<vmem>>
      %dma_start3A_455 = tpu.memref_squeeze %dma_start3A_454 : memref<1x125xi32, #tpu.memory_space<vmem>> -> memref<125xi32, #tpu.memory_space<vmem>>
      %dma_start3A_456 = arith.constant 0 : i32
      %dma_start3A_457 = arith.constant 0 : i32
      %dma_start3A_458 = tpu.memref_slice %arg25[%dma_start3A_456, %dma_start3A_457] : memref<10112x16xf32, #tpu.memory_space<vmem_shared>> -> memref<10112x16xf32, #tpu.memory_space<vmem_shared>>
      tpu.enqueue_indirect_dma source(%arg17 : memref<125x16xf32, #tpu.memory_space<vmem>>) target(%dma_start3A_458 : memref<10112x16xf32, #tpu.memory_space<vmem_shared>>) offsets(%dma_start3A_455 : memref<125xi32, #tpu.memory_space<vmem>>) semaphore(%arg36 : memref<!tpu.dma_semaphore, #tpu.memory_space<semaphore_mem>>) {add = true}
      %mul3A_459 = arith.constant 16 : i32
      %mul3A_460 = arith.muli %mul3A_459, %scan3A_135 : i32
      %add3A_461 = arith.constant 11 : i32
      %add3A_462 = arith.addi %mul3A_460, %add3A_461 : i32
      %dma_wait3A_463 = arith.constant 0 : i32
      %dma_wait3A_464 = arith.constant 0 : i32
      %dma_wait3A_465 = tpu.memref_slice %arg5[%dma_wait3A_463, %dma_wait3A_464] : memref<80x125xi32, #tpu.memory_space<vmem>> -> memref<1x125xi32, #tpu.memory_space<vmem>>
      %dma_wait3A_466 = tpu.memref_squeeze %dma_wait3A_465 : memref<1x125xi32, #tpu.memory_space<vmem>> -> memref<125xi32, #tpu.memory_space<vmem>>
      %dma_wait3A_467 = arith.constant 0 : i32
      %dma_wait3A_468 = arith.constant 0 : i32
      %dma_wait3A_469 = tpu.memref_slice %arg2[%dma_wait3A_467, %dma_wait3A_468] : memref<10112x16xf32, #tpu.memory_space<hbm>> -> memref<10112x16xf32, #tpu.memory_space<hbm>>
      tpu.wait_indirect_dma semaphore(%arg29 : memref<!tpu.dma_semaphore, #tpu.memory_space<semaphore_mem>>) src(%dma_wait3A_469 : memref<10112x16xf32, #tpu.memory_space<hbm>>) dst(%arg18 : memref<125x16xf32, #tpu.memory_space<vmem>>)
      %dma_wait3A_470 = arith.constant 0 : i32
      %dma_wait3A_471 = arith.constant 0 : i32
      %dma_wait3A_472 = tpu.memref_slice %arg5[%dma_wait3A_470, %dma_wait3A_471] : memref<80x125xi32, #tpu.memory_space<vmem>> -> memref<1x125xi32, #tpu.memory_space<vmem>>
      %dma_wait3A_473 = tpu.memref_squeeze %dma_wait3A_472 : memref<1x125xi32, #tpu.memory_space<vmem>> -> memref<125xi32, #tpu.memory_space<vmem>>
      %dma_wait3A_474 = arith.constant 0 : i32
      %dma_wait3A_475 = arith.constant 0 : i32
      %dma_wait3A_476 = tpu.memref_slice %arg2[%dma_wait3A_474, %dma_wait3A_475] : memref<10112x16xf32, #tpu.memory_space<hbm>> -> memref<10112x16xf32, #tpu.memory_space<hbm>>
      tpu.wait_indirect_dma semaphore(%arg37 : memref<!tpu.dma_semaphore, #tpu.memory_space<semaphore_mem>>) src(%dma_wait3A_476 : memref<10112x16xf32, #tpu.memory_space<hbm>>) dst(%arg10 : memref<125x16xf32, #tpu.memory_space<vmem>>)
      %lt3A_477 = arith.constant 4 : i32
      %lt3A_478 = arith.cmpi slt, %scan3A_135, %lt3A_477 : i32
      %convert_element_type3A_479 = arith.extui %lt3A_478 : i1 to i32
      %cond3A_480 = arith.constant 0 : i32
      %cond3A_481 = arith.cmpi ne, %convert_element_type3A_479, %cond3A_480 : i32
      scf.if %cond3A_481 {
        %add3A_604 = arith.constant 8 : i32
        %add3A_605 = arith.addi %add3A_462, %add3A_604 : i32
        %dma_start3A_606 = arith.constant 0 : i32
        %dma_start3A_607 = tpu.memref_slice %arg5[%add3A_605, %dma_start3A_606] : memref<80x125xi32, #tpu.memory_space<vmem>> -> memref<1x125xi32, #tpu.memory_space<vmem>>
        %dma_start3A_608 = tpu.memref_squeeze %dma_start3A_607 : memref<1x125xi32, #tpu.memory_space<vmem>> -> memref<125xi32, #tpu.memory_space<vmem>>
        %dma_start3A_609 = arith.constant 0 : i32
        %dma_start3A_610 = arith.constant 0 : i32
        %dma_start3A_611 = tpu.memref_slice %arg24[%dma_start3A_609, %dma_start3A_610] : memref<10112x16xf32, #tpu.memory_space<vmem_shared>> -> memref<10112x16xf32, #tpu.memory_space<vmem_shared>>
        tpu.enqueue_indirect_dma source(%dma_start3A_611 : memref<10112x16xf32, #tpu.memory_space<vmem_shared>>) target(%arg10 : memref<125x16xf32, #tpu.memory_space<vmem>>) offsets(%dma_start3A_608 : memref<125xi32, #tpu.memory_space<vmem>>) semaphore(%arg29 : memref<!tpu.dma_semaphore, #tpu.memory_space<semaphore_mem>>)
      } else {
      }
      %dma_start3A_482 = arith.constant 0 : i32
      %dma_start3A_483 = tpu.memref_slice %arg6[%add3A_462, %dma_start3A_482] : memref<80x125xi32, #tpu.memory_space<vmem>> -> memref<1x125xi32, #tpu.memory_space<vmem>>
      %dma_start3A_484 = tpu.memref_squeeze %dma_start3A_483 : memref<1x125xi32, #tpu.memory_space<vmem>> -> memref<125xi32, #tpu.memory_space<vmem>>
      %dma_start3A_485 = arith.constant 0 : i32
      %dma_start3A_486 = arith.constant 0 : i32
      %dma_start3A_487 = tpu.memref_slice %arg25[%dma_start3A_485, %dma_start3A_486] : memref<10112x16xf32, #tpu.memory_space<vmem_shared>> -> memref<10112x16xf32, #tpu.memory_space<vmem_shared>>
      tpu.enqueue_indirect_dma source(%arg18 : memref<125x16xf32, #tpu.memory_space<vmem>>) target(%dma_start3A_487 : memref<10112x16xf32, #tpu.memory_space<vmem_shared>>) offsets(%dma_start3A_484 : memref<125xi32, #tpu.memory_space<vmem>>) semaphore(%arg37 : memref<!tpu.dma_semaphore, #tpu.memory_space<semaphore_mem>>) {add = true}
      %mul3A_488 = arith.constant 16 : i32
      %mul3A_489 = arith.muli %mul3A_488, %scan3A_135 : i32
      %add3A_490 = arith.constant 12 : i32
      %add3A_491 = arith.addi %mul3A_489, %add3A_490 : i32
      %dma_wait3A_492 = arith.constant 0 : i32
      %dma_wait3A_493 = arith.constant 0 : i32
      %dma_wait3A_494 = tpu.memref_slice %arg5[%dma_wait3A_492, %dma_wait3A_493] : memref<80x125xi32, #tpu.memory_space<vmem>> -> memref<1x125xi32, #tpu.memory_space<vmem>>
      %dma_wait3A_495 = tpu.memref_squeeze %dma_wait3A_494 : memref<1x125xi32, #tpu.memory_space<vmem>> -> memref<125xi32, #tpu.memory_space<vmem>>
      %dma_wait3A_496 = arith.constant 0 : i32
      %dma_wait3A_497 = arith.constant 0 : i32
      %dma_wait3A_498 = tpu.memref_slice %arg2[%dma_wait3A_496, %dma_wait3A_497] : memref<10112x16xf32, #tpu.memory_space<hbm>> -> memref<10112x16xf32, #tpu.memory_space<hbm>>
      tpu.wait_indirect_dma semaphore(%arg30 : memref<!tpu.dma_semaphore, #tpu.memory_space<semaphore_mem>>) src(%dma_wait3A_498 : memref<10112x16xf32, #tpu.memory_space<hbm>>) dst(%arg19 : memref<125x16xf32, #tpu.memory_space<vmem>>)
      %dma_wait3A_499 = arith.constant 0 : i32
      %dma_wait3A_500 = arith.constant 0 : i32
      %dma_wait3A_501 = tpu.memref_slice %arg5[%dma_wait3A_499, %dma_wait3A_500] : memref<80x125xi32, #tpu.memory_space<vmem>> -> memref<1x125xi32, #tpu.memory_space<vmem>>
      %dma_wait3A_502 = tpu.memref_squeeze %dma_wait3A_501 : memref<1x125xi32, #tpu.memory_space<vmem>> -> memref<125xi32, #tpu.memory_space<vmem>>
      %dma_wait3A_503 = arith.constant 0 : i32
      %dma_wait3A_504 = arith.constant 0 : i32
      %dma_wait3A_505 = tpu.memref_slice %arg2[%dma_wait3A_503, %dma_wait3A_504] : memref<10112x16xf32, #tpu.memory_space<hbm>> -> memref<10112x16xf32, #tpu.memory_space<hbm>>
      tpu.wait_indirect_dma semaphore(%arg38 : memref<!tpu.dma_semaphore, #tpu.memory_space<semaphore_mem>>) src(%dma_wait3A_505 : memref<10112x16xf32, #tpu.memory_space<hbm>>) dst(%arg11 : memref<125x16xf32, #tpu.memory_space<vmem>>)
      %lt3A_506 = arith.constant 4 : i32
      %lt3A_507 = arith.cmpi slt, %scan3A_135, %lt3A_506 : i32
      %convert_element_type3A_508 = arith.extui %lt3A_507 : i1 to i32
      %cond3A_509 = arith.constant 0 : i32
      %cond3A_510 = arith.cmpi ne, %convert_element_type3A_508, %cond3A_509 : i32
      scf.if %cond3A_510 {
        %add3A_604 = arith.constant 8 : i32
        %add3A_605 = arith.addi %add3A_491, %add3A_604 : i32
        %dma_start3A_606 = arith.constant 0 : i32
        %dma_start3A_607 = tpu.memref_slice %arg5[%add3A_605, %dma_start3A_606] : memref<80x125xi32, #tpu.memory_space<vmem>> -> memref<1x125xi32, #tpu.memory_space<vmem>>
        %dma_start3A_608 = tpu.memref_squeeze %dma_start3A_607 : memref<1x125xi32, #tpu.memory_space<vmem>> -> memref<125xi32, #tpu.memory_space<vmem>>
        %dma_start3A_609 = arith.constant 0 : i32
        %dma_start3A_610 = arith.constant 0 : i32
        %dma_start3A_611 = tpu.memref_slice %arg24[%dma_start3A_609, %dma_start3A_610] : memref<10112x16xf32, #tpu.memory_space<vmem_shared>> -> memref<10112x16xf32, #tpu.memory_space<vmem_shared>>
        tpu.enqueue_indirect_dma source(%dma_start3A_611 : memref<10112x16xf32, #tpu.memory_space<vmem_shared>>) target(%arg11 : memref<125x16xf32, #tpu.memory_space<vmem>>) offsets(%dma_start3A_608 : memref<125xi32, #tpu.memory_space<vmem>>) semaphore(%arg30 : memref<!tpu.dma_semaphore, #tpu.memory_space<semaphore_mem>>)
      } else {
      }
      %dma_start3A_511 = arith.constant 0 : i32
      %dma_start3A_512 = tpu.memref_slice %arg6[%add3A_491, %dma_start3A_511] : memref<80x125xi32, #tpu.memory_space<vmem>> -> memref<1x125xi32, #tpu.memory_space<vmem>>
      %dma_start3A_513 = tpu.memref_squeeze %dma_start3A_512 : memref<1x125xi32, #tpu.memory_space<vmem>> -> memref<125xi32, #tpu.memory_space<vmem>>
      %dma_start3A_514 = arith.constant 0 : i32
      %dma_start3A_515 = arith.constant 0 : i32
      %dma_start3A_516 = tpu.memref_slice %arg25[%dma_start3A_514, %dma_start3A_515] : memref<10112x16xf32, #tpu.memory_space<vmem_shared>> -> memref<10112x16xf32, #tpu.memory_space<vmem_shared>>
      tpu.enqueue_indirect_dma source(%arg19 : memref<125x16xf32, #tpu.memory_space<vmem>>) target(%dma_start3A_516 : memref<10112x16xf32, #tpu.memory_space<vmem_shared>>) offsets(%dma_start3A_513 : memref<125xi32, #tpu.memory_space<vmem>>) semaphore(%arg38 : memref<!tpu.dma_semaphore, #tpu.memory_space<semaphore_mem>>) {add = true}
      %mul3A_517 = arith.constant 16 : i32
      %mul3A_518 = arith.muli %mul3A_517, %scan3A_135 : i32
      %add3A_519 = arith.constant 13 : i32
      %add3A_520 = arith.addi %mul3A_518, %add3A_519 : i32
      %dma_wait3A_521 = arith.constant 0 : i32
      %dma_wait3A_522 = arith.constant 0 : i32
      %dma_wait3A_523 = tpu.memref_slice %arg5[%dma_wait3A_521, %dma_wait3A_522] : memref<80x125xi32, #tpu.memory_space<vmem>> -> memref<1x125xi32, #tpu.memory_space<vmem>>
      %dma_wait3A_524 = tpu.memref_squeeze %dma_wait3A_523 : memref<1x125xi32, #tpu.memory_space<vmem>> -> memref<125xi32, #tpu.memory_space<vmem>>
      %dma_wait3A_525 = arith.constant 0 : i32
      %dma_wait3A_526 = arith.constant 0 : i32
      %dma_wait3A_527 = tpu.memref_slice %arg2[%dma_wait3A_525, %dma_wait3A_526] : memref<10112x16xf32, #tpu.memory_space<hbm>> -> memref<10112x16xf32, #tpu.memory_space<hbm>>
      tpu.wait_indirect_dma semaphore(%arg31 : memref<!tpu.dma_semaphore, #tpu.memory_space<semaphore_mem>>) src(%dma_wait3A_527 : memref<10112x16xf32, #tpu.memory_space<hbm>>) dst(%arg20 : memref<125x16xf32, #tpu.memory_space<vmem>>)
      %dma_wait3A_528 = arith.constant 0 : i32
      %dma_wait3A_529 = arith.constant 0 : i32
      %dma_wait3A_530 = tpu.memref_slice %arg5[%dma_wait3A_528, %dma_wait3A_529] : memref<80x125xi32, #tpu.memory_space<vmem>> -> memref<1x125xi32, #tpu.memory_space<vmem>>
      %dma_wait3A_531 = tpu.memref_squeeze %dma_wait3A_530 : memref<1x125xi32, #tpu.memory_space<vmem>> -> memref<125xi32, #tpu.memory_space<vmem>>
      %dma_wait3A_532 = arith.constant 0 : i32
      %dma_wait3A_533 = arith.constant 0 : i32
      %dma_wait3A_534 = tpu.memref_slice %arg2[%dma_wait3A_532, %dma_wait3A_533] : memref<10112x16xf32, #tpu.memory_space<hbm>> -> memref<10112x16xf32, #tpu.memory_space<hbm>>
      tpu.wait_indirect_dma semaphore(%arg39 : memref<!tpu.dma_semaphore, #tpu.memory_space<semaphore_mem>>) src(%dma_wait3A_534 : memref<10112x16xf32, #tpu.memory_space<hbm>>) dst(%arg12 : memref<125x16xf32, #tpu.memory_space<vmem>>)
      %lt3A_535 = arith.constant 4 : i32
      %lt3A_536 = arith.cmpi slt, %scan3A_135, %lt3A_535 : i32
      %convert_element_type3A_537 = arith.extui %lt3A_536 : i1 to i32
      %cond3A_538 = arith.constant 0 : i32
      %cond3A_539 = arith.cmpi ne, %convert_element_type3A_537, %cond3A_538 : i32
      scf.if %cond3A_539 {
        %add3A_604 = arith.constant 8 : i32
        %add3A_605 = arith.addi %add3A_520, %add3A_604 : i32
        %dma_start3A_606 = arith.constant 0 : i32
        %dma_start3A_607 = tpu.memref_slice %arg5[%add3A_605, %dma_start3A_606] : memref<80x125xi32, #tpu.memory_space<vmem>> -> memref<1x125xi32, #tpu.memory_space<vmem>>
        %dma_start3A_608 = tpu.memref_squeeze %dma_start3A_607 : memref<1x125xi32, #tpu.memory_space<vmem>> -> memref<125xi32, #tpu.memory_space<vmem>>
        %dma_start3A_609 = arith.constant 0 : i32
        %dma_start3A_610 = arith.constant 0 : i32
        %dma_start3A_611 = tpu.memref_slice %arg24[%dma_start3A_609, %dma_start3A_610] : memref<10112x16xf32, #tpu.memory_space<vmem_shared>> -> memref<10112x16xf32, #tpu.memory_space<vmem_shared>>
        tpu.enqueue_indirect_dma source(%dma_start3A_611 : memref<10112x16xf32, #tpu.memory_space<vmem_shared>>) target(%arg12 : memref<125x16xf32, #tpu.memory_space<vmem>>) offsets(%dma_start3A_608 : memref<125xi32, #tpu.memory_space<vmem>>) semaphore(%arg31 : memref<!tpu.dma_semaphore, #tpu.memory_space<semaphore_mem>>)
      } else {
      }
      %dma_start3A_540 = arith.constant 0 : i32
      %dma_start3A_541 = tpu.memref_slice %arg6[%add3A_520, %dma_start3A_540] : memref<80x125xi32, #tpu.memory_space<vmem>> -> memref<1x125xi32, #tpu.memory_space<vmem>>
      %dma_start3A_542 = tpu.memref_squeeze %dma_start3A_541 : memref<1x125xi32, #tpu.memory_space<vmem>> -> memref<125xi32, #tpu.memory_space<vmem>>
      %dma_start3A_543 = arith.constant 0 : i32
      %dma_start3A_544 = arith.constant 0 : i32
      %dma_start3A_545 = tpu.memref_slice %arg25[%dma_start3A_543, %dma_start3A_544] : memref<10112x16xf32, #tpu.memory_space<vmem_shared>> -> memref<10112x16xf32, #tpu.memory_space<vmem_shared>>
      tpu.enqueue_indirect_dma source(%arg20 : memref<125x16xf32, #tpu.memory_space<vmem>>) target(%dma_start3A_545 : memref<10112x16xf32, #tpu.memory_space<vmem_shared>>) offsets(%dma_start3A_542 : memref<125xi32, #tpu.memory_space<vmem>>) semaphore(%arg39 : memref<!tpu.dma_semaphore, #tpu.memory_space<semaphore_mem>>) {add = true}
      %mul3A_546 = arith.constant 16 : i32
      %mul3A_547 = arith.muli %mul3A_546, %scan3A_135 : i32
      %add3A_548 = arith.constant 14 : i32
      %add3A_549 = arith.addi %mul3A_547, %add3A_548 : i32
      %dma_wait3A_550 = arith.constant 0 : i32
      %dma_wait3A_551 = arith.constant 0 : i32
      %dma_wait3A_552 = tpu.memref_slice %arg5[%dma_wait3A_550, %dma_wait3A_551] : memref<80x125xi32, #tpu.memory_space<vmem>> -> memref<1x125xi32, #tpu.memory_space<vmem>>
      %dma_wait3A_553 = tpu.memref_squeeze %dma_wait3A_552 : memref<1x125xi32, #tpu.memory_space<vmem>> -> memref<125xi32, #tpu.memory_space<vmem>>
      %dma_wait3A_554 = arith.constant 0 : i32
      %dma_wait3A_555 = arith.constant 0 : i32
      %dma_wait3A_556 = tpu.memref_slice %arg2[%dma_wait3A_554, %dma_wait3A_555] : memref<10112x16xf32, #tpu.memory_space<hbm>> -> memref<10112x16xf32, #tpu.memory_space<hbm>>
      tpu.wait_indirect_dma semaphore(%arg32 : memref<!tpu.dma_semaphore, #tpu.memory_space<semaphore_mem>>) src(%dma_wait3A_556 : memref<10112x16xf32, #tpu.memory_space<hbm>>) dst(%arg21 : memref<125x16xf32, #tpu.memory_space<vmem>>)
      %dma_wait3A_557 = arith.constant 0 : i32
      %dma_wait3A_558 = arith.constant 0 : i32
      %dma_wait3A_559 = tpu.memref_slice %arg5[%dma_wait3A_557, %dma_wait3A_558] : memref<80x125xi32, #tpu.memory_space<vmem>> -> memref<1x125xi32, #tpu.memory_space<vmem>>
      %dma_wait3A_560 = tpu.memref_squeeze %dma_wait3A_559 : memref<1x125xi32, #tpu.memory_space<vmem>> -> memref<125xi32, #tpu.memory_space<vmem>>
      %dma_wait3A_561 = arith.constant 0 : i32
      %dma_wait3A_562 = arith.constant 0 : i32
      %dma_wait3A_563 = tpu.memref_slice %arg2[%dma_wait3A_561, %dma_wait3A_562] : memref<10112x16xf32, #tpu.memory_space<hbm>> -> memref<10112x16xf32, #tpu.memory_space<hbm>>
      tpu.wait_indirect_dma semaphore(%arg40 : memref<!tpu.dma_semaphore, #tpu.memory_space<semaphore_mem>>) src(%dma_wait3A_563 : memref<10112x16xf32, #tpu.memory_space<hbm>>) dst(%arg13 : memref<125x16xf32, #tpu.memory_space<vmem>>)
      %lt3A_564 = arith.constant 4 : i32
      %lt3A_565 = arith.cmpi slt, %scan3A_135, %lt3A_564 : i32
      %convert_element_type3A_566 = arith.extui %lt3A_565 : i1 to i32
      %cond3A_567 = arith.constant 0 : i32
      %cond3A_568 = arith.cmpi ne, %convert_element_type3A_566, %cond3A_567 : i32
      scf.if %cond3A_568 {
        %add3A_604 = arith.constant 8 : i32
        %add3A_605 = arith.addi %add3A_549, %add3A_604 : i32
        %dma_start3A_606 = arith.constant 0 : i32
        %dma_start3A_607 = tpu.memref_slice %arg5[%add3A_605, %dma_start3A_606] : memref<80x125xi32, #tpu.memory_space<vmem>> -> memref<1x125xi32, #tpu.memory_space<vmem>>
        %dma_start3A_608 = tpu.memref_squeeze %dma_start3A_607 : memref<1x125xi32, #tpu.memory_space<vmem>> -> memref<125xi32, #tpu.memory_space<vmem>>
        %dma_start3A_609 = arith.constant 0 : i32
        %dma_start3A_610 = arith.constant 0 : i32
        %dma_start3A_611 = tpu.memref_slice %arg24[%dma_start3A_609, %dma_start3A_610] : memref<10112x16xf32, #tpu.memory_space<vmem_shared>> -> memref<10112x16xf32, #tpu.memory_space<vmem_shared>>
        tpu.enqueue_indirect_dma source(%dma_start3A_611 : memref<10112x16xf32, #tpu.memory_space<vmem_shared>>) target(%arg13 : memref<125x16xf32, #tpu.memory_space<vmem>>) offsets(%dma_start3A_608 : memref<125xi32, #tpu.memory_space<vmem>>) semaphore(%arg32 : memref<!tpu.dma_semaphore, #tpu.memory_space<semaphore_mem>>)
      } else {
      }
      %dma_start3A_569 = arith.constant 0 : i32
      %dma_start3A_570 = tpu.memref_slice %arg6[%add3A_549, %dma_start3A_569] : memref<80x125xi32, #tpu.memory_space<vmem>> -> memref<1x125xi32, #tpu.memory_space<vmem>>
      %dma_start3A_571 = tpu.memref_squeeze %dma_start3A_570 : memref<1x125xi32, #tpu.memory_space<vmem>> -> memref<125xi32, #tpu.memory_space<vmem>>
      %dma_start3A_572 = arith.constant 0 : i32
      %dma_start3A_573 = arith.constant 0 : i32
      %dma_start3A_574 = tpu.memref_slice %arg25[%dma_start3A_572, %dma_start3A_573] : memref<10112x16xf32, #tpu.memory_space<vmem_shared>> -> memref<10112x16xf32, #tpu.memory_space<vmem_shared>>
      tpu.enqueue_indirect_dma source(%arg21 : memref<125x16xf32, #tpu.memory_space<vmem>>) target(%dma_start3A_574 : memref<10112x16xf32, #tpu.memory_space<vmem_shared>>) offsets(%dma_start3A_571 : memref<125xi32, #tpu.memory_space<vmem>>) semaphore(%arg40 : memref<!tpu.dma_semaphore, #tpu.memory_space<semaphore_mem>>) {add = true}
      %mul3A_575 = arith.constant 16 : i32
      %mul3A_576 = arith.muli %mul3A_575, %scan3A_135 : i32
      %add3A_577 = arith.constant 15 : i32
      %add3A_578 = arith.addi %mul3A_576, %add3A_577 : i32
      %dma_wait3A_579 = arith.constant 0 : i32
      %dma_wait3A_580 = arith.constant 0 : i32
      %dma_wait3A_581 = tpu.memref_slice %arg5[%dma_wait3A_579, %dma_wait3A_580] : memref<80x125xi32, #tpu.memory_space<vmem>> -> memref<1x125xi32, #tpu.memory_space<vmem>>
      %dma_wait3A_582 = tpu.memref_squeeze %dma_wait3A_581 : memref<1x125xi32, #tpu.memory_space<vmem>> -> memref<125xi32, #tpu.memory_space<vmem>>
      %dma_wait3A_583 = arith.constant 0 : i32
      %dma_wait3A_584 = arith.constant 0 : i32
      %dma_wait3A_585 = tpu.memref_slice %arg2[%dma_wait3A_583, %dma_wait3A_584] : memref<10112x16xf32, #tpu.memory_space<hbm>> -> memref<10112x16xf32, #tpu.memory_space<hbm>>
      tpu.wait_indirect_dma semaphore(%arg33 : memref<!tpu.dma_semaphore, #tpu.memory_space<semaphore_mem>>) src(%dma_wait3A_585 : memref<10112x16xf32, #tpu.memory_space<hbm>>) dst(%arg22 : memref<125x16xf32, #tpu.memory_space<vmem>>)
      %dma_wait3A_586 = arith.constant 0 : i32
      %dma_wait3A_587 = arith.constant 0 : i32
      %dma_wait3A_588 = tpu.memref_slice %arg5[%dma_wait3A_586, %dma_wait3A_587] : memref<80x125xi32, #tpu.memory_space<vmem>> -> memref<1x125xi32, #tpu.memory_space<vmem>>
      %dma_wait3A_589 = tpu.memref_squeeze %dma_wait3A_588 : memref<1x125xi32, #tpu.memory_space<vmem>> -> memref<125xi32, #tpu.memory_space<vmem>>
      %dma_wait3A_590 = arith.constant 0 : i32
      %dma_wait3A_591 = arith.constant 0 : i32
      %dma_wait3A_592 = tpu.memref_slice %arg2[%dma_wait3A_590, %dma_wait3A_591] : memref<10112x16xf32, #tpu.memory_space<hbm>> -> memref<10112x16xf32, #tpu.memory_space<hbm>>
      tpu.wait_indirect_dma semaphore(%arg41 : memref<!tpu.dma_semaphore, #tpu.memory_space<semaphore_mem>>) src(%dma_wait3A_592 : memref<10112x16xf32, #tpu.memory_space<hbm>>) dst(%arg14 : memref<125x16xf32, #tpu.memory_space<vmem>>)
      %lt3A_593 = arith.constant 4 : i32
      %lt3A_594 = arith.cmpi slt, %scan3A_135, %lt3A_593 : i32
      %convert_element_type3A_595 = arith.extui %lt3A_594 : i1 to i32
      %cond3A_596 = arith.constant 0 : i32
      %cond3A_597 = arith.cmpi ne, %convert_element_type3A_595, %cond3A_596 : i32
      scf.if %cond3A_597 {
        %add3A_604 = arith.constant 8 : i32
        %add3A_605 = arith.addi %add3A_578, %add3A_604 : i32
        %dma_start3A_606 = arith.constant 0 : i32
        %dma_start3A_607 = tpu.memref_slice %arg5[%add3A_605, %dma_start3A_606] : memref<80x125xi32, #tpu.memory_space<vmem>> -> memref<1x125xi32, #tpu.memory_space<vmem>>
        %dma_start3A_608 = tpu.memref_squeeze %dma_start3A_607 : memref<1x125xi32, #tpu.memory_space<vmem>> -> memref<125xi32, #tpu.memory_space<vmem>>
        %dma_start3A_609 = arith.constant 0 : i32
        %dma_start3A_610 = arith.constant 0 : i32
        %dma_start3A_611 = tpu.memref_slice %arg24[%dma_start3A_609, %dma_start3A_610] : memref<10112x16xf32, #tpu.memory_space<vmem_shared>> -> memref<10112x16xf32, #tpu.memory_space<vmem_shared>>
        tpu.enqueue_indirect_dma source(%dma_start3A_611 : memref<10112x16xf32, #tpu.memory_space<vmem_shared>>) target(%arg14 : memref<125x16xf32, #tpu.memory_space<vmem>>) offsets(%dma_start3A_608 : memref<125xi32, #tpu.memory_space<vmem>>) semaphore(%arg33 : memref<!tpu.dma_semaphore, #tpu.memory_space<semaphore_mem>>)
      } else {
      }
      %dma_start3A_598 = arith.constant 0 : i32
      %dma_start3A_599 = tpu.memref_slice %arg6[%add3A_578, %dma_start3A_598] : memref<80x125xi32, #tpu.memory_space<vmem>> -> memref<1x125xi32, #tpu.memory_space<vmem>>
      %dma_start3A_600 = tpu.memref_squeeze %dma_start3A_599 : memref<1x125xi32, #tpu.memory_space<vmem>> -> memref<125xi32, #tpu.memory_space<vmem>>
      %dma_start3A_601 = arith.constant 0 : i32
      %dma_start3A_602 = arith.constant 0 : i32
      %dma_start3A_603 = tpu.memref_slice %arg25[%dma_start3A_601, %dma_start3A_602] : memref<10112x16xf32, #tpu.memory_space<vmem_shared>> -> memref<10112x16xf32, #tpu.memory_space<vmem_shared>>
      tpu.enqueue_indirect_dma source(%arg22 : memref<125x16xf32, #tpu.memory_space<vmem>>) target(%dma_start3A_603 : memref<10112x16xf32, #tpu.memory_space<vmem_shared>>) offsets(%dma_start3A_600 : memref<125xi32, #tpu.memory_space<vmem>>) semaphore(%arg41 : memref<!tpu.dma_semaphore, #tpu.memory_space<semaphore_mem>>) {add = true}
    }
    %scan3A_74 = arith.constant 5 : i32
    %dma_wait3A = arith.constant 0 : i32
    %dma_wait3A_75 = arith.constant 0 : i32
    %dma_wait3A_76 = tpu.memref_slice %arg5[%dma_wait3A, %dma_wait3A_75] : memref<80x125xi32, #tpu.memory_space<vmem>> -> memref<1x125xi32, #tpu.memory_space<vmem>>
    %dma_wait3A_77 = tpu.memref_squeeze %dma_wait3A_76 : memref<1x125xi32, #tpu.memory_space<vmem>> -> memref<125xi32, #tpu.memory_space<vmem>>
    %dma_wait3A_78 = arith.constant 0 : i32
    %dma_wait3A_79 = arith.constant 0 : i32
    %dma_wait3A_80 = tpu.memref_slice %arg2[%dma_wait3A_78, %dma_wait3A_79] : memref<10112x16xf32, #tpu.memory_space<hbm>> -> memref<10112x16xf32, #tpu.memory_space<hbm>>
    tpu.wait_indirect_dma semaphore(%arg34 : memref<!tpu.dma_semaphore, #tpu.memory_space<semaphore_mem>>) src(%dma_wait3A_80 : memref<10112x16xf32, #tpu.memory_space<hbm>>) dst(%arg15 : memref<125x16xf32, #tpu.memory_space<vmem>>)
    %dma_wait3A_81 = arith.constant 0 : i32
    %dma_wait3A_82 = arith.constant 0 : i32
    %dma_wait3A_83 = tpu.memref_slice %arg5[%dma_wait3A_81, %dma_wait3A_82] : memref<80x125xi32, #tpu.memory_space<vmem>> -> memref<1x125xi32, #tpu.memory_space<vmem>>
    %dma_wait3A_84 = tpu.memref_squeeze %dma_wait3A_83 : memref<1x125xi32, #tpu.memory_space<vmem>> -> memref<125xi32, #tpu.memory_space<vmem>>
    %dma_wait3A_85 = arith.constant 0 : i32
    %dma_wait3A_86 = arith.constant 0 : i32
    %dma_wait3A_87 = tpu.memref_slice %arg2[%dma_wait3A_85, %dma_wait3A_86] : memref<10112x16xf32, #tpu.memory_space<hbm>> -> memref<10112x16xf32, #tpu.memory_space<hbm>>
    tpu.wait_indirect_dma semaphore(%arg35 : memref<!tpu.dma_semaphore, #tpu.memory_space<semaphore_mem>>) src(%dma_wait3A_87 : memref<10112x16xf32, #tpu.memory_space<hbm>>) dst(%arg16 : memref<125x16xf32, #tpu.memory_space<vmem>>)
    %dma_wait3A_88 = arith.constant 0 : i32
    %dma_wait3A_89 = arith.constant 0 : i32
    %dma_wait3A_90 = tpu.memref_slice %arg5[%dma_wait3A_88, %dma_wait3A_89] : memref<80x125xi32, #tpu.memory_space<vmem>> -> memref<1x125xi32, #tpu.memory_space<vmem>>
    %dma_wait3A_91 = tpu.memref_squeeze %dma_wait3A_90 : memref<1x125xi32, #tpu.memory_space<vmem>> -> memref<125xi32, #tpu.memory_space<vmem>>
    %dma_wait3A_92 = arith.constant 0 : i32
    %dma_wait3A_93 = arith.constant 0 : i32
    %dma_wait3A_94 = tpu.memref_slice %arg2[%dma_wait3A_92, %dma_wait3A_93] : memref<10112x16xf32, #tpu.memory_space<hbm>> -> memref<10112x16xf32, #tpu.memory_space<hbm>>
    tpu.wait_indirect_dma semaphore(%arg36 : memref<!tpu.dma_semaphore, #tpu.memory_space<semaphore_mem>>) src(%dma_wait3A_94 : memref<10112x16xf32, #tpu.memory_space<hbm>>) dst(%arg17 : memref<125x16xf32, #tpu.memory_space<vmem>>)
    %dma_wait3A_95 = arith.constant 0 : i32
    %dma_wait3A_96 = arith.constant 0 : i32
    %dma_wait3A_97 = tpu.memref_slice %arg5[%dma_wait3A_95, %dma_wait3A_96] : memref<80x125xi32, #tpu.memory_space<vmem>> -> memref<1x125xi32, #tpu.memory_space<vmem>>
    %dma_wait3A_98 = tpu.memref_squeeze %dma_wait3A_97 : memref<1x125xi32, #tpu.memory_space<vmem>> -> memref<125xi32, #tpu.memory_space<vmem>>
    %dma_wait3A_99 = arith.constant 0 : i32
    %dma_wait3A_100 = arith.constant 0 : i32
    %dma_wait3A_101 = tpu.memref_slice %arg2[%dma_wait3A_99, %dma_wait3A_100] : memref<10112x16xf32, #tpu.memory_space<hbm>> -> memref<10112x16xf32, #tpu.memory_space<hbm>>
    tpu.wait_indirect_dma semaphore(%arg37 : memref<!tpu.dma_semaphore, #tpu.memory_space<semaphore_mem>>) src(%dma_wait3A_101 : memref<10112x16xf32, #tpu.memory_space<hbm>>) dst(%arg18 : memref<125x16xf32, #tpu.memory_space<vmem>>)
    %dma_wait3A_102 = arith.constant 0 : i32
    %dma_wait3A_103 = arith.constant 0 : i32
    %dma_wait3A_104 = tpu.memref_slice %arg5[%dma_wait3A_102, %dma_wait3A_103] : memref<80x125xi32, #tpu.memory_space<vmem>> -> memref<1x125xi32, #tpu.memory_space<vmem>>
    %dma_wait3A_105 = tpu.memref_squeeze %dma_wait3A_104 : memref<1x125xi32, #tpu.memory_space<vmem>> -> memref<125xi32, #tpu.memory_space<vmem>>
    %dma_wait3A_106 = arith.constant 0 : i32
    %dma_wait3A_107 = arith.constant 0 : i32
    %dma_wait3A_108 = tpu.memref_slice %arg2[%dma_wait3A_106, %dma_wait3A_107] : memref<10112x16xf32, #tpu.memory_space<hbm>> -> memref<10112x16xf32, #tpu.memory_space<hbm>>
    tpu.wait_indirect_dma semaphore(%arg38 : memref<!tpu.dma_semaphore, #tpu.memory_space<semaphore_mem>>) src(%dma_wait3A_108 : memref<10112x16xf32, #tpu.memory_space<hbm>>) dst(%arg19 : memref<125x16xf32, #tpu.memory_space<vmem>>)
    %dma_wait3A_109 = arith.constant 0 : i32
    %dma_wait3A_110 = arith.constant 0 : i32
    %dma_wait3A_111 = tpu.memref_slice %arg5[%dma_wait3A_109, %dma_wait3A_110] : memref<80x125xi32, #tpu.memory_space<vmem>> -> memref<1x125xi32, #tpu.memory_space<vmem>>
    %dma_wait3A_112 = tpu.memref_squeeze %dma_wait3A_111 : memref<1x125xi32, #tpu.memory_space<vmem>> -> memref<125xi32, #tpu.memory_space<vmem>>
    %dma_wait3A_113 = arith.constant 0 : i32
    %dma_wait3A_114 = arith.constant 0 : i32
    %dma_wait3A_115 = tpu.memref_slice %arg2[%dma_wait3A_113, %dma_wait3A_114] : memref<10112x16xf32, #tpu.memory_space<hbm>> -> memref<10112x16xf32, #tpu.memory_space<hbm>>
    tpu.wait_indirect_dma semaphore(%arg39 : memref<!tpu.dma_semaphore, #tpu.memory_space<semaphore_mem>>) src(%dma_wait3A_115 : memref<10112x16xf32, #tpu.memory_space<hbm>>) dst(%arg20 : memref<125x16xf32, #tpu.memory_space<vmem>>)
    %dma_wait3A_116 = arith.constant 0 : i32
    %dma_wait3A_117 = arith.constant 0 : i32
    %dma_wait3A_118 = tpu.memref_slice %arg5[%dma_wait3A_116, %dma_wait3A_117] : memref<80x125xi32, #tpu.memory_space<vmem>> -> memref<1x125xi32, #tpu.memory_space<vmem>>
    %dma_wait3A_119 = tpu.memref_squeeze %dma_wait3A_118 : memref<1x125xi32, #tpu.memory_space<vmem>> -> memref<125xi32, #tpu.memory_space<vmem>>
    %dma_wait3A_120 = arith.constant 0 : i32
    %dma_wait3A_121 = arith.constant 0 : i32
    %dma_wait3A_122 = tpu.memref_slice %arg2[%dma_wait3A_120, %dma_wait3A_121] : memref<10112x16xf32, #tpu.memory_space<hbm>> -> memref<10112x16xf32, #tpu.memory_space<hbm>>
    tpu.wait_indirect_dma semaphore(%arg40 : memref<!tpu.dma_semaphore, #tpu.memory_space<semaphore_mem>>) src(%dma_wait3A_122 : memref<10112x16xf32, #tpu.memory_space<hbm>>) dst(%arg21 : memref<125x16xf32, #tpu.memory_space<vmem>>)
    %dma_wait3A_123 = arith.constant 0 : i32
    %dma_wait3A_124 = arith.constant 0 : i32
    %dma_wait3A_125 = tpu.memref_slice %arg5[%dma_wait3A_123, %dma_wait3A_124] : memref<80x125xi32, #tpu.memory_space<vmem>> -> memref<1x125xi32, #tpu.memory_space<vmem>>
    %dma_wait3A_126 = tpu.memref_squeeze %dma_wait3A_125 : memref<1x125xi32, #tpu.memory_space<vmem>> -> memref<125xi32, #tpu.memory_space<vmem>>
    %dma_wait3A_127 = arith.constant 0 : i32
    %dma_wait3A_128 = arith.constant 0 : i32
    %dma_wait3A_129 = tpu.memref_slice %arg2[%dma_wait3A_127, %dma_wait3A_128] : memref<10112x16xf32, #tpu.memory_space<hbm>> -> memref<10112x16xf32, #tpu.memory_space<hbm>>
    tpu.wait_indirect_dma semaphore(%arg41 : memref<!tpu.dma_semaphore, #tpu.memory_space<semaphore_mem>>) src(%dma_wait3A_129 : memref<10112x16xf32, #tpu.memory_space<hbm>>) dst(%arg22 : memref<125x16xf32, #tpu.memory_space<vmem>>)
    %barrier3A_130 = arith.constant 0 : index
    tpu.barrier barrier_id(%barrier3A_130)
    %mul3A_131 = arith.constant 632 : i32
    %mul3A_132 = arith.muli %arg1, %mul3A_131 : i32
    %mul3A_133 = arith.constant 632 : i32
    %mul3A_134 = arith.muli %arg1, %mul3A_133 : i32
    "tpu.region"() ({
      %run_scoped3A_135 = tpu.sem_alloc : memref<!tpu.dma_semaphore, #tpu.memory_space<semaphore_mem>>
      %dma_start3A_136 = arith.constant 0 : i32
      %dma_start3A_137 = tpu.memref_slice %arg4[%arg0, %mul3A_134, %dma_start3A_136] : memref<2x10112x16xf32, #tpu.memory_space<hbm>> -> memref<1x632x16xf32, #tpu.memory_space<hbm>>
      %dma_start3A_138 = tpu.memref_squeeze %dma_start3A_137 : memref<1x632x16xf32, #tpu.memory_space<hbm>> -> memref<632x16xf32, #tpu.memory_space<hbm>>
      %dma_start3A_139 = arith.constant 0 : i32
      %dma_start3A_140 = tpu.memref_slice %arg25[%mul3A_132, %dma_start3A_139] : memref<10112x16xf32, #tpu.memory_space<vmem_shared>> -> memref<632x16xf32, #tpu.memory_space<vmem_shared>>
      tpu.enqueue_dma source(%dma_start3A_140 : memref<632x16xf32, #tpu.memory_space<vmem_shared>>) target(%dma_start3A_138 : memref<632x16xf32, #tpu.memory_space<hbm>>) target_semaphore(%run_scoped3A_135 : memref<!tpu.dma_semaphore, #tpu.memory_space<semaphore_mem>>)
      %dma_wait3A_141 = arith.constant 0 : i32
      %dma_wait3A_142 = tpu.memref_slice %arg4[%arg0, %mul3A_134, %dma_wait3A_141] : memref<2x10112x16xf32, #tpu.memory_space<hbm>> -> memref<1x632x16xf32, #tpu.memory_space<hbm>>
      %dma_wait3A_143 = tpu.memref_squeeze %dma_wait3A_142 : memref<1x632x16xf32, #tpu.memory_space<hbm>> -> memref<632x16xf32, #tpu.memory_space<hbm>>
      %dma_wait3A_144 = arith.constant 0 : i32
      %dma_wait3A_145 = tpu.memref_slice %arg25[%mul3A_132, %dma_wait3A_144] : memref<10112x16xf32, #tpu.memory_space<vmem_shared>> -> memref<632x16xf32, #tpu.memory_space<vmem_shared>>
      tpu.wait_dma2 semaphore(%run_scoped3A_135 : memref<!tpu.dma_semaphore, #tpu.memory_space<semaphore_mem>>) src(%dma_wait3A_145 : memref<632x16xf32, #tpu.memory_space<vmem_shared>>) dst(%dma_wait3A_143 : memref<632x16xf32, #tpu.memory_space<hbm>>)
      tpu.yield
    }) : () -> ()
    return
  }
}

module attributes {stable_mosaic.version = 14 : i64} {
  func.func @_proj_body(%arg0: memref<1264x1024xf32, #tpu.memory_space<vmem>>, %arg1: memref<1024x128xf32, #tpu.memory_space<vmem>>, %arg2: memref<1024x128xf32, #tpu.memory_space<vmem>>, %arg3: memref<1x128xf32, #tpu.memory_space<vmem>>, %arg4: memref<1264x128xf32, #tpu.memory_space<vmem>>, %arg5: memref<1264x128xf32, #tpu.memory_space<vmem>>) attributes {dimension_semantics = [], scalar_prefetch = 0 : i64, scratch_operands = 0 : i64, tpu.core_type = #tpu.core_type<tc>} {
    %get3A = arith.constant 0 : index
    %get3A_0 = arith.constant 0 : index
    %get3A_1 = vector.load %arg0[%get3A, %get3A_0] : memref<1264x1024xf32, #tpu.memory_space<vmem>>, vector<1264x1024xf32>
    %get3A_2 = arith.constant 0 : index
    %get3A_3 = arith.constant 0 : index
    %get3A_4 = vector.load %arg1[%get3A_2, %get3A_3] : memref<1024x128xf32, #tpu.memory_space<vmem>>, vector<1024x128xf32>
    %dot_general3A = arith.constant dense<0.000000e+00> : vector<1264x128xf32>
    %dot_general3A_5 = tpu.matmul %get3A_1, %get3A_4, %dot_general3A {dimension_numbers = #tpu.dot_dimension_numbers<[1], [0], [0], [1], [0, 0, 1, 1], [], []>, transpose_lhs_hint = false} : vector<1264x1024xf32>, vector<1024x128xf32>, vector<1264x128xf32> -> vector<1264x128xf32>
    %swap3A = arith.constant 0 : index
    %swap3A_6 = arith.constant 0 : index
    %swap3A_7 = vector.load %arg4[%swap3A, %swap3A_6] : memref<1264x128xf32, #tpu.memory_space<vmem>>, vector<1264x128xf32>
    tpu.vector_store %arg4[%swap3A, %swap3A_6], %dot_general3A_5 {strides = array<i32>} : memref<1264x128xf32, #tpu.memory_space<vmem>>, vector<1264x128xf32>,
    %get3A_8 = arith.constant 0 : index
    %get3A_9 = arith.constant 0 : index
    %get3A_10 = vector.load %arg2[%get3A_8, %get3A_9] : memref<1024x128xf32, #tpu.memory_space<vmem>>, vector<1024x128xf32>
    %dot_general3A_11 = arith.constant dense<0.000000e+00> : vector<1264x128xf32>
    %dot_general3A_12 = tpu.matmul %get3A_1, %get3A_10, %dot_general3A_11 {dimension_numbers = #tpu.dot_dimension_numbers<[1], [0], [0], [1], [0, 0, 1, 1], [], []>, transpose_lhs_hint = false} : vector<1264x1024xf32>, vector<1024x128xf32>, vector<1264x128xf32> -> vector<1264x128xf32>
    %get3A_13 = arith.constant 0 : index
    %get3A_14 = arith.constant 0 : index
    %get3A_15 = vector.load %arg3[%get3A_13, %get3A_14] : memref<1x128xf32, #tpu.memory_space<vmem>>, vector<1x128xf32>
    %add3A = vector.broadcast %get3A_15 : vector<1x128xf32> to vector<1264x128xf32>
    %add3A_16 = arith.addf %dot_general3A_12, %add3A : vector<1264x128xf32>
    %swap3A_17 = arith.constant 0 : index
    %swap3A_18 = arith.constant 0 : index
    %swap3A_19 = vector.load %arg5[%swap3A_17, %swap3A_18] : memref<1264x128xf32, #tpu.memory_space<vmem>>, vector<1264x128xf32>
    tpu.vector_store %arg5[%swap3A_17, %swap3A_18], %add3A_16 {strides = array<i32>} : memref<1264x128xf32, #tpu.memory_space<vmem>>, vector<1264x128xf32>,
    return
  }
}

module attributes {stable_mosaic.version = 14 : i64} {
  func.func @_mid_body(%arg0: memref<2x1264x128xf32, #tpu.memory_space<vmem>>, %arg1: memref<2x1264x128xf32, #tpu.memory_space<vmem>>, %arg2: memref<1264x128xf32, #tpu.memory_space<vmem>>, %arg3: memref<128x128xf32, #tpu.memory_space<vmem>>, %arg4: memref<128x128xf32, #tpu.memory_space<vmem>>, %arg5: memref<1x128xf32, #tpu.memory_space<vmem>>, %arg6: memref<1264x128xf32, #tpu.memory_space<vmem>>, %arg7: memref<1264x128xf32, #tpu.memory_space<vmem>>, %arg8: memref<1264x128xf32, #tpu.memory_space<vmem>>) attributes {dimension_semantics = [], scalar_prefetch = 0 : i64, scratch_operands = 0 : i64, tpu.core_type = #tpu.core_type<tc>} {
    %get3A = arith.constant 0 : index
    %get3A_0 = arith.constant 0 : index
    %get3A_1 = arith.constant 0 : index
    %get3A_2 = vector.load %arg1[%get3A, %get3A_0, %get3A_1] : memref<2x1264x128xf32, #tpu.memory_space<vmem>>, vector<1x1264x128xf32>
    %get3A_3 = vector.shape_cast %get3A_2 : vector<1x1264x128xf32> to vector<1264x128xf32>
    %get3A_4 = arith.constant 1 : index
    %get3A_5 = arith.constant 0 : index
    %get3A_6 = arith.constant 0 : index
    %get3A_7 = vector.load %arg1[%get3A_4, %get3A_5, %get3A_6] : memref<2x1264x128xf32, #tpu.memory_space<vmem>>, vector<1x1264x128xf32>
    %get3A_8 = vector.shape_cast %get3A_7 : vector<1x1264x128xf32> to vector<1264x128xf32>
    %add3A = arith.addf %get3A_3, %get3A_8 : vector<1264x128xf32>
    %max3A = arith.constant 1.000000e+00 : f32
    %max3A_9 = vector.broadcast %max3A : f32 to vector<1264x128xf32>
    %max3A_10 = arith.maximumf %add3A, %max3A_9 : vector<1264x128xf32>
    %get3A_11 = arith.constant 0 : index
    %get3A_12 = arith.constant 0 : index
    %get3A_13 = arith.constant 0 : index
    %get3A_14 = vector.load %arg0[%get3A_11, %get3A_12, %get3A_13] : memref<2x1264x128xf32, #tpu.memory_space<vmem>>, vector<1x1264x128xf32>
    %get3A_15 = vector.shape_cast %get3A_14 : vector<1x1264x128xf32> to vector<1264x128xf32>
    %get3A_16 = arith.constant 1 : index
    %get3A_17 = arith.constant 0 : index
    %get3A_18 = arith.constant 0 : index
    %get3A_19 = vector.load %arg0[%get3A_16, %get3A_17, %get3A_18] : memref<2x1264x128xf32, #tpu.memory_space<vmem>>, vector<1x1264x128xf32>
    %get3A_20 = vector.shape_cast %get3A_19 : vector<1x1264x128xf32> to vector<1264x128xf32>
    %add3A_21 = arith.addf %get3A_15, %get3A_20 : vector<1264x128xf32>
    %div3A = arith.divf %add3A_21, %max3A_10 : vector<1264x128xf32>
    %get3A_22 = arith.constant 0 : index
    %get3A_23 = arith.constant 0 : index
    %get3A_24 = vector.load %arg2[%get3A_22, %get3A_23] : memref<1264x128xf32, #tpu.memory_space<vmem>>, vector<1264x128xf32>
    %add3A_25 = arith.addf %div3A, %get3A_24 : vector<1264x128xf32>
    %max3A_26 = arith.constant 0.000000e+00 : f32
    %max3A_27 = vector.broadcast %max3A_26 : f32 to vector<1264x128xf32>
    %max3A_28 = arith.maximumf %add3A_25, %max3A_27 : vector<1264x128xf32>
    %get3A_29 = arith.constant 0 : index
    %get3A_30 = arith.constant 0 : index
    %get3A_31 = vector.load %arg3[%get3A_29, %get3A_30] : memref<128x128xf32, #tpu.memory_space<vmem>>, vector<128x128xf32>
    %dot_general3A = arith.constant dense<0.000000e+00> : vector<1264x128xf32>
    %dot_general3A_32 = tpu.matmul %max3A_28, %get3A_31, %dot_general3A {dimension_numbers = #tpu.dot_dimension_numbers<[1], [0], [0], [1], [0, 0, 1, 1], [], []>, transpose_lhs_hint = false} : vector<1264x128xf32>, vector<128x128xf32>, vector<1264x128xf32> -> vector<1264x128xf32>
    %swap3A = arith.constant 0 : index
    %swap3A_33 = arith.constant 0 : index
    %swap3A_34 = vector.load %arg6[%swap3A, %swap3A_33] : memref<1264x128xf32, #tpu.memory_space<vmem>>, vector<1264x128xf32>
    tpu.vector_store %arg6[%swap3A, %swap3A_33], %dot_general3A_32 {strides = array<i32>} : memref<1264x128xf32, #tpu.memory_space<vmem>>, vector<1264x128xf32>,
    %get3A_35 = arith.constant 0 : index
    %get3A_36 = arith.constant 0 : index
    %get3A_37 = vector.load %arg4[%get3A_35, %get3A_36] : memref<128x128xf32, #tpu.memory_space<vmem>>, vector<128x128xf32>
    %dot_general3A_38 = arith.constant dense<0.000000e+00> : vector<1264x128xf32>
    %dot_general3A_39 = tpu.matmul %max3A_28, %get3A_37, %dot_general3A_38 {dimension_numbers = #tpu.dot_dimension_numbers<[1], [0], [0], [1], [0, 0, 1, 1], [], []>, transpose_lhs_hint = false} : vector<1264x128xf32>, vector<128x128xf32>, vector<1264x128xf32> -> vector<1264x128xf32>
    %get3A_40 = arith.constant 0 : index
    %get3A_41 = arith.constant 0 : index
    %get3A_42 = vector.load %arg5[%get3A_40, %get3A_41] : memref<1x128xf32, #tpu.memory_space<vmem>>, vector<1x128xf32>
    %add3A_43 = vector.broadcast %get3A_42 : vector<1x128xf32> to vector<1264x128xf32>
    %add3A_44 = arith.addf %dot_general3A_39, %add3A_43 : vector<1264x128xf32>
    %swap3A_45 = arith.constant 0 : index
    %swap3A_46 = arith.constant 0 : index
    %swap3A_47 = vector.load %arg7[%swap3A_45, %swap3A_46] : memref<1264x128xf32, #tpu.memory_space<vmem>>, vector<1264x128xf32>
    tpu.vector_store %arg7[%swap3A_45, %swap3A_46], %add3A_44 {strides = array<i32>} : memref<1264x128xf32, #tpu.memory_space<vmem>>, vector<1264x128xf32>,
    %swap3A_48 = arith.constant 0 : index
    %swap3A_49 = arith.constant 0 : index
    %swap3A_50 = vector.load %arg8[%swap3A_48, %swap3A_49] : memref<1264x128xf32, #tpu.memory_space<vmem>>, vector<1264x128xf32>
    tpu.vector_store %arg8[%swap3A_48, %swap3A_49], %max3A_10 {strides = array<i32>} : memref<1264x128xf32, #tpu.memory_space<vmem>>, vector<1264x128xf32>,
    return
  }
}

module attributes {stable_mosaic.version = 14 : i64} {
  func.func @_final_body(%arg0: memref<2x1264x128xf32, #tpu.memory_space<vmem>>, %arg1: memref<1264x128xf32, #tpu.memory_space<vmem>>, %arg2: memref<1264x128xf32, #tpu.memory_space<vmem>>, %arg3: memref<1x128xf32, #tpu.memory_space<vmem>>, %arg4: memref<128x8xf32, #tpu.memory_space<vmem>>, %arg5: memref<1x1xf32, #tpu.memory_space<vmem>>, %arg6: memref<8x1264xi32, #tpu.memory_space<vmem>>, %arg7: memref<64x1xf32, #tpu.memory_space<vmem>>) attributes {dimension_semantics = [], scalar_prefetch = 0 : i64, scratch_operands = 0 : i64, tpu.core_type = #tpu.core_type<tc>} {
    %get3A = arith.constant 0 : index
    %get3A_0 = arith.constant 0 : index
    %get3A_1 = arith.constant 0 : index
    %get3A_2 = vector.load %arg0[%get3A, %get3A_0, %get3A_1] : memref<2x1264x128xf32, #tpu.memory_space<vmem>>, vector<1x1264x128xf32>
    %get3A_3 = vector.shape_cast %get3A_2 : vector<1x1264x128xf32> to vector<1264x128xf32>
    %get3A_4 = arith.constant 1 : index
    %get3A_5 = arith.constant 0 : index
    %get3A_6 = arith.constant 0 : index
    %get3A_7 = vector.load %arg0[%get3A_4, %get3A_5, %get3A_6] : memref<2x1264x128xf32, #tpu.memory_space<vmem>>, vector<1x1264x128xf32>
    %get3A_8 = vector.shape_cast %get3A_7 : vector<1x1264x128xf32> to vector<1264x128xf32>
    %add3A = arith.addf %get3A_3, %get3A_8 : vector<1264x128xf32>
    %get3A_9 = arith.constant 0 : index
    %get3A_10 = arith.constant 0 : index
    %get3A_11 = vector.load %arg1[%get3A_9, %get3A_10] : memref<1264x128xf32, #tpu.memory_space<vmem>>, vector<1264x128xf32>
    %div3A = arith.divf %add3A, %get3A_11 : vector<1264x128xf32>
    %get3A_12 = arith.constant 0 : index
    %get3A_13 = arith.constant 0 : index
    %get3A_14 = vector.load %arg2[%get3A_12, %get3A_13] : memref<1264x128xf32, #tpu.memory_space<vmem>>, vector<1264x128xf32>
    %add3A_15 = arith.addf %div3A, %get3A_14 : vector<1264x128xf32>
    %max3A = arith.constant 0.000000e+00 : f32
    %max3A_16 = vector.broadcast %max3A : f32 to vector<1264x128xf32>
    %max3A_17 = arith.maximumf %add3A_15, %max3A_16 : vector<1264x128xf32>
    %get3A_18 = arith.constant 0 : index
    %get3A_19 = arith.constant 0 : index
    %get3A_20 = vector.load %arg3[%get3A_18, %get3A_19] : memref<1x128xf32, #tpu.memory_space<vmem>>, vector<1x128xf32>
    %mul3A = vector.broadcast %get3A_20 : vector<1x128xf32> to vector<1264x128xf32>
    %mul3A_21 = arith.mulf %max3A_17, %mul3A : vector<1264x128xf32>
    %get3A_22 = arith.constant 0 : index
    %get3A_23 = arith.constant 0 : index
    %get3A_24 = vector.load %arg4[%get3A_22, %get3A_23] : memref<128x8xf32, #tpu.memory_space<vmem>>, vector<128x8xf32>
    %dot_general3A = arith.constant dense<0.000000e+00> : vector<8x1264xf32>
    %dot_general3A_25 = tpu.matmul %get3A_24, %mul3A_21, %dot_general3A {dimension_numbers = #tpu.dot_dimension_numbers<[0], [1], [1], [0], [0, 1, 1, 0], [], []>, transpose_lhs_hint = false} : vector<128x8xf32>, vector<1264x128xf32>, vector<8x1264xf32> -> vector<8x1264xf32>
    %iota3A = tpu.iota {dimensions = array<i32: 0>} : vector<64x8x1264xi32>
    %get3A_26 = arith.constant 0 : index
    %get3A_27 = arith.constant 0 : index
    %get3A_28 = vector.load %arg6[%get3A_26, %get3A_27] : memref<8x1264xi32, #tpu.memory_space<vmem>>, vector<8x1264xi32>
    %broadcast_in_dim3A = vector.shape_cast %get3A_28 : vector<8x1264xi32> to vector<1x8x1264xi32>
    %eq3A = vector.broadcast %broadcast_in_dim3A : vector<1x8x1264xi32> to vector<64x8x1264xi32>
    %eq3A_29 = arith.cmpi eq, %iota3A, %eq3A : vector<64x8x1264xi32>
    %convert_element_type3A = arith.extui %eq3A_29 : vector<64x8x1264xi1> to vector<64x8x1264xi32>
    %convert_element_type3A_30 = arith.sitofp %convert_element_type3A : vector<64x8x1264xi32> to vector<64x8x1264xf32>
    %broadcast_in_dim3A_31 = vector.shape_cast %dot_general3A_25 : vector<8x1264xf32> to vector<1x8x1264xf32>
    %mul3A_32 = vector.broadcast %broadcast_in_dim3A_31 : vector<1x8x1264xf32> to vector<64x8x1264xf32>
    %mul3A_33 = arith.mulf %convert_element_type3A_30, %mul3A_32 : vector<64x8x1264xf32>
    %reduce_sum3A = arith.constant dense<0.000000e+00> : vector<64xf32>
    %reduce_sum3A_34 = vector.multi_reduction <add>, %mul3A_33, %reduce_sum3A [1, 2] : vector<64x8x1264xf32> to vector<64xf32>
    %reduce_sum3A_35 = arith.constant dense<0.000000e+00> : vector<64xf32>
    %reduce_sum3A_36 = vector.multi_reduction <add>, %convert_element_type3A_30, %reduce_sum3A_35 [1, 2] : vector<64x8x1264xf32> to vector<64xf32>
    %max3A_37 = arith.constant 1.000000e+00 : f32
    %max3A_38 = vector.broadcast %max3A_37 : f32 to vector<64xf32>
    %max3A_39 = arith.maximumf %reduce_sum3A_36, %max3A_38 : vector<64xf32>
    %div3A_40 = arith.divf %reduce_sum3A_34, %max3A_39 : vector<64xf32>
    %broadcast_in_dim3A_41 = vector.shape_cast %div3A_40 : vector<64xf32> to vector<64x1xf32>
    %broadcast_in_dim3A_42 = vector.shape_cast %reduce_sum3A_36 : vector<64xf32> to vector<64x1xf32>
    %gt3A = arith.constant 0.000000e+00 : f32
    %gt3A_43 = vector.broadcast %gt3A : f32 to vector<64x1xf32>
    %gt3A_44 = arith.cmpf ogt, %broadcast_in_dim3A_42, %gt3A_43 : vector<64x1xf32>
    %get3A_45 = arith.constant 0 : index
    %get3A_46 = arith.constant 0 : index
    %get3A_47 = vector.load %arg5[%get3A_45, %get3A_46] : memref<1x1xf32, #tpu.memory_space<vmem>>, vector<1x1xf32>
    %jit3A = arith.constant 0.000000e+00 : f32
    %broadcast_in_dim3A_48 = vector.shape_cast %get3A_47 : vector<1x1xf32> to vector<1x1xf32>
    %broadcast_in_dim3A_49 = vector.broadcast %broadcast_in_dim3A_48 : vector<1x1xf32> to vector<64x1xf32>
    %broadcast_in_dim3A_50 = vector.broadcast %jit3A : f32 to vector<64x1xf32>
    %select_n3A = arith.select %gt3A_44, %broadcast_in_dim3A_49, %broadcast_in_dim3A_50 : vector<64x1xi1>, vector<64x1xf32>
    %add3A_51 = arith.addf %broadcast_in_dim3A_41, %select_n3A : vector<64x1xf32>
    %logistic3A = arith.negf %add3A_51 : vector<64x1xf32>
    %logistic3A_52 = math.exp %logistic3A : vector<64x1xf32>
    %logistic3A_53 = arith.constant 1.000000e+00 : f32
    %logistic3A_54 = vector.broadcast %logistic3A_53 : f32 to vector<64x1xf32>
    %logistic3A_55 = arith.addf %logistic3A_54, %logistic3A_52 : vector<64x1xf32>
    %logistic3A_56 = arith.divf %logistic3A_54, %logistic3A_55 : vector<64x1xf32>
    %swap3A = arith.constant 0 : index
    %swap3A_57 = arith.constant 0 : index
    %swap3A_58 = vector.load %arg7[%swap3A, %swap3A_57] : memref<64x1xf32, #tpu.memory_space<vmem>>, vector<64x1xf32>
    tpu.vector_store %arg7[%swap3A, %swap3A_57], %logistic3A_56 {strides = array<i32>} : memref<64x1xf32, #tpu.memory_space<vmem>>, vector<64x1xf32>,
    return
  }
}

</mosaic_0001>

<sc_bundles>
// kernel: kernel.10.cloned.1.call-start
scs
__scs_entry_jumppad:
0x0: {  	(pc) =	sbr.rel $0x88, $3  }
0x1: {  	(tag) =	ssettag $0x0;
	lr =	simm.s32 $0x1  }
0x2: {  	[smem:$0x3F96] =	sst lr;
	_ =	strace $0xD0000000  }
0x3: {  	_ = 	snop  }
0x4: {  	_ = 	snop  }
0x5: {  	_ = 	snop  }
0x6: {  	_ = 	snop  }
0x7: {  	_ = 	snop  }
__scs_overlays_trampoline_lowered:
0x8: {  	[smem:$0x3FA5] =	sst s0  }
0x9: {  	[smem:$0x3FA6] =	sst s1  }
0xa: {  	[smem:$0x3FA7] =	sst s2  }
0xb: {  	[smem:$0x3FA8] =	sst s3  }
0xc: {  	[smem:$0x3FA9] =	sst s4  }
0xd: {  	[smem:$0x3FAA] =	sst s5  }
0xe: {  	[smem:$0x3FAB] =	sst s6  }
0xf: {  	[smem:$0x3FAC] =	sst s7  }
0x10: {  	[smem:$0x3FAD] =	sst s8  }
0x11: {  	[smem:$0x3FAE] =	sst s9;
	s0 =	simm.s32 @!p0 $0x0  }
0x12: {  	s1 =	sld [smem:$0x3F94];
	s0 =	simm.s32 @p0 $0x1  }
0x13: {  	[smem:$0x3FAF] =	sst s0;
	s0 =	simm.s32 @!p1 $0x0  }
0x14: {  	s2 =	sld [smem:$0x3F93];
	s0 =	simm.s32 @p1 $0x1  }
0x15: {  	[smem:$0x3FB0] =	sst s0;
	s0 =	simm.s32 @!p2 $0x0  }
0x16: {  	s3 =	sld [smem:$0x3FDB];
	s0 =	simm.s32 @p2 $0x1  }
0x17: {  	s4 =	simm.s32 $0x1BF5;
	[smem:$0x3FB2] =	sst s0  }
0x18: {  	s0 =	sld [smem:$0x3F95];
	_ =	swait.ge [sflag:s4], $0x0  }
0x19: {  	s7 =	sld [smem:$0x3F96]  }
0x1a: {  	s8 =	sadd.s32 $0xFFFFE003, lr  }
0x1b: {  	s9 =	sadd.s32 $0xFFFFFEF7, lr;
	s5 =	simm.s32 $0xFFFFFFFF;
	p2 =	slt.u32 s8, $0xFFFFF086  }
0x1c: {  	p1 =	slt.u32 s9, $0xF7A;
	s5 =	simm.s32 @!p2 $0x0  }
0x1d: {  	s5 =	simm.s32 @p1 $0x1;
	p0 =	seq.s32 s7, s2  }
0x1e: {  	s7 =	smul.u32 @!p0 $0xF7A, s2;
	p2 =	seq.s32 @!p0 s5, $0x0  }
0x1f: {  	s9 =	smul.u32 $0xF7A, s1;
	s8 =	simm.s32 @!p0 $0x1BF5;
	p2 =	por !p2, p0  }
0x20: {  	[sflag:s8] =	ssyncset.s32 @!p0 $0xFFFFF086;
	s6 =	sadd.s32 @!p0 s3, s7;
	s7 =	simm.s32 @!p0 $0x108  }
0x21: {  	s3 =	sadd.s32 s3, s9;
	s6 =	sadd.s32 @!p0 $0x88, s6;
	s7 =	simm.s32 @p2 $0x1082  }
0x22: {  	[simem:s7], [sflag:s8] =	dma.local @!p0 [hbm:s6], $0xF7A  }
0x23: {  	s9 =	sor.u32 $0xD0000000, s2;
	s6 =	simm.s32 $0x108;
	_ =	swait.ge @!p0 [sflag:s8], $0x0  }
0x24: {  	s3 =	sadd.s32 $0x88, s3;
	s6 =	simm.s32 @!p1 $0x1082;
	[sflag:s4] =	ssyncset.s32 $0xFFFFF086  }
0x25: {  	[simem:s6], [sflag:s4] =	dma.local [hbm:s3], $0xF7A  }
0x26: {  	[smem:$0x3F96] =	sst s1;
	(tag) =	ssettag s2;
	_ =	strace s9  }
0x27: {  	s1 =	sld [smem:$0x3FA6]  }
0x28: {  	s2 =	sld [smem:$0x3FA7]  }
0x29: {  	s4 =	sld [smem:$0x3FA9]  }
0x2a: {  	p0 =	seq.s32 s5, $0x0;
	s5 =	sld [smem:$0x3FAA]  }
0x2b: {  	s6 =	sld [smem:$0x3FAB]  }
0x2c: {  	s7 =	sld [smem:$0x3FAC]  }
0x2d: {  	s3 =	simm.s32 $0x108;
	s8 =	sld [smem:$0x3FAD]  }
0x2e: {  	s3 =	simm.s32 @!p0 $0x1082;
	s9 =	sld [smem:$0x3FAE]  }
0x2f: {  	lr =	sadd.s32 s0, s3;
	s0 =	sld [smem:$0x3FA5]  }
0x30: {  	s3 =	sld [smem:$0x3FA8]  }
0x31: {  	[smem:$0x3FB1] =	sst s10  }
0x32: {  	s10 =	sld [smem:$0x3FAF];
	_ =	sdelay $0x3  }
0x33: {  	p0 =	seq.s32 s10, $0x1;
	s10 =	sld [smem:$0x3FB1];
	_ =	sdelay $0x3  }
0x34: {  	[smem:$0x3FB1] =	sst s10  }
0x35: {  	s10 =	sld [smem:$0x3FB0];
	_ =	sdelay $0x3  }
0x36: {  	p1 =	seq.s32 s10, $0x1;
	s10 =	sld [smem:$0x3FB1];
	_ =	sdelay $0x3  }
0x37: {  	[smem:$0x3FB1] =	sst s10  }
0x38: {  	s10 =	sld [smem:$0x3FB2]  }
0x39: {  	_ = 	snop;
	(pc) =	sbr.ind lr, $3  }
0x3a: {  	_ = 	snop  }
0x3b: {  	_ = 	snop  }
0x3c: {  	p2 =	seq.s32 s10, $0x1;
	s10 =	sld [smem:$0x3FB1]  }
0x3d: {  	_ =	shalt  }
0x3e: {  	_ =	shalt  }
0x3f: {  	_ =	shalt  }
0x40: {  	_ =	shalt  }
0x41: {  	_ =	shalt  }
0x42: {  	_ =	shalt  }
0x43: {  	_ =	shalt  }
0x44: {  	_ =	shalt  }
0x45: {  	_ =	shalt  }
0x46: {  	_ =	shalt  }
0x47: {  	_ =	shalt  }
0x48: {  	_ =	shalt  }
0x49: {  	_ =	shalt  }
0x4a: {  	_ =	shalt  }
0x4b: {  	_ =	shalt  }
0x4c: {  	_ =	shalt  }
0x4d: {  	_ =	shalt  }
0x4e: {  	_ =	shalt  }
0x4f: {  	_ =	shalt  }
0x50: {  	_ =	shalt  }
0x51: {  	_ =	shalt  }
0x52: {  	_ =	shalt  }
0x53: {  	_ =	shalt  }
0x54: {  	_ =	shalt  }
0x55: {  	_ =	shalt  }
0x56: {  	_ =	shalt  }
0x57: {  	_ =	shalt  }
0x58: {  	_ =	shalt  }
0x59: {  	_ =	shalt  }
0x5a: {  	_ =	shalt  }
0x5b: {  	_ =	shalt  }
0x5c: {  	_ =	shalt  }
0x5d: {  	_ =	shalt  }
0x5e: {  	_ =	shalt  }
0x5f: {  	_ =	shalt  }
0x60: {  	_ =	shalt  }
0x61: {  	_ =	shalt  }
0x62: {  	_ =	shalt  }
0x63: {  	_ =	shalt  }
0x64: {  	_ =	shalt  }
0x65: {  	_ =	shalt  }
0x66: {  	_ =	shalt  }
0x67: {  	_ =	shalt  }
0x68: {  	_ =	shalt  }
0x69: {  	_ =	shalt  }
0x6a: {  	_ =	shalt  }
0x6b: {  	_ =	shalt  }
0x6c: {  	_ =	shalt  }
0x6d: {  	_ =	shalt  }
0x6e: {  	_ =	shalt  }
0x6f: {  	_ =	shalt  }
0x70: {  	_ =	shalt  }
0x71: {  	_ =	shalt  }
0x72: {  	_ =	shalt  }
0x73: {  	_ =	shalt  }
0x74: {  	_ =	shalt  }
0x75: {  	_ =	shalt  }
0x76: {  	_ =	shalt  }
0x77: {  	_ =	shalt  }
0x78: {  	_ =	shalt  }
0x79: {  	_ =	shalt  }
0x7a: {  	_ =	shalt  }
0x7b: {  	_ =	shalt  }
0x7c: {  	_ =	shalt  }
0x7d: {  	_ =	shalt  }
0x7e: {  	_ =	shalt  }
0x7f: {  	_ =	shalt  }
0x80: {  	_ =	shalt  }
0x81: {  	_ =	shalt  }
0x82: {  	_ =	shalt  }
0x83: {  	_ =	shalt  }
0x84: {  	_ =	shalt  }
0x85: {  	_ =	shalt  }
0x86: {  	_ =	shalt  }
0x87: {  	_ =	shalt  }
.Lfunc_end0:
.L_simem_size_0:
called_computation.1_lowered:
.L_overlay_start_0:
0x88: {  	s2 =	sld [smem:$0x3FD9]  }
0x89: {  	s3 =	sld [smem:$0x3FFE];
	_ =	sdelay $0x1  }
0x8a: {  	s1 =	srdreg.scid  }
0x8b: {  	s0 =	sand.u32 $0x1, s1  }
0x8c: {  	s16 =	sshll.u32 s0, $0xA;
	s2 =	sadd.s32 s3, s2  }
0x8d: {  	s2 =	sadd.s32 s2, s16  }
0x8e: {  	[smem:$0x3FBD] =	sst s2  }
0x8f: {  	_ = 	snop  }
0x90: {  	(tm) =	ssettm $0x1  }
0x91: {  	s17 =	sld [smem:$0x3FFB];
	_ =	sdelay $0x3  }
0x92: {  	_ =	strace s17  }
0x93: {  	s2 =	sld [smem:$0x3FFC];
	_ =	sdelay $0x3  }
0x94: {  	_ =	strace s2  }
0x95: {  	s2 =	sld [smem:$0x3FFD];
	_ =	sdelay $0x3  }
0x96: {  	_ =	strace s2  }
0x97: {  	_ =	strace $0x8FFFFFFF  }
0x98: {  	s18 =	sld [smem:$0x3FDB];
	_ =	sdelay $0x1  }
0x99: {  	s19 =	simm.s32 $_scs_section_size  }
0x9a: {  	s4 =	simm.s32 $_size__tile_overlayer_lowered;
	s5 =	simm.s32 $_tile_overlayer_lowered  }
0x9b: {  	s22 =	simm.s32 $0x1BFF;
	s21 =	sshll.u32 s5, $0x1;
	s2 =	sadd.s32 s19, s18  }
0x9c: {  	s6 =	simm.s32 $0x0;
	s20 =	sshll.u32 s4, $0x1;
	s4 =	sadd.s32 s21, s2  }
0x9d: {  	[timem:s6], [sflag:s22] =	dma.local [hbm:s4], s20  }
0x9e: {  	_ =	swait.ge [sflag:s22], s20  }
0x9f: {  	s3 =	ssub.s32 $0x0, s20;
	[sflag:s22] =	ssyncset.done $0x0  }
0xa0: {  	[sflag:s22] =	ssyncadd.s32 s3;
	_ =	sdelay $0x1  }
0xa1: {  	s23 =	simm.s32 $0x1B8B  }
0xa2: {  	_ =	swait.ge [sflag:s23], $0x1  }
0xa3: {  	[sflag:s23] =	ssyncset.done $0x0  }
0xa4: {  	s25 =	simm.s32 $0x1B8E;
	s24 =	sld [smem:$0x3FFE];
	[sflag:s23] =	ssyncadd.s32 $0xFFFFFFFF  }
0xa5: {  	s26 =	simm.s32 $execute0_lowered;
	[smem:$0x3FD2] =	sst s25  }
0xa6: {  	s4 =	sshll.u32 s26, $0x1;
	_ =	strace $0x80000049;
	[dreg:$0x1] =	wrdreg $0xFFFFFFFF  }
0xa7: {  	s28 =	simm.s32 $_size_execute0_lowered;
	s2 =	sadd.s32 s2, s4;
	[dreg:$0x0] =	wrdreg $0x0  }
0xa8: {  	s4 =	sshll.u32 s28, $0x1;
	[dreg:$0x2] =	wrdreg s2  }
0xa9: {  	[dreg:$0x3] =	wrdreg s4  }
0xaa: {  	[dreg:$0x4] =	wrdreg $0xC0  }
0xab: {  	_ =	task [dreg:s6], $0x5FFFF  }
0xac: {  	[dreg:$0x1] =	wrdreg $0xFFFFFFFF  }
0xad: {  	[dreg:$0x0] =	wrdreg $0x60  }
0xae: {  	[dreg:$0x2] =	wrdreg s24  }
0xaf: {  	[dreg:$0x3] =	wrdreg $0x11C000  }
0xb0: {  	[dreg:$0x4] =	wrdreg $0xF4800  }
0xb1: {  	[dreg:$0x5] =	wrdreg $0x9  }
0xb2: {  	_ =	task.clear_ibuf [dreg:s6], $0x6FFFF;
	_ =	strace $0x90000049  }
0xb3: {  	s29 =	simm.s32 $0x9;
	_ =	strace $0x8000004B  }
0xb4: {  	_ =	swait.ge [sflag:s29], $0x1  }
0xb5: {  	[sflag:s29] =	ssyncadd.s32 $0xFFFFFFFF  }
0xb6: {  	_ =	strace $0x9000004B  }
0xb7: {  	_ =	sfence  }
0xb8: {  	s30 =	sld [smem:$0x0];
	_ =	sdelay $0x2  }
0xb9: {  	s31 =	sshll.u32 s1, $0xD;
	s1 =	sshrl.u32 s1, $0x2  }
0xba: {  	s3 =	sand.u32 $0x4000, s31;
	s1 =	sadd.s32 s1, s30  }
0xbb: {  	s0 =	sor.u32 s3, s0;
	s1 =	sshll.u32 s1, $0x11  }
0xbc: {  	s0 =	sor.u32 s1, s0  }
0xbd: {  	s0 =	sadd.s32 $0x8F2B, s0  }
0xbe: {  	[sflag:s0] =	ssyncadd.remote.s32 $0x1  }
0xbf: {  	_ =	sfence.sel $0xFFFF  }
0xc0: {  	[dreg:$0x0] =	wrdreg $0xFFFFFFFF;
	(pc) =	sbr.abs _section_cstart, $3  }
0xc1: {  	[dreg:$0x1] =	wrdreg $0xFFFFFFFF  }
0xc2: {  	_ =	task.clear_ibuf [dreg:s6], $0x2FFFF;
	_ =	strace $0x9FFFFFFF  }
0xc3: {  	(tm) =	ssettm $0x7FFFFFFF  }
tec
execute0_lowered:
.L_overlay_start_1:
0x0: {  	(tag) =	ssettag $0x1  }
0x1: {  	s0 =	rddreg [dreg:$0x0]  }
0x2: {  	s2 =	rddreg [dreg:$0x1]  }
0x3: {  	s3 =	rddreg [dreg:$0x2]  }
0x4: {  	s8 =	stileid.u32;
	s1 =	srdreg.scid  }
0x5: {  	s11 =	simm.s32 $0x0;
	s22 =	simm.s32 $0x11;
	s16 =	simm.s32 $0x7D  }
0x6: {  	s30 =	simm.s32 $0x7EE0;
	s15 =	simm.s32 $0x2;
	s18 =	simm.s32 $0x9650  }
0x7: {  	s20 =	simm.s32 $0x3;
	s29 =	simm.s32 $0x5;
	s9 =	simm.s32 $0xBD60  }
0x8: {  	s10 =	simm.s32 $0x8;
	s14 =	simm.s32 $0xC530;
	s13 =	simm.s32 $0xB  }
0x9: {  	s12 =	simm.s32 $0xF;
	s17 =	simm.s32 $0x10;
	s4 =	smul.u32 $0x2780, s8  }
0xa: {  	s1 =	sand.u32 $0x1, s1;
	s5 =	sshll.u32 s8, $0x1;
	[smem:$0x7FF] =	sst s11  }
0xb: {  	s28 =	sshll.u32 s8, $0x6;
	s8 =	simm.s32 $0x7;
	s5 =	sor.u32 s1, s5  }
0xc: {  	s6 =	smul.u32 $0x27800, s1;
	_ =	strace $0x8000004A;
	s1 =	ssub.s32 $0x2, s1  }
0xd: {  	s7 =	sshrl.u32 s4, $0x3;
	s5 =	smul.u32 $0x2800, s5;
	s23 =	sshrl.u32 s1, $0x1  }
0xe: {  	s21 =	sadd.s32 s4, s2;
	s7 =	sadd.s32 s7, s0;
	s6 =	sadd.s32 s4, s6  }
0xf: {  	s1 =	ssub.s32 s1, s23;
	s4 =	sadd.s32 s4, s3;
	s23 =	sor.u32 $0x1C11, s28  }
0x10: {  	[dreg:$0x5] =	wrdreg s21;
	s5 =	sshrl.u32 s5, $0x3;
	s6 =	sshrl.u32 s6, $0x3  }
0x11: {  	s24 =	sadd.s32 $0x17000, s7;
	s26 =	smax.u32 s1, $0x1;
	s31 =	sshrl.u32 s4, $0x3  }
0x12: {  	s1 =	simm.s32 $0x1;
	s7 =	simm.s32 $0xB590;
	[dreg:$0xb] =	wrdreg s23  }
0x13: {  	s4 =	simm.s32 $0xD;
	s5 =	sadd.s32 s5, s0;
	[dreg:$0x6] =	wrdreg s24  }
.Ltmp0:
0x14: {  	s0 =	sadd.s32 s6, s0;
	[dreg:$0xa] =	wrdreg s26;
	(pc) =	sbr.rel .LBB2_1-.Ltmp0, $4  }
0x15: {  	[dreg:$0xc] =	wrdreg s31;
	s24 =	simm.s32 $0x4;
	s25 =	sadd.s32 $0x3000, s5  }
0x16: {  	s26 =	simm.s32 $0xA5F0;
	s5 =	sadd.s32 $0xD000, s5;
	[dreg:$0x7] =	wrdreg s25  }
0x17: {  	s6 =	simm.s32 $0x6;
	s0 =	sadd.s32 $0x1C000, s0;
	[dreg:$0x8] =	wrdreg s5  }
0x18: {  	v0 =	vimm.f32 $0.0e+00;
	[dreg:$0x9] =	wrdreg s0;
	s0 =	simm.s32 $0x86B0;
	s5 =	simm.s32 $0x9  }
.LBB2_6:
0x19: {  	[spmem:s2] =	stream.indirect.scatter.add.f32 [tilespmem:s9], [sflag:$0xF], $0x10, s11, s16, $0xb8;
	[tilespmem:$0x14380] =	vst v63  }
0x1a: {  	_ =	swait.ge [sflag:s10], $0x7D0  }
0x1b: {  	[sflag:s10] =	ssyncset.done $0x0  }
0x1c: {  	[sflag:s10] =	ssyncadd.s32 $0xFFFFF830  }
0x1d: {  	_ =	swait.ge [sflag:s17], $0x7D0  }
0x1e: {  	[sflag:s17] =	ssyncset.done $0x0  }
0x1f: {  	s19 =	sadd.s32 $0x2F80, s21;
	[sflag:s17] =	ssyncadd.s32 $0xFFFFF830  }
0x20: {  	[spmem:s2] =	stream.indirect.scatter.add.f32 [tilespmem:s14], [sflag:$0x10], $0x10, s19, s16, $0xb8;
	[tilespmem:$0x14380] =	vst v63  }
0x21: {  	_ =	swait.ge [sflag:s5], $0x7D0  }
0x22: {  	[sflag:s5] =	ssyncset.done $0x0  }
0x23: {  	s21 =	simm.s32 $0xA;
	[sflag:s5] =	ssyncadd.s32 $0xFFFFF830  }
0x24: {  	_ =	swait.ge [sflag:s21], $0x7D0  }
0x25: {  	[sflag:s21] =	ssyncset.done $0x0  }
0x26: {  	[sflag:s21] =	ssyncadd.s32 $0xFFFFF830  }
0x27: {  	_ =	swait.ge [sflag:s13], $0x7D0  }
0x28: {  	[sflag:s13] =	ssyncset.done $0x0  }
0x29: {  	s22 =	simm.s32 $0xC;
	[sflag:s13] =	ssyncadd.s32 $0xFFFFF830  }
0x2a: {  	_ =	swait.ge [sflag:s22], $0x7D0  }
0x2b: {  	[sflag:s22] =	ssyncset.done $0x0  }
0x2c: {  	[sflag:s22] =	ssyncadd.s32 $0xFFFFF830  }
0x2d: {  	_ =	swait.ge [sflag:s4], $0x7D0  }
0x2e: {  	[sflag:s4] =	ssyncset.done $0x0  }
0x2f: {  	s23 =	simm.s32 $0xE;
	[sflag:s4] =	ssyncadd.s32 $0xFFFFF830  }
0x30: {  	_ =	swait.ge [sflag:s23], $0x7D0  }
0x31: {  	[sflag:s23] =	ssyncset.done $0x0  }
0x32: {  	[sflag:s23] =	ssyncadd.s32 $0xFFFFF830  }
0x33: {  	_ =	swait.ge [sflag:s12], $0x7D0  }
0x34: {  	[sflag:s12] =	ssyncset.done $0x0  }
0x35: {  	[sflag:s12] =	ssyncadd.s32 $0xFFFFF830  }
0x36: {  	_ =	swait.ge [sflag:s17], $0x7D0  }
0x37: {  	[sflag:s17] =	ssyncset.done $0x0  }
0x38: {  	[sflag:s17] =	ssyncadd.s32 $0xFFFFF830  }
0x39: {  	[bflag:$0x0] =	sbarrier.arrive $0xFFFF  }
0x3a: {  	s21 =	rddreg [dreg:$0x5]  }
0x3b: {  	s19 =	rddreg [dreg:$0x9]  }
0x3c: {  	s22 =	simm.s32 $0x11;
	s23 =	rddreg [dreg:$0xb];
	s25 =	sshrl.u32 s21, $0x3  }
0x3d: {  	[hbm:s19], [sflag:s23] =	dma.local [spmem:s25], $0x4F0  }
0x3e: {  	_ =	swait.ge [sflag:s22], $0x4F0  }
0x3f: {  	s28 =	rddreg [dreg:$0x4]  }
0x40: {  	s31 =	rddreg [dreg:$0xa];
	s11 =	sadd.s32 $0x1, s28  }
0x41: {  	p0 =	sne.s32 s11, s31  }
.Ltmp1:
0x42: {  	_ = 	snop;
	(pc) =	sbr.rel @!p0 .LBB2_7-.Ltmp1, $3  }
0x43: {  	_ =	sdelay $0x1  }
0x44: {  	[sflag:s22] =	ssyncset.done $0x0  }
0x45: {  	[sflag:s22] =	ssyncadd.s32 $0xFFFFFB10  }
.LBB2_1:
0x46: {  	[dreg:$0x4] =	wrdreg s11;
	s11 =	simm.s32 $0x40;
	s19 =	simm.s32 $0x0  }
.LBB2_2:
0x47: {  	p0 =	sne.s32 s11, $0x9DC0;
	[tilespmem:s19+$0xCD00] =	vst v0;
	s19 =	smov.u32 s11;
	s11 =	sadd.s32 $0x40, s11  }
.Ltmp2:
0x48: {  	(pc) =	sbr.rel @p0 .LBB2_2-.Ltmp2, $2  }
0x49: {  	_ =	sdelay $0x2  }
0x4a: {  	s19 =	sshra.s32 s19, $0x2  }
0x4b: {  	[tilespmem:s19+$0xCD00] =	vst v0;
	s11 =	simm.s32 $0xCD00  }
0x4c: {  	[spmem:s21] =	stream.linear.scatter [tilespmem:s11], [sflag:$0x11], $0x2780, $0x38;
	[tilespmem:$0x14380] =	vst v63  }
0x4d: {  	_ =	swait.ge [sflag:s22], $0x2780  }
0x4e: {  	[sflag:s22] =	ssyncset.done $0x0;
	s19 =	rddreg [dreg:$0x6]  }
0x4f: {  	s21 =	rddreg [dreg:$0xc];
	[sflag:s22] =	ssyncadd.s32 $0xFFFFD880  }
0x50: {  	[spmem:s21], [sflag:s23] =	dma.local [hbm:s19], $0x4F0  }
0x51: {  	_ =	swait.ge [sflag:s22], $0x4F0  }
0x52: {  	[sflag:s22] =	ssyncset.done $0x0  }
0x53: {  	s19 =	simm.s32 $0x0;
	s23 =	rddreg [dreg:$0x7];
	[sflag:s22] =	ssyncadd.s32 $0xFFFFFB10  }
0x54: {  	[tilespmem:s19], [sflag:$0x11] =	stream.linear.gather [hbm4b:s23+s19], $0x2800, $0x38;
	[tilespmem:$0x14380] =	vst v63  }
0x55: {  	_ =	swait.ge [sflag:s22], $0x2800  }
0x56: {  	[sflag:s22] =	ssyncset.done $0x0  }
0x57: {  	s28 =	simm.s32 $0x2800;
	s25 =	rddreg [dreg:$0x8];
	[sflag:s22] =	ssyncadd.s32 $0xFFFFD800  }
0x58: {  	[tilespmem:s28], [sflag:$0x11] =	stream.linear.gather [hbm4b:s25+s19], $0x2800, $0x38;
	[tilespmem:$0x14380] =	vst v63  }
0x59: {  	_ =	swait.ge [sflag:s22], $0x2800  }
0x5a: {  	[sflag:s22] =	ssyncset.done $0x0  }
0x5b: {  	[sflag:s22] =	ssyncadd.s32 $0xFFFFD800  }
0x5c: {  	s31 =	simm.s32 $0x5000;
	[bflag:$0x0] =	sbarrier.arrive $0xFFFF  }
0x5d: {  	[tilespmem:s31], [sflag:$0x1] =	stream.indirect.gather [spmem:s3], $0x10, s19, s16, $0xb8;
	[tilespmem:$0x14380] =	vst v63  }
0x5e: {  	s21 =	simm.s32 $0x80;
	s22 =	simm.s32 $0x57D0  }
0x5f: {  	[tilespmem:s22], [sflag:$0x2] =	stream.indirect.gather [spmem:s3], $0x10, s21, s16, $0xb8;
	[tilespmem:$0x14380] =	vst v63  }
0x60: {  	s23 =	simm.s32 $0x100;
	s25 =	simm.s32 $0x5FA0  }
0x61: {  	[tilespmem:s25], [sflag:$0x3] =	stream.indirect.gather [spmem:s3], $0x10, s23, s16, $0xb8;
	[tilespmem:$0x14380] =	vst v63  }
0x62: {  	s28 =	simm.s32 $0x180;
	s31 =	simm.s32 $0x6770  }
0x63: {  	[tilespmem:s31], [sflag:$0x4] =	stream.indirect.gather [spmem:s3], $0x10, s28, s16, $0xb8;
	[tilespmem:$0x14380] =	vst v63  }
0x64: {  	s21 =	simm.s32 $0x200;
	s22 =	simm.s32 $0x6F40  }
0x65: {  	[tilespmem:s22], [sflag:$0x5] =	stream.indirect.gather [spmem:s3], $0x10, s21, s16, $0xb8;
	[tilespmem:$0x14380] =	vst v63  }
0x66: {  	s23 =	simm.s32 $0x280;
	s25 =	simm.s32 $0x7710  }
0x67: {  	[tilespmem:s25], [sflag:$0x6] =	stream.indirect.gather [spmem:s3], $0x10, s23, s16, $0xb8;
	[tilespmem:$0x14380] =	vst v63  }
0x68: {  	s28 =	simm.s32 $0x300  }
0x69: {  	[tilespmem:s30], [sflag:$0x7] =	stream.indirect.gather [spmem:s3], $0x10, s28, s16, $0xb8;
	[tilespmem:$0x14380] =	vst v63  }
0x6a: {  	s31 =	simm.s32 $0x380  }
0x6b: {  	[tilespmem:s0], [sflag:$0x8] =	stream.indirect.gather [spmem:s3], $0x10, s31, s16, $0xb8;
	[tilespmem:$0x14380] =	vst v63  }
.LBB2_4:
0x6c: {  	_ =	swait.ge [sflag:s1], $0x7D0  }
0x6d: {  	p0 =	seq.s32 s19, $0x0;
	[sflag:s1] =	ssyncset.done $0x0  }
0x6e: {  	s11 =	simm.s32 @!p0 $0x9;
	[sflag:s1] =	ssyncadd.s32 $0xFFFFF830  }
0x6f: {  	_ =	swait.ge @!p0 [sflag:s11], $0x7D0  }
0x70: {  	s21 =	sshra.s32 s19, $0x2;
	[sflag:s11] =	ssyncset.done @!p0 $0x0  }
0x71: {  	s22 =	simm.s32 $0x8E80;
	s31 =	sadd.s32 $0x400, s21;
	[sflag:s11] =	ssyncadd.s32 @!p0 $0xFFFFF830  }
0x72: {  	[tilespmem:s22], [sflag:$0x1] =	stream.indirect.gather [spmem:s3], $0x10, s31, s16, $0xb8;
	[tilespmem:$0x14380] =	vst v63  }
0x73: {  	s23 =	simm.s32 $0x5000;
	s22 =	sadd.s32 $0x2800, s21  }
0x74: {  	[spmem:s2] =	stream.indirect.scatter.add.f32 [tilespmem:s23], [sflag:$0x9], $0x10, s22, s16, $0xb8;
	[tilespmem:$0x14380] =	vst v63  }
0x75: {  	_ =	swait.ge [sflag:s15], $0x7D0  }
0x76: {  	[sflag:s15] =	ssyncset.done $0x0  }
0x77: {  	s11 =	simm.s32 @!p0 $0xA;
	[sflag:s15] =	ssyncadd.s32 $0xFFFFF830  }
0x78: {  	_ =	swait.ge @!p0 [sflag:s11], $0x7D0  }
0x79: {  	[sflag:s11] =	ssyncset.done @!p0 $0x0  }
0x7a: {  	s25 =	sadd.s32 $0x480, s21;
	[sflag:s11] =	ssyncadd.s32 @!p0 $0xFFFFF830  }
0x7b: {  	[tilespmem:s18], [sflag:$0x2] =	stream.indirect.gather [spmem:s3], $0x10, s25, s16, $0xb8;
	[tilespmem:$0x14380] =	vst v63  }
0x7c: {  	s28 =	sadd.s32 $0x2880, s21;
	s31 =	simm.s32 $0x57D0  }
0x7d: {  	[spmem:s2] =	stream.indirect.scatter.add.f32 [tilespmem:s31], [sflag:$0xA], $0x10, s28, s16, $0xb8;
	[tilespmem:$0x14380] =	vst v63  }
0x7e: {  	_ =	swait.ge [sflag:s20], $0x7D0  }
0x7f: {  	[sflag:s20] =	ssyncset.done $0x0  }
0x80: {  	s11 =	simm.s32 @!p0 $0xB;
	[sflag:s20] =	ssyncadd.s32 $0xFFFFF830  }
0x81: {  	_ =	swait.ge @!p0 [sflag:s11], $0x7D0  }
0x82: {  	[sflag:s11] =	ssyncset.done @!p0 $0x0  }
0x83: {  	s23 =	sadd.s32 $0x500, s21;
	s25 =	simm.s32 $0x9E20;
	[sflag:s11] =	ssyncadd.s32 @!p0 $0xFFFFF830  }
0x84: {  	[tilespmem:s25], [sflag:$0x3] =	stream.indirect.gather [spmem:s3], $0x10, s23, s16, $0xb8;
	[tilespmem:$0x14380] =	vst v63  }
0x85: {  	s28 =	sadd.s32 $0x2900, s21;
	s31 =	simm.s32 $0x5FA0  }
0x86: {  	[spmem:s2] =	stream.indirect.scatter.add.f32 [tilespmem:s31], [sflag:$0xB], $0x10, s28, s16, $0xb8;
	[tilespmem:$0x14380] =	vst v63  }
0x87: {  	_ =	swait.ge [sflag:s24], $0x7D0  }
0x88: {  	[sflag:s24] =	ssyncset.done $0x0  }
0x89: {  	s11 =	simm.s32 @!p0 $0xC;
	[sflag:s24] =	ssyncadd.s32 $0xFFFFF830  }
0x8a: {  	_ =	swait.ge @!p0 [sflag:s11], $0x7D0  }
0x8b: {  	[sflag:s11] =	ssyncset.done @!p0 $0x0  }
0x8c: {  	s22 =	sadd.s32 $0x580, s21;
	[sflag:s11] =	ssyncadd.s32 @!p0 $0xFFFFF830  }
0x8d: {  	[tilespmem:s26], [sflag:$0x4] =	stream.indirect.gather [spmem:s3], $0x10, s22, s16, $0xb8;
	[tilespmem:$0x14380] =	vst v63  }
0x8e: {  	s23 =	sadd.s32 $0x2980, s21;
	s25 =	simm.s32 $0x6770  }
0x8f: {  	[spmem:s2] =	stream.indirect.scatter.add.f32 [tilespmem:s25], [sflag:$0xC], $0x10, s23, s16, $0xb8;
	[tilespmem:$0x14380] =	vst v63  }
0x90: {  	_ =	swait.ge [sflag:s29], $0x7D0  }
0x91: {  	[sflag:s29] =	ssyncset.done $0x0  }
0x92: {  	s11 =	simm.s32 @!p0 $0xD;
	[sflag:s29] =	ssyncadd.s32 $0xFFFFF830  }
0x93: {  	_ =	swait.ge @!p0 [sflag:s11], $0x7D0  }
0x94: {  	[sflag:s11] =	ssyncset.done @!p0 $0x0  }
0x95: {  	s28 =	sadd.s32 $0x600, s21;
	s31 =	simm.s32 $0xADC0;
	[sflag:s11] =	ssyncadd.s32 @!p0 $0xFFFFF830  }
0x96: {  	[tilespmem:s31], [sflag:$0x5] =	stream.indirect.gather [spmem:s3], $0x10, s28, s16, $0xb8;
	[tilespmem:$0x14380] =	vst v63  }
0x97: {  	s22 =	sadd.s32 $0x2A00, s21;
	s23 =	simm.s32 $0x6F40  }
0x98: {  	[spmem:s2] =	stream.indirect.scatter.add.f32 [tilespmem:s23], [sflag:$0xD], $0x10, s22, s16, $0xb8;
	[tilespmem:$0x14380] =	vst v63  }
0x99: {  	_ =	swait.ge [sflag:s6], $0x7D0  }
0x9a: {  	[sflag:s6] =	ssyncset.done $0x0  }
0x9b: {  	s11 =	simm.s32 @!p0 $0xE;
	[sflag:s6] =	ssyncadd.s32 $0xFFFFF830  }
0x9c: {  	_ =	swait.ge @!p0 [sflag:s11], $0x7D0  }
0x9d: {  	[sflag:s11] =	ssyncset.done @!p0 $0x0  }
0x9e: {  	s25 =	sadd.s32 $0x680, s21;
	[sflag:s11] =	ssyncadd.s32 @!p0 $0xFFFFF830  }
0x9f: {  	[tilespmem:s7], [sflag:$0x6] =	stream.indirect.gather [spmem:s3], $0x10, s25, s16, $0xb8;
	[tilespmem:$0x14380] =	vst v63  }
0xa0: {  	s28 =	sadd.s32 $0x2A80, s21;
	s31 =	simm.s32 $0x7710  }
0xa1: {  	[spmem:s2] =	stream.indirect.scatter.add.f32 [tilespmem:s31], [sflag:$0xE], $0x10, s28, s16, $0xb8;
	[tilespmem:$0x14380] =	vst v63  }
0xa2: {  	_ =	swait.ge [sflag:s8], $0x7D0  }
0xa3: {  	[sflag:s8] =	ssyncset.done $0x0  }
0xa4: {  	s11 =	simm.s32 @!p0 $0xF;
	[sflag:s8] =	ssyncadd.s32 $0xFFFFF830  }
0xa5: {  	_ =	swait.ge @!p0 [sflag:s11], $0x7D0  }
0xa6: {  	[sflag:s11] =	ssyncset.done @!p0 $0x0  }
0xa7: {  	s22 =	sadd.s32 $0x700, s21;
	[sflag:s11] =	ssyncadd.s32 @!p0 $0xFFFFF830  }
0xa8: {  	[tilespmem:s9], [sflag:$0x7] =	stream.indirect.gather [spmem:s3], $0x10, s22, s16, $0xb8;
	[tilespmem:$0x14380] =	vst v63  }
0xa9: {  	s23 =	sadd.s32 $0x2B00, s21  }
0xaa: {  	[spmem:s2] =	stream.indirect.scatter.add.f32 [tilespmem:s30], [sflag:$0xF], $0x10, s23, s16, $0xb8;
	[tilespmem:$0x14380] =	vst v63  }
0xab: {  	_ =	swait.ge [sflag:s10], $0x7D0  }
0xac: {  	[sflag:s10] =	ssyncset.done $0x0  }
0xad: {  	s11 =	simm.s32 @!p0 $0x10;
	[sflag:s10] =	ssyncadd.s32 $0xFFFFF830  }
0xae: {  	_ =	swait.ge @!p0 [sflag:s11], $0x7D0  }
0xaf: {  	[sflag:s11] =	ssyncset.done @!p0 $0x0  }
0xb0: {  	s25 =	sadd.s32 $0x780, s21;
	[sflag:s11] =	ssyncadd.s32 @!p0 $0xFFFFF830  }
0xb1: {  	[tilespmem:s14], [sflag:$0x8] =	stream.indirect.gather [spmem:s3], $0x10, s25, s16, $0xb8;
	[tilespmem:$0x14380] =	vst v63  }
0xb2: {  	s28 =	sadd.s32 $0x2B80, s21  }
0xb3: {  	[spmem:s2] =	stream.indirect.scatter.add.f32 [tilespmem:s0], [sflag:$0x10], $0x10, s28, s16, $0xb8;
	[tilespmem:$0x14380] =	vst v63  }
0xb4: {  	_ =	swait.ge [sflag:s1], $0x7D0  }
0xb5: {  	[sflag:s1] =	ssyncset.done $0x0  }
0xb6: {  	[sflag:s1] =	ssyncadd.s32 $0xFFFFF830  }
0xb7: {  	p0 =	seq.s32 s19, $0x8000;
	_ =	swait.ge [sflag:s5], $0x7D0  }
0xb8: {  	s25 =	sshra.s32 @p0 s19, $0x2;
	s22 =	simm.s32 @p0 $0x7D;
	[sflag:s5] =	ssyncset.done $0x0  }
0xb9: {  	s23 =	simm.s32 @p0 $0x8E80;
	s11 =	sadd.s32 @p0 $0x2C00, s25;
	[sflag:s5] =	ssyncadd.s32 $0xFFFFF830  }
0xba: {  	[spmem:s2] =	stream.indirect.scatter.add.f32 @p0 [tilespmem:s23], [sflag:$0x9], $0x10, s11, s22, $0xb8;
	[tilespmem:$0x14380] =	vst v63  }
0xbb: {  	s11 =	simm.s32 @p0 $0x2  }
0xbc: {  	_ =	swait.ge @p0 [sflag:s11], $0x7D0  }
0xbd: {  	[sflag:s11] =	ssyncset.done @p0 $0x0  }
0xbe: {  	[sflag:s11] =	ssyncadd.s32 @p0 $0xFFFFF830;
	s11 =	simm.s32 @p0 $0xA  }
0xbf: {  	_ =	swait.ge @p0 [sflag:s11], $0x7D0  }
0xc0: {  	[sflag:s11] =	ssyncset.done @p0 $0x0  }
0xc1: {  	[sflag:s11] =	ssyncadd.s32 @p0 $0xFFFFF830;
	s11 =	sshra.s32 @!p0 s19, $0x2  }
0xc2: {  	s31 =	simm.s32 @!p0 $0x5000;
	s23 =	simm.s32 @!p0 $0x7D;
	s28 =	sadd.s32 @!p0 $0x800, s11  }
0xc3: {  	[tilespmem:s31], [sflag:$0x1] =	stream.indirect.gather @!p0 [spmem:s3], $0x10, s28, s23, $0xb8;
	[tilespmem:$0x14380] =	vst v63  }
0xc4: {  	s28 =	sadd.s32 @!p0 $0x2C00, s11;
	s31 =	simm.s32 @!p0 $0x8E80  }
0xc5: {  	[spmem:s2] =	stream.indirect.scatter.add.f32 @!p0 [tilespmem:s31], [sflag:$0x9], $0x10, s28, s23, $0xb8;
	[tilespmem:$0x14380] =	vst v63  }
0xc6: {  	s28 =	simm.s32 @!p0 $0x2  }
0xc7: {  	_ =	swait.ge @!p0 [sflag:s28], $0x7D0  }
0xc8: {  	[sflag:s28] =	ssyncset.done @!p0 $0x0  }
0xc9: {  	[sflag:s28] =	ssyncadd.s32 @!p0 $0xFFFFF830;
	s28 =	simm.s32 @!p0 $0xA  }
0xca: {  	_ =	swait.ge @!p0 [sflag:s28], $0x7D0  }
0xcb: {  	[sflag:s28] =	ssyncset.done @!p0 $0x0  }
0xcc: {  	s31 =	simm.s32 @!p0 $0x57D0;
	[sflag:s28] =	ssyncadd.s32 @!p0 $0xFFFFF830;
	s28 =	sadd.s32 @!p0 $0x880, s11  }
0xcd: {  	[tilespmem:s31], [sflag:$0x2] =	stream.indirect.gather @!p0 [spmem:s3], $0x10, s28, s23, $0xb8;
	[tilespmem:$0x14380] =	vst v63  }
0xce: {  	s31 =	sadd.s32 $0x2C80, s21  }
0xcf: {  	[spmem:s2] =	stream.indirect.scatter.add.f32 [tilespmem:s18], [sflag:$0xA], $0x10, s31, s16, $0xb8;
	[tilespmem:$0x14380] =	vst v63  }
0xd0: {  	_ =	swait.ge [sflag:s20], $0x7D0  }
0xd1: {  	[sflag:s20] =	ssyncset.done $0x0  }
0xd2: {  	[sflag:s20] =	ssyncadd.s32 $0xFFFFF830  }
0xd3: {  	_ =	swait.ge [sflag:s13], $0x7D0  }
0xd4: {  	[sflag:s13] =	ssyncset.done $0x0  }
0xd5: {  	s28 =	sadd.s32 @p0 $0x2D00, s25;
	s31 =	simm.s32 @p0 $0x9E20;
	[sflag:s13] =	ssyncadd.s32 $0xFFFFF830  }
0xd6: {  	[spmem:s2] =	stream.indirect.scatter.add.f32 @p0 [tilespmem:s31], [sflag:$0xB], $0x10, s28, s22, $0xb8;
	[tilespmem:$0x14380] =	vst v63  }
0xd7: {  	s28 =	simm.s32 @p0 $0x4  }
0xd8: {  	_ =	swait.ge @p0 [sflag:s28], $0x7D0  }
0xd9: {  	[sflag:s28] =	ssyncset.done @p0 $0x0  }
0xda: {  	[sflag:s28] =	ssyncadd.s32 @p0 $0xFFFFF830;
	s28 =	simm.s32 @p0 $0xC  }
0xdb: {  	_ =	swait.ge @p0 [sflag:s28], $0x7D0  }
0xdc: {  	[sflag:s28] =	ssyncset.done @p0 $0x0  }
0xdd: {  	s31 =	simm.s32 @!p0 $0x5FA0;
	[sflag:s28] =	ssyncadd.s32 @p0 $0xFFFFF830;
	s28 =	sadd.s32 @!p0 $0x900, s11  }
0xde: {  	[tilespmem:s31], [sflag:$0x3] =	stream.indirect.gather @!p0 [spmem:s3], $0x10, s28, s23, $0xb8;
	[tilespmem:$0x14380] =	vst v63  }
0xdf: {  	s28 =	sadd.s32 @!p0 $0x2D00, s11;
	s31 =	simm.s32 @!p0 $0x9E20  }
0xe0: {  	[spmem:s2] =	stream.indirect.scatter.add.f32 @!p0 [tilespmem:s31], [sflag:$0xB], $0x10, s28, s23, $0xb8;
	[tilespmem:$0x14380] =	vst v63  }
0xe1: {  	s28 =	simm.s32 @!p0 $0x4  }
0xe2: {  	_ =	swait.ge @!p0 [sflag:s28], $0x7D0  }
0xe3: {  	[sflag:s28] =	ssyncset.done @!p0 $0x0  }
0xe4: {  	[sflag:s28] =	ssyncadd.s32 @!p0 $0xFFFFF830;
	s28 =	simm.s32 @!p0 $0xC  }
0xe5: {  	_ =	swait.ge @!p0 [sflag:s28], $0x7D0  }
0xe6: {  	[sflag:s28] =	ssyncset.done @!p0 $0x0  }
0xe7: {  	s31 =	simm.s32 @!p0 $0x6770;
	[sflag:s28] =	ssyncadd.s32 @!p0 $0xFFFFF830;
	s28 =	sadd.s32 @!p0 $0x980, s11  }
0xe8: {  	[tilespmem:s31], [sflag:$0x4] =	stream.indirect.gather @!p0 [spmem:s3], $0x10, s28, s23, $0xb8;
	[tilespmem:$0x14380] =	vst v63  }
0xe9: {  	s31 =	sadd.s32 $0x2D80, s21  }
0xea: {  	[spmem:s2] =	stream.indirect.scatter.add.f32 [tilespmem:s26], [sflag:$0xC], $0x10, s31, s16, $0xb8;
	[tilespmem:$0x14380] =	vst v63  }
0xeb: {  	_ =	swait.ge [sflag:s29], $0x7D0  }
0xec: {  	[sflag:s29] =	ssyncset.done $0x0  }
0xed: {  	[sflag:s29] =	ssyncadd.s32 $0xFFFFF830  }
0xee: {  	_ =	swait.ge [sflag:s4], $0x7D0  }
0xef: {  	[sflag:s4] =	ssyncset.done $0x0  }
0xf0: {  	s25 =	sadd.s32 @p0 $0x2E00, s25;
	s28 =	simm.s32 @p0 $0xADC0;
	[sflag:s4] =	ssyncadd.s32 $0xFFFFF830  }
0xf1: {  	[spmem:s2] =	stream.indirect.scatter.add.f32 @p0 [tilespmem:s28], [sflag:$0xD], $0x10, s25, s22, $0xb8;
	[tilespmem:$0x14380] =	vst v63  }
0xf2: {  	s22 =	simm.s32 @p0 $0x6  }
0xf3: {  	_ =	swait.ge @p0 [sflag:s22], $0x7D0  }
0xf4: {  	[sflag:s22] =	ssyncset.done @p0 $0x0  }
0xf5: {  	[sflag:s22] =	ssyncadd.s32 @p0 $0xFFFFF830;
	s22 =	simm.s32 @p0 $0xE  }
0xf6: {  	_ =	swait.ge @p0 [sflag:s22], $0x7D0  }
0xf7: {  	[sflag:s22] =	ssyncset.done @p0 $0x0  }
0xf8: {  	s25 =	simm.s32 @!p0 $0x6F40;
	[sflag:s22] =	ssyncadd.s32 @p0 $0xFFFFF830;
	s22 =	sadd.s32 @!p0 $0xA00, s11  }
0xf9: {  	[tilespmem:s25], [sflag:$0x5] =	stream.indirect.gather @!p0 [spmem:s3], $0x10, s22, s23, $0xb8;
	[tilespmem:$0x14380] =	vst v63  }
0xfa: {  	s22 =	sadd.s32 @!p0 $0x2E00, s11;
	s25 =	simm.s32 @!p0 $0xADC0  }
0xfb: {  	[spmem:s2] =	stream.indirect.scatter.add.f32 @!p0 [tilespmem:s25], [sflag:$0xD], $0x10, s22, s23, $0xb8;
	[tilespmem:$0x14380] =	vst v63  }
0xfc: {  	s22 =	simm.s32 @!p0 $0x6  }
0xfd: {  	_ =	swait.ge @!p0 [sflag:s22], $0x7D0  }
0xfe: {  	[sflag:s22] =	ssyncset.done @!p0 $0x0  }
0xff: {  	[sflag:s22] =	ssyncadd.s32 @!p0 $0xFFFFF830;
	s22 =	simm.s32 @!p0 $0xE  }
0x100: {  	_ =	swait.ge @!p0 [sflag:s22], $0x7D0  }
0x101: {  	[sflag:s22] =	ssyncset.done @!p0 $0x0  }
0x102: {  	s11 =	sadd.s32 @!p0 $0xA80, s11;
	[sflag:s22] =	ssyncadd.s32 @!p0 $0xFFFFF830;
	s22 =	simm.s32 @!p0 $0x7710  }
0x103: {  	[tilespmem:s22], [sflag:$0x6] =	stream.indirect.gather @!p0 [spmem:s3], $0x10, s11, s23, $0xb8;
	[tilespmem:$0x14380] =	vst v63  }
0x104: {  	s31 =	sadd.s32 $0x2E80, s21  }
0x105: {  	[spmem:s2] =	stream.indirect.scatter.add.f32 [tilespmem:s7], [sflag:$0xE], $0x10, s31, s16, $0xb8;
	[tilespmem:$0x14380] =	vst v63  }
0x106: {  	_ =	swait.ge [sflag:s8], $0x7D0  }
.Ltmp3:
0x107: {  	[sflag:s8] =	ssyncset.done $0x0;
	(pc) =	sbr.rel @p0 .LBB2_6-.Ltmp3, $4  }
0x108: {  	[sflag:s8] =	ssyncadd.s32 $0xFFFFF830  }
0x109: {  	_ =	swait.ge [sflag:s12], $0x7D0  }
0x10a: {  	[sflag:s12] =	ssyncset.done $0x0  }
0x10b: {  	s11 =	sadd.s32 $0x2F00, s21;
	[sflag:s12] =	ssyncadd.s32 $0xFFFFF830  }
0x10c: {  	s22 =	sadd.s32 $0xB00, s21  }
0x10d: {  	[tilespmem:s30], [sflag:$0x7] =	stream.indirect.gather [spmem:s3], $0x10, s22, s16, $0xb8;
	[tilespmem:$0x14380] =	vst v63  }
0x10e: {  	_ = 	snop  }
0x10f: {  	[spmem:s2] =	stream.indirect.scatter.add.f32 [tilespmem:s9], [sflag:$0xF], $0x10, s11, s16, $0xb8;
	[tilespmem:$0x14380] =	vst v63  }
0x110: {  	_ =	swait.ge [sflag:s10], $0x7D0  }
0x111: {  	[sflag:s10] =	ssyncset.done $0x0  }
0x112: {  	[sflag:s10] =	ssyncadd.s32 $0xFFFFF830  }
0x113: {  	_ =	swait.ge [sflag:s17], $0x7D0  }
.Ltmp4:
0x114: {  	[sflag:s17] =	ssyncset.done $0x0;
	(pc) =	sbr.rel .LBB2_4-.Ltmp4, $4  }
0x115: {  	s28 =	sadd.s32 $0xB80, s21;
	[sflag:s17] =	ssyncadd.s32 $0xFFFFF830  }
0x116: {  	[tilespmem:s0], [sflag:$0x8] =	stream.indirect.gather [spmem:s3], $0x10, s28, s16, $0xb8;
	[tilespmem:$0x14380] =	vst v63  }
0x117: {  	s31 =	sadd.s32 $0x2F80, s21;
	s19 =	sadd.s32 $0x2000, s19  }
0x118: {  	[spmem:s2] =	stream.indirect.scatter.add.f32 [tilespmem:s14], [sflag:$0x10], $0x10, s31, s16, $0xb8;
	[tilespmem:$0x14380] =	vst v63  }
.LBB2_7:
0x119: {  	_ =	sfence.sel $0x180000  }
0x11a: {  	[bflag:$0x0] =	sbarrier.arrive $0xFFFF  }
0x11b: {  	_ =	strace $0x9000004A  }
0x11c: {  	s0 =	stileid.u32;
	[bflag:$0x2] =	sbarrier.arrive $0xFFFF  }
0x11d: {  	p0 =	sne.s32 s0, $0x0;
	s0 =	rddreg [dreg:$0x3]  }
0x11e: {  	s0 =	sadd.s32 @!p0 $0x100000, s0  }
0x11f: {  	[sflag:s0] =	ssyncadd.tile.s32 @!p0 $0x1;
	_ =	shalt  }
.Lfunc_end2:
_tile_overlayer_lowered:
.L_overlay_start_2:
0x120: {  	(tag) =	ssettag $0x2  }
0x121: {  	s0 =	rddreg [dreg:$0x0];
	s2 =	stileid.u32  }
0x122: {  	s1 =	rddreg [dreg:$0x1];
	p0 =	sne.s32 s2, $0x0  }
0x123: {  	s3 =	rddreg [dreg:$0x2];
	[bflag:$0x3] =	sbarrier.arrive $0xFFFF;
	s2 =	simm.s32 @!p0 $0x1C11  }
0x124: {  	[timem:s3], [sflag:s2] =	dma.local @!p0 [hbm:s0], s1  }
0x125: {  	s0 =	simm.s32 @!p0 $0x11  }
0x126: {  	_ =	swait.ge @!p0 [sflag:s0], s1  }
0x127: {  	s1 =	ssub.s32 @!p0 $0x0, s1;
	[sflag:s0] =	ssyncset.done @!p0 $0x0  }
0x128: {  	[sflag:s0] =	ssyncadd.s32 @!p0 s1  }
0x129: {  	[bflag:$0x3] =	sbarrier.arrive $0xFFFF  }
0x12a: {  	_ =	shalt  }

// kernel: kernel.7.cloned.1.call-start
scs
__scs_entry_jumppad:
0x0: {  	(pc) =	sbr.rel $0x88, $3  }
0x1: {  	(tag) =	ssettag $0x0;
	lr =	simm.s32 $0x1  }
0x2: {  	[smem:$0x3F96] =	sst lr;
	_ =	strace $0xD0000000  }
0x3: {  	_ = 	snop  }
0x4: {  	_ = 	snop  }
0x5: {  	_ = 	snop  }
0x6: {  	_ = 	snop  }
0x7: {  	_ = 	snop  }
__scs_overlays_trampoline_lowered:
0x8: {  	[smem:$0x3FA5] =	sst s0  }
0x9: {  	[smem:$0x3FA6] =	sst s1  }
0xa: {  	[smem:$0x3FA7] =	sst s2  }
0xb: {  	[smem:$0x3FA8] =	sst s3  }
0xc: {  	[smem:$0x3FA9] =	sst s4  }
0xd: {  	[smem:$0x3FAA] =	sst s5  }
0xe: {  	[smem:$0x3FAB] =	sst s6  }
0xf: {  	[smem:$0x3FAC] =	sst s7  }
0x10: {  	[smem:$0x3FAD] =	sst s8  }
0x11: {  	[smem:$0x3FAE] =	sst s9;
	s0 =	simm.s32 @!p0 $0x0  }
0x12: {  	s1 =	sld [smem:$0x3F94];
	s0 =	simm.s32 @p0 $0x1  }
0x13: {  	[smem:$0x3FAF] =	sst s0;
	s0 =	simm.s32 @!p1 $0x0  }
0x14: {  	s2 =	sld [smem:$0x3F93];
	s0 =	simm.s32 @p1 $0x1  }
0x15: {  	[smem:$0x3FB0] =	sst s0;
	s0 =	simm.s32 @!p2 $0x0  }
0x16: {  	s3 =	sld [smem:$0x3FDB];
	s0 =	simm.s32 @p2 $0x1  }
0x17: {  	s4 =	simm.s32 $0x1BF5;
	[smem:$0x3FB2] =	sst s0  }
0x18: {  	s0 =	sld [smem:$0x3F95];
	_ =	swait.ge [sflag:s4], $0x0  }
0x19: {  	s7 =	sld [smem:$0x3F96]  }
0x1a: {  	s8 =	sadd.s32 $0xFFFFE003, lr  }
0x1b: {  	s9 =	sadd.s32 $0xFFFFFEF7, lr;
	s5 =	simm.s32 $0xFFFFFFFF;
	p2 =	slt.u32 s8, $0xFFFFF086  }
0x1c: {  	p1 =	slt.u32 s9, $0xF7A;
	s5 =	simm.s32 @!p2 $0x0  }
0x1d: {  	s5 =	simm.s32 @p1 $0x1;
	p0 =	seq.s32 s7, s2  }
0x1e: {  	s7 =	smul.u32 @!p0 $0xF7A, s2;
	p2 =	seq.s32 @!p0 s5, $0x0  }
0x1f: {  	s9 =	smul.u32 $0xF7A, s1;
	s8 =	simm.s32 @!p0 $0x1BF5;
	p2 =	por !p2, p0  }
0x20: {  	[sflag:s8] =	ssyncset.s32 @!p0 $0xFFFFF086;
	s6 =	sadd.s32 @!p0 s3, s7;
	s7 =	simm.s32 @!p0 $0x108  }
0x21: {  	s3 =	sadd.s32 s3, s9;
	s6 =	sadd.s32 @!p0 $0x88, s6;
	s7 =	simm.s32 @p2 $0x1082  }
0x22: {  	[simem:s7], [sflag:s8] =	dma.local @!p0 [hbm:s6], $0xF7A  }
0x23: {  	s9 =	sor.u32 $0xD0000000, s2;
	s6 =	simm.s32 $0x108;
	_ =	swait.ge @!p0 [sflag:s8], $0x0  }
0x24: {  	s3 =	sadd.s32 $0x88, s3;
	s6 =	simm.s32 @!p1 $0x1082;
	[sflag:s4] =	ssyncset.s32 $0xFFFFF086  }
0x25: {  	[simem:s6], [sflag:s4] =	dma.local [hbm:s3], $0xF7A  }
0x26: {  	[smem:$0x3F96] =	sst s1;
	(tag) =	ssettag s2;
	_ =	strace s9  }
0x27: {  	s1 =	sld [smem:$0x3FA6]  }
0x28: {  	s2 =	sld [smem:$0x3FA7]  }
0x29: {  	s4 =	sld [smem:$0x3FA9]  }
0x2a: {  	p0 =	seq.s32 s5, $0x0;
	s5 =	sld [smem:$0x3FAA]  }
0x2b: {  	s6 =	sld [smem:$0x3FAB]  }
0x2c: {  	s7 =	sld [smem:$0x3FAC]  }
0x2d: {  	s3 =	simm.s32 $0x108;
	s8 =	sld [smem:$0x3FAD]  }
0x2e: {  	s3 =	simm.s32 @!p0 $0x1082;
	s9 =	sld [smem:$0x3FAE]  }
0x2f: {  	lr =	sadd.s32 s0, s3;
	s0 =	sld [smem:$0x3FA5]  }
0x30: {  	s3 =	sld [smem:$0x3FA8]  }
0x31: {  	[smem:$0x3FB1] =	sst s10  }
0x32: {  	s10 =	sld [smem:$0x3FAF];
	_ =	sdelay $0x3  }
0x33: {  	p0 =	seq.s32 s10, $0x1;
	s10 =	sld [smem:$0x3FB1];
	_ =	sdelay $0x3  }
0x34: {  	[smem:$0x3FB1] =	sst s10  }
0x35: {  	s10 =	sld [smem:$0x3FB0];
	_ =	sdelay $0x3  }
0x36: {  	p1 =	seq.s32 s10, $0x1;
	s10 =	sld [smem:$0x3FB1];
	_ =	sdelay $0x3  }
0x37: {  	[smem:$0x3FB1] =	sst s10  }
0x38: {  	s10 =	sld [smem:$0x3FB2]  }
0x39: {  	_ = 	snop;
	(pc) =	sbr.ind lr, $3  }
0x3a: {  	_ = 	snop  }
0x3b: {  	_ = 	snop  }
0x3c: {  	p2 =	seq.s32 s10, $0x1;
	s10 =	sld [smem:$0x3FB1]  }
0x3d: {  	_ =	shalt  }
0x3e: {  	_ =	shalt  }
0x3f: {  	_ =	shalt  }
0x40: {  	_ =	shalt  }
0x41: {  	_ =	shalt  }
0x42: {  	_ =	shalt  }
0x43: {  	_ =	shalt  }
0x44: {  	_ =	shalt  }
0x45: {  	_ =	shalt  }
0x46: {  	_ =	shalt  }
0x47: {  	_ =	shalt  }
0x48: {  	_ =	shalt  }
0x49: {  	_ =	shalt  }
0x4a: {  	_ =	shalt  }
0x4b: {  	_ =	shalt  }
0x4c: {  	_ =	shalt  }
0x4d: {  	_ =	shalt  }
0x4e: {  	_ =	shalt  }
0x4f: {  	_ =	shalt  }
0x50: {  	_ =	shalt  }
0x51: {  	_ =	shalt  }
0x52: {  	_ =	shalt  }
0x53: {  	_ =	shalt  }
0x54: {  	_ =	shalt  }
0x55: {  	_ =	shalt  }
0x56: {  	_ =	shalt  }
0x57: {  	_ =	shalt  }
0x58: {  	_ =	shalt  }
0x59: {  	_ =	shalt  }
0x5a: {  	_ =	shalt  }
0x5b: {  	_ =	shalt  }
0x5c: {  	_ =	shalt  }
0x5d: {  	_ =	shalt  }
0x5e: {  	_ =	shalt  }
0x5f: {  	_ =	shalt  }
0x60: {  	_ =	shalt  }
0x61: {  	_ =	shalt  }
0x62: {  	_ =	shalt  }
0x63: {  	_ =	shalt  }
0x64: {  	_ =	shalt  }
0x65: {  	_ =	shalt  }
0x66: {  	_ =	shalt  }
0x67: {  	_ =	shalt  }
0x68: {  	_ =	shalt  }
0x69: {  	_ =	shalt  }
0x6a: {  	_ =	shalt  }
0x6b: {  	_ =	shalt  }
0x6c: {  	_ =	shalt  }
0x6d: {  	_ =	shalt  }
0x6e: {  	_ =	shalt  }
0x6f: {  	_ =	shalt  }
0x70: {  	_ =	shalt  }
0x71: {  	_ =	shalt  }
0x72: {  	_ =	shalt  }
0x73: {  	_ =	shalt  }
0x74: {  	_ =	shalt  }
0x75: {  	_ =	shalt  }
0x76: {  	_ =	shalt  }
0x77: {  	_ =	shalt  }
0x78: {  	_ =	shalt  }
0x79: {  	_ =	shalt  }
0x7a: {  	_ =	shalt  }
0x7b: {  	_ =	shalt  }
0x7c: {  	_ =	shalt  }
0x7d: {  	_ =	shalt  }
0x7e: {  	_ =	shalt  }
0x7f: {  	_ =	shalt  }
0x80: {  	_ =	shalt  }
0x81: {  	_ =	shalt  }
0x82: {  	_ =	shalt  }
0x83: {  	_ =	shalt  }
0x84: {  	_ =	shalt  }
0x85: {  	_ =	shalt  }
0x86: {  	_ =	shalt  }
0x87: {  	_ =	shalt  }
.Lfunc_end0:
.L_simem_size_0:
called_computation_lowered:
.L_overlay_start_0:
0x88: {  	s2 =	sld [smem:$0x3FD9]  }
0x89: {  	s3 =	sld [smem:$0x3FFE];
	_ =	sdelay $0x1  }
0x8a: {  	s1 =	srdreg.scid  }
0x8b: {  	s0 =	sand.u32 $0x1, s1  }
0x8c: {  	s16 =	sshll.u32 s0, $0xA;
	s2 =	sadd.s32 s3, s2  }
0x8d: {  	s2 =	sadd.s32 s2, s16  }
0x8e: {  	[smem:$0x3FBD] =	sst s2  }
0x8f: {  	_ = 	snop  }
0x90: {  	(tm) =	ssettm $0x1  }
0x91: {  	s17 =	sld [smem:$0x3FFB];
	_ =	sdelay $0x3  }
0x92: {  	_ =	strace s17  }
0x93: {  	s2 =	sld [smem:$0x3FFC];
	_ =	sdelay $0x3  }
0x94: {  	_ =	strace s2  }
0x95: {  	s2 =	sld [smem:$0x3FFD];
	_ =	sdelay $0x3  }
0x96: {  	_ =	strace s2  }
0x97: {  	_ =	strace $0x8FFFFFFF  }
0x98: {  	s18 =	sld [smem:$0x3FDB];
	_ =	sdelay $0x1  }
0x99: {  	s19 =	simm.s32 $_scs_section_size  }
0x9a: {  	s4 =	simm.s32 $_size__tile_overlayer_lowered;
	s5 =	simm.s32 $_tile_overlayer_lowered  }
0x9b: {  	s22 =	simm.s32 $0x1BFF;
	s21 =	sshll.u32 s5, $0x1;
	s2 =	sadd.s32 s19, s18  }
0x9c: {  	s6 =	simm.s32 $0x0;
	s20 =	sshll.u32 s4, $0x1;
	s4 =	sadd.s32 s21, s2  }
0x9d: {  	[timem:s6], [sflag:s22] =	dma.local [hbm:s4], s20  }
0x9e: {  	_ =	swait.ge [sflag:s22], s20  }
0x9f: {  	s3 =	ssub.s32 $0x0, s20;
	[sflag:s22] =	ssyncset.done $0x0  }
0xa0: {  	[sflag:s22] =	ssyncadd.s32 s3;
	_ =	sdelay $0x1  }
0xa1: {  	s23 =	simm.s32 $0x1B8B  }
0xa2: {  	_ =	swait.ge [sflag:s23], $0x1  }
0xa3: {  	[sflag:s23] =	ssyncset.done $0x0  }
0xa4: {  	s25 =	simm.s32 $0x1B8E;
	s24 =	sld [smem:$0x3FFE];
	[sflag:s23] =	ssyncadd.s32 $0xFFFFFFFF  }
0xa5: {  	s26 =	simm.s32 $execute0_lowered;
	[smem:$0x3FD2] =	sst s25  }
0xa6: {  	s4 =	sshll.u32 s26, $0x1;
	_ =	strace $0x80000046;
	[dreg:$0x1] =	wrdreg $0xFFFFFFFF  }
0xa7: {  	s28 =	simm.s32 $_size_execute0_lowered;
	s2 =	sadd.s32 s2, s4;
	[dreg:$0x0] =	wrdreg $0x0  }
0xa8: {  	s4 =	sshll.u32 s28, $0x1;
	[dreg:$0x2] =	wrdreg s2  }
0xa9: {  	[dreg:$0x3] =	wrdreg s4  }
0xaa: {  	[dreg:$0x4] =	wrdreg $0xC0  }
0xab: {  	_ =	task [dreg:s6], $0x5FFFF  }
0xac: {  	[dreg:$0x1] =	wrdreg $0xFFFFFFFF  }
0xad: {  	[dreg:$0x0] =	wrdreg $0x60  }
0xae: {  	[dreg:$0x2] =	wrdreg s24  }
0xaf: {  	[dreg:$0x3] =	wrdreg $0x123D00  }
0xb0: {  	[dreg:$0x4] =	wrdreg $0x14B500  }
0xb1: {  	[dreg:$0x5] =	wrdreg $0xFC500  }
0xb2: {  	[dreg:$0x6] =	wrdreg $0x9  }
0xb3: {  	_ =	task.clear_ibuf [dreg:s6], $0x7FFFF;
	_ =	strace $0x90000046  }
0xb4: {  	s29 =	simm.s32 $0x9;
	_ =	strace $0x80000048  }
0xb5: {  	_ =	swait.ge [sflag:s29], $0x1  }
0xb6: {  	[sflag:s29] =	ssyncadd.s32 $0xFFFFFFFF  }
0xb7: {  	_ =	strace $0x90000048  }
0xb8: {  	_ =	sfence  }
0xb9: {  	s30 =	sld [smem:$0x0];
	_ =	sdelay $0x2  }
0xba: {  	s31 =	sshll.u32 s1, $0xD;
	s1 =	sshrl.u32 s1, $0x2  }
0xbb: {  	s3 =	sand.u32 $0x4000, s31;
	s1 =	sadd.s32 s1, s30  }
0xbc: {  	s0 =	sor.u32 s3, s0;
	s1 =	sshll.u32 s1, $0x11  }
0xbd: {  	s0 =	sor.u32 s1, s0  }
0xbe: {  	s0 =	sadd.s32 $0x8F2B, s0  }
0xbf: {  	[sflag:s0] =	ssyncadd.remote.s32 $0x1  }
0xc0: {  	_ =	sfence.sel $0xFFFF  }
0xc1: {  	[dreg:$0x0] =	wrdreg $0xFFFFFFFF;
	(pc) =	sbr.abs _section_cstart, $3  }
0xc2: {  	[dreg:$0x1] =	wrdreg $0xFFFFFFFF  }
0xc3: {  	_ =	task.clear_ibuf [dreg:s6], $0x2FFFF;
	_ =	strace $0x9FFFFFFF  }
0xc4: {  	(tm) =	ssettm $0x7FFFFFFF  }
0xc5: {  	_ =	shalt  }
tec
execute0_lowered:
.L_overlay_start_1:
0x0: {  	(tag) =	ssettag $0x1  }
0x1: {  	s0 =	rddreg [dreg:$0x0]  }
0x2: {  	s1 =	rddreg [dreg:$0x1]  }
0x3: {  	s10 =	stileid.u32;
	s3 =	rddreg [dreg:$0x2]  }
0x4: {  	s2 =	srdreg.scid;
	s4 =	rddreg [dreg:$0x3];
	s15 =	simm.s32 $0x0  }
0x5: {  	s19 =	simm.s32 $0x7D;
	s29 =	simm.s32 $0x57D0;
	s31 =	simm.s32 $0x5FA0  }
0x6: {  	s28 =	simm.s32 $0xF480;
	s30 =	simm.s32 $0x2;
	s18 =	simm.s32 $0x3  }
0x7: {  	s12 =	simm.s32 $0x6;
	s17 =	simm.s32 $0x7;
	s2 =	sand.u32 $0x1, s2  }
0x8: {  	s5 =	sshll.u32 s10, $0x1;
	s6 =	smul.u32 $0x2780, s10;
	[smem:$0x7FF] =	sst s15  }
0x9: {  	s25 =	sshll.u32 s10, $0x6;
	s10 =	simm.s32 $0x5;
	s5 =	sor.u32 s2, s5  }
0xa: {  	s8 =	smul.u32 $0x27800, s2;
	_ =	strace $0x80000047;
	s2 =	ssub.s32 $0x2, s2  }
0xb: {  	s5 =	smul.u32 $0x2800, s5;
	s7 =	sshrl.u32 s6, $0x3;
	s9 =	sshrl.u32 s2, $0x1  }
0xc: {  	s16 =	sadd.s32 s6, s1;
	s20 =	sadd.s32 s6, s3;
	s7 =	sadd.s32 s7, s0  }
0xd: {  	s8 =	sadd.s32 s6, s8;
	s2 =	ssub.s32 s2, s9;
	[dreg:$0x6] =	wrdreg s16  }
0xe: {  	s6 =	sadd.s32 s6, s4;
	[dreg:$0x7] =	wrdreg s20;
	s7 =	sadd.s32 $0x17000, s7  }
0xf: {  	s5 =	sshrl.u32 s5, $0x3;
	s24 =	smax.u32 s2, $0x1;
	[dreg:$0x8] =	wrdreg s7  }
0x10: {  	s8 =	sshrl.u32 s8, $0x3;
	s26 =	sshrl.u32 s6, $0x3;
	[dreg:$0xd] =	wrdreg s24  }
0x11: {  	s5 =	sadd.s32 s5, s0;
	s24 =	sor.u32 $0x1C19, s25;
	[dreg:$0xf] =	wrdreg s26  }
0x12: {  	s0 =	sadd.s32 s8, s0;
	s22 =	sadd.s32 $0x3000, s5;
	[dreg:$0xe] =	wrdreg s24  }
0x13: {  	s26 =	simm.s32 $0x5000;
	s5 =	sadd.s32 $0xD000, s5;
	[dreg:$0x9] =	wrdreg s22  }
0x14: {  	s8 =	simm.s32 $0x4;
	s23 =	sadd.s32 $0x1C000, s0;
	[dreg:$0xa] =	wrdreg s5  }
0x15: {  	s7 =	simm.s32 $0x8;
	s0 =	sadd.s32 $0x25E00, s0;
	[dreg:$0xb] =	wrdreg s23  }
0x16: {  	v0 =	vimm.f32 $0.0e+00;
	v1 =	vimm.f32 $1.000000000e+00;
	[dreg:$0xc] =	wrdreg s0;
	s22 =	simm.s32 $0x19;
	s23 =	simm.s32 $0x1  }
.LBB2_1:
0x17: {  	s5 =	simm.s32 $0x0  }
.LBB2_2:
0x18: {  	p0 =	sne.s32 s5, $0x9DC0  }
.Ltmp0:
0x19: {  	_ = 	snop;
	(pc) =	sbr.rel @p0 .LBB2_2-.Ltmp0, $3  }
0x1a: {  	_ =	sdelay $0x1  }
0x1b: {  	s6 =	sshra.s32 s5, $0x2  }
0x1c: {  	s5 =	sadd.s32 $0x40, s5;
	[tilespmem:s6+$0xCD00] =	vst v0  }
0x1d: {  	[dreg:$0x5] =	wrdreg s15;
	s5 =	simm.s32 $0x40;
	s6 =	simm.s32 $0x0  }
.LBB2_4:
0x1e: {  	p0 =	sne.s32 s5, $0x1F00;
	[tilespmem:s6+$0xF480] =	vst v1;
	s6 =	smov.u32 s5;
	s5 =	sadd.s32 $0x40, s5  }
.Ltmp1:
0x1f: {  	(pc) =	sbr.rel @p0 .LBB2_4-.Ltmp1, $2  }
0x20: {  	_ =	sdelay $0x2  }
0x21: {  	s6 =	sshra.s32 s6, $0x2  }
0x22: {  	[tilespmem:s6+$0xF480] =	vst v1;
	s0 =	simm.s32 $0xCD00  }
0x23: {  	[spmem:s16] =	stream.linear.scatter [tilespmem:s0], [sflag:$0x19], $0x2780, $0x38;
	[tilespmem:$0x172D0] =	vst v63  }
0x24: {  	_ =	swait.ge [sflag:s22], $0x2780  }
0x25: {  	[sflag:s22] =	ssyncset.done $0x0  }
0x26: {  	[sflag:s22] =	ssyncadd.s32 $0xFFFFD880  }
0x27: {  	[spmem:s20] =	stream.linear.scatter [tilespmem:s0], [sflag:$0x19], $0x2780, $0x38;
	[tilespmem:$0x172D0] =	vst v63  }
0x28: {  	_ =	swait.ge [sflag:s22], $0x2780  }
0x29: {  	[sflag:s22] =	ssyncset.done $0x0;
	s25 =	rddreg [dreg:$0x8]  }
0x2a: {  	s5 =	rddreg [dreg:$0xf];
	[sflag:s22] =	ssyncadd.s32 $0xFFFFD880  }
0x2b: {  	[spmem:s5], [sflag:s24] =	dma.local [hbm:s25], $0x4F0  }
0x2c: {  	_ =	swait.ge [sflag:s22], $0x4F0  }
0x2d: {  	[sflag:s22] =	ssyncset.done $0x0  }
0x2e: {  	s2 =	simm.s32 $0x0;
	s6 =	rddreg [dreg:$0x9];
	[sflag:s22] =	ssyncadd.s32 $0xFFFFFB10  }
0x2f: {  	[tilespmem:s2], [sflag:$0x19] =	stream.linear.gather [hbm4b:s6+s2], $0x2800, $0x38;
	[tilespmem:$0x172D0] =	vst v63  }
0x30: {  	_ =	swait.ge [sflag:s22], $0x2800  }
0x31: {  	[sflag:s22] =	ssyncset.done $0x0  }
0x32: {  	s11 =	simm.s32 $0x2800;
	s9 =	rddreg [dreg:$0xa];
	[sflag:s22] =	ssyncadd.s32 $0xFFFFD800  }
0x33: {  	[tilespmem:s11], [sflag:$0x19] =	stream.linear.gather [hbm4b:s9+s2], $0x2800, $0x38;
	[tilespmem:$0x172D0] =	vst v63  }
0x34: {  	_ =	swait.ge [sflag:s22], $0x2800  }
0x35: {  	[sflag:s22] =	ssyncset.done $0x0  }
0x36: {  	[sflag:s22] =	ssyncadd.s32 $0xFFFFD800  }
0x37: {  	[bflag:$0x0] =	sbarrier.arrive $0xFFFF  }
0x38: {  	[tilespmem:s26], [sflag:$0x1] =	stream.indirect.gather [spmem:s4], $0x10, s2, s19, $0xb8;
	[tilespmem:$0x172D0] =	vst v63  }
0x39: {  	s13 =	simm.s32 $0x80  }
0x3a: {  	[tilespmem:s29], [sflag:$0x2] =	stream.indirect.gather [spmem:s4], $0x10, s13, s19, $0xb8;
	[tilespmem:$0x172D0] =	vst v63  }
0x3b: {  	s14 =	simm.s32 $0x100  }
0x3c: {  	[tilespmem:s31], [sflag:$0x3] =	stream.indirect.gather [spmem:s4], $0x10, s14, s19, $0xb8;
	[tilespmem:$0x172D0] =	vst v63  }
0x3d: {  	s15 =	simm.s32 $0x180;
	s2 =	simm.s32 $0x6770  }
0x3e: {  	[tilespmem:s2], [sflag:$0x4] =	stream.indirect.gather [spmem:s4], $0x10, s15, s19, $0xb8;
	[tilespmem:$0x172D0] =	vst v63  }
0x3f: {  	s16 =	simm.s32 $0x200;
	s6 =	simm.s32 $0x6F40  }
0x40: {  	[tilespmem:s6], [sflag:$0x5] =	stream.indirect.gather [spmem:s4], $0x10, s16, s19, $0xb8;
	[tilespmem:$0x172D0] =	vst v63  }
0x41: {  	s20 =	simm.s32 $0x280;
	s9 =	simm.s32 $0x7710  }
0x42: {  	[tilespmem:s9], [sflag:$0x6] =	stream.indirect.gather [spmem:s4], $0x10, s20, s19, $0xb8;
	[tilespmem:$0x172D0] =	vst v63  }
0x43: {  	s21 =	simm.s32 $0x300;
	s11 =	simm.s32 $0x7EE0  }
0x44: {  	[tilespmem:s11], [sflag:$0x7] =	stream.indirect.gather [spmem:s4], $0x10, s21, s19, $0xb8;
	[tilespmem:$0x172D0] =	vst v63  }
0x45: {  	s22 =	simm.s32 $0x380;
	s13 =	simm.s32 $0x86B0  }
0x46: {  	[tilespmem:s13], [sflag:$0x8] =	stream.indirect.gather [spmem:s4], $0x10, s22, s19, $0xb8;
	[tilespmem:$0x172D0] =	vst v63  }
0x47: {  	_ =	swait.ge [sflag:s23], $0x7D0  }
0x48: {  	p0 =	por $0x1, $0x1;
	[sflag:s23] =	ssyncset.done $0x0  }
0x49: {  	s5 =	simm.s32 @!p0 $0x9;
	[sflag:s23] =	ssyncadd.s32 $0xFFFFF830  }
0x4a: {  	_ =	swait.ge @!p0 [sflag:s5], $0x7D0  }
0x4b: {  	[sflag:s5] =	ssyncset.done @!p0 $0x0  }
0x4c: {  	[sflag:s5] =	ssyncadd.s32 @!p0 $0xFFFFF830;
	s5 =	simm.s32 @!p0 $0x11  }
0x4d: {  	_ =	swait.ge @!p0 [sflag:s5], $0x7D0  }
0x4e: {  	[sflag:s5] =	ssyncset.done @!p0 $0x0  }
0x4f: {  	s24 =	simm.s32 $0x400;
	s14 =	simm.s32 $0x8E80;
	[sflag:s5] =	ssyncadd.s32 @!p0 $0xFFFFF830  }
0x50: {  	[tilespmem:s14], [sflag:$0x1] =	stream.indirect.gather [spmem:s4], $0x10, s24, s19, $0xb8;
	[tilespmem:$0x172D0] =	vst v63  }
0x51: {  	s25 =	simm.s32 $0x2800  }
0x52: {  	[spmem:s1] =	stream.indirect.scatter.add.f32 [tilespmem:s26], [sflag:$0x9], $0x10, s25, s19, $0xb8;
	[tilespmem:$0x172D0] =	vst v63  }
0x53: {  	_ = 	snop  }
0x54: {  	[spmem:s3] =	stream.indirect.scatter.add.f32 [tilespmem:s28], [sflag:$0x11], $0x10, s25, s19, $0xb8;
	[tilespmem:$0x172D0] =	vst v63  }
0x55: {  	_ =	swait.ge [sflag:s30], $0x7D0  }
0x56: {  	[sflag:s30] =	ssyncset.done $0x0  }
0x57: {  	s5 =	simm.s32 @!p0 $0xA;
	[sflag:s30] =	ssyncadd.s32 $0xFFFFF830  }
0x58: {  	_ =	swait.ge @!p0 [sflag:s5], $0x7D0  }
0x59: {  	[sflag:s5] =	ssyncset.done @!p0 $0x0  }
0x5a: {  	[sflag:s5] =	ssyncadd.s32 @!p0 $0xFFFFF830;
	s5 =	simm.s32 @!p0 $0x12  }
0x5b: {  	_ =	swait.ge @!p0 [sflag:s5], $0x7D0  }
0x5c: {  	[sflag:s5] =	ssyncset.done @!p0 $0x0  }
0x5d: {  	s0 =	simm.s32 $0x480;
	s16 =	simm.s32 $0x9650;
	[sflag:s5] =	ssyncadd.s32 @!p0 $0xFFFFF830  }
0x5e: {  	[tilespmem:s16], [sflag:$0x2] =	stream.indirect.gather [spmem:s4], $0x10, s0, s19, $0xb8;
	[tilespmem:$0x172D0] =	vst v63  }
0x5f: {  	s15 =	simm.s32 $0x2880  }
0x60: {  	[spmem:s1] =	stream.indirect.scatter.add.f32 [tilespmem:s29], [sflag:$0xA], $0x10, s15, s19, $0xb8;
	[tilespmem:$0x172D0] =	vst v63  }
0x61: {  	_ = 	snop  }
0x62: {  	[spmem:s3] =	stream.indirect.scatter.add.f32 [tilespmem:s28], [sflag:$0x12], $0x10, s15, s19, $0xb8;
	[tilespmem:$0x172D0] =	vst v63  }
0x63: {  	_ =	swait.ge [sflag:s18], $0x7D0  }
0x64: {  	[sflag:s18] =	ssyncset.done $0x0  }
0x65: {  	s5 =	simm.s32 @!p0 $0xB;
	[sflag:s18] =	ssyncadd.s32 $0xFFFFF830  }
0x66: {  	_ =	swait.ge @!p0 [sflag:s5], $0x7D0  }
0x67: {  	[sflag:s5] =	ssyncset.done @!p0 $0x0  }
0x68: {  	[sflag:s5] =	ssyncadd.s32 @!p0 $0xFFFFF830;
	s5 =	simm.s32 @!p0 $0x13  }
0x69: {  	_ =	swait.ge @!p0 [sflag:s5], $0x7D0  }
0x6a: {  	[sflag:s5] =	ssyncset.done @!p0 $0x0  }
0x6b: {  	s20 =	simm.s32 $0x500;
	s21 =	simm.s32 $0x9E20;
	[sflag:s5] =	ssyncadd.s32 @!p0 $0xFFFFF830  }
0x6c: {  	[tilespmem:s21], [sflag:$0x3] =	stream.indirect.gather [spmem:s4], $0x10, s20, s19, $0xb8;
	[tilespmem:$0x172D0] =	vst v63  }
0x6d: {  	s22 =	simm.s32 $0x2900  }
0x6e: {  	[spmem:s1] =	stream.indirect.scatter.add.f32 [tilespmem:s31], [sflag:$0xB], $0x10, s22, s19, $0xb8;
	[tilespmem:$0x172D0] =	vst v63  }
0x6f: {  	_ = 	snop  }
0x70: {  	[spmem:s3] =	stream.indirect.scatter.add.f32 [tilespmem:s28], [sflag:$0x13], $0x10, s22, s19, $0xb8;
	[tilespmem:$0x172D0] =	vst v63  }
0x71: {  	_ =	swait.ge [sflag:s8], $0x7D0  }
0x72: {  	[sflag:s8] =	ssyncset.done $0x0  }
0x73: {  	s5 =	simm.s32 @!p0 $0xC;
	[sflag:s8] =	ssyncadd.s32 $0xFFFFF830  }
0x74: {  	_ =	swait.ge @!p0 [sflag:s5], $0x7D0  }
0x75: {  	[sflag:s5] =	ssyncset.done @!p0 $0x0  }
0x76: {  	[sflag:s5] =	ssyncadd.s32 @!p0 $0xFFFFF830;
	s5 =	simm.s32 @!p0 $0x14  }
0x77: {  	_ =	swait.ge @!p0 [sflag:s5], $0x7D0  }
0x78: {  	[sflag:s5] =	ssyncset.done @!p0 $0x0  }
0x79: {  	s24 =	simm.s32 $0x580;
	s25 =	simm.s32 $0xA5F0;
	[sflag:s5] =	ssyncadd.s32 @!p0 $0xFFFFF830  }
0x7a: {  	[tilespmem:s25], [sflag:$0x4] =	stream.indirect.gather [spmem:s4], $0x10, s24, s19, $0xb8;
	[tilespmem:$0x172D0] =	vst v63  }
0x7b: {  	s0 =	simm.s32 $0x2980  }
0x7c: {  	[spmem:s1] =	stream.indirect.scatter.add.f32 [tilespmem:s2], [sflag:$0xC], $0x10, s0, s19, $0xb8;
	[tilespmem:$0x172D0] =	vst v63  }
0x7d: {  	_ = 	snop  }
0x7e: {  	[spmem:s3] =	stream.indirect.scatter.add.f32 [tilespmem:s28], [sflag:$0x14], $0x10, s0, s19, $0xb8;
	[tilespmem:$0x172D0] =	vst v63  }
0x7f: {  	_ =	swait.ge [sflag:s10], $0x7D0  }
0x80: {  	[sflag:s10] =	ssyncset.done $0x0  }
0x81: {  	s5 =	simm.s32 @!p0 $0xD;
	[sflag:s10] =	ssyncadd.s32 $0xFFFFF830  }
0x82: {  	_ =	swait.ge @!p0 [sflag:s5], $0x7D0  }
0x83: {  	[sflag:s5] =	ssyncset.done @!p0 $0x0  }
0x84: {  	[sflag:s5] =	ssyncadd.s32 @!p0 $0xFFFFF830;
	s5 =	simm.s32 @!p0 $0x15  }
0x85: {  	_ =	swait.ge @!p0 [sflag:s5], $0x7D0  }
0x86: {  	[sflag:s5] =	ssyncset.done @!p0 $0x0  }
0x87: {  	s24 =	simm.s32 $0xADC0;
	s2 =	simm.s32 $0x600;
	[sflag:s5] =	ssyncadd.s32 @!p0 $0xFFFFF830  }
0x88: {  	[tilespmem:s24], [sflag:$0x5] =	stream.indirect.gather [spmem:s4], $0x10, s2, s19, $0xb8;
	[tilespmem:$0x172D0] =	vst v63  }
0x89: {  	s15 =	simm.s32 $0x2A00  }
0x8a: {  	[spmem:s1] =	stream.indirect.scatter.add.f32 [tilespmem:s6], [sflag:$0xD], $0x10, s15, s19, $0xb8;
	[tilespmem:$0x172D0] =	vst v63  }
0x8b: {  	_ = 	snop  }
0x8c: {  	[spmem:s3] =	stream.indirect.scatter.add.f32 [tilespmem:s28], [sflag:$0x15], $0x10, s15, s19, $0xb8;
	[tilespmem:$0x172D0] =	vst v63  }
0x8d: {  	_ =	swait.ge [sflag:s12], $0x7D0  }
0x8e: {  	[sflag:s12] =	ssyncset.done $0x0  }
0x8f: {  	s5 =	simm.s32 @!p0 $0xE;
	[sflag:s12] =	ssyncadd.s32 $0xFFFFF830  }
0x90: {  	_ =	swait.ge @!p0 [sflag:s5], $0x7D0  }
0x91: {  	[sflag:s5] =	ssyncset.done @!p0 $0x0  }
0x92: {  	[sflag:s5] =	ssyncadd.s32 @!p0 $0xFFFFF830;
	s5 =	simm.s32 @!p0 $0x16  }
0x93: {  	_ =	swait.ge @!p0 [sflag:s5], $0x7D0  }
0x94: {  	[sflag:s5] =	ssyncset.done @!p0 $0x0  }
0x95: {  	s20 =	simm.s32 $0x680;
	s22 =	simm.s32 $0xB590;
	[sflag:s5] =	ssyncadd.s32 @!p0 $0xFFFFF830  }
0x96: {  	[tilespmem:s22], [sflag:$0x6] =	stream.indirect.gather [spmem:s4], $0x10, s20, s19, $0xb8;
	[tilespmem:$0x172D0] =	vst v63  }
0x97: {  	s0 =	simm.s32 $0x2A80  }
0x98: {  	[spmem:s1] =	stream.indirect.scatter.add.f32 [tilespmem:s9], [sflag:$0xE], $0x10, s0, s19, $0xb8;
	[tilespmem:$0x172D0] =	vst v63  }
0x99: {  	_ = 	snop  }
0x9a: {  	[spmem:s3] =	stream.indirect.scatter.add.f32 [tilespmem:s28], [sflag:$0x16], $0x10, s0, s19, $0xb8;
	[tilespmem:$0x172D0] =	vst v63  }
0x9b: {  	_ =	swait.ge [sflag:s17], $0x7D0  }
0x9c: {  	[sflag:s17] =	ssyncset.done $0x0  }
0x9d: {  	s5 =	simm.s32 @!p0 $0xF;
	[sflag:s17] =	ssyncadd.s32 $0xFFFFF830  }
0x9e: {  	_ =	swait.ge @!p0 [sflag:s5], $0x7D0  }
0x9f: {  	[sflag:s5] =	ssyncset.done @!p0 $0x0  }
0xa0: {  	[sflag:s5] =	ssyncadd.s32 @!p0 $0xFFFFF830;
	s5 =	simm.s32 @!p0 $0x17  }
0xa1: {  	_ =	swait.ge @!p0 [sflag:s5], $0x7D0  }
0xa2: {  	[sflag:s5] =	ssyncset.done @!p0 $0x0  }
0xa3: {  	s2 =	simm.s32 $0x700;
	s20 =	simm.s32 $0xBD60;
	[sflag:s5] =	ssyncadd.s32 @!p0 $0xFFFFF830  }
0xa4: {  	[tilespmem:s20], [sflag:$0x7] =	stream.indirect.gather [spmem:s4], $0x10, s2, s19, $0xb8;
	[tilespmem:$0x172D0] =	vst v63  }
0xa5: {  	s6 =	simm.s32 $0x2B00  }
0xa6: {  	[spmem:s1] =	stream.indirect.scatter.add.f32 [tilespmem:s11], [sflag:$0xF], $0x10, s6, s19, $0xb8;
	[tilespmem:$0x172D0] =	vst v63  }
0xa7: {  	_ = 	snop  }
0xa8: {  	[spmem:s3] =	stream.indirect.scatter.add.f32 [tilespmem:s28], [sflag:$0x17], $0x10, s6, s19, $0xb8;
	[tilespmem:$0x172D0] =	vst v63  }
0xa9: {  	_ =	swait.ge [sflag:s7], $0x7D0  }
0xaa: {  	[sflag:s7] =	ssyncset.done $0x0  }
0xab: {  	s5 =	simm.s32 @!p0 $0x10;
	[sflag:s7] =	ssyncadd.s32 $0xFFFFF830  }
0xac: {  	_ =	swait.ge @!p0 [sflag:s5], $0x7D0  }
0xad: {  	[sflag:s5] =	ssyncset.done @!p0 $0x0  }
0xae: {  	[sflag:s5] =	ssyncadd.s32 @!p0 $0xFFFFF830;
	s5 =	simm.s32 @!p0 $0x18  }
0xaf: {  	_ =	swait.ge @!p0 [sflag:s5], $0x7D0  }
0xb0: {  	[sflag:s5] =	ssyncset.done @!p0 $0x0  }
0xb1: {  	s9 =	simm.s32 $0x780;
	s0 =	simm.s32 $0xC530;
	[sflag:s5] =	ssyncadd.s32 @!p0 $0xFFFFF830  }
0xb2: {  	[tilespmem:s0], [sflag:$0x8] =	stream.indirect.gather [spmem:s4], $0x10, s9, s19, $0xb8;
	[tilespmem:$0x172D0] =	vst v63  }
0xb3: {  	s11 =	simm.s32 $0x2B80  }
0xb4: {  	[spmem:s1] =	stream.indirect.scatter.add.f32 [tilespmem:s13], [sflag:$0x10], $0x10, s11, s19, $0xb8;
	[tilespmem:$0x172D0] =	vst v63  }
0xb5: {  	_ = 	snop  }
0xb6: {  	[spmem:s3] =	stream.indirect.scatter.add.f32 [tilespmem:s28], [sflag:$0x18], $0x10, s11, s19, $0xb8;
	[tilespmem:$0x172D0] =	vst v63  }
0xb7: {  	_ =	swait.ge [sflag:s23], $0x7D0  }
0xb8: {  	[sflag:s23] =	ssyncset.done $0x0  }
0xb9: {  	s13 =	simm.s32 $0x9;
	[sflag:s23] =	ssyncadd.s32 $0xFFFFF830  }
0xba: {  	_ =	swait.ge [sflag:s13], $0x7D0  }
0xbb: {  	[sflag:s13] =	ssyncset.done $0x0  }
0xbc: {  	s15 =	simm.s32 $0x11;
	[sflag:s13] =	ssyncadd.s32 $0xFFFFF830  }
0xbd: {  	p0 =	por $0x0, $0x0;
	_ =	swait.ge [sflag:s15], $0x7D0  }
0xbe: {  	s6 =	simm.s32 @!p0 $0x5000;
	[sflag:s15] =	ssyncset.done $0x0  }
0xbf: {  	s5 =	simm.s32 @!p0 $0x7D;
	[sflag:s15] =	ssyncadd.s32 $0xFFFFF830;
	s15 =	simm.s32 @!p0 $0x800  }
0xc0: {  	[tilespmem:s6], [sflag:$0x1] =	stream.indirect.gather @!p0 [spmem:s4], $0x10, s15, s5, $0xb8;
	[tilespmem:$0x172D0] =	vst v63  }
0xc1: {  	s2 =	simm.s32 $0x2C00  }
0xc2: {  	[spmem:s1] =	stream.indirect.scatter.add.f32 [tilespmem:s14], [sflag:$0x9], $0x10, s2, s19, $0xb8;
	[tilespmem:$0x172D0] =	vst v63  }
0xc3: {  	_ = 	snop  }
0xc4: {  	[spmem:s3] =	stream.indirect.scatter.add.f32 [tilespmem:s28], [sflag:$0x11], $0x10, s2, s19, $0xb8;
	[tilespmem:$0x172D0] =	vst v63  }
0xc5: {  	_ =	swait.ge [sflag:s30], $0x7D0  }
0xc6: {  	[sflag:s30] =	ssyncset.done $0x0  }
0xc7: {  	s6 =	simm.s32 $0xA;
	[sflag:s30] =	ssyncadd.s32 $0xFFFFF830  }
0xc8: {  	_ =	swait.ge [sflag:s6], $0x7D0  }
0xc9: {  	[sflag:s6] =	ssyncset.done $0x0  }
0xca: {  	s9 =	simm.s32 $0x12;
	[sflag:s6] =	ssyncadd.s32 $0xFFFFF830  }
0xcb: {  	_ =	swait.ge [sflag:s9], $0x7D0  }
0xcc: {  	[sflag:s9] =	ssyncset.done $0x0  }
0xcd: {  	s15 =	simm.s32 @!p0 $0x57D0;
	s6 =	simm.s32 @!p0 $0x880;
	[sflag:s9] =	ssyncadd.s32 $0xFFFFF830  }
0xce: {  	[tilespmem:s15], [sflag:$0x2] =	stream.indirect.gather @!p0 [spmem:s4], $0x10, s6, s5, $0xb8;
	[tilespmem:$0x172D0] =	vst v63  }
0xcf: {  	s11 =	simm.s32 $0x2C80  }
0xd0: {  	[spmem:s1] =	stream.indirect.scatter.add.f32 [tilespmem:s16], [sflag:$0xA], $0x10, s11, s19, $0xb8;
	[tilespmem:$0x172D0] =	vst v63  }
0xd1: {  	_ = 	snop  }
0xd2: {  	[spmem:s3] =	stream.indirect.scatter.add.f32 [tilespmem:s28], [sflag:$0x12], $0x10, s11, s19, $0xb8;
	[tilespmem:$0x172D0] =	vst v63  }
0xd3: {  	_ =	swait.ge [sflag:s18], $0x7D0  }
0xd4: {  	[sflag:s18] =	ssyncset.done $0x0  }
0xd5: {  	s13 =	simm.s32 $0xB;
	[sflag:s18] =	ssyncadd.s32 $0xFFFFF830  }
0xd6: {  	_ =	swait.ge [sflag:s13], $0x7D0  }
0xd7: {  	[sflag:s13] =	ssyncset.done $0x0  }
0xd8: {  	s14 =	simm.s32 $0x13;
	[sflag:s13] =	ssyncadd.s32 $0xFFFFF830  }
0xd9: {  	_ =	swait.ge [sflag:s14], $0x7D0  }
0xda: {  	[sflag:s14] =	ssyncset.done $0x0  }
0xdb: {  	s6 =	simm.s32 @!p0 $0x900;
	s15 =	simm.s32 @!p0 $0x5FA0;
	[sflag:s14] =	ssyncadd.s32 $0xFFFFF830  }
0xdc: {  	[tilespmem:s15], [sflag:$0x3] =	stream.indirect.gather @!p0 [spmem:s4], $0x10, s6, s5, $0xb8;
	[tilespmem:$0x172D0] =	vst v63  }
0xdd: {  	s15 =	simm.s32 $0x2D00  }
0xde: {  	[spmem:s1] =	stream.indirect.scatter.add.f32 [tilespmem:s21], [sflag:$0xB], $0x10, s15, s19, $0xb8;
	[tilespmem:$0x172D0] =	vst v63  }
0xdf: {  	_ = 	snop  }
0xe0: {  	[spmem:s3] =	stream.indirect.scatter.add.f32 [tilespmem:s28], [sflag:$0x13], $0x10, s15, s19, $0xb8;
	[tilespmem:$0x172D0] =	vst v63  }
0xe1: {  	_ =	swait.ge [sflag:s8], $0x7D0  }
0xe2: {  	[sflag:s8] =	ssyncset.done $0x0  }
0xe3: {  	s16 =	simm.s32 $0xC;
	[sflag:s8] =	ssyncadd.s32 $0xFFFFF830  }
0xe4: {  	_ =	swait.ge [sflag:s16], $0x7D0  }
0xe5: {  	[sflag:s16] =	ssyncset.done $0x0  }
0xe6: {  	s21 =	simm.s32 $0x14;
	[sflag:s16] =	ssyncadd.s32 $0xFFFFF830  }
0xe7: {  	_ =	swait.ge [sflag:s21], $0x7D0  }
0xe8: {  	[sflag:s21] =	ssyncset.done $0x0  }
0xe9: {  	s6 =	simm.s32 @!p0 $0x980;
	s15 =	simm.s32 @!p0 $0x6770;
	[sflag:s21] =	ssyncadd.s32 $0xFFFFF830  }
0xea: {  	[tilespmem:s15], [sflag:$0x4] =	stream.indirect.gather @!p0 [spmem:s4], $0x10, s6, s5, $0xb8;
	[tilespmem:$0x172D0] =	vst v63  }
0xeb: {  	s2 =	simm.s32 $0x2D80  }
0xec: {  	[spmem:s1] =	stream.indirect.scatter.add.f32 [tilespmem:s25], [sflag:$0xC], $0x10, s2, s19, $0xb8;
	[tilespmem:$0x172D0] =	vst v63  }
0xed: {  	_ = 	snop  }
0xee: {  	[spmem:s3] =	stream.indirect.scatter.add.f32 [tilespmem:s28], [sflag:$0x14], $0x10, s2, s19, $0xb8;
	[tilespmem:$0x172D0] =	vst v63  }
0xef: {  	_ =	swait.ge [sflag:s10], $0x7D0  }
0xf0: {  	[sflag:s10] =	ssyncset.done $0x0  }
0xf1: {  	s9 =	simm.s32 $0xD;
	[sflag:s10] =	ssyncadd.s32 $0xFFFFF830  }
0xf2: {  	_ =	swait.ge [sflag:s9], $0x7D0  }
0xf3: {  	[sflag:s9] =	ssyncset.done $0x0  }
0xf4: {  	s11 =	simm.s32 $0x15;
	[sflag:s9] =	ssyncadd.s32 $0xFFFFF830  }
0xf5: {  	_ =	swait.ge [sflag:s11], $0x7D0  }
0xf6: {  	[sflag:s11] =	ssyncset.done $0x0  }
0xf7: {  	s6 =	simm.s32 @!p0 $0xA00;
	s15 =	simm.s32 @!p0 $0x6F40;
	[sflag:s11] =	ssyncadd.s32 $0xFFFFF830  }
0xf8: {  	[tilespmem:s15], [sflag:$0x5] =	stream.indirect.gather @!p0 [spmem:s4], $0x10, s6, s5, $0xb8;
	[tilespmem:$0x172D0] =	vst v63  }
0xf9: {  	s13 =	simm.s32 $0x2E00  }
0xfa: {  	[spmem:s1] =	stream.indirect.scatter.add.f32 [tilespmem:s24], [sflag:$0xD], $0x10, s13, s19, $0xb8;
	[tilespmem:$0x172D0] =	vst v63  }
0xfb: {  	_ = 	snop  }
0xfc: {  	[spmem:s3] =	stream.indirect.scatter.add.f32 [tilespmem:s28], [sflag:$0x15], $0x10, s13, s19, $0xb8;
	[tilespmem:$0x172D0] =	vst v63  }
0xfd: {  	_ =	swait.ge [sflag:s12], $0x7D0  }
0xfe: {  	[sflag:s12] =	ssyncset.done $0x0  }
0xff: {  	s14 =	simm.s32 $0xE;
	[sflag:s12] =	ssyncadd.s32 $0xFFFFF830  }
0x100: {  	_ =	swait.ge [sflag:s14], $0x7D0  }
0x101: {  	[sflag:s14] =	ssyncset.done $0x0  }
0x102: {  	s15 =	simm.s32 $0x16;
	[sflag:s14] =	ssyncadd.s32 $0xFFFFF830  }
0x103: {  	_ =	swait.ge [sflag:s15], $0x7D0  }
0x104: {  	[sflag:s15] =	ssyncset.done $0x0  }
0x105: {  	s6 =	simm.s32 @!p0 $0xA80;
	[sflag:s15] =	ssyncadd.s32 $0xFFFFF830;
	s15 =	simm.s32 @!p0 $0x7710  }
0x106: {  	[tilespmem:s15], [sflag:$0x6] =	stream.indirect.gather @!p0 [spmem:s4], $0x10, s6, s5, $0xb8;
	[tilespmem:$0x172D0] =	vst v63  }
0x107: {  	s16 =	simm.s32 $0x2E80  }
0x108: {  	[spmem:s1] =	stream.indirect.scatter.add.f32 [tilespmem:s22], [sflag:$0xE], $0x10, s16, s19, $0xb8;
	[tilespmem:$0x172D0] =	vst v63  }
0x109: {  	_ = 	snop  }
0x10a: {  	[spmem:s3] =	stream.indirect.scatter.add.f32 [tilespmem:s28], [sflag:$0x16], $0x10, s16, s19, $0xb8;
	[tilespmem:$0x172D0] =	vst v63  }
0x10b: {  	_ =	swait.ge [sflag:s17], $0x7D0  }
0x10c: {  	[sflag:s17] =	ssyncset.done $0x0  }
0x10d: {  	s21 =	simm.s32 $0xF;
	[sflag:s17] =	ssyncadd.s32 $0xFFFFF830  }
0x10e: {  	_ =	swait.ge [sflag:s21], $0x7D0  }
0x10f: {  	[sflag:s21] =	ssyncset.done $0x0  }
0x110: {  	s13 =	simm.s32 $0x17;
	[sflag:s21] =	ssyncadd.s32 $0xFFFFF830  }
0x111: {  	_ =	swait.ge [sflag:s13], $0x7D0  }
0x112: {  	[sflag:s13] =	ssyncset.done $0x0  }
0x113: {  	s6 =	simm.s32 @!p0 $0xB00;
	s15 =	simm.s32 @!p0 $0x7EE0;
	[sflag:s13] =	ssyncadd.s32 $0xFFFFF830  }
0x114: {  	[tilespmem:s15], [sflag:$0x7] =	stream.indirect.gather @!p0 [spmem:s4], $0x10, s6, s5, $0xb8;
	[tilespmem:$0x172D0] =	vst v63  }
0x115: {  	s25 =	simm.s32 $0x2F00  }
0x116: {  	[spmem:s1] =	stream.indirect.scatter.add.f32 [tilespmem:s20], [sflag:$0xF], $0x10, s25, s19, $0xb8;
	[tilespmem:$0x172D0] =	vst v63  }
0x117: {  	_ = 	snop  }
0x118: {  	[spmem:s3] =	stream.indirect.scatter.add.f32 [tilespmem:s28], [sflag:$0x17], $0x10, s25, s19, $0xb8;
	[tilespmem:$0x172D0] =	vst v63  }
0x119: {  	_ =	swait.ge [sflag:s7], $0x7D0  }
0x11a: {  	[sflag:s7] =	ssyncset.done $0x0  }
0x11b: {  	s21 =	simm.s32 $0x10;
	[sflag:s7] =	ssyncadd.s32 $0xFFFFF830  }
0x11c: {  	_ =	swait.ge [sflag:s21], $0x7D0  }
0x11d: {  	[sflag:s21] =	ssyncset.done $0x0  }
0x11e: {  	s14 =	simm.s32 $0x18;
	[sflag:s21] =	ssyncadd.s32 $0xFFFFF830  }
0x11f: {  	_ =	swait.ge [sflag:s14], $0x7D0  }
0x120: {  	[sflag:s14] =	ssyncset.done $0x0  }
0x121: {  	s6 =	simm.s32 @!p0 $0xB80;
	s15 =	simm.s32 @!p0 $0x86B0;
	[sflag:s14] =	ssyncadd.s32 $0xFFFFF830  }
0x122: {  	[tilespmem:s15], [sflag:$0x8] =	stream.indirect.gather @!p0 [spmem:s4], $0x10, s6, s5, $0xb8;
	[tilespmem:$0x172D0] =	vst v63  }
0x123: {  	s5 =	simm.s32 $0x2F80;
	s6 =	simm.s32 $0x2000  }
0x124: {  	[spmem:s1] =	stream.indirect.scatter.add.f32 [tilespmem:s0], [sflag:$0x10], $0x10, s5, s19, $0xb8;
	[tilespmem:$0x172D0] =	vst v63  }
.LBB2_6:
0x125: {  	[spmem:s3] =	stream.indirect.scatter.add.f32 [tilespmem:s28], [sflag:$0x18], $0x10, s5, s19, $0xb8;
	[tilespmem:$0x172D0] =	vst v63  }
0x126: {  	s5 =	smov.u32 s6;
	s6 =	sadd.s32 $0x2000, s6;
	_ =	swait.ge [sflag:s23], $0x7D0  }
0x127: {  	p1 =	seq.s32 s5, $0x0;
	p0 =	sne.s32 s6, $0xA000;
	[sflag:s23] =	ssyncset.done $0x0  }
0x128: {  	s15 =	simm.s32 @!p1 $0x9;
	[sflag:s23] =	ssyncadd.s32 $0xFFFFF830  }
0x129: {  	_ =	swait.ge @!p1 [sflag:s15], $0x7D0  }
0x12a: {  	[sflag:s15] =	ssyncset.done @!p1 $0x0  }
0x12b: {  	[sflag:s15] =	ssyncadd.s32 @!p1 $0xFFFFF830;
	s15 =	simm.s32 @!p1 $0x11  }
0x12c: {  	_ =	swait.ge @!p1 [sflag:s15], $0x7D0  }
0x12d: {  	s16 =	sshra.s32 s5, $0x2;
	[sflag:s15] =	ssyncset.done @!p1 $0x0  }
0x12e: {  	s25 =	simm.s32 $0x8E80;
	[sflag:s15] =	ssyncadd.s32 @!p1 $0xFFFFF830;
	s15 =	sadd.s32 $0x400, s16  }
0x12f: {  	[tilespmem:s25], [sflag:$0x1] =	stream.indirect.gather [spmem:s4], $0x10, s15, s19, $0xb8;
	[tilespmem:$0x172D0] =	vst v63  }
0x130: {  	s15 =	sadd.s32 $0x2800, s16  }
0x131: {  	[spmem:s1] =	stream.indirect.scatter.add.f32 [tilespmem:s26], [sflag:$0x9], $0x10, s15, s19, $0xb8;
	[tilespmem:$0x172D0] =	vst v63  }
0x132: {  	_ = 	snop  }
0x133: {  	[spmem:s3] =	stream.indirect.scatter.add.f32 [tilespmem:s28], [sflag:$0x11], $0x10, s15, s19, $0xb8;
	[tilespmem:$0x172D0] =	vst v63  }
0x134: {  	_ =	swait.ge [sflag:s30], $0x7D0  }
0x135: {  	[sflag:s30] =	ssyncset.done $0x0  }
0x136: {  	s15 =	simm.s32 @!p1 $0xA;
	[sflag:s30] =	ssyncadd.s32 $0xFFFFF830  }
0x137: {  	_ =	swait.ge @!p1 [sflag:s15], $0x7D0  }
0x138: {  	[sflag:s15] =	ssyncset.done @!p1 $0x0  }
0x139: {  	[sflag:s15] =	ssyncadd.s32 @!p1 $0xFFFFF830;
	s15 =	simm.s32 @!p1 $0x12  }
0x13a: {  	_ =	swait.ge @!p1 [sflag:s15], $0x7D0  }
0x13b: {  	[sflag:s15] =	ssyncset.done @!p1 $0x0  }
0x13c: {  	s2 =	simm.s32 $0x9650;
	[sflag:s15] =	ssyncadd.s32 @!p1 $0xFFFFF830;
	s15 =	sadd.s32 $0x480, s16  }
0x13d: {  	[tilespmem:s2], [sflag:$0x2] =	stream.indirect.gather [spmem:s4], $0x10, s15, s19, $0xb8;
	[tilespmem:$0x172D0] =	vst v63  }
0x13e: {  	s15 =	sadd.s32 $0x2880, s16  }
0x13f: {  	[spmem:s1] =	stream.indirect.scatter.add.f32 [tilespmem:s29], [sflag:$0xA], $0x10, s15, s19, $0xb8;
	[tilespmem:$0x172D0] =	vst v63  }
0x140: {  	_ = 	snop  }
0x141: {  	[spmem:s3] =	stream.indirect.scatter.add.f32 [tilespmem:s28], [sflag:$0x12], $0x10, s15, s19, $0xb8;
	[tilespmem:$0x172D0] =	vst v63  }
0x142: {  	_ =	swait.ge [sflag:s18], $0x7D0  }
0x143: {  	[sflag:s18] =	ssyncset.done $0x0  }
0x144: {  	s15 =	simm.s32 @!p1 $0xB;
	[sflag:s18] =	ssyncadd.s32 $0xFFFFF830  }
0x145: {  	_ =	swait.ge @!p1 [sflag:s15], $0x7D0  }
0x146: {  	[sflag:s15] =	ssyncset.done @!p1 $0x0  }
0x147: {  	[sflag:s15] =	ssyncadd.s32 @!p1 $0xFFFFF830;
	s15 =	simm.s32 @!p1 $0x13  }
0x148: {  	_ =	swait.ge @!p1 [sflag:s15], $0x7D0  }
0x149: {  	[sflag:s15] =	ssyncset.done @!p1 $0x0  }
0x14a: {  	s9 =	simm.s32 $0x9E20;
	[sflag:s15] =	ssyncadd.s32 @!p1 $0xFFFFF830;
	s15 =	sadd.s32 $0x500, s16  }
0x14b: {  	[tilespmem:s9], [sflag:$0x3] =	stream.indirect.gather [spmem:s4], $0x10, s15, s19, $0xb8;
	[tilespmem:$0x172D0] =	vst v63  }
0x14c: {  	s15 =	sadd.s32 $0x2900, s16  }
0x14d: {  	[spmem:s1] =	stream.indirect.scatter.add.f32 [tilespmem:s31], [sflag:$0xB], $0x10, s15, s19, $0xb8;
	[tilespmem:$0x172D0] =	vst v63  }
0x14e: {  	_ = 	snop  }
0x14f: {  	[spmem:s3] =	stream.indirect.scatter.add.f32 [tilespmem:s28], [sflag:$0x13], $0x10, s15, s19, $0xb8;
	[tilespmem:$0x172D0] =	vst v63  }
0x150: {  	_ =	swait.ge [sflag:s8], $0x7D0  }
0x151: {  	[sflag:s8] =	ssyncset.done $0x0  }
0x152: {  	s15 =	simm.s32 @!p1 $0xC;
	[sflag:s8] =	ssyncadd.s32 $0xFFFFF830  }
0x153: {  	_ =	swait.ge @!p1 [sflag:s15], $0x7D0  }
0x154: {  	[sflag:s15] =	ssyncset.done @!p1 $0x0  }
0x155: {  	[sflag:s15] =	ssyncadd.s32 @!p1 $0xFFFFF830;
	s15 =	simm.s32 @!p1 $0x14  }
0x156: {  	_ =	swait.ge @!p1 [sflag:s15], $0x7D0  }
0x157: {  	[sflag:s15] =	ssyncset.done @!p1 $0x0  }
0x158: {  	s11 =	simm.s32 $0xA5F0;
	[sflag:s15] =	ssyncadd.s32 @!p1 $0xFFFFF830;
	s15 =	sadd.s32 $0x580, s16  }
0x159: {  	[tilespmem:s11], [sflag:$0x4] =	stream.indirect.gather [spmem:s4], $0x10, s15, s19, $0xb8;
	[tilespmem:$0x172D0] =	vst v63  }
0x15a: {  	s26 =	simm.s32 $0x6770;
	s15 =	sadd.s32 $0x2980, s16  }
0x15b: {  	[spmem:s1] =	stream.indirect.scatter.add.f32 [tilespmem:s26], [sflag:$0xC], $0x10, s15, s19, $0xb8;
	[tilespmem:$0x172D0] =	vst v63  }
0x15c: {  	_ = 	snop  }
0x15d: {  	[spmem:s3] =	stream.indirect.scatter.add.f32 [tilespmem:s28], [sflag:$0x14], $0x10, s15, s19, $0xb8;
	[tilespmem:$0x172D0] =	vst v63  }
0x15e: {  	_ =	swait.ge [sflag:s10], $0x7D0  }
0x15f: {  	[sflag:s10] =	ssyncset.done $0x0  }
0x160: {  	s15 =	simm.s32 @!p1 $0xD;
	[sflag:s10] =	ssyncadd.s32 $0xFFFFF830  }
0x161: {  	_ =	swait.ge @!p1 [sflag:s15], $0x7D0  }
0x162: {  	[sflag:s15] =	ssyncset.done @!p1 $0x0  }
0x163: {  	[sflag:s15] =	ssyncadd.s32 @!p1 $0xFFFFF830;
	s15 =	simm.s32 @!p1 $0x15  }
0x164: {  	_ =	swait.ge @!p1 [sflag:s15], $0x7D0  }
0x165: {  	[sflag:s15] =	ssyncset.done @!p1 $0x0  }
0x166: {  	[sflag:s15] =	ssyncadd.s32 @!p1 $0xFFFFF830;
	s15 =	sadd.s32 $0x600, s16  }
0x167: {  	[tilespmem:s24], [sflag:$0x5] =	stream.indirect.gather [spmem:s4], $0x10, s15, s19, $0xb8;
	[tilespmem:$0x172D0] =	vst v63  }
0x168: {  	s15 =	sadd.s32 $0x2A00, s16;
	s24 =	simm.s32 $0x6F40  }
0x169: {  	[spmem:s1] =	stream.indirect.scatter.add.f32 [tilespmem:s24], [sflag:$0xD], $0x10, s15, s19, $0xb8;
	[tilespmem:$0x172D0] =	vst v63  }
0x16a: {  	_ = 	snop  }
0x16b: {  	[spmem:s3] =	stream.indirect.scatter.add.f32 [tilespmem:s28], [sflag:$0x15], $0x10, s15, s19, $0xb8;
	[tilespmem:$0x172D0] =	vst v63  }
0x16c: {  	_ =	swait.ge [sflag:s12], $0x7D0  }
0x16d: {  	[sflag:s12] =	ssyncset.done $0x0  }
0x16e: {  	s15 =	simm.s32 @!p1 $0xE;
	[sflag:s12] =	ssyncadd.s32 $0xFFFFF830  }
0x16f: {  	_ =	swait.ge @!p1 [sflag:s15], $0x7D0  }
0x170: {  	[sflag:s15] =	ssyncset.done @!p1 $0x0  }
0x171: {  	[sflag:s15] =	ssyncadd.s32 @!p1 $0xFFFFF830;
	s15 =	simm.s32 @!p1 $0x16  }
0x172: {  	_ =	swait.ge @!p1 [sflag:s15], $0x7D0  }
0x173: {  	[sflag:s15] =	ssyncset.done @!p1 $0x0  }
0x174: {  	[sflag:s15] =	ssyncadd.s32 @!p1 $0xFFFFF830;
	s15 =	sadd.s32 $0x680, s16  }
0x175: {  	[tilespmem:s22], [sflag:$0x6] =	stream.indirect.gather [spmem:s4], $0x10, s15, s19, $0xb8;
	[tilespmem:$0x172D0] =	vst v63  }
0x176: {  	s15 =	sadd.s32 $0x2A80, s16;
	s22 =	simm.s32 $0x7710  }
0x177: {  	[spmem:s1] =	stream.indirect.scatter.add.f32 [tilespmem:s22], [sflag:$0xE], $0x10, s15, s19, $0xb8;
	[tilespmem:$0x172D0] =	vst v63  }
0x178: {  	_ = 	snop  }
0x179: {  	[spmem:s3] =	stream.indirect.scatter.add.f32 [tilespmem:s28], [sflag:$0x16], $0x10, s15, s19, $0xb8;
	[tilespmem:$0x172D0] =	vst v63  }
0x17a: {  	_ =	swait.ge [sflag:s17], $0x7D0  }
0x17b: {  	[sflag:s17] =	ssyncset.done $0x0  }
0x17c: {  	s15 =	simm.s32 @!p1 $0xF;
	[sflag:s17] =	ssyncadd.s32 $0xFFFFF830  }
0x17d: {  	_ =	swait.ge @!p1 [sflag:s15], $0x7D0  }
0x17e: {  	[sflag:s15] =	ssyncset.done @!p1 $0x0  }
0x17f: {  	[sflag:s15] =	ssyncadd.s32 @!p1 $0xFFFFF830;
	s15 =	simm.s32 @!p1 $0x17  }
0x180: {  	_ =	swait.ge @!p1 [sflag:s15], $0x7D0  }
0x181: {  	[sflag:s15] =	ssyncset.done @!p1 $0x0  }
0x182: {  	[sflag:s15] =	ssyncadd.s32 @!p1 $0xFFFFF830;
	s15 =	sadd.s32 $0x700, s16  }
0x183: {  	[tilespmem:s20], [sflag:$0x7] =	stream.indirect.gather [spmem:s4], $0x10, s15, s19, $0xb8;
	[tilespmem:$0x172D0] =	vst v63  }
0x184: {  	s15 =	sadd.s32 $0x2B00, s16;
	s20 =	simm.s32 $0x7EE0  }
0x185: {  	[spmem:s1] =	stream.indirect.scatter.add.f32 [tilespmem:s20], [sflag:$0xF], $0x10, s15, s19, $0xb8;
	[tilespmem:$0x172D0] =	vst v63  }
0x186: {  	_ = 	snop  }
0x187: {  	[spmem:s3] =	stream.indirect.scatter.add.f32 [tilespmem:s28], [sflag:$0x17], $0x10, s15, s19, $0xb8;
	[tilespmem:$0x172D0] =	vst v63  }
0x188: {  	_ =	swait.ge [sflag:s7], $0x7D0  }
0x189: {  	[sflag:s7] =	ssyncset.done $0x0  }
0x18a: {  	s15 =	simm.s32 @!p1 $0x10;
	[sflag:s7] =	ssyncadd.s32 $0xFFFFF830  }
0x18b: {  	_ =	swait.ge @!p1 [sflag:s15], $0x7D0  }
0x18c: {  	[sflag:s15] =	ssyncset.done @!p1 $0x0  }
0x18d: {  	[sflag:s15] =	ssyncadd.s32 @!p1 $0xFFFFF830;
	s15 =	simm.s32 @!p1 $0x18  }
0x18e: {  	_ =	swait.ge @!p1 [sflag:s15], $0x7D0  }
0x18f: {  	[sflag:s15] =	ssyncset.done @!p1 $0x0  }
0x190: {  	[sflag:s15] =	ssyncadd.s32 @!p1 $0xFFFFF830;
	s15 =	sadd.s32 $0x780, s16  }
0x191: {  	[tilespmem:s0], [sflag:$0x8] =	stream.indirect.gather [spmem:s4], $0x10, s15, s19, $0xb8;
	[tilespmem:$0x172D0] =	vst v63  }
0x192: {  	s15 =	sadd.s32 $0x2B80, s16;
	s0 =	simm.s32 $0x86B0  }
0x193: {  	[spmem:s1] =	stream.indirect.scatter.add.f32 [tilespmem:s0], [sflag:$0x10], $0x10, s15, s19, $0xb8;
	[tilespmem:$0x172D0] =	vst v63  }
0x194: {  	_ = 	snop  }
0x195: {  	[spmem:s3] =	stream.indirect.scatter.add.f32 [tilespmem:s28], [sflag:$0x18], $0x10, s15, s19, $0xb8;
	[tilespmem:$0x172D0] =	vst v63  }
0x196: {  	_ =	swait.ge [sflag:s23], $0x7D0  }
0x197: {  	[sflag:s23] =	ssyncset.done $0x0  }
0x198: {  	s0 =	simm.s32 $0x9;
	[sflag:s23] =	ssyncadd.s32 $0xFFFFF830  }
0x199: {  	_ =	swait.ge [sflag:s0], $0x7D0  }
0x19a: {  	[sflag:s0] =	ssyncset.done $0x0  }
0x19b: {  	[sflag:s0] =	ssyncadd.s32 $0xFFFFF830;
	s0 =	simm.s32 $0x11  }
0x19c: {  	p1 =	seq.s32 s5, $0x8000;
	_ =	swait.ge [sflag:s0], $0x7D0  }
0x19d: {  	s20 =	simm.s32 @!p1 $0x5000;
	s15 =	sshra.s32 @!p1 s5, $0x2;
	[sflag:s0] =	ssyncset.done $0x0  }
0x19e: {  	s5 =	simm.s32 @!p1 $0x7D;
	s22 =	sadd.s32 @!p1 $0x800, s15;
	[sflag:s0] =	ssyncadd.s32 $0xFFFFF830  }
0x19f: {  	[tilespmem:s20], [sflag:$0x1] =	stream.indirect.gather @!p1 [spmem:s4], $0x10, s22, s5, $0xb8;
	[tilespmem:$0x172D0] =	vst v63  }
0x1a0: {  	s29 =	sadd.s32 @!p1 $0x880, s15;
	s31 =	sadd.s32 @!p1 $0x900, s15;
	s20 =	sadd.s32 $0x2C00, s16  }
0x1a1: {  	[spmem:s1] =	stream.indirect.scatter.add.f32 [tilespmem:s25], [sflag:$0x9], $0x10, s20, s19, $0xb8;
	[tilespmem:$0x172D0] =	vst v63  }
0x1a2: {  	s26 =	sadd.s32 @!p1 $0x980, s15;
	s24 =	sadd.s32 @!p1 $0xA00, s15;
	s22 =	sadd.s32 @!p1 $0xA80, s15  }
0x1a3: {  	[spmem:s3] =	stream.indirect.scatter.add.f32 [tilespmem:s28], [sflag:$0x11], $0x10, s20, s19, $0xb8;
	[tilespmem:$0x172D0] =	vst v63  }
0x1a4: {  	s20 =	sadd.s32 @!p1 $0xB00, s15;
	s15 =	sadd.s32 @!p1 $0xB80, s15;
	_ =	swait.ge [sflag:s30], $0x7D0  }
0x1a5: {  	[sflag:s30] =	ssyncset.done $0x0  }
0x1a6: {  	s0 =	simm.s32 $0xA;
	[sflag:s30] =	ssyncadd.s32 $0xFFFFF830  }
0x1a7: {  	_ =	swait.ge [sflag:s0], $0x7D0  }
0x1a8: {  	[sflag:s0] =	ssyncset.done $0x0  }
0x1a9: {  	[sflag:s0] =	ssyncadd.s32 $0xFFFFF830;
	s0 =	simm.s32 $0x12  }
0x1aa: {  	_ =	swait.ge [sflag:s0], $0x7D0  }
0x1ab: {  	[sflag:s0] =	ssyncset.done $0x0  }
0x1ac: {  	[sflag:s0] =	ssyncadd.s32 $0xFFFFF830;
	s0 =	simm.s32 @!p1 $0x57D0  }
0x1ad: {  	[tilespmem:s0], [sflag:$0x2] =	stream.indirect.gather @!p1 [spmem:s4], $0x10, s29, s5, $0xb8;
	[tilespmem:$0x172D0] =	vst v63  }
0x1ae: {  	s29 =	simm.s32 $0x57D0  }
0x1af: {  	s0 =	sadd.s32 $0x2C80, s16  }
0x1b0: {  	[spmem:s1] =	stream.indirect.scatter.add.f32 [tilespmem:s2], [sflag:$0xA], $0x10, s0, s19, $0xb8;
	[tilespmem:$0x172D0] =	vst v63  }
0x1b1: {  	_ = 	snop  }
0x1b2: {  	[spmem:s3] =	stream.indirect.scatter.add.f32 [tilespmem:s28], [sflag:$0x12], $0x10, s0, s19, $0xb8;
	[tilespmem:$0x172D0] =	vst v63  }
0x1b3: {  	_ =	swait.ge [sflag:s18], $0x7D0  }
0x1b4: {  	[sflag:s18] =	ssyncset.done $0x0  }
0x1b5: {  	s0 =	simm.s32 $0xB;
	[sflag:s18] =	ssyncadd.s32 $0xFFFFF830  }
0x1b6: {  	_ =	swait.ge [sflag:s0], $0x7D0  }
0x1b7: {  	[sflag:s0] =	ssyncset.done $0x0  }
0x1b8: {  	[sflag:s0] =	ssyncadd.s32 $0xFFFFF830;
	s0 =	simm.s32 $0x13  }
0x1b9: {  	_ =	swait.ge [sflag:s0], $0x7D0  }
0x1ba: {  	[sflag:s0] =	ssyncset.done $0x0  }
0x1bb: {  	[sflag:s0] =	ssyncadd.s32 $0xFFFFF830;
	s0 =	simm.s32 @!p1 $0x5FA0  }
0x1bc: {  	[tilespmem:s0], [sflag:$0x3] =	stream.indirect.gather @!p1 [spmem:s4], $0x10, s31, s5, $0xb8;
	[tilespmem:$0x172D0] =	vst v63  }
0x1bd: {  	s31 =	simm.s32 $0x5FA0  }
0x1be: {  	s0 =	sadd.s32 $0x2D00, s16  }
0x1bf: {  	[spmem:s1] =	stream.indirect.scatter.add.f32 [tilespmem:s9], [sflag:$0xB], $0x10, s0, s19, $0xb8;
	[tilespmem:$0x172D0] =	vst v63  }
0x1c0: {  	_ = 	snop  }
0x1c1: {  	[spmem:s3] =	stream.indirect.scatter.add.f32 [tilespmem:s28], [sflag:$0x13], $0x10, s0, s19, $0xb8;
	[tilespmem:$0x172D0] =	vst v63  }
0x1c2: {  	_ =	swait.ge [sflag:s8], $0x7D0  }
0x1c3: {  	[sflag:s8] =	ssyncset.done $0x0  }
0x1c4: {  	s0 =	simm.s32 $0xC;
	[sflag:s8] =	ssyncadd.s32 $0xFFFFF830  }
0x1c5: {  	_ =	swait.ge [sflag:s0], $0x7D0  }
0x1c6: {  	[sflag:s0] =	ssyncset.done $0x0  }
0x1c7: {  	[sflag:s0] =	ssyncadd.s32 $0xFFFFF830;
	s0 =	simm.s32 $0x14  }
0x1c8: {  	_ =	swait.ge [sflag:s0], $0x7D0  }
0x1c9: {  	[sflag:s0] =	ssyncset.done $0x0  }
0x1ca: {  	[sflag:s0] =	ssyncadd.s32 $0xFFFFF830;
	s0 =	simm.s32 @!p1 $0x6770  }
0x1cb: {  	[tilespmem:s0], [sflag:$0x4] =	stream.indirect.gather @!p1 [spmem:s4], $0x10, s26, s5, $0xb8;
	[tilespmem:$0x172D0] =	vst v63  }
0x1cc: {  	s26 =	simm.s32 $0x5000  }
0x1cd: {  	s0 =	sadd.s32 $0x2D80, s16  }
0x1ce: {  	[spmem:s1] =	stream.indirect.scatter.add.f32 [tilespmem:s11], [sflag:$0xC], $0x10, s0, s19, $0xb8;
	[tilespmem:$0x172D0] =	vst v63  }
0x1cf: {  	_ = 	snop  }
0x1d0: {  	[spmem:s3] =	stream.indirect.scatter.add.f32 [tilespmem:s28], [sflag:$0x14], $0x10, s0, s19, $0xb8;
	[tilespmem:$0x172D0] =	vst v63  }
0x1d1: {  	_ =	swait.ge [sflag:s10], $0x7D0  }
0x1d2: {  	[sflag:s10] =	ssyncset.done $0x0  }
0x1d3: {  	s0 =	simm.s32 $0xD;
	[sflag:s10] =	ssyncadd.s32 $0xFFFFF830  }
0x1d4: {  	_ =	swait.ge [sflag:s0], $0x7D0  }
0x1d5: {  	[sflag:s0] =	ssyncset.done $0x0  }
0x1d6: {  	[sflag:s0] =	ssyncadd.s32 $0xFFFFF830;
	s0 =	simm.s32 $0x15  }
0x1d7: {  	_ =	swait.ge [sflag:s0], $0x7D0  }
0x1d8: {  	[sflag:s0] =	ssyncset.done $0x0  }
0x1d9: {  	[sflag:s0] =	ssyncadd.s32 $0xFFFFF830;
	s0 =	simm.s32 @!p1 $0x6F40  }
0x1da: {  	[tilespmem:s0], [sflag:$0x5] =	stream.indirect.gather @!p1 [spmem:s4], $0x10, s24, s5, $0xb8;
	[tilespmem:$0x172D0] =	vst v63  }
0x1db: {  	s24 =	simm.s32 $0xADC0  }
0x1dc: {  	s0 =	sadd.s32 $0x2E00, s16  }
0x1dd: {  	[spmem:s1] =	stream.indirect.scatter.add.f32 [tilespmem:s24], [sflag:$0xD], $0x10, s0, s19, $0xb8;
	[tilespmem:$0x172D0] =	vst v63  }
0x1de: {  	_ = 	snop  }
0x1df: {  	[spmem:s3] =	stream.indirect.scatter.add.f32 [tilespmem:s28], [sflag:$0x15], $0x10, s0, s19, $0xb8;
	[tilespmem:$0x172D0] =	vst v63  }
0x1e0: {  	_ =	swait.ge [sflag:s12], $0x7D0  }
0x1e1: {  	[sflag:s12] =	ssyncset.done $0x0  }
0x1e2: {  	s0 =	simm.s32 $0xE;
	[sflag:s12] =	ssyncadd.s32 $0xFFFFF830  }
0x1e3: {  	_ =	swait.ge [sflag:s0], $0x7D0  }
0x1e4: {  	[sflag:s0] =	ssyncset.done $0x0  }
0x1e5: {  	[sflag:s0] =	ssyncadd.s32 $0xFFFFF830;
	s0 =	simm.s32 $0x16  }
0x1e6: {  	_ =	swait.ge [sflag:s0], $0x7D0  }
0x1e7: {  	[sflag:s0] =	ssyncset.done $0x0  }
0x1e8: {  	[sflag:s0] =	ssyncadd.s32 $0xFFFFF830;
	s0 =	simm.s32 @!p1 $0x7710  }
0x1e9: {  	[tilespmem:s0], [sflag:$0x6] =	stream.indirect.gather @!p1 [spmem:s4], $0x10, s22, s5, $0xb8;
	[tilespmem:$0x172D0] =	vst v63  }
0x1ea: {  	s22 =	simm.s32 $0xB590  }
0x1eb: {  	s0 =	sadd.s32 $0x2E80, s16  }
0x1ec: {  	[spmem:s1] =	stream.indirect.scatter.add.f32 [tilespmem:s22], [sflag:$0xE], $0x10, s0, s19, $0xb8;
	[tilespmem:$0x172D0] =	vst v63  }
0x1ed: {  	_ = 	snop  }
0x1ee: {  	[spmem:s3] =	stream.indirect.scatter.add.f32 [tilespmem:s28], [sflag:$0x16], $0x10, s0, s19, $0xb8;
	[tilespmem:$0x172D0] =	vst v63  }
0x1ef: {  	_ =	swait.ge [sflag:s17], $0x7D0  }
0x1f0: {  	[sflag:s17] =	ssyncset.done $0x0  }
0x1f1: {  	s0 =	simm.s32 $0xF;
	[sflag:s17] =	ssyncadd.s32 $0xFFFFF830  }
0x1f2: {  	_ =	swait.ge [sflag:s0], $0x7D0  }
0x1f3: {  	[sflag:s0] =	ssyncset.done $0x0  }
0x1f4: {  	[sflag:s0] =	ssyncadd.s32 $0xFFFFF830  }
0x1f5: {  	_ =	swait.ge [sflag:s13], $0x7D0  }
0x1f6: {  	[sflag:s13] =	ssyncset.done $0x0  }
0x1f7: {  	s0 =	simm.s32 @!p1 $0x7EE0;
	[sflag:s13] =	ssyncadd.s32 $0xFFFFF830  }
0x1f8: {  	[tilespmem:s0], [sflag:$0x7] =	stream.indirect.gather @!p1 [spmem:s4], $0x10, s20, s5, $0xb8;
	[tilespmem:$0x172D0] =	vst v63  }
0x1f9: {  	s20 =	simm.s32 $0xBD60  }
0x1fa: {  	s0 =	sadd.s32 $0x2F00, s16  }
0x1fb: {  	[spmem:s1] =	stream.indirect.scatter.add.f32 [tilespmem:s20], [sflag:$0xF], $0x10, s0, s19, $0xb8;
	[tilespmem:$0x172D0] =	vst v63  }
0x1fc: {  	_ = 	snop  }
0x1fd: {  	[spmem:s3] =	stream.indirect.scatter.add.f32 [tilespmem:s28], [sflag:$0x17], $0x10, s0, s19, $0xb8;
	[tilespmem:$0x172D0] =	vst v63  }
0x1fe: {  	_ =	swait.ge [sflag:s7], $0x7D0  }
0x1ff: {  	[sflag:s7] =	ssyncset.done $0x0  }
0x200: {  	[sflag:s7] =	ssyncadd.s32 $0xFFFFF830  }
0x201: {  	_ =	swait.ge [sflag:s21], $0x7D0  }
0x202: {  	[sflag:s21] =	ssyncset.done $0x0  }
0x203: {  	[sflag:s21] =	ssyncadd.s32 $0xFFFFF830  }
0x204: {  	_ =	swait.ge [sflag:s14], $0x7D0  }
0x205: {  	[sflag:s14] =	ssyncset.done $0x0  }
.Ltmp2:
0x206: {  	s0 =	simm.s32 @!p1 $0x86B0;
	[sflag:s14] =	ssyncadd.s32 $0xFFFFF830;
	(pc) =	sbr.rel @p0 .LBB2_6-.Ltmp2, $4  }
0x207: {  	[tilespmem:s0], [sflag:$0x8] =	stream.indirect.gather @!p1 [spmem:s4], $0x10, s15, s5, $0xb8;
	[tilespmem:$0x172D0] =	vst v63  }
0x208: {  	s0 =	simm.s32 $0xC530  }
0x209: {  	s5 =	sadd.s32 $0x2F80, s16  }
0x20a: {  	[spmem:s1] =	stream.indirect.scatter.add.f32 [tilespmem:s0], [sflag:$0x10], $0x10, s5, s19, $0xb8;
	[tilespmem:$0x172D0] =	vst v63  }
0x20b: {  	[spmem:s3] =	stream.indirect.scatter.add.f32 [tilespmem:s28], [sflag:$0x18], $0x10, s5, s19, $0xb8;
	[tilespmem:$0x172D0] =	vst v63  }
0x20c: {  	s0 =	simm.s32 $0x9  }
0x20d: {  	_ =	swait.ge [sflag:s0], $0x7D0  }
0x20e: {  	[sflag:s0] =	ssyncset.done $0x0  }
0x20f: {  	s11 =	simm.s32 $0x11;
	[sflag:s0] =	ssyncadd.s32 $0xFFFFF830  }
0x210: {  	_ =	swait.ge [sflag:s11], $0x7D0  }
0x211: {  	[sflag:s11] =	ssyncset.done $0x0  }
0x212: {  	s15 =	simm.s32 $0xA;
	[sflag:s11] =	ssyncadd.s32 $0xFFFFF830  }
0x213: {  	_ =	swait.ge [sflag:s15], $0x7D0  }
0x214: {  	[sflag:s15] =	ssyncset.done $0x0  }
0x215: {  	s16 =	simm.s32 $0x12;
	[sflag:s15] =	ssyncadd.s32 $0xFFFFF830  }
0x216: {  	_ =	swait.ge [sflag:s16], $0x7D0  }
0x217: {  	[sflag:s16] =	ssyncset.done $0x0  }
0x218: {  	s20 =	simm.s32 $0xB;
	[sflag:s16] =	ssyncadd.s32 $0xFFFFF830  }
0x219: {  	_ =	swait.ge [sflag:s20], $0x7D0  }
0x21a: {  	[sflag:s20] =	ssyncset.done $0x0  }
0x21b: {  	s22 =	simm.s32 $0x13;
	[sflag:s20] =	ssyncadd.s32 $0xFFFFF830  }
0x21c: {  	_ =	swait.ge [sflag:s22], $0x7D0  }
0x21d: {  	[sflag:s22] =	ssyncset.done $0x0  }
0x21e: {  	s24 =	simm.s32 $0xC;
	[sflag:s22] =	ssyncadd.s32 $0xFFFFF830  }
0x21f: {  	_ =	swait.ge [sflag:s24], $0x7D0  }
0x220: {  	[sflag:s24] =	ssyncset.done $0x0  }
0x221: {  	s25 =	simm.s32 $0x14;
	[sflag:s24] =	ssyncadd.s32 $0xFFFFF830  }
0x222: {  	_ =	swait.ge [sflag:s25], $0x7D0  }
0x223: {  	[sflag:s25] =	ssyncset.done $0x0  }
0x224: {  	s2 =	simm.s32 $0xD;
	[sflag:s25] =	ssyncadd.s32 $0xFFFFF830  }
0x225: {  	_ =	swait.ge [sflag:s2], $0x7D0  }
0x226: {  	[sflag:s2] =	ssyncset.done $0x0  }
0x227: {  	s5 =	simm.s32 $0x15;
	[sflag:s2] =	ssyncadd.s32 $0xFFFFF830  }
0x228: {  	_ =	swait.ge [sflag:s5], $0x7D0  }
0x229: {  	[sflag:s5] =	ssyncset.done $0x0  }
0x22a: {  	s6 =	simm.s32 $0xE;
	[sflag:s5] =	ssyncadd.s32 $0xFFFFF830  }
0x22b: {  	_ =	swait.ge [sflag:s6], $0x7D0  }
0x22c: {  	[sflag:s6] =	ssyncset.done $0x0  }
0x22d: {  	s9 =	simm.s32 $0x16;
	[sflag:s6] =	ssyncadd.s32 $0xFFFFF830  }
0x22e: {  	_ =	swait.ge [sflag:s9], $0x7D0  }
0x22f: {  	[sflag:s9] =	ssyncset.done $0x0  }
0x230: {  	s11 =	simm.s32 $0xF;
	[sflag:s9] =	ssyncadd.s32 $0xFFFFF830  }
0x231: {  	_ =	swait.ge [sflag:s11], $0x7D0  }
0x232: {  	[sflag:s11] =	ssyncset.done $0x0  }
0x233: {  	[sflag:s11] =	ssyncadd.s32 $0xFFFFF830  }
0x234: {  	_ =	swait.ge [sflag:s13], $0x7D0  }
0x235: {  	[sflag:s13] =	ssyncset.done $0x0  }
0x236: {  	[sflag:s13] =	ssyncadd.s32 $0xFFFFF830  }
0x237: {  	_ =	swait.ge [sflag:s21], $0x7D0  }
0x238: {  	[sflag:s21] =	ssyncset.done $0x0  }
0x239: {  	[sflag:s21] =	ssyncadd.s32 $0xFFFFF830  }
0x23a: {  	_ =	swait.ge [sflag:s14], $0x7D0  }
0x23b: {  	[sflag:s14] =	ssyncset.done $0x0  }
0x23c: {  	[sflag:s14] =	ssyncadd.s32 $0xFFFFF830  }
0x23d: {  	[bflag:$0x0] =	sbarrier.arrive $0xFFFF  }
0x23e: {  	s16 =	rddreg [dreg:$0x6]  }
0x23f: {  	s14 =	rddreg [dreg:$0xb]  }
0x240: {  	s22 =	simm.s32 $0x19;
	s24 =	rddreg [dreg:$0xe];
	s13 =	sshrl.u32 s16, $0x3  }
0x241: {  	[hbm:s14], [sflag:s24] =	dma.local [spmem:s13], $0x4F0  }
0x242: {  	_ =	swait.ge [sflag:s22], $0x4F0  }
0x243: {  	[sflag:s22] =	ssyncset.done $0x0;
	s20 =	rddreg [dreg:$0x7]  }
0x244: {  	s21 =	rddreg [dreg:$0xc];
	[sflag:s22] =	ssyncadd.s32 $0xFFFFFB10;
	s15 =	sshrl.u32 s20, $0x3  }
0x245: {  	[hbm:s21], [sflag:s24] =	dma.local [spmem:s15], $0x4F0  }
0x246: {  	_ =	swait.ge [sflag:s22], $0x4F0  }
0x247: {  	s15 =	rddreg [dreg:$0x5]  }
0x248: {  	s25 =	rddreg [dreg:$0xd];
	s15 =	sadd.s32 $0x1, s15  }
0x249: {  	p0 =	sne.s32 s15, s25  }
.Ltmp3:
0x24a: {  	_ = 	snop;
	(pc) =	sbr.rel @p0 .LBB2_1-.Ltmp3, $3  }
0x24b: {  	_ =	sdelay $0x1  }
0x24c: {  	[sflag:s22] =	ssyncset.done $0x0  }
0x24d: {  	[sflag:s22] =	ssyncadd.s32 $0xFFFFFB10  }
0x24e: {  	_ =	sfence.sel $0x180000  }
0x24f: {  	[bflag:$0x0] =	sbarrier.arrive $0xFFFF  }
0x250: {  	_ =	strace $0x90000047  }
0x251: {  	s0 =	stileid.u32;
	[bflag:$0x2] =	sbarrier.arrive $0xFFFF  }
0x252: {  	p0 =	sne.s32 s0, $0x0;
	s0 =	rddreg [dreg:$0x4]  }
0x253: {  	s0 =	sadd.s32 @!p0 $0x100000, s0  }
0x254: {  	[sflag:s0] =	ssyncadd.tile.s32 @!p0 $0x1;
	_ =	shalt  }
.Lfunc_end2:
_tile_overlayer_lowered:
.L_overlay_start_2:
0x255: {  	(tag) =	ssettag $0x2  }
0x256: {  	s0 =	rddreg [dreg:$0x0];
	s2 =	stileid.u32  }
0x257: {  	s1 =	rddreg [dreg:$0x1];
	p0 =	sne.s32 s2, $0x0  }
0x258: {  	s3 =	rddreg [dreg:$0x2];
	[bflag:$0x3] =	sbarrier.arrive $0xFFFF;
	s2 =	simm.s32 @!p0 $0x1C19  }
0x259: {  	[timem:s3], [sflag:s2] =	dma.local @!p0 [hbm:s0], s1  }
0x25a: {  	s0 =	simm.s32 @!p0 $0x19  }
0x25b: {  	_ =	swait.ge @!p0 [sflag:s0], s1  }
0x25c: {  	s1 =	ssub.s32 @!p0 $0x0, s1;
	[sflag:s0] =	ssyncset.done @!p0 $0x0  }
0x25d: {  	[sflag:s0] =	ssyncadd.s32 @!p0 s1  }
0x25e: {  	[bflag:$0x3] =	sbarrier.arrive $0xFFFF  }
0x25f: {  	_ =	shalt  }

</sc_bundles>
